<compile_context>
chip_gen: v7x
topology: tpu7x:2x2x1
jax: 0.10.2.dev20260603
libtpu: 0.0.44.dev20260713+nightly
codegen_flags: <defaults>
</compile_context>

<pallas_src>
import functools

import jax
import jax.numpy as jnp
from jax import lax
from jax.experimental import pallas as pl
from jax.experimental.pallas import tpu as pltpu
from jax.experimental.pallas import tpu_sc as plsc

_N = 10000
_E = 320000
_C = 128
_H = 8
_DH = 16

_NTILES = 32
_CHUNK = 80
_EPT = 10240
_EPAD = _NTILES * _EPT
_NPAD = 10240
_RPT = _NPAD // 16
_GPT = _NPAD // 8 // 16


def _lin2_body(x0_ref, wl_ref, bl_ref, wr_ref, br_ref, xl_ref, xr_ref):
    x = x0_ref[...]
    xl_ref[...] = jnp.dot(x, wl_ref[...], preferred_element_type=jnp.float32) + bl_ref[...]
    xr_ref[...] = jnp.dot(x, wr_ref[...], preferred_element_type=jnp.float32) + br_ref[...]


def _linear_lr(x0, W_l, b_l, W_r, b_r):
    blk = 1000
    grid = _N // blk
    return pl.pallas_call(
        _lin2_body,
        grid=(grid,),
        in_specs=[
            pl.BlockSpec((blk, _C), lambda i: (i, 0)),
            pl.BlockSpec((_C, _C), lambda i: (0, 0)),
            pl.BlockSpec((1, _C), lambda i: (0, 0)),
            pl.BlockSpec((_C, _C), lambda i: (0, 0)),
            pl.BlockSpec((1, _C), lambda i: (0, 0)),
        ],
        out_specs=[
            pl.BlockSpec((blk, _C), lambda i: (i, 0)),
            pl.BlockSpec((blk, _C), lambda i: (i, 0)),
        ],
        out_shape=[
            jax.ShapeDtypeStruct((_N, _C), jnp.float32),
            jax.ShapeDtypeStruct((_N, _C), jnp.float32),
        ],
    )(x0, W_l, b_l.reshape(1, _C), W_r, b_r.reshape(1, _C))


def _edge_body(xl_hbm, xr_hbm, src_hbm, dst_hbm, att_hbm,
               num_hbm, den_hbm,
               src_v, dst_v, dstg_v, xl_v, xr_v, den_v, att_v,
               accn_sh, accd_sh, sem1, sem2):
    cid = lax.axis_index("c")
    sid = lax.axis_index("s")
    wid = cid * 16 + sid

    zero16 = jnp.zeros((16,), jnp.float32)
    iota16 = lax.iota(jnp.int32, 16)

    def _zrow(r, carry):
        for c in range(_C // 16):
            xr_v[r, pl.ds(c * 16, 16)] = zero16
            den_v[r, pl.ds(c * 16, 16)] = zero16
        return carry

    lax.fori_loop(0, _CHUNK, _zrow, 0)
    for j in range(_RPT // _CHUNK):
        off = sid * _RPT + j * _CHUNK
        for c in range(_CHUNK // 16):
            src_v[pl.ds(c * 16, 16)] = iota16 + (off + c * 16)
        pltpu.sync_copy(xr_v, accn_sh.at[src_v])
    for c in range(_CHUNK // 16):
        src_v[pl.ds(c * 16, 16)] = iota16 + (sid * _GPT + c * 16)
    pltpu.sync_copy(den_v, accd_sh.at[src_v])
    pltpu.sync_copy(att_hbm, att_v)
    plsc.subcore_barrier()

    att_regs = [att_v[h] for h in range(_H)]

    def _chunk(i, carry):
        base = wid * _EPT + i * _CHUNK
        cpa = pltpu.async_copy(src_hbm.at[pl.ds(base, _CHUNK)], src_v, sem1)
        cpb = pltpu.async_copy(dst_hbm.at[pl.ds(base, _CHUNK)], dst_v, sem2)
        cpa.wait()
        cpb.wait()
        cp1 = pltpu.async_copy(xl_hbm.at[src_v], xl_v, sem1)
        cp2 = pltpu.async_copy(xr_hbm.at[dst_v], xr_v, sem2)
        cp1.wait()
        cp2.wait()
        for c in range(_CHUNK // 16):
            dstg_v[pl.ds(c * 16, 16)] = dst_v[pl.ds(c * 16, 16)] >> 3

        def _step(a, b, k):
            bit = (iota16 & k) == 0
            sel = jnp.where(bit, a, b)
            oth = jnp.where(bit, b, a)
            return sel + jnp.take_along_axis(oth, iota16 ^ k, axis=0)

        @plsc.parallel_loop(0, _CHUNK, unroll=8)
        def _edge(e):
            ts = []
            for h in range(_H):
                xlh = xl_v[e, pl.ds(h * _DH, _DH)]
                xrh = xr_v[e, pl.ds(h * _DH, _DH)]
                z = xlh + xrh
                f = jnp.maximum(z, 0.2 * z)
                ts.append(f * att_regs[h])
            u = [_step(ts[0], ts[1], 8), _step(ts[2], ts[3], 8),
                 _step(ts[4], ts[5], 8), _step(ts[6], ts[7], 8)]
            v = [_step(u[0], u[1], 4), _step(u[2], u[3], 4)]
            w = _step(v[0], v[1], 2)
            s = w + jnp.take_along_axis(w, iota16 ^ 1, axis=0)
            ex = jnp.exp(s)
            dvec = dst_v[pl.ds((e // 16) * 16, 16)] & 7
            dmv = jnp.take_along_axis(dvec, jnp.full((16,), e & 15, jnp.int32),
                                      axis=0)
            for c in range(8):
                ind = (1 - jnp.minimum(dmv ^ c, 1)).astype(jnp.float32)
                den_v[e, pl.ds(c * 16, 16)] = ex * ind
            for h in range(_H):
                jh = 8 * (h & 1) + 4 * ((h >> 1) & 1) + 2 * ((h >> 2) & 1)
                exh = jnp.take_along_axis(ex, jnp.full((16,), jh, jnp.int32),
                                          axis=0)
                xr_v[e, pl.ds(h * _DH, _DH)] = xl_v[e, pl.ds(h * _DH, _DH)] * exh

        cp3 = pltpu.async_copy(xr_v, accn_sh.at[dst_v], sem1, add=True)
        cp4 = pltpu.async_copy(den_v, accd_sh.at[dstg_v], sem2, add=True)
        cp3.wait()
        cp4.wait()
        return carry

    lax.fori_loop(0, _EPT // _CHUNK, _chunk, 0)
    plsc.subcore_barrier()

    for j in range(_RPT // _CHUNK):
        off = sid * _RPT + j * _CHUNK
        for c in range(_CHUNK // 16):
            src_v[pl.ds(c * 16, 16)] = iota16 + (off + c * 16)
        pltpu.sync_copy(accn_sh.at[src_v], xl_v)
        pltpu.sync_copy(xl_v, num_hbm.at[cid, pl.ds(off, _CHUNK)])
    for c in range(_CHUNK // 16):
        src_v[pl.ds(c * 16, 16)] = iota16 + (sid * _GPT + c * 16)
    pltpu.sync_copy(accd_sh.at[src_v], den_v)
    pltpu.sync_copy(den_v, den_hbm.at[cid, pl.ds(sid * _GPT, _GPT)])


def _edge_pass(xl_pad, xr_pad, src_pad, dst_pad, att):
    mesh = plsc.VectorSubcoreMesh(core_axis_name="c", subcore_axis_name="s")
    kern = functools.partial(
        pl.kernel,
        mesh=mesh,
        out_type=[
            jax.ShapeDtypeStruct((2, _NPAD, _C), jnp.float32),
            jax.ShapeDtypeStruct((2, _NPAD // 8, _C), jnp.float32),
        ],
        scratch_types=[
            pltpu.VMEM((_CHUNK,), jnp.int32),
            pltpu.VMEM((_CHUNK,), jnp.int32),
            pltpu.VMEM((_CHUNK,), jnp.int32),
            pltpu.VMEM((_CHUNK, _C), jnp.float32),
            pltpu.VMEM((_CHUNK, _C), jnp.float32),
            pltpu.VMEM((_CHUNK, _C), jnp.float32),
            pltpu.VMEM((_H, _DH), jnp.float32),
            pltpu.VMEM_SHARED((_NPAD, _C), jnp.float32),
            pltpu.VMEM_SHARED((_NPAD // 8, _C), jnp.float32),
            pltpu.SemaphoreType.DMA,
            pltpu.SemaphoreType.DMA,
        ],
    )(_edge_body)
    return kern(xl_pad, xr_pad, src_pad, dst_pad, att)


def _ln(x, g, b, eps=1e-5):
    mu = jnp.mean(x, axis=-1, keepdims=True)
    var = jnp.mean((x - mu) ** 2, axis=-1, keepdims=True)
    return (x - mu) / jnp.sqrt(var + eps) * g + b


def _tail_body(xl_ref, xr_ref, x0_ref, n0_ref, n1_ref, d0_ref, d1_ref,
               att_ref, bias_ref, wp_ref, g1_ref, be1_ref,
               w1_ref, b1_ref, w2_ref, b2_ref, g2_ref, be2_ref, out_ref):
    xl = xl_ref[...]
    xr = xr_ref[...]
    z = xl + xr
    f = jnp.maximum(z, 0.2 * z)
    t = f * att_ref[...]
    dmask = (lax.broadcasted_iota(jnp.int32, (_C, _H), 0) // _DH
             == lax.broadcasted_iota(jnp.int32, (_C, _H), 1)).astype(jnp.float32)
    ls = jnp.dot(t, dmask, preferred_element_type=jnp.float32)
    ex = jnp.exp(ls)
    hmask = (lax.broadcasted_iota(jnp.int32, (_H, _C), 1) // _DH
             == lax.broadcasted_iota(jnp.int32, (_H, _C), 0)).astype(jnp.float32)
    ex_b = jnp.dot(ex, hmask, preferred_element_type=jnp.float32)
    num = n0_ref[0] + n1_ref[0] + xl * ex_b
    jr = lax.broadcasted_iota(jnp.int32, (16, _H), 0)
    hc = lax.broadcasted_iota(jnp.int32, (16, _H), 1)
    hj = 4 * ((jr >> 1) & 1) + 2 * ((jr >> 2) & 1) + ((jr >> 3) & 1)
    umask = (hj == hc).astype(jnp.float32) * 0.5
    den = jnp.dot(d0_ref[0] + d1_ref[0], umask,
                  preferred_element_type=jnp.float32) + ex
    den_b = jnp.dot(den, hmask, preferred_element_type=jnp.float32)
    x1 = num / den_b + bias_ref[...]
    x2 = jnp.dot(x1, wp_ref[...], preferred_element_type=jnp.float32) + x0_ref[...]
    x3 = _ln(x2, g1_ref[...], be1_ref[...])
    hh = jnp.maximum(jnp.dot(x3, w1_ref[...], preferred_element_type=jnp.float32)
                     + b1_ref[...], 0.0)
    hh = jnp.dot(hh, w2_ref[...], preferred_element_type=jnp.float32) + b2_ref[...]
    x4 = hh + x3
    out_ref[...] = _ln(x4, g2_ref[...], be2_ref[...])


def _tail(xl, xr, x0, num, den, att, bias, W_proj, g1, be1, W1, b1, W2, b2, g2, be2):
    blk = 400
    grid = _N // blk
    row = lambda i: (i, 0)
    fixed = lambda i: (0, 0)
    return pl.pallas_call(
        _tail_body,
        grid=(grid,),
        in_specs=[
            pl.BlockSpec((blk, _C), row),
            pl.BlockSpec((blk, _C), row),
            pl.BlockSpec((blk, _C), row),
            pl.BlockSpec((1, blk, _C), lambda i: (0, i, 0)),
            pl.BlockSpec((1, blk, _C), lambda i: (1, i, 0)),
            pl.BlockSpec((1, blk, 16), lambda i: (0, i, 0)),
            pl.BlockSpec((1, blk, 16), lambda i: (1, i, 0)),
            pl.BlockSpec((1, _C), fixed),
            pl.BlockSpec((1, _C), fixed),
            pl.BlockSpec((_C, _C), fixed),
            pl.BlockSpec((1, _C), fixed),
            pl.BlockSpec((1, _C), fixed),
            pl.BlockSpec((_C, 2 * _C), fixed),
            pl.BlockSpec((1, 2 * _C), fixed),
            pl.BlockSpec((2 * _C, _C), fixed),
            pl.BlockSpec((1, _C), fixed),
            pl.BlockSpec((1, _C), fixed),
            pl.BlockSpec((1, _C), fixed),
        ],
        out_specs=pl.BlockSpec((blk, _C), row),
        out_shape=jax.ShapeDtypeStruct((_N, _C), jnp.float32),
    )(xl, xr, x0, num, num, den, den,
      att.reshape(1, _C), bias.reshape(1, _C), W_proj,
      g1.reshape(1, _C), be1.reshape(1, _C), W1, b1.reshape(1, 2 * _C),
      W2, b2.reshape(1, _C), g2.reshape(1, _C), be2.reshape(1, _C))


def kernel(x0, edge_index, W_l, b_l, W_r, b_r, att, bias, W_proj, g1, be1,
           W1, b1, W2, b2, g2, be2):
    xl, xr = _linear_lr(x0, W_l, b_l, W_r, b_r)

    xl_pad = jnp.pad(xl, ((0, _NPAD - _N), (0, 0)))
    xr_pad = jnp.pad(xr, ((0, _NPAD - _N), (0, 0)))
    pad = jnp.full((_EPAD - _E,), _N, dtype=jnp.int32)
    src_pad = jnp.concatenate([edge_index[0], pad])
    dst_pad = jnp.concatenate([edge_index[1], pad])

    num, den_packed = _edge_pass(xl_pad, xr_pad, src_pad, dst_pad, att)
    den = den_packed.reshape(2, _NPAD, 16)

    return _tail(xl, xr, x0, num, den, att, bias,
                 W_proj, g1, be1, W1, b1, W2, b2, g2, be2)

# --- scband reference (transcript-rebuilt; emitter-appended) ---
"""Pipeline reference for scband-gat-83167746719861 (READ-ONLY COPY).

The authoritative reference and input builder live on the scoring server;
editing this copy changes nothing except your own understanding.
"""

import jax, jax.numpy as jnp
import numpy as np

N = 10000
E = 320000
C = 128
H = 8
DH = 16  # C // H


def layer_norm(x, g, b, eps=1e-5):
    mu = jnp.mean(x, axis=-1, keepdims=True)
    var = jnp.mean((x - mu) ** 2, axis=-1, keepdims=True)
    return (x - mu) / jnp.sqrt(var + eps) * g + b


def setup_inputs(seed: int = 0) -> dict:
    key = jax.random.key(seed)
    ks = jax.random.split(key, 10)
    s = 0.05
    inp = {
        "x0": jax.random.normal(ks[0], (N, C), dtype=jnp.float32),
        "edge_index": jax.random.randint(ks[1], (2, E), 0, N, dtype=jnp.int32),
        # GATv2Conv params
        "W_l": jax.random.normal(ks[2], (C, H * DH), dtype=jnp.float32) * s,
        "b_l": jnp.zeros((H * DH,), dtype=jnp.float32),
        "W_r": jax.random.normal(ks[3], (C, H * DH), dtype=jnp.float32) * s,
        "b_r": jnp.zeros((H * DH,), dtype=jnp.float32),
        "att": jax.random.normal(ks[4], (H, DH), dtype=jnp.float32) * s,
        "bias": jnp.zeros((H * DH,), dtype=jnp.float32),
        # residual block params
        "W_proj": jax.random.normal(ks[5], (C, C), dtype=jnp.float32) * s,
        "g1": jnp.ones((C,), dtype=jnp.float32),
        "be1": jnp.zeros((C,), dtype=jnp.float32),
        "W1": jax.random.normal(ks[6], (C, 2 * C), dtype=jnp.float32) * s,
        "b1": jnp.zeros((2 * C,), dtype=jnp.float32),
        "W2": jax.random.normal(ks[7], (2 * C, C), dtype=jnp.float32) * s,
        "b2": jnp.zeros((C,), dtype=jnp.float32),
        "g2": jnp.ones((C,), dtype=jnp.float32),
        "be2": jnp.zeros((C,), dtype=jnp.float32),
    }
    return inp


def reference(x0, edge_index, W_l, b_l, W_r, b_r, att, bias, W_proj, g1, be1, W1, b1, W2, b2, g2, be2):
    # GATv2Conv (PyG semantics: add_self_loops=True, negative_slope=0.2, dropout=0)
    src = edge_index[0]
    dst = edge_index[1]
    loops = jnp.arange(N, dtype=src.dtype)
    src = jnp.concatenate([src, loops])
    dst = jnp.concatenate([dst, loops])

    xl = (x0 @ W_l + b_l).reshape(N, H, DH)  # source transform
    xr = (x0 @ W_r + b_r).reshape(N, H, DH)  # target transform

    e = jax.nn.leaky_relu(xl[src] + xr[dst], negative_slope=0.2)  # [E', H, DH]
    logits = jnp.einsum('ehd,hd->eh', e, att)  # [E', H]

    amax = jax.lax.stop_gradient(jax.ops.segment_max(logits, dst, num_segments=N))  # [N, H]
    ex = jnp.exp(logits - amax[dst])
    den = jax.ops.segment_sum(ex, dst, num_segments=N)  # [N, H]
    alpha = ex / (den[dst] + 1e-16)  # [E', H]

    msg = xl[src] * alpha[:, :, None]  # [E', H, DH]
    x1 = jax.ops.segment_sum(msg, dst, num_segments=N).reshape(N, H * DH) + bias

    # W(x1) + x0, norm1, MLP + residual, norm2
    x2 = x1 @ W_proj + x0
    x3 = layer_norm(x2, g1, be1)
    h = jax.nn.relu(x3 @ W1 + b1) @ W2 + b2
    x4 = h + x3
    return layer_norm(x4, g2, be2)

if __name__ == "__main__":
    import jax
    _d = setup_inputs()
    print(jax.jit(kernel)(*tuple(_d.values())))

</pallas_src>

<mosaic_0001>
#map = affine_map<(d0, d1) -> (0, 0)>
#map1 = affine_map<(d0, d1) -> (0)>
#map2 = affine_map<(d0, d1) -> (0, 0, 0)>
module attributes {stable_mosaic.version = 14 : i64} {
  func.func @_edge_body(%arg0: i32, %arg1: i32, %arg2: memref<10240x128xf32, #tpu.memory_space<hbm>>, %arg3: memref<10240x128xf32, #tpu.memory_space<hbm>>, %arg4: memref<327680xi32, #tpu.memory_space<hbm>>, %arg5: memref<327680xi32, #tpu.memory_space<hbm>>, %arg6: memref<8x16xf32, #tpu.memory_space<hbm>>, %arg7: memref<2x10240x128xf32, #tpu.memory_space<hbm>>, %arg8: memref<2x1280x128xf32, #tpu.memory_space<hbm>>, %arg9: memref<80xi32, #tpu.memory_space<vmem>>, %arg10: memref<80xi32, #tpu.memory_space<vmem>>, %arg11: memref<80xi32, #tpu.memory_space<vmem>>, %arg12: memref<80x128xf32, #tpu.memory_space<vmem>>, %arg13: memref<80x128xf32, #tpu.memory_space<vmem>>, %arg14: memref<80x128xf32, #tpu.memory_space<vmem>>, %arg15: memref<8x16xf32, #tpu.memory_space<vmem>>, %arg16: memref<10240x128xf32, #tpu.memory_space<vmem_shared>>, %arg17: memref<1280x128xf32, #tpu.memory_space<vmem_shared>>, %arg18: memref<!tpu.dma_semaphore, #tpu.memory_space<semaphore_mem>>, %arg19: memref<!tpu.dma_semaphore, #tpu.memory_space<semaphore_mem>>) attributes {dimension_semantics = [#tpu.dimension_semantics<core_parallel>, #tpu.dimension_semantics<subcore_parallel>], iteration_bounds = array<i64: 2, 16>, scalar_prefetch = 0 : i64, scratch_operands = 11 : i64, tpu.core_type = #tpu.core_type<sc_vector_subcore>, window_params = [{transform_indices = #map}, {transform_indices = #map}, {transform_indices = #map1}, {transform_indices = #map1}, {transform_indices = #map}, {transform_indices = #map2}, {transform_indices = #map2}]} {
    %mul3A = arith.constant 16 : i32
    %mul3A_0 = arith.muli %arg0, %mul3A : i32
    %add3A = arith.addi %mul3A_0, %arg1 : i32
    %broadcast_in_dim3A = arith.constant 0.000000e+00 : f32
    %broadcast_in_dim3A_1 = vector.broadcast %broadcast_in_dim3A : f32 to vector<16xf32>
    %iota3A = tpu.iota {dimensions = array<i32: 0>} : vector<16xi32>
    %scan3A = arith.constant 0 : i32
    %scan3A_2 = arith.constant 0 : i32
    %scan3A_3 = arith.constant 80 : i32
    %scan3A_4 = arith.addi %scan3A_2, %scan3A_3 : i32
    %scan3A_5 = arith.constant 1 : i32
    scf.for %scan3A_858 = %scan3A_2 to %scan3A_4 step %scan3A_5  : i32 {
      %swap3A_859 = arith.index_cast %scan3A_858 : i32 to index
      %swap3A_860 = arith.constant 0 : index
      %swap3A_861 = tpu.vector_load %arg13[%swap3A_859, %swap3A_860] {strides = array<i32>} : memref<80x128xf32, #tpu.memory_space<vmem>>, vector<1x16xf32>,
      %swap3A_862 = vector.shape_cast %swap3A_861 : vector<1x16xf32> to vector<16xf32>
      %swap3A_863 = vector.shape_cast %broadcast_in_dim3A_1 : vector<16xf32> to vector<1x16xf32>
      tpu.vector_store %arg13[%swap3A_859, %swap3A_860], %swap3A_863 {strides = array<i32>} : memref<80x128xf32, #tpu.memory_space<vmem>>, vector<1x16xf32>,
      %swap3A_864 = arith.index_cast %scan3A_858 : i32 to index
      %swap3A_865 = arith.constant 0 : index
      %swap3A_866 = tpu.vector_load %arg14[%swap3A_864, %swap3A_865] {strides = array<i32>} : memref<80x128xf32, #tpu.memory_space<vmem>>, vector<1x16xf32>,
      %swap3A_867 = vector.shape_cast %swap3A_866 : vector<1x16xf32> to vector<16xf32>
      %swap3A_868 = vector.shape_cast %broadcast_in_dim3A_1 : vector<16xf32> to vector<1x16xf32>
      tpu.vector_store %arg14[%swap3A_864, %swap3A_865], %swap3A_868 {strides = array<i32>} : memref<80x128xf32, #tpu.memory_space<vmem>>, vector<1x16xf32>,
      %swap3A_869 = arith.index_cast %scan3A_858 : i32 to index
      %swap3A_870 = arith.constant 16 : index
      %swap3A_871 = tpu.vector_load %arg13[%swap3A_869, %swap3A_870] {strides = array<i32>} : memref<80x128xf32, #tpu.memory_space<vmem>>, vector<1x16xf32>,
      %swap3A_872 = vector.shape_cast %swap3A_871 : vector<1x16xf32> to vector<16xf32>
      %swap3A_873 = vector.shape_cast %broadcast_in_dim3A_1 : vector<16xf32> to vector<1x16xf32>
      tpu.vector_store %arg13[%swap3A_869, %swap3A_870], %swap3A_873 {strides = array<i32>} : memref<80x128xf32, #tpu.memory_space<vmem>>, vector<1x16xf32>,
      %swap3A_874 = arith.index_cast %scan3A_858 : i32 to index
      %swap3A_875 = arith.constant 16 : index
      %swap3A_876 = tpu.vector_load %arg14[%swap3A_874, %swap3A_875] {strides = array<i32>} : memref<80x128xf32, #tpu.memory_space<vmem>>, vector<1x16xf32>,
      %swap3A_877 = vector.shape_cast %swap3A_876 : vector<1x16xf32> to vector<16xf32>
      %swap3A_878 = vector.shape_cast %broadcast_in_dim3A_1 : vector<16xf32> to vector<1x16xf32>
      tpu.vector_store %arg14[%swap3A_874, %swap3A_875], %swap3A_878 {strides = array<i32>} : memref<80x128xf32, #tpu.memory_space<vmem>>, vector<1x16xf32>,
      %swap3A_879 = arith.index_cast %scan3A_858 : i32 to index
      %swap3A_880 = arith.constant 32 : index
      %swap3A_881 = tpu.vector_load %arg13[%swap3A_879, %swap3A_880] {strides = array<i32>} : memref<80x128xf32, #tpu.memory_space<vmem>>, vector<1x16xf32>,
      %swap3A_882 = vector.shape_cast %swap3A_881 : vector<1x16xf32> to vector<16xf32>
      %swap3A_883 = vector.shape_cast %broadcast_in_dim3A_1 : vector<16xf32> to vector<1x16xf32>
      tpu.vector_store %arg13[%swap3A_879, %swap3A_880], %swap3A_883 {strides = array<i32>} : memref<80x128xf32, #tpu.memory_space<vmem>>, vector<1x16xf32>,
      %swap3A_884 = arith.index_cast %scan3A_858 : i32 to index
      %swap3A_885 = arith.constant 32 : index
      %swap3A_886 = tpu.vector_load %arg14[%swap3A_884, %swap3A_885] {strides = array<i32>} : memref<80x128xf32, #tpu.memory_space<vmem>>, vector<1x16xf32>,
      %swap3A_887 = vector.shape_cast %swap3A_886 : vector<1x16xf32> to vector<16xf32>
      %swap3A_888 = vector.shape_cast %broadcast_in_dim3A_1 : vector<16xf32> to vector<1x16xf32>
      tpu.vector_store %arg14[%swap3A_884, %swap3A_885], %swap3A_888 {strides = array<i32>} : memref<80x128xf32, #tpu.memory_space<vmem>>, vector<1x16xf32>,
      %swap3A_889 = arith.index_cast %scan3A_858 : i32 to index
      %swap3A_890 = arith.constant 48 : index
      %swap3A_891 = tpu.vector_load %arg13[%swap3A_889, %swap3A_890] {strides = array<i32>} : memref<80x128xf32, #tpu.memory_space<vmem>>, vector<1x16xf32>,
      %swap3A_892 = vector.shape_cast %swap3A_891 : vector<1x16xf32> to vector<16xf32>
      %swap3A_893 = vector.shape_cast %broadcast_in_dim3A_1 : vector<16xf32> to vector<1x16xf32>
      tpu.vector_store %arg13[%swap3A_889, %swap3A_890], %swap3A_893 {strides = array<i32>} : memref<80x128xf32, #tpu.memory_space<vmem>>, vector<1x16xf32>,
      %swap3A_894 = arith.index_cast %scan3A_858 : i32 to index
      %swap3A_895 = arith.constant 48 : index
      %swap3A_896 = tpu.vector_load %arg14[%swap3A_894, %swap3A_895] {strides = array<i32>} : memref<80x128xf32, #tpu.memory_space<vmem>>, vector<1x16xf32>,
      %swap3A_897 = vector.shape_cast %swap3A_896 : vector<1x16xf32> to vector<16xf32>
      %swap3A_898 = vector.shape_cast %broadcast_in_dim3A_1 : vector<16xf32> to vector<1x16xf32>
      tpu.vector_store %arg14[%swap3A_894, %swap3A_895], %swap3A_898 {strides = array<i32>} : memref<80x128xf32, #tpu.memory_space<vmem>>, vector<1x16xf32>,
      %swap3A_899 = arith.index_cast %scan3A_858 : i32 to index
      %swap3A_900 = arith.constant 64 : index
      %swap3A_901 = tpu.vector_load %arg13[%swap3A_899, %swap3A_900] {strides = array<i32>} : memref<80x128xf32, #tpu.memory_space<vmem>>, vector<1x16xf32>,
      %swap3A_902 = vector.shape_cast %swap3A_901 : vector<1x16xf32> to vector<16xf32>
      %swap3A_903 = vector.shape_cast %broadcast_in_dim3A_1 : vector<16xf32> to vector<1x16xf32>
      tpu.vector_store %arg13[%swap3A_899, %swap3A_900], %swap3A_903 {strides = array<i32>} : memref<80x128xf32, #tpu.memory_space<vmem>>, vector<1x16xf32>,
      %swap3A_904 = arith.index_cast %scan3A_858 : i32 to index
      %swap3A_905 = arith.constant 64 : index
      %swap3A_906 = tpu.vector_load %arg14[%swap3A_904, %swap3A_905] {strides = array<i32>} : memref<80x128xf32, #tpu.memory_space<vmem>>, vector<1x16xf32>,
      %swap3A_907 = vector.shape_cast %swap3A_906 : vector<1x16xf32> to vector<16xf32>
      %swap3A_908 = vector.shape_cast %broadcast_in_dim3A_1 : vector<16xf32> to vector<1x16xf32>
      tpu.vector_store %arg14[%swap3A_904, %swap3A_905], %swap3A_908 {strides = array<i32>} : memref<80x128xf32, #tpu.memory_space<vmem>>, vector<1x16xf32>,
      %swap3A_909 = arith.index_cast %scan3A_858 : i32 to index
      %swap3A_910 = arith.constant 80 : index
      %swap3A_911 = tpu.vector_load %arg13[%swap3A_909, %swap3A_910] {strides = array<i32>} : memref<80x128xf32, #tpu.memory_space<vmem>>, vector<1x16xf32>,
      %swap3A_912 = vector.shape_cast %swap3A_911 : vector<1x16xf32> to vector<16xf32>
      %swap3A_913 = vector.shape_cast %broadcast_in_dim3A_1 : vector<16xf32> to vector<1x16xf32>
      tpu.vector_store %arg13[%swap3A_909, %swap3A_910], %swap3A_913 {strides = array<i32>} : memref<80x128xf32, #tpu.memory_space<vmem>>, vector<1x16xf32>,
      %swap3A_914 = arith.index_cast %scan3A_858 : i32 to index
      %swap3A_915 = arith.constant 80 : index
      %swap3A_916 = tpu.vector_load %arg14[%swap3A_914, %swap3A_915] {strides = array<i32>} : memref<80x128xf32, #tpu.memory_space<vmem>>, vector<1x16xf32>,
      %swap3A_917 = vector.shape_cast %swap3A_916 : vector<1x16xf32> to vector<16xf32>
      %swap3A_918 = vector.shape_cast %broadcast_in_dim3A_1 : vector<16xf32> to vector<1x16xf32>
      tpu.vector_store %arg14[%swap3A_914, %swap3A_915], %swap3A_918 {strides = array<i32>} : memref<80x128xf32, #tpu.memory_space<vmem>>, vector<1x16xf32>,
      %swap3A_919 = arith.index_cast %scan3A_858 : i32 to index
      %swap3A_920 = arith.constant 96 : index
      %swap3A_921 = tpu.vector_load %arg13[%swap3A_919, %swap3A_920] {strides = array<i32>} : memref<80x128xf32, #tpu.memory_space<vmem>>, vector<1x16xf32>,
      %swap3A_922 = vector.shape_cast %swap3A_921 : vector<1x16xf32> to vector<16xf32>
      %swap3A_923 = vector.shape_cast %broadcast_in_dim3A_1 : vector<16xf32> to vector<1x16xf32>
      tpu.vector_store %arg13[%swap3A_919, %swap3A_920], %swap3A_923 {strides = array<i32>} : memref<80x128xf32, #tpu.memory_space<vmem>>, vector<1x16xf32>,
      %swap3A_924 = arith.index_cast %scan3A_858 : i32 to index
      %swap3A_925 = arith.constant 96 : index
      %swap3A_926 = tpu.vector_load %arg14[%swap3A_924, %swap3A_925] {strides = array<i32>} : memref<80x128xf32, #tpu.memory_space<vmem>>, vector<1x16xf32>,
      %swap3A_927 = vector.shape_cast %swap3A_926 : vector<1x16xf32> to vector<16xf32>
      %swap3A_928 = vector.shape_cast %broadcast_in_dim3A_1 : vector<16xf32> to vector<1x16xf32>
      tpu.vector_store %arg14[%swap3A_924, %swap3A_925], %swap3A_928 {strides = array<i32>} : memref<80x128xf32, #tpu.memory_space<vmem>>, vector<1x16xf32>,
      %swap3A_929 = arith.index_cast %scan3A_858 : i32 to index
      %swap3A_930 = arith.constant 112 : index
      %swap3A_931 = tpu.vector_load %arg13[%swap3A_929, %swap3A_930] {strides = array<i32>} : memref<80x128xf32, #tpu.memory_space<vmem>>, vector<1x16xf32>,
      %swap3A_932 = vector.shape_cast %swap3A_931 : vector<1x16xf32> to vector<16xf32>
      %swap3A_933 = vector.shape_cast %broadcast_in_dim3A_1 : vector<16xf32> to vector<1x16xf32>
      tpu.vector_store %arg13[%swap3A_929, %swap3A_930], %swap3A_933 {strides = array<i32>} : memref<80x128xf32, #tpu.memory_space<vmem>>, vector<1x16xf32>,
      %swap3A_934 = arith.index_cast %scan3A_858 : i32 to index
      %swap3A_935 = arith.constant 112 : index
      %swap3A_936 = tpu.vector_load %arg14[%swap3A_934, %swap3A_935] {strides = array<i32>} : memref<80x128xf32, #tpu.memory_space<vmem>>, vector<1x16xf32>,
      %swap3A_937 = vector.shape_cast %swap3A_936 : vector<1x16xf32> to vector<16xf32>
      %swap3A_938 = vector.shape_cast %broadcast_in_dim3A_1 : vector<16xf32> to vector<1x16xf32>
      tpu.vector_store %arg14[%swap3A_934, %swap3A_935], %swap3A_938 {strides = array<i32>} : memref<80x128xf32, #tpu.memory_space<vmem>>, vector<1x16xf32>,
    }
    %scan3A_6 = arith.constant 80 : i32
    %mul3A_7 = arith.constant 640 : i32
    %mul3A_8 = arith.muli %arg1, %mul3A_7 : i32
    %add3A_9 = arith.constant 0 : i32
    %add3A_10 = arith.addi %mul3A_8, %add3A_9 : i32
    %add3A_11 = arith.constant 0 : i32
    %add3A_12 = arith.addi %add3A_10, %add3A_11 : i32
    %add3A_13 = vector.broadcast %add3A_12 : i32 to vector<16xi32>
    %add3A_14 = arith.addi %iota3A, %add3A_13 : vector<16xi32>
    %swap3A = arith.constant 0 : index
    %swap3A_15 = tpu.vector_load %arg9[%swap3A] {strides = array<i32>} : memref<80xi32, #tpu.memory_space<vmem>>, vector<16xi32>,
    %swap3A_16 = vector.shape_cast %swap3A_15 : vector<16xi32> to vector<16xi32>
    %swap3A_17 = vector.shape_cast %add3A_14 : vector<16xi32> to vector<16xi32>
    tpu.vector_store %arg9[%swap3A], %swap3A_17 {strides = array<i32>} : memref<80xi32, #tpu.memory_space<vmem>>, vector<16xi32>,
    %add3A_18 = arith.constant 16 : i32
    %add3A_19 = arith.addi %add3A_10, %add3A_18 : i32
    %add3A_20 = vector.broadcast %add3A_19 : i32 to vector<16xi32>
    %add3A_21 = arith.addi %iota3A, %add3A_20 : vector<16xi32>
    %swap3A_22 = arith.constant 16 : index
    %swap3A_23 = tpu.vector_load %arg9[%swap3A_22] {strides = array<i32>} : memref<80xi32, #tpu.memory_space<vmem>>, vector<16xi32>,
    %swap3A_24 = vector.shape_cast %swap3A_23 : vector<16xi32> to vector<16xi32>
    %swap3A_25 = vector.shape_cast %add3A_21 : vector<16xi32> to vector<16xi32>
    tpu.vector_store %arg9[%swap3A_22], %swap3A_25 {strides = array<i32>} : memref<80xi32, #tpu.memory_space<vmem>>, vector<16xi32>,
    %add3A_26 = arith.constant 32 : i32
    %add3A_27 = arith.addi %add3A_10, %add3A_26 : i32
    %add3A_28 = vector.broadcast %add3A_27 : i32 to vector<16xi32>
    %add3A_29 = arith.addi %iota3A, %add3A_28 : vector<16xi32>
    %swap3A_30 = arith.constant 32 : index
    %swap3A_31 = tpu.vector_load %arg9[%swap3A_30] {strides = array<i32>} : memref<80xi32, #tpu.memory_space<vmem>>, vector<16xi32>,
    %swap3A_32 = vector.shape_cast %swap3A_31 : vector<16xi32> to vector<16xi32>
    %swap3A_33 = vector.shape_cast %add3A_29 : vector<16xi32> to vector<16xi32>
    tpu.vector_store %arg9[%swap3A_30], %swap3A_33 {strides = array<i32>} : memref<80xi32, #tpu.memory_space<vmem>>, vector<16xi32>,
    %add3A_34 = arith.constant 48 : i32
    %add3A_35 = arith.addi %add3A_10, %add3A_34 : i32
    %add3A_36 = vector.broadcast %add3A_35 : i32 to vector<16xi32>
    %add3A_37 = arith.addi %iota3A, %add3A_36 : vector<16xi32>
    %swap3A_38 = arith.constant 48 : index
    %swap3A_39 = tpu.vector_load %arg9[%swap3A_38] {strides = array<i32>} : memref<80xi32, #tpu.memory_space<vmem>>, vector<16xi32>,
    %swap3A_40 = vector.shape_cast %swap3A_39 : vector<16xi32> to vector<16xi32>
    %swap3A_41 = vector.shape_cast %add3A_37 : vector<16xi32> to vector<16xi32>
    tpu.vector_store %arg9[%swap3A_38], %swap3A_41 {strides = array<i32>} : memref<80xi32, #tpu.memory_space<vmem>>, vector<16xi32>,
    %add3A_42 = arith.constant 64 : i32
    %add3A_43 = arith.addi %add3A_10, %add3A_42 : i32
    %add3A_44 = vector.broadcast %add3A_43 : i32 to vector<16xi32>
    %add3A_45 = arith.addi %iota3A, %add3A_44 : vector<16xi32>
    %swap3A_46 = arith.constant 64 : index
    %swap3A_47 = tpu.vector_load %arg9[%swap3A_46] {strides = array<i32>} : memref<80xi32, #tpu.memory_space<vmem>>, vector<16xi32>,
    %swap3A_48 = vector.shape_cast %swap3A_47 : vector<16xi32> to vector<16xi32>
    %swap3A_49 = vector.shape_cast %add3A_45 : vector<16xi32> to vector<16xi32>
    tpu.vector_store %arg9[%swap3A_46], %swap3A_49 {strides = array<i32>} : memref<80xi32, #tpu.memory_space<vmem>>, vector<16xi32>,
    "tpu.region"() ({
      %run_scoped3A = tpu.sem_alloc : memref<!tpu.dma_semaphore, #tpu.memory_space<semaphore_mem>>
      %dma_start3A = arith.constant 0 : i32
      %dma_start3A_858 = arith.constant 0 : i32
      %dma_start3A_859 = tpu.memref_slice %arg16[%dma_start3A, %dma_start3A_858] : memref<10240x128xf32, #tpu.memory_space<vmem_shared>> -> memref<10240x128xf32, #tpu.memory_space<vmem_shared>>
      tpu.enqueue_indirect_dma source(%arg13 : memref<80x128xf32, #tpu.memory_space<vmem>>) target(%dma_start3A_859 : memref<10240x128xf32, #tpu.memory_space<vmem_shared>>) offsets(%arg9 : memref<80xi32, #tpu.memory_space<vmem>>) semaphore(%run_scoped3A : memref<!tpu.dma_semaphore, #tpu.memory_space<semaphore_mem>>)
      %dma_wait3A = arith.constant 0 : i32
      %dma_wait3A_860 = arith.constant 0 : i32
      %dma_wait3A_861 = tpu.memref_slice %arg16[%dma_wait3A, %dma_wait3A_860] : memref<10240x128xf32, #tpu.memory_space<vmem_shared>> -> memref<10240x128xf32, #tpu.memory_space<vmem_shared>>
      tpu.wait_indirect_dma semaphore(%run_scoped3A : memref<!tpu.dma_semaphore, #tpu.memory_space<semaphore_mem>>) src(%arg13 : memref<80x128xf32, #tpu.memory_space<vmem>>) dst(%dma_wait3A_861 : memref<10240x128xf32, #tpu.memory_space<vmem_shared>>)
      tpu.yield
    }) : () -> ()
    %mul3A_50 = arith.constant 640 : i32
    %mul3A_51 = arith.muli %arg1, %mul3A_50 : i32
    %add3A_52 = arith.constant 80 : i32
    %add3A_53 = arith.addi %mul3A_51, %add3A_52 : i32
    %add3A_54 = arith.constant 0 : i32
    %add3A_55 = arith.addi %add3A_53, %add3A_54 : i32
    %add3A_56 = vector.broadcast %add3A_55 : i32 to vector<16xi32>
    %add3A_57 = arith.addi %iota3A, %add3A_56 : vector<16xi32>
    %swap3A_58 = arith.constant 0 : index
    %swap3A_59 = tpu.vector_load %arg9[%swap3A_58] {strides = array<i32>} : memref<80xi32, #tpu.memory_space<vmem>>, vector<16xi32>,
    %swap3A_60 = vector.shape_cast %swap3A_59 : vector<16xi32> to vector<16xi32>
    %swap3A_61 = vector.shape_cast %add3A_57 : vector<16xi32> to vector<16xi32>
    tpu.vector_store %arg9[%swap3A_58], %swap3A_61 {strides = array<i32>} : memref<80xi32, #tpu.memory_space<vmem>>, vector<16xi32>,
    %add3A_62 = arith.constant 16 : i32
    %add3A_63 = arith.addi %add3A_53, %add3A_62 : i32
    %add3A_64 = vector.broadcast %add3A_63 : i32 to vector<16xi32>
    %add3A_65 = arith.addi %iota3A, %add3A_64 : vector<16xi32>
    %swap3A_66 = arith.constant 16 : index
    %swap3A_67 = tpu.vector_load %arg9[%swap3A_66] {strides = array<i32>} : memref<80xi32, #tpu.memory_space<vmem>>, vector<16xi32>,
    %swap3A_68 = vector.shape_cast %swap3A_67 : vector<16xi32> to vector<16xi32>
    %swap3A_69 = vector.shape_cast %add3A_65 : vector<16xi32> to vector<16xi32>
    tpu.vector_store %arg9[%swap3A_66], %swap3A_69 {strides = array<i32>} : memref<80xi32, #tpu.memory_space<vmem>>, vector<16xi32>,
    %add3A_70 = arith.constant 32 : i32
    %add3A_71 = arith.addi %add3A_53, %add3A_70 : i32
    %add3A_72 = vector.broadcast %add3A_71 : i32 to vector<16xi32>
    %add3A_73 = arith.addi %iota3A, %add3A_72 : vector<16xi32>
    %swap3A_74 = arith.constant 32 : index
    %swap3A_75 = tpu.vector_load %arg9[%swap3A_74] {strides = array<i32>} : memref<80xi32, #tpu.memory_space<vmem>>, vector<16xi32>,
    %swap3A_76 = vector.shape_cast %swap3A_75 : vector<16xi32> to vector<16xi32>
    %swap3A_77 = vector.shape_cast %add3A_73 : vector<16xi32> to vector<16xi32>
    tpu.vector_store %arg9[%swap3A_74], %swap3A_77 {strides = array<i32>} : memref<80xi32, #tpu.memory_space<vmem>>, vector<16xi32>,
    %add3A_78 = arith.constant 48 : i32
    %add3A_79 = arith.addi %add3A_53, %add3A_78 : i32
    %add3A_80 = vector.broadcast %add3A_79 : i32 to vector<16xi32>
    %add3A_81 = arith.addi %iota3A, %add3A_80 : vector<16xi32>
    %swap3A_82 = arith.constant 48 : index
    %swap3A_83 = tpu.vector_load %arg9[%swap3A_82] {strides = array<i32>} : memref<80xi32, #tpu.memory_space<vmem>>, vector<16xi32>,
    %swap3A_84 = vector.shape_cast %swap3A_83 : vector<16xi32> to vector<16xi32>
    %swap3A_85 = vector.shape_cast %add3A_81 : vector<16xi32> to vector<16xi32>
    tpu.vector_store %arg9[%swap3A_82], %swap3A_85 {strides = array<i32>} : memref<80xi32, #tpu.memory_space<vmem>>, vector<16xi32>,
    %add3A_86 = arith.constant 64 : i32
    %add3A_87 = arith.addi %add3A_53, %add3A_86 : i32
    %add3A_88 = vector.broadcast %add3A_87 : i32 to vector<16xi32>
    %add3A_89 = arith.addi %iota3A, %add3A_88 : vector<16xi32>
    %swap3A_90 = arith.constant 64 : index
    %swap3A_91 = tpu.vector_load %arg9[%swap3A_90] {strides = array<i32>} : memref<80xi32, #tpu.memory_space<vmem>>, vector<16xi32>,
    %swap3A_92 = vector.shape_cast %swap3A_91 : vector<16xi32> to vector<16xi32>
    %swap3A_93 = vector.shape_cast %add3A_89 : vector<16xi32> to vector<16xi32>
    tpu.vector_store %arg9[%swap3A_90], %swap3A_93 {strides = array<i32>} : memref<80xi32, #tpu.memory_space<vmem>>, vector<16xi32>,
    "tpu.region"() ({
      %run_scoped3A = tpu.sem_alloc : memref<!tpu.dma_semaphore, #tpu.memory_space<semaphore_mem>>
      %dma_start3A = arith.constant 0 : i32
      %dma_start3A_858 = arith.constant 0 : i32
      %dma_start3A_859 = tpu.memref_slice %arg16[%dma_start3A, %dma_start3A_858] : memref<10240x128xf32, #tpu.memory_space<vmem_shared>> -> memref<10240x128xf32, #tpu.memory_space<vmem_shared>>
      tpu.enqueue_indirect_dma source(%arg13 : memref<80x128xf32, #tpu.memory_space<vmem>>) target(%dma_start3A_859 : memref<10240x128xf32, #tpu.memory_space<vmem_shared>>) offsets(%arg9 : memref<80xi32, #tpu.memory_space<vmem>>) semaphore(%run_scoped3A : memref<!tpu.dma_semaphore, #tpu.memory_space<semaphore_mem>>)
      %dma_wait3A = arith.constant 0 : i32
      %dma_wait3A_860 = arith.constant 0 : i32
      %dma_wait3A_861 = tpu.memref_slice %arg16[%dma_wait3A, %dma_wait3A_860] : memref<10240x128xf32, #tpu.memory_space<vmem_shared>> -> memref<10240x128xf32, #tpu.memory_space<vmem_shared>>
      tpu.wait_indirect_dma semaphore(%run_scoped3A : memref<!tpu.dma_semaphore, #tpu.memory_space<semaphore_mem>>) src(%arg13 : memref<80x128xf32, #tpu.memory_space<vmem>>) dst(%dma_wait3A_861 : memref<10240x128xf32, #tpu.memory_space<vmem_shared>>)
      tpu.yield
    }) : () -> ()
    %mul3A_94 = arith.constant 640 : i32
    %mul3A_95 = arith.muli %arg1, %mul3A_94 : i32
    %add3A_96 = arith.constant 160 : i32
    %add3A_97 = arith.addi %mul3A_95, %add3A_96 : i32
    %add3A_98 = arith.constant 0 : i32
    %add3A_99 = arith.addi %add3A_97, %add3A_98 : i32
    %add3A_100 = vector.broadcast %add3A_99 : i32 to vector<16xi32>
    %add3A_101 = arith.addi %iota3A, %add3A_100 : vector<16xi32>
    %swap3A_102 = arith.constant 0 : index
    %swap3A_103 = tpu.vector_load %arg9[%swap3A_102] {strides = array<i32>} : memref<80xi32, #tpu.memory_space<vmem>>, vector<16xi32>,
    %swap3A_104 = vector.shape_cast %swap3A_103 : vector<16xi32> to vector<16xi32>
    %swap3A_105 = vector.shape_cast %add3A_101 : vector<16xi32> to vector<16xi32>
    tpu.vector_store %arg9[%swap3A_102], %swap3A_105 {strides = array<i32>} : memref<80xi32, #tpu.memory_space<vmem>>, vector<16xi32>,
    %add3A_106 = arith.constant 16 : i32
    %add3A_107 = arith.addi %add3A_97, %add3A_106 : i32
    %add3A_108 = vector.broadcast %add3A_107 : i32 to vector<16xi32>
    %add3A_109 = arith.addi %iota3A, %add3A_108 : vector<16xi32>
    %swap3A_110 = arith.constant 16 : index
    %swap3A_111 = tpu.vector_load %arg9[%swap3A_110] {strides = array<i32>} : memref<80xi32, #tpu.memory_space<vmem>>, vector<16xi32>,
    %swap3A_112 = vector.shape_cast %swap3A_111 : vector<16xi32> to vector<16xi32>
    %swap3A_113 = vector.shape_cast %add3A_109 : vector<16xi32> to vector<16xi32>
    tpu.vector_store %arg9[%swap3A_110], %swap3A_113 {strides = array<i32>} : memref<80xi32, #tpu.memory_space<vmem>>, vector<16xi32>,
    %add3A_114 = arith.constant 32 : i32
    %add3A_115 = arith.addi %add3A_97, %add3A_114 : i32
    %add3A_116 = vector.broadcast %add3A_115 : i32 to vector<16xi32>
    %add3A_117 = arith.addi %iota3A, %add3A_116 : vector<16xi32>
    %swap3A_118 = arith.constant 32 : index
    %swap3A_119 = tpu.vector_load %arg9[%swap3A_118] {strides = array<i32>} : memref<80xi32, #tpu.memory_space<vmem>>, vector<16xi32>,
    %swap3A_120 = vector.shape_cast %swap3A_119 : vector<16xi32> to vector<16xi32>
    %swap3A_121 = vector.shape_cast %add3A_117 : vector<16xi32> to vector<16xi32>
    tpu.vector_store %arg9[%swap3A_118], %swap3A_121 {strides = array<i32>} : memref<80xi32, #tpu.memory_space<vmem>>, vector<16xi32>,
    %add3A_122 = arith.constant 48 : i32
    %add3A_123 = arith.addi %add3A_97, %add3A_122 : i32
    %add3A_124 = vector.broadcast %add3A_123 : i32 to vector<16xi32>
    %add3A_125 = arith.addi %iota3A, %add3A_124 : vector<16xi32>
    %swap3A_126 = arith.constant 48 : index
    %swap3A_127 = tpu.vector_load %arg9[%swap3A_126] {strides = array<i32>} : memref<80xi32, #tpu.memory_space<vmem>>, vector<16xi32>,
    %swap3A_128 = vector.shape_cast %swap3A_127 : vector<16xi32> to vector<16xi32>
    %swap3A_129 = vector.shape_cast %add3A_125 : vector<16xi32> to vector<16xi32>
    tpu.vector_store %arg9[%swap3A_126], %swap3A_129 {strides = array<i32>} : memref<80xi32, #tpu.memory_space<vmem>>, vector<16xi32>,
    %add3A_130 = arith.constant 64 : i32
    %add3A_131 = arith.addi %add3A_97, %add3A_130 : i32
    %add3A_132 = vector.broadcast %add3A_131 : i32 to vector<16xi32>
    %add3A_133 = arith.addi %iota3A, %add3A_132 : vector<16xi32>
    %swap3A_134 = arith.constant 64 : index
    %swap3A_135 = tpu.vector_load %arg9[%swap3A_134] {strides = array<i32>} : memref<80xi32, #tpu.memory_space<vmem>>, vector<16xi32>,
    %swap3A_136 = vector.shape_cast %swap3A_135 : vector<16xi32> to vector<16xi32>
    %swap3A_137 = vector.shape_cast %add3A_133 : vector<16xi32> to vector<16xi32>
    tpu.vector_store %arg9[%swap3A_134], %swap3A_137 {strides = array<i32>} : memref<80xi32, #tpu.memory_space<vmem>>, vector<16xi32>,
    "tpu.region"() ({
      %run_scoped3A = tpu.sem_alloc : memref<!tpu.dma_semaphore, #tpu.memory_space<semaphore_mem>>
      %dma_start3A = arith.constant 0 : i32
      %dma_start3A_858 = arith.constant 0 : i32
      %dma_start3A_859 = tpu.memref_slice %arg16[%dma_start3A, %dma_start3A_858] : memref<10240x128xf32, #tpu.memory_space<vmem_shared>> -> memref<10240x128xf32, #tpu.memory_space<vmem_shared>>
      tpu.enqueue_indirect_dma source(%arg13 : memref<80x128xf32, #tpu.memory_space<vmem>>) target(%dma_start3A_859 : memref<10240x128xf32, #tpu.memory_space<vmem_shared>>) offsets(%arg9 : memref<80xi32, #tpu.memory_space<vmem>>) semaphore(%run_scoped3A : memref<!tpu.dma_semaphore, #tpu.memory_space<semaphore_mem>>)
      %dma_wait3A = arith.constant 0 : i32
      %dma_wait3A_860 = arith.constant 0 : i32
      %dma_wait3A_861 = tpu.memref_slice %arg16[%dma_wait3A, %dma_wait3A_860] : memref<10240x128xf32, #tpu.memory_space<vmem_shared>> -> memref<10240x128xf32, #tpu.memory_space<vmem_shared>>
      tpu.wait_indirect_dma semaphore(%run_scoped3A : memref<!tpu.dma_semaphore, #tpu.memory_space<semaphore_mem>>) src(%arg13 : memref<80x128xf32, #tpu.memory_space<vmem>>) dst(%dma_wait3A_861 : memref<10240x128xf32, #tpu.memory_space<vmem_shared>>)
      tpu.yield
    }) : () -> ()
    %mul3A_138 = arith.constant 640 : i32
    %mul3A_139 = arith.muli %arg1, %mul3A_138 : i32
    %add3A_140 = arith.constant 240 : i32
    %add3A_141 = arith.addi %mul3A_139, %add3A_140 : i32
    %add3A_142 = arith.constant 0 : i32
    %add3A_143 = arith.addi %add3A_141, %add3A_142 : i32
    %add3A_144 = vector.broadcast %add3A_143 : i32 to vector<16xi32>
    %add3A_145 = arith.addi %iota3A, %add3A_144 : vector<16xi32>
    %swap3A_146 = arith.constant 0 : index
    %swap3A_147 = tpu.vector_load %arg9[%swap3A_146] {strides = array<i32>} : memref<80xi32, #tpu.memory_space<vmem>>, vector<16xi32>,
    %swap3A_148 = vector.shape_cast %swap3A_147 : vector<16xi32> to vector<16xi32>
    %swap3A_149 = vector.shape_cast %add3A_145 : vector<16xi32> to vector<16xi32>
    tpu.vector_store %arg9[%swap3A_146], %swap3A_149 {strides = array<i32>} : memref<80xi32, #tpu.memory_space<vmem>>, vector<16xi32>,
    %add3A_150 = arith.constant 16 : i32
    %add3A_151 = arith.addi %add3A_141, %add3A_150 : i32
    %add3A_152 = vector.broadcast %add3A_151 : i32 to vector<16xi32>
    %add3A_153 = arith.addi %iota3A, %add3A_152 : vector<16xi32>
    %swap3A_154 = arith.constant 16 : index
    %swap3A_155 = tpu.vector_load %arg9[%swap3A_154] {strides = array<i32>} : memref<80xi32, #tpu.memory_space<vmem>>, vector<16xi32>,
    %swap3A_156 = vector.shape_cast %swap3A_155 : vector<16xi32> to vector<16xi32>
    %swap3A_157 = vector.shape_cast %add3A_153 : vector<16xi32> to vector<16xi32>
    tpu.vector_store %arg9[%swap3A_154], %swap3A_157 {strides = array<i32>} : memref<80xi32, #tpu.memory_space<vmem>>, vector<16xi32>,
    %add3A_158 = arith.constant 32 : i32
    %add3A_159 = arith.addi %add3A_141, %add3A_158 : i32
    %add3A_160 = vector.broadcast %add3A_159 : i32 to vector<16xi32>
    %add3A_161 = arith.addi %iota3A, %add3A_160 : vector<16xi32>
    %swap3A_162 = arith.constant 32 : index
    %swap3A_163 = tpu.vector_load %arg9[%swap3A_162] {strides = array<i32>} : memref<80xi32, #tpu.memory_space<vmem>>, vector<16xi32>,
    %swap3A_164 = vector.shape_cast %swap3A_163 : vector<16xi32> to vector<16xi32>
    %swap3A_165 = vector.shape_cast %add3A_161 : vector<16xi32> to vector<16xi32>
    tpu.vector_store %arg9[%swap3A_162], %swap3A_165 {strides = array<i32>} : memref<80xi32, #tpu.memory_space<vmem>>, vector<16xi32>,
    %add3A_166 = arith.constant 48 : i32
    %add3A_167 = arith.addi %add3A_141, %add3A_166 : i32
    %add3A_168 = vector.broadcast %add3A_167 : i32 to vector<16xi32>
    %add3A_169 = arith.addi %iota3A, %add3A_168 : vector<16xi32>
    %swap3A_170 = arith.constant 48 : index
    %swap3A_171 = tpu.vector_load %arg9[%swap3A_170] {strides = array<i32>} : memref<80xi32, #tpu.memory_space<vmem>>, vector<16xi32>,
    %swap3A_172 = vector.shape_cast %swap3A_171 : vector<16xi32> to vector<16xi32>
    %swap3A_173 = vector.shape_cast %add3A_169 : vector<16xi32> to vector<16xi32>
    tpu.vector_store %arg9[%swap3A_170], %swap3A_173 {strides = array<i32>} : memref<80xi32, #tpu.memory_space<vmem>>, vector<16xi32>,
    %add3A_174 = arith.constant 64 : i32
    %add3A_175 = arith.addi %add3A_141, %add3A_174 : i32
    %add3A_176 = vector.broadcast %add3A_175 : i32 to vector<16xi32>
    %add3A_177 = arith.addi %iota3A, %add3A_176 : vector<16xi32>
    %swap3A_178 = arith.constant 64 : index
    %swap3A_179 = tpu.vector_load %arg9[%swap3A_178] {strides = array<i32>} : memref<80xi32, #tpu.memory_space<vmem>>, vector<16xi32>,
    %swap3A_180 = vector.shape_cast %swap3A_179 : vector<16xi32> to vector<16xi32>
    %swap3A_181 = vector.shape_cast %add3A_177 : vector<16xi32> to vector<16xi32>
    tpu.vector_store %arg9[%swap3A_178], %swap3A_181 {strides = array<i32>} : memref<80xi32, #tpu.memory_space<vmem>>, vector<16xi32>,
    "tpu.region"() ({
      %run_scoped3A = tpu.sem_alloc : memref<!tpu.dma_semaphore, #tpu.memory_space<semaphore_mem>>
      %dma_start3A = arith.constant 0 : i32
      %dma_start3A_858 = arith.constant 0 : i32
      %dma_start3A_859 = tpu.memref_slice %arg16[%dma_start3A, %dma_start3A_858] : memref<10240x128xf32, #tpu.memory_space<vmem_shared>> -> memref<10240x128xf32, #tpu.memory_space<vmem_shared>>
      tpu.enqueue_indirect_dma source(%arg13 : memref<80x128xf32, #tpu.memory_space<vmem>>) target(%dma_start3A_859 : memref<10240x128xf32, #tpu.memory_space<vmem_shared>>) offsets(%arg9 : memref<80xi32, #tpu.memory_space<vmem>>) semaphore(%run_scoped3A : memref<!tpu.dma_semaphore, #tpu.memory_space<semaphore_mem>>)
      %dma_wait3A = arith.constant 0 : i32
      %dma_wait3A_860 = arith.constant 0 : i32
      %dma_wait3A_861 = tpu.memref_slice %arg16[%dma_wait3A, %dma_wait3A_860] : memref<10240x128xf32, #tpu.memory_space<vmem_shared>> -> memref<10240x128xf32, #tpu.memory_space<vmem_shared>>
      tpu.wait_indirect_dma semaphore(%run_scoped3A : memref<!tpu.dma_semaphore, #tpu.memory_space<semaphore_mem>>) src(%arg13 : memref<80x128xf32, #tpu.memory_space<vmem>>) dst(%dma_wait3A_861 : memref<10240x128xf32, #tpu.memory_space<vmem_shared>>)
      tpu.yield
    }) : () -> ()
    %mul3A_182 = arith.constant 640 : i32
    %mul3A_183 = arith.muli %arg1, %mul3A_182 : i32
    %add3A_184 = arith.constant 320 : i32
    %add3A_185 = arith.addi %mul3A_183, %add3A_184 : i32
    %add3A_186 = arith.constant 0 : i32
    %add3A_187 = arith.addi %add3A_185, %add3A_186 : i32
    %add3A_188 = vector.broadcast %add3A_187 : i32 to vector<16xi32>
    %add3A_189 = arith.addi %iota3A, %add3A_188 : vector<16xi32>
    %swap3A_190 = arith.constant 0 : index
    %swap3A_191 = tpu.vector_load %arg9[%swap3A_190] {strides = array<i32>} : memref<80xi32, #tpu.memory_space<vmem>>, vector<16xi32>,
    %swap3A_192 = vector.shape_cast %swap3A_191 : vector<16xi32> to vector<16xi32>
    %swap3A_193 = vector.shape_cast %add3A_189 : vector<16xi32> to vector<16xi32>
    tpu.vector_store %arg9[%swap3A_190], %swap3A_193 {strides = array<i32>} : memref<80xi32, #tpu.memory_space<vmem>>, vector<16xi32>,
    %add3A_194 = arith.constant 16 : i32
    %add3A_195 = arith.addi %add3A_185, %add3A_194 : i32
    %add3A_196 = vector.broadcast %add3A_195 : i32 to vector<16xi32>
    %add3A_197 = arith.addi %iota3A, %add3A_196 : vector<16xi32>
    %swap3A_198 = arith.constant 16 : index
    %swap3A_199 = tpu.vector_load %arg9[%swap3A_198] {strides = array<i32>} : memref<80xi32, #tpu.memory_space<vmem>>, vector<16xi32>,
    %swap3A_200 = vector.shape_cast %swap3A_199 : vector<16xi32> to vector<16xi32>
    %swap3A_201 = vector.shape_cast %add3A_197 : vector<16xi32> to vector<16xi32>
    tpu.vector_store %arg9[%swap3A_198], %swap3A_201 {strides = array<i32>} : memref<80xi32, #tpu.memory_space<vmem>>, vector<16xi32>,
    %add3A_202 = arith.constant 32 : i32
    %add3A_203 = arith.addi %add3A_185, %add3A_202 : i32
    %add3A_204 = vector.broadcast %add3A_203 : i32 to vector<16xi32>
    %add3A_205 = arith.addi %iota3A, %add3A_204 : vector<16xi32>
    %swap3A_206 = arith.constant 32 : index
    %swap3A_207 = tpu.vector_load %arg9[%swap3A_206] {strides = array<i32>} : memref<80xi32, #tpu.memory_space<vmem>>, vector<16xi32>,
    %swap3A_208 = vector.shape_cast %swap3A_207 : vector<16xi32> to vector<16xi32>
    %swap3A_209 = vector.shape_cast %add3A_205 : vector<16xi32> to vector<16xi32>
    tpu.vector_store %arg9[%swap3A_206], %swap3A_209 {strides = array<i32>} : memref<80xi32, #tpu.memory_space<vmem>>, vector<16xi32>,
    %add3A_210 = arith.constant 48 : i32
    %add3A_211 = arith.addi %add3A_185, %add3A_210 : i32
    %add3A_212 = vector.broadcast %add3A_211 : i32 to vector<16xi32>
    %add3A_213 = arith.addi %iota3A, %add3A_212 : vector<16xi32>
    %swap3A_214 = arith.constant 48 : index
    %swap3A_215 = tpu.vector_load %arg9[%swap3A_214] {strides = array<i32>} : memref<80xi32, #tpu.memory_space<vmem>>, vector<16xi32>,
    %swap3A_216 = vector.shape_cast %swap3A_215 : vector<16xi32> to vector<16xi32>
    %swap3A_217 = vector.shape_cast %add3A_213 : vector<16xi32> to vector<16xi32>
    tpu.vector_store %arg9[%swap3A_214], %swap3A_217 {strides = array<i32>} : memref<80xi32, #tpu.memory_space<vmem>>, vector<16xi32>,
    %add3A_218 = arith.constant 64 : i32
    %add3A_219 = arith.addi %add3A_185, %add3A_218 : i32
    %add3A_220 = vector.broadcast %add3A_219 : i32 to vector<16xi32>
    %add3A_221 = arith.addi %iota3A, %add3A_220 : vector<16xi32>
    %swap3A_222 = arith.constant 64 : index
    %swap3A_223 = tpu.vector_load %arg9[%swap3A_222] {strides = array<i32>} : memref<80xi32, #tpu.memory_space<vmem>>, vector<16xi32>,
    %swap3A_224 = vector.shape_cast %swap3A_223 : vector<16xi32> to vector<16xi32>
    %swap3A_225 = vector.shape_cast %add3A_221 : vector<16xi32> to vector<16xi32>
    tpu.vector_store %arg9[%swap3A_222], %swap3A_225 {strides = array<i32>} : memref<80xi32, #tpu.memory_space<vmem>>, vector<16xi32>,
    "tpu.region"() ({
      %run_scoped3A = tpu.sem_alloc : memref<!tpu.dma_semaphore, #tpu.memory_space<semaphore_mem>>
      %dma_start3A = arith.constant 0 : i32
      %dma_start3A_858 = arith.constant 0 : i32
      %dma_start3A_859 = tpu.memref_slice %arg16[%dma_start3A, %dma_start3A_858] : memref<10240x128xf32, #tpu.memory_space<vmem_shared>> -> memref<10240x128xf32, #tpu.memory_space<vmem_shared>>
      tpu.enqueue_indirect_dma source(%arg13 : memref<80x128xf32, #tpu.memory_space<vmem>>) target(%dma_start3A_859 : memref<10240x128xf32, #tpu.memory_space<vmem_shared>>) offsets(%arg9 : memref<80xi32, #tpu.memory_space<vmem>>) semaphore(%run_scoped3A : memref<!tpu.dma_semaphore, #tpu.memory_space<semaphore_mem>>)
      %dma_wait3A = arith.constant 0 : i32
      %dma_wait3A_860 = arith.constant 0 : i32
      %dma_wait3A_861 = tpu.memref_slice %arg16[%dma_wait3A, %dma_wait3A_860] : memref<10240x128xf32, #tpu.memory_space<vmem_shared>> -> memref<10240x128xf32, #tpu.memory_space<vmem_shared>>
      tpu.wait_indirect_dma semaphore(%run_scoped3A : memref<!tpu.dma_semaphore, #tpu.memory_space<semaphore_mem>>) src(%arg13 : memref<80x128xf32, #tpu.memory_space<vmem>>) dst(%dma_wait3A_861 : memref<10240x128xf32, #tpu.memory_space<vmem_shared>>)
      tpu.yield
    }) : () -> ()
    %mul3A_226 = arith.constant 640 : i32
    %mul3A_227 = arith.muli %arg1, %mul3A_226 : i32
    %add3A_228 = arith.constant 400 : i32
    %add3A_229 = arith.addi %mul3A_227, %add3A_228 : i32
    %add3A_230 = arith.constant 0 : i32
    %add3A_231 = arith.addi %add3A_229, %add3A_230 : i32
    %add3A_232 = vector.broadcast %add3A_231 : i32 to vector<16xi32>
    %add3A_233 = arith.addi %iota3A, %add3A_232 : vector<16xi32>
    %swap3A_234 = arith.constant 0 : index
    %swap3A_235 = tpu.vector_load %arg9[%swap3A_234] {strides = array<i32>} : memref<80xi32, #tpu.memory_space<vmem>>, vector<16xi32>,
    %swap3A_236 = vector.shape_cast %swap3A_235 : vector<16xi32> to vector<16xi32>
    %swap3A_237 = vector.shape_cast %add3A_233 : vector<16xi32> to vector<16xi32>
    tpu.vector_store %arg9[%swap3A_234], %swap3A_237 {strides = array<i32>} : memref<80xi32, #tpu.memory_space<vmem>>, vector<16xi32>,
    %add3A_238 = arith.constant 16 : i32
    %add3A_239 = arith.addi %add3A_229, %add3A_238 : i32
    %add3A_240 = vector.broadcast %add3A_239 : i32 to vector<16xi32>
    %add3A_241 = arith.addi %iota3A, %add3A_240 : vector<16xi32>
    %swap3A_242 = arith.constant 16 : index
    %swap3A_243 = tpu.vector_load %arg9[%swap3A_242] {strides = array<i32>} : memref<80xi32, #tpu.memory_space<vmem>>, vector<16xi32>,
    %swap3A_244 = vector.shape_cast %swap3A_243 : vector<16xi32> to vector<16xi32>
    %swap3A_245 = vector.shape_cast %add3A_241 : vector<16xi32> to vector<16xi32>
    tpu.vector_store %arg9[%swap3A_242], %swap3A_245 {strides = array<i32>} : memref<80xi32, #tpu.memory_space<vmem>>, vector<16xi32>,
    %add3A_246 = arith.constant 32 : i32
    %add3A_247 = arith.addi %add3A_229, %add3A_246 : i32
    %add3A_248 = vector.broadcast %add3A_247 : i32 to vector<16xi32>
    %add3A_249 = arith.addi %iota3A, %add3A_248 : vector<16xi32>
    %swap3A_250 = arith.constant 32 : index
    %swap3A_251 = tpu.vector_load %arg9[%swap3A_250] {strides = array<i32>} : memref<80xi32, #tpu.memory_space<vmem>>, vector<16xi32>,
    %swap3A_252 = vector.shape_cast %swap3A_251 : vector<16xi32> to vector<16xi32>
    %swap3A_253 = vector.shape_cast %add3A_249 : vector<16xi32> to vector<16xi32>
    tpu.vector_store %arg9[%swap3A_250], %swap3A_253 {strides = array<i32>} : memref<80xi32, #tpu.memory_space<vmem>>, vector<16xi32>,
    %add3A_254 = arith.constant 48 : i32
    %add3A_255 = arith.addi %add3A_229, %add3A_254 : i32
    %add3A_256 = vector.broadcast %add3A_255 : i32 to vector<16xi32>
    %add3A_257 = arith.addi %iota3A, %add3A_256 : vector<16xi32>
    %swap3A_258 = arith.constant 48 : index
    %swap3A_259 = tpu.vector_load %arg9[%swap3A_258] {strides = array<i32>} : memref<80xi32, #tpu.memory_space<vmem>>, vector<16xi32>,
    %swap3A_260 = vector.shape_cast %swap3A_259 : vector<16xi32> to vector<16xi32>
    %swap3A_261 = vector.shape_cast %add3A_257 : vector<16xi32> to vector<16xi32>
    tpu.vector_store %arg9[%swap3A_258], %swap3A_261 {strides = array<i32>} : memref<80xi32, #tpu.memory_space<vmem>>, vector<16xi32>,
    %add3A_262 = arith.constant 64 : i32
    %add3A_263 = arith.addi %add3A_229, %add3A_262 : i32
    %add3A_264 = vector.broadcast %add3A_263 : i32 to vector<16xi32>
    %add3A_265 = arith.addi %iota3A, %add3A_264 : vector<16xi32>
    %swap3A_266 = arith.constant 64 : index
    %swap3A_267 = tpu.vector_load %arg9[%swap3A_266] {strides = array<i32>} : memref<80xi32, #tpu.memory_space<vmem>>, vector<16xi32>,
    %swap3A_268 = vector.shape_cast %swap3A_267 : vector<16xi32> to vector<16xi32>
    %swap3A_269 = vector.shape_cast %add3A_265 : vector<16xi32> to vector<16xi32>
    tpu.vector_store %arg9[%swap3A_266], %swap3A_269 {strides = array<i32>} : memref<80xi32, #tpu.memory_space<vmem>>, vector<16xi32>,
    "tpu.region"() ({
      %run_scoped3A = tpu.sem_alloc : memref<!tpu.dma_semaphore, #tpu.memory_space<semaphore_mem>>
      %dma_start3A = arith.constant 0 : i32
      %dma_start3A_858 = arith.constant 0 : i32
      %dma_start3A_859 = tpu.memref_slice %arg16[%dma_start3A, %dma_start3A_858] : memref<10240x128xf32, #tpu.memory_space<vmem_shared>> -> memref<10240x128xf32, #tpu.memory_space<vmem_shared>>
      tpu.enqueue_indirect_dma source(%arg13 : memref<80x128xf32, #tpu.memory_space<vmem>>) target(%dma_start3A_859 : memref<10240x128xf32, #tpu.memory_space<vmem_shared>>) offsets(%arg9 : memref<80xi32, #tpu.memory_space<vmem>>) semaphore(%run_scoped3A : memref<!tpu.dma_semaphore, #tpu.memory_space<semaphore_mem>>)
      %dma_wait3A = arith.constant 0 : i32
      %dma_wait3A_860 = arith.constant 0 : i32
      %dma_wait3A_861 = tpu.memref_slice %arg16[%dma_wait3A, %dma_wait3A_860] : memref<10240x128xf32, #tpu.memory_space<vmem_shared>> -> memref<10240x128xf32, #tpu.memory_space<vmem_shared>>
      tpu.wait_indirect_dma semaphore(%run_scoped3A : memref<!tpu.dma_semaphore, #tpu.memory_space<semaphore_mem>>) src(%arg13 : memref<80x128xf32, #tpu.memory_space<vmem>>) dst(%dma_wait3A_861 : memref<10240x128xf32, #tpu.memory_space<vmem_shared>>)
      tpu.yield
    }) : () -> ()
    %mul3A_270 = arith.constant 640 : i32
    %mul3A_271 = arith.muli %arg1, %mul3A_270 : i32
    %add3A_272 = arith.constant 480 : i32
    %add3A_273 = arith.addi %mul3A_271, %add3A_272 : i32
    %add3A_274 = arith.constant 0 : i32
    %add3A_275 = arith.addi %add3A_273, %add3A_274 : i32
    %add3A_276 = vector.broadcast %add3A_275 : i32 to vector<16xi32>
    %add3A_277 = arith.addi %iota3A, %add3A_276 : vector<16xi32>
    %swap3A_278 = arith.constant 0 : index
    %swap3A_279 = tpu.vector_load %arg9[%swap3A_278] {strides = array<i32>} : memref<80xi32, #tpu.memory_space<vmem>>, vector<16xi32>,
    %swap3A_280 = vector.shape_cast %swap3A_279 : vector<16xi32> to vector<16xi32>
    %swap3A_281 = vector.shape_cast %add3A_277 : vector<16xi32> to vector<16xi32>
    tpu.vector_store %arg9[%swap3A_278], %swap3A_281 {strides = array<i32>} : memref<80xi32, #tpu.memory_space<vmem>>, vector<16xi32>,
    %add3A_282 = arith.constant 16 : i32
    %add3A_283 = arith.addi %add3A_273, %add3A_282 : i32
    %add3A_284 = vector.broadcast %add3A_283 : i32 to vector<16xi32>
    %add3A_285 = arith.addi %iota3A, %add3A_284 : vector<16xi32>
    %swap3A_286 = arith.constant 16 : index
    %swap3A_287 = tpu.vector_load %arg9[%swap3A_286] {strides = array<i32>} : memref<80xi32, #tpu.memory_space<vmem>>, vector<16xi32>,
    %swap3A_288 = vector.shape_cast %swap3A_287 : vector<16xi32> to vector<16xi32>
    %swap3A_289 = vector.shape_cast %add3A_285 : vector<16xi32> to vector<16xi32>
    tpu.vector_store %arg9[%swap3A_286], %swap3A_289 {strides = array<i32>} : memref<80xi32, #tpu.memory_space<vmem>>, vector<16xi32>,
    %add3A_290 = arith.constant 32 : i32
    %add3A_291 = arith.addi %add3A_273, %add3A_290 : i32
    %add3A_292 = vector.broadcast %add3A_291 : i32 to vector<16xi32>
    %add3A_293 = arith.addi %iota3A, %add3A_292 : vector<16xi32>
    %swap3A_294 = arith.constant 32 : index
    %swap3A_295 = tpu.vector_load %arg9[%swap3A_294] {strides = array<i32>} : memref<80xi32, #tpu.memory_space<vmem>>, vector<16xi32>,
    %swap3A_296 = vector.shape_cast %swap3A_295 : vector<16xi32> to vector<16xi32>
    %swap3A_297 = vector.shape_cast %add3A_293 : vector<16xi32> to vector<16xi32>
    tpu.vector_store %arg9[%swap3A_294], %swap3A_297 {strides = array<i32>} : memref<80xi32, #tpu.memory_space<vmem>>, vector<16xi32>,
    %add3A_298 = arith.constant 48 : i32
    %add3A_299 = arith.addi %add3A_273, %add3A_298 : i32
    %add3A_300 = vector.broadcast %add3A_299 : i32 to vector<16xi32>
    %add3A_301 = arith.addi %iota3A, %add3A_300 : vector<16xi32>
    %swap3A_302 = arith.constant 48 : index
    %swap3A_303 = tpu.vector_load %arg9[%swap3A_302] {strides = array<i32>} : memref<80xi32, #tpu.memory_space<vmem>>, vector<16xi32>,
    %swap3A_304 = vector.shape_cast %swap3A_303 : vector<16xi32> to vector<16xi32>
    %swap3A_305 = vector.shape_cast %add3A_301 : vector<16xi32> to vector<16xi32>
    tpu.vector_store %arg9[%swap3A_302], %swap3A_305 {strides = array<i32>} : memref<80xi32, #tpu.memory_space<vmem>>, vector<16xi32>,
    %add3A_306 = arith.constant 64 : i32
    %add3A_307 = arith.addi %add3A_273, %add3A_306 : i32
    %add3A_308 = vector.broadcast %add3A_307 : i32 to vector<16xi32>
    %add3A_309 = arith.addi %iota3A, %add3A_308 : vector<16xi32>
    %swap3A_310 = arith.constant 64 : index
    %swap3A_311 = tpu.vector_load %arg9[%swap3A_310] {strides = array<i32>} : memref<80xi32, #tpu.memory_space<vmem>>, vector<16xi32>,
    %swap3A_312 = vector.shape_cast %swap3A_311 : vector<16xi32> to vector<16xi32>
    %swap3A_313 = vector.shape_cast %add3A_309 : vector<16xi32> to vector<16xi32>
    tpu.vector_store %arg9[%swap3A_310], %swap3A_313 {strides = array<i32>} : memref<80xi32, #tpu.memory_space<vmem>>, vector<16xi32>,
    "tpu.region"() ({
      %run_scoped3A = tpu.sem_alloc : memref<!tpu.dma_semaphore, #tpu.memory_space<semaphore_mem>>
      %dma_start3A = arith.constant 0 : i32
      %dma_start3A_858 = arith.constant 0 : i32
      %dma_start3A_859 = tpu.memref_slice %arg16[%dma_start3A, %dma_start3A_858] : memref<10240x128xf32, #tpu.memory_space<vmem_shared>> -> memref<10240x128xf32, #tpu.memory_space<vmem_shared>>
      tpu.enqueue_indirect_dma source(%arg13 : memref<80x128xf32, #tpu.memory_space<vmem>>) target(%dma_start3A_859 : memref<10240x128xf32, #tpu.memory_space<vmem_shared>>) offsets(%arg9 : memref<80xi32, #tpu.memory_space<vmem>>) semaphore(%run_scoped3A : memref<!tpu.dma_semaphore, #tpu.memory_space<semaphore_mem>>)
      %dma_wait3A = arith.constant 0 : i32
      %dma_wait3A_860 = arith.constant 0 : i32
      %dma_wait3A_861 = tpu.memref_slice %arg16[%dma_wait3A, %dma_wait3A_860] : memref<10240x128xf32, #tpu.memory_space<vmem_shared>> -> memref<10240x128xf32, #tpu.memory_space<vmem_shared>>
      tpu.wait_indirect_dma semaphore(%run_scoped3A : memref<!tpu.dma_semaphore, #tpu.memory_space<semaphore_mem>>) src(%arg13 : memref<80x128xf32, #tpu.memory_space<vmem>>) dst(%dma_wait3A_861 : memref<10240x128xf32, #tpu.memory_space<vmem_shared>>)
      tpu.yield
    }) : () -> ()
    %mul3A_314 = arith.constant 640 : i32
    %mul3A_315 = arith.muli %arg1, %mul3A_314 : i32
    %add3A_316 = arith.constant 560 : i32
    %add3A_317 = arith.addi %mul3A_315, %add3A_316 : i32
    %add3A_318 = arith.constant 0 : i32
    %add3A_319 = arith.addi %add3A_317, %add3A_318 : i32
    %add3A_320 = vector.broadcast %add3A_319 : i32 to vector<16xi32>
    %add3A_321 = arith.addi %iota3A, %add3A_320 : vector<16xi32>
    %swap3A_322 = arith.constant 0 : index
    %swap3A_323 = tpu.vector_load %arg9[%swap3A_322] {strides = array<i32>} : memref<80xi32, #tpu.memory_space<vmem>>, vector<16xi32>,
    %swap3A_324 = vector.shape_cast %swap3A_323 : vector<16xi32> to vector<16xi32>
    %swap3A_325 = vector.shape_cast %add3A_321 : vector<16xi32> to vector<16xi32>
    tpu.vector_store %arg9[%swap3A_322], %swap3A_325 {strides = array<i32>} : memref<80xi32, #tpu.memory_space<vmem>>, vector<16xi32>,
    %add3A_326 = arith.constant 16 : i32
    %add3A_327 = arith.addi %add3A_317, %add3A_326 : i32
    %add3A_328 = vector.broadcast %add3A_327 : i32 to vector<16xi32>
    %add3A_329 = arith.addi %iota3A, %add3A_328 : vector<16xi32>
    %swap3A_330 = arith.constant 16 : index
    %swap3A_331 = tpu.vector_load %arg9[%swap3A_330] {strides = array<i32>} : memref<80xi32, #tpu.memory_space<vmem>>, vector<16xi32>,
    %swap3A_332 = vector.shape_cast %swap3A_331 : vector<16xi32> to vector<16xi32>
    %swap3A_333 = vector.shape_cast %add3A_329 : vector<16xi32> to vector<16xi32>
    tpu.vector_store %arg9[%swap3A_330], %swap3A_333 {strides = array<i32>} : memref<80xi32, #tpu.memory_space<vmem>>, vector<16xi32>,
    %add3A_334 = arith.constant 32 : i32
    %add3A_335 = arith.addi %add3A_317, %add3A_334 : i32
    %add3A_336 = vector.broadcast %add3A_335 : i32 to vector<16xi32>
    %add3A_337 = arith.addi %iota3A, %add3A_336 : vector<16xi32>
    %swap3A_338 = arith.constant 32 : index
    %swap3A_339 = tpu.vector_load %arg9[%swap3A_338] {strides = array<i32>} : memref<80xi32, #tpu.memory_space<vmem>>, vector<16xi32>,
    %swap3A_340 = vector.shape_cast %swap3A_339 : vector<16xi32> to vector<16xi32>
    %swap3A_341 = vector.shape_cast %add3A_337 : vector<16xi32> to vector<16xi32>
    tpu.vector_store %arg9[%swap3A_338], %swap3A_341 {strides = array<i32>} : memref<80xi32, #tpu.memory_space<vmem>>, vector<16xi32>,
    %add3A_342 = arith.constant 48 : i32
    %add3A_343 = arith.addi %add3A_317, %add3A_342 : i32
    %add3A_344 = vector.broadcast %add3A_343 : i32 to vector<16xi32>
    %add3A_345 = arith.addi %iota3A, %add3A_344 : vector<16xi32>
    %swap3A_346 = arith.constant 48 : index
    %swap3A_347 = tpu.vector_load %arg9[%swap3A_346] {strides = array<i32>} : memref<80xi32, #tpu.memory_space<vmem>>, vector<16xi32>,
    %swap3A_348 = vector.shape_cast %swap3A_347 : vector<16xi32> to vector<16xi32>
    %swap3A_349 = vector.shape_cast %add3A_345 : vector<16xi32> to vector<16xi32>
    tpu.vector_store %arg9[%swap3A_346], %swap3A_349 {strides = array<i32>} : memref<80xi32, #tpu.memory_space<vmem>>, vector<16xi32>,
    %add3A_350 = arith.constant 64 : i32
    %add3A_351 = arith.addi %add3A_317, %add3A_350 : i32
    %add3A_352 = vector.broadcast %add3A_351 : i32 to vector<16xi32>
    %add3A_353 = arith.addi %iota3A, %add3A_352 : vector<16xi32>
    %swap3A_354 = arith.constant 64 : index
    %swap3A_355 = tpu.vector_load %arg9[%swap3A_354] {strides = array<i32>} : memref<80xi32, #tpu.memory_space<vmem>>, vector<16xi32>,
    %swap3A_356 = vector.shape_cast %swap3A_355 : vector<16xi32> to vector<16xi32>
    %swap3A_357 = vector.shape_cast %add3A_353 : vector<16xi32> to vector<16xi32>
    tpu.vector_store %arg9[%swap3A_354], %swap3A_357 {strides = array<i32>} : memref<80xi32, #tpu.memory_space<vmem>>, vector<16xi32>,
    "tpu.region"() ({
      %run_scoped3A = tpu.sem_alloc : memref<!tpu.dma_semaphore, #tpu.memory_space<semaphore_mem>>
      %dma_start3A = arith.constant 0 : i32
      %dma_start3A_858 = arith.constant 0 : i32
      %dma_start3A_859 = tpu.memref_slice %arg16[%dma_start3A, %dma_start3A_858] : memref<10240x128xf32, #tpu.memory_space<vmem_shared>> -> memref<10240x128xf32, #tpu.memory_space<vmem_shared>>
      tpu.enqueue_indirect_dma source(%arg13 : memref<80x128xf32, #tpu.memory_space<vmem>>) target(%dma_start3A_859 : memref<10240x128xf32, #tpu.memory_space<vmem_shared>>) offsets(%arg9 : memref<80xi32, #tpu.memory_space<vmem>>) semaphore(%run_scoped3A : memref<!tpu.dma_semaphore, #tpu.memory_space<semaphore_mem>>)
      %dma_wait3A = arith.constant 0 : i32
      %dma_wait3A_860 = arith.constant 0 : i32
      %dma_wait3A_861 = tpu.memref_slice %arg16[%dma_wait3A, %dma_wait3A_860] : memref<10240x128xf32, #tpu.memory_space<vmem_shared>> -> memref<10240x128xf32, #tpu.memory_space<vmem_shared>>
      tpu.wait_indirect_dma semaphore(%run_scoped3A : memref<!tpu.dma_semaphore, #tpu.memory_space<semaphore_mem>>) src(%arg13 : memref<80x128xf32, #tpu.memory_space<vmem>>) dst(%dma_wait3A_861 : memref<10240x128xf32, #tpu.memory_space<vmem_shared>>)
      tpu.yield
    }) : () -> ()
    %mul3A_358 = arith.constant 80 : i32
    %mul3A_359 = arith.muli %arg1, %mul3A_358 : i32
    %add3A_360 = arith.constant 0 : i32
    %add3A_361 = arith.addi %mul3A_359, %add3A_360 : i32
    %add3A_362 = vector.broadcast %add3A_361 : i32 to vector<16xi32>
    %add3A_363 = arith.addi %iota3A, %add3A_362 : vector<16xi32>
    %swap3A_364 = arith.constant 0 : index
    %swap3A_365 = tpu.vector_load %arg9[%swap3A_364] {strides = array<i32>} : memref<80xi32, #tpu.memory_space<vmem>>, vector<16xi32>,
    %swap3A_366 = vector.shape_cast %swap3A_365 : vector<16xi32> to vector<16xi32>
    %swap3A_367 = vector.shape_cast %add3A_363 : vector<16xi32> to vector<16xi32>
    tpu.vector_store %arg9[%swap3A_364], %swap3A_367 {strides = array<i32>} : memref<80xi32, #tpu.memory_space<vmem>>, vector<16xi32>,
    %mul3A_368 = arith.constant 80 : i32
    %mul3A_369 = arith.muli %arg1, %mul3A_368 : i32
    %add3A_370 = arith.constant 16 : i32
    %add3A_371 = arith.addi %mul3A_369, %add3A_370 : i32
    %add3A_372 = vector.broadcast %add3A_371 : i32 to vector<16xi32>
    %add3A_373 = arith.addi %iota3A, %add3A_372 : vector<16xi32>
    %swap3A_374 = arith.constant 16 : index
    %swap3A_375 = tpu.vector_load %arg9[%swap3A_374] {strides = array<i32>} : memref<80xi32, #tpu.memory_space<vmem>>, vector<16xi32>,
    %swap3A_376 = vector.shape_cast %swap3A_375 : vector<16xi32> to vector<16xi32>
    %swap3A_377 = vector.shape_cast %add3A_373 : vector<16xi32> to vector<16xi32>
    tpu.vector_store %arg9[%swap3A_374], %swap3A_377 {strides = array<i32>} : memref<80xi32, #tpu.memory_space<vmem>>, vector<16xi32>,
    %mul3A_378 = arith.constant 80 : i32
    %mul3A_379 = arith.muli %arg1, %mul3A_378 : i32
    %add3A_380 = arith.constant 32 : i32
    %add3A_381 = arith.addi %mul3A_379, %add3A_380 : i32
    %add3A_382 = vector.broadcast %add3A_381 : i32 to vector<16xi32>
    %add3A_383 = arith.addi %iota3A, %add3A_382 : vector<16xi32>
    %swap3A_384 = arith.constant 32 : index
    %swap3A_385 = tpu.vector_load %arg9[%swap3A_384] {strides = array<i32>} : memref<80xi32, #tpu.memory_space<vmem>>, vector<16xi32>,
    %swap3A_386 = vector.shape_cast %swap3A_385 : vector<16xi32> to vector<16xi32>
    %swap3A_387 = vector.shape_cast %add3A_383 : vector<16xi32> to vector<16xi32>
    tpu.vector_store %arg9[%swap3A_384], %swap3A_387 {strides = array<i32>} : memref<80xi32, #tpu.memory_space<vmem>>, vector<16xi32>,
    %mul3A_388 = arith.constant 80 : i32
    %mul3A_389 = arith.muli %arg1, %mul3A_388 : i32
    %add3A_390 = arith.constant 48 : i32
    %add3A_391 = arith.addi %mul3A_389, %add3A_390 : i32
    %add3A_392 = vector.broadcast %add3A_391 : i32 to vector<16xi32>
    %add3A_393 = arith.addi %iota3A, %add3A_392 : vector<16xi32>
    %swap3A_394 = arith.constant 48 : index
    %swap3A_395 = tpu.vector_load %arg9[%swap3A_394] {strides = array<i32>} : memref<80xi32, #tpu.memory_space<vmem>>, vector<16xi32>,
    %swap3A_396 = vector.shape_cast %swap3A_395 : vector<16xi32> to vector<16xi32>
    %swap3A_397 = vector.shape_cast %add3A_393 : vector<16xi32> to vector<16xi32>
    tpu.vector_store %arg9[%swap3A_394], %swap3A_397 {strides = array<i32>} : memref<80xi32, #tpu.memory_space<vmem>>, vector<16xi32>,
    %mul3A_398 = arith.constant 80 : i32
    %mul3A_399 = arith.muli %arg1, %mul3A_398 : i32
    %add3A_400 = arith.constant 64 : i32
    %add3A_401 = arith.addi %mul3A_399, %add3A_400 : i32
    %add3A_402 = vector.broadcast %add3A_401 : i32 to vector<16xi32>
    %add3A_403 = arith.addi %iota3A, %add3A_402 : vector<16xi32>
    %swap3A_404 = arith.constant 64 : index
    %swap3A_405 = tpu.vector_load %arg9[%swap3A_404] {strides = array<i32>} : memref<80xi32, #tpu.memory_space<vmem>>, vector<16xi32>,
    %swap3A_406 = vector.shape_cast %swap3A_405 : vector<16xi32> to vector<16xi32>
    %swap3A_407 = vector.shape_cast %add3A_403 : vector<16xi32> to vector<16xi32>
    tpu.vector_store %arg9[%swap3A_404], %swap3A_407 {strides = array<i32>} : memref<80xi32, #tpu.memory_space<vmem>>, vector<16xi32>,
    "tpu.region"() ({
      %run_scoped3A = tpu.sem_alloc : memref<!tpu.dma_semaphore, #tpu.memory_space<semaphore_mem>>
      %dma_start3A = arith.constant 0 : i32
      %dma_start3A_858 = arith.constant 0 : i32
      %dma_start3A_859 = tpu.memref_slice %arg17[%dma_start3A, %dma_start3A_858] : memref<1280x128xf32, #tpu.memory_space<vmem_shared>> -> memref<1280x128xf32, #tpu.memory_space<vmem_shared>>
      tpu.enqueue_indirect_dma source(%arg14 : memref<80x128xf32, #tpu.memory_space<vmem>>) target(%dma_start3A_859 : memref<1280x128xf32, #tpu.memory_space<vmem_shared>>) offsets(%arg9 : memref<80xi32, #tpu.memory_space<vmem>>) semaphore(%run_scoped3A : memref<!tpu.dma_semaphore, #tpu.memory_space<semaphore_mem>>)
      %dma_wait3A = arith.constant 0 : i32
      %dma_wait3A_860 = arith.constant 0 : i32
      %dma_wait3A_861 = tpu.memref_slice %arg17[%dma_wait3A, %dma_wait3A_860] : memref<1280x128xf32, #tpu.memory_space<vmem_shared>> -> memref<1280x128xf32, #tpu.memory_space<vmem_shared>>
      tpu.wait_indirect_dma semaphore(%run_scoped3A : memref<!tpu.dma_semaphore, #tpu.memory_space<semaphore_mem>>) src(%arg14 : memref<80x128xf32, #tpu.memory_space<vmem>>) dst(%dma_wait3A_861 : memref<1280x128xf32, #tpu.memory_space<vmem_shared>>)
      tpu.yield
    }) : () -> ()
    "tpu.region"() ({
      %run_scoped3A = tpu.sem_alloc : memref<!tpu.dma_semaphore, #tpu.memory_space<semaphore_mem>>
      tpu.enqueue_dma source(%arg6 : memref<8x16xf32, #tpu.memory_space<hbm>>) target(%arg15 : memref<8x16xf32, #tpu.memory_space<vmem>>) target_semaphore(%run_scoped3A : memref<!tpu.dma_semaphore, #tpu.memory_space<semaphore_mem>>)
      tpu.wait_dma2 semaphore(%run_scoped3A : memref<!tpu.dma_semaphore, #tpu.memory_space<semaphore_mem>>) src(%arg6 : memref<8x16xf32, #tpu.memory_space<hbm>>) dst(%arg15 : memref<8x16xf32, #tpu.memory_space<vmem>>)
      tpu.yield
    }) : () -> ()
    %barrier3A = arith.constant 0 : index
    tpu.barrier barrier_id(%barrier3A)
    %get3A = arith.constant 0 : i32
    %get3A_408 = arith.index_cast %get3A : i32 to index
    %get3A_409 = arith.constant 0 : index
    %get3A_410 = tpu.vector_load %arg15[%get3A_408, %get3A_409] {strides = array<i32>} : memref<8x16xf32, #tpu.memory_space<vmem>>, vector<1x16xf32>,
    %get3A_411 = vector.shape_cast %get3A_410 : vector<1x16xf32> to vector<16xf32>
    %get3A_412 = arith.constant 1 : i32
    %get3A_413 = arith.index_cast %get3A_412 : i32 to index
    %get3A_414 = arith.constant 0 : index
    %get3A_415 = tpu.vector_load %arg15[%get3A_413, %get3A_414] {strides = array<i32>} : memref<8x16xf32, #tpu.memory_space<vmem>>, vector<1x16xf32>,
    %get3A_416 = vector.shape_cast %get3A_415 : vector<1x16xf32> to vector<16xf32>
    %get3A_417 = arith.constant 2 : i32
    %get3A_418 = arith.index_cast %get3A_417 : i32 to index
    %get3A_419 = arith.constant 0 : index
    %get3A_420 = tpu.vector_load %arg15[%get3A_418, %get3A_419] {strides = array<i32>} : memref<8x16xf32, #tpu.memory_space<vmem>>, vector<1x16xf32>,
    %get3A_421 = vector.shape_cast %get3A_420 : vector<1x16xf32> to vector<16xf32>
    %get3A_422 = arith.constant 3 : i32
    %get3A_423 = arith.index_cast %get3A_422 : i32 to index
    %get3A_424 = arith.constant 0 : index
    %get3A_425 = tpu.vector_load %arg15[%get3A_423, %get3A_424] {strides = array<i32>} : memref<8x16xf32, #tpu.memory_space<vmem>>, vector<1x16xf32>,
    %get3A_426 = vector.shape_cast %get3A_425 : vector<1x16xf32> to vector<16xf32>
    %get3A_427 = arith.constant 4 : i32
    %get3A_428 = arith.index_cast %get3A_427 : i32 to index
    %get3A_429 = arith.constant 0 : index
    %get3A_430 = tpu.vector_load %arg15[%get3A_428, %get3A_429] {strides = array<i32>} : memref<8x16xf32, #tpu.memory_space<vmem>>, vector<1x16xf32>,
    %get3A_431 = vector.shape_cast %get3A_430 : vector<1x16xf32> to vector<16xf32>
    %get3A_432 = arith.constant 5 : i32
    %get3A_433 = arith.index_cast %get3A_432 : i32 to index
    %get3A_434 = arith.constant 0 : index
    %get3A_435 = tpu.vector_load %arg15[%get3A_433, %get3A_434] {strides = array<i32>} : memref<8x16xf32, #tpu.memory_space<vmem>>, vector<1x16xf32>,
    %get3A_436 = vector.shape_cast %get3A_435 : vector<1x16xf32> to vector<16xf32>
    %get3A_437 = arith.constant 6 : i32
    %get3A_438 = arith.index_cast %get3A_437 : i32 to index
    %get3A_439 = arith.constant 0 : index
    %get3A_440 = tpu.vector_load %arg15[%get3A_438, %get3A_439] {strides = array<i32>} : memref<8x16xf32, #tpu.memory_space<vmem>>, vector<1x16xf32>,
    %get3A_441 = vector.shape_cast %get3A_440 : vector<1x16xf32> to vector<16xf32>
    %get3A_442 = arith.constant 7 : i32
    %get3A_443 = arith.index_cast %get3A_442 : i32 to index
    %get3A_444 = arith.constant 0 : index
    %get3A_445 = tpu.vector_load %arg15[%get3A_443, %get3A_444] {strides = array<i32>} : memref<8x16xf32, #tpu.memory_space<vmem>>, vector<1x16xf32>,
    %get3A_446 = vector.shape_cast %get3A_445 : vector<1x16xf32> to vector<16xf32>
    %scan3A_447 = arith.constant 0 : i32
    %scan3A_448 = arith.constant 0 : i32
    %scan3A_449 = arith.constant 128 : i32
    %scan3A_450 = arith.addi %scan3A_448, %scan3A_449 : i32
    %scan3A_451 = arith.constant 1 : i32
    scf.for %scan3A_858 = %scan3A_448 to %scan3A_450 step %scan3A_451  : i32 {
      %mul3A_859 = arith.constant 10240 : i32
      %mul3A_860 = arith.muli %add3A, %mul3A_859 : i32
      %mul3A_861 = arith.constant 80 : i32
      %mul3A_862 = arith.muli %scan3A_858, %mul3A_861 : i32
      %add3A_863 = arith.addi %mul3A_860, %mul3A_862 : i32
      %dma_start3A = tpu.memref_slice %arg4[%add3A_863] : memref<327680xi32, #tpu.memory_space<hbm>> -> memref<80xi32, #tpu.memory_space<hbm>>
      %dma_start3A_864 = tpu.memref_slice %arg4[%add3A_863] : memref<327680xi32, #tpu.memory_space<hbm>> -> memref<80xi32, #tpu.memory_space<hbm>>
      tpu.enqueue_dma source(%dma_start3A_864 : memref<80xi32, #tpu.memory_space<hbm>>) target(%arg9 : memref<80xi32, #tpu.memory_space<vmem>>) target_semaphore(%arg18 : memref<!tpu.dma_semaphore, #tpu.memory_space<semaphore_mem>>)
      %dma_start3A_865 = tpu.memref_slice %arg5[%add3A_863] : memref<327680xi32, #tpu.memory_space<hbm>> -> memref<80xi32, #tpu.memory_space<hbm>>
      %dma_start3A_866 = tpu.memref_slice %arg5[%add3A_863] : memref<327680xi32, #tpu.memory_space<hbm>> -> memref<80xi32, #tpu.memory_space<hbm>>
      tpu.enqueue_dma source(%dma_start3A_866 : memref<80xi32, #tpu.memory_space<hbm>>) target(%arg10 : memref<80xi32, #tpu.memory_space<vmem>>) target_semaphore(%arg19 : memref<!tpu.dma_semaphore, #tpu.memory_space<semaphore_mem>>)
      %dma_wait3A = tpu.memref_slice %arg4[%add3A_863] : memref<327680xi32, #tpu.memory_space<hbm>> -> memref<80xi32, #tpu.memory_space<hbm>>
      %dma_wait3A_867 = tpu.memref_slice %arg4[%add3A_863] : memref<327680xi32, #tpu.memory_space<hbm>> -> memref<80xi32, #tpu.memory_space<hbm>>
      tpu.wait_dma2 semaphore(%arg18 : memref<!tpu.dma_semaphore, #tpu.memory_space<semaphore_mem>>) src(%dma_wait3A_867 : memref<80xi32, #tpu.memory_space<hbm>>) dst(%arg9 : memref<80xi32, #tpu.memory_space<vmem>>)
      %dma_wait3A_868 = tpu.memref_slice %arg5[%add3A_863] : memref<327680xi32, #tpu.memory_space<hbm>> -> memref<80xi32, #tpu.memory_space<hbm>>
      %dma_wait3A_869 = tpu.memref_slice %arg5[%add3A_863] : memref<327680xi32, #tpu.memory_space<hbm>> -> memref<80xi32, #tpu.memory_space<hbm>>
      tpu.wait_dma2 semaphore(%arg19 : memref<!tpu.dma_semaphore, #tpu.memory_space<semaphore_mem>>) src(%dma_wait3A_869 : memref<80xi32, #tpu.memory_space<hbm>>) dst(%arg10 : memref<80xi32, #tpu.memory_space<vmem>>)
      %dma_start3A_870 = arith.constant 0 : i32
      %dma_start3A_871 = arith.constant 0 : i32
      %dma_start3A_872 = tpu.memref_slice %arg2[%dma_start3A_870, %dma_start3A_871] : memref<10240x128xf32, #tpu.memory_space<hbm>> -> memref<10240x128xf32, #tpu.memory_space<hbm>>
      tpu.enqueue_indirect_dma source(%dma_start3A_872 : memref<10240x128xf32, #tpu.memory_space<hbm>>) target(%arg12 : memref<80x128xf32, #tpu.memory_space<vmem>>) offsets(%arg9 : memref<80xi32, #tpu.memory_space<vmem>>) semaphore(%arg18 : memref<!tpu.dma_semaphore, #tpu.memory_space<semaphore_mem>>)
      %dma_start3A_873 = arith.constant 0 : i32
      %dma_start3A_874 = arith.constant 0 : i32
      %dma_start3A_875 = tpu.memref_slice %arg3[%dma_start3A_873, %dma_start3A_874] : memref<10240x128xf32, #tpu.memory_space<hbm>> -> memref<10240x128xf32, #tpu.memory_space<hbm>>
      tpu.enqueue_indirect_dma source(%dma_start3A_875 : memref<10240x128xf32, #tpu.memory_space<hbm>>) target(%arg13 : memref<80x128xf32, #tpu.memory_space<vmem>>) offsets(%arg10 : memref<80xi32, #tpu.memory_space<vmem>>) semaphore(%arg19 : memref<!tpu.dma_semaphore, #tpu.memory_space<semaphore_mem>>)
      %dma_wait3A_876 = arith.constant 0 : i32
      %dma_wait3A_877 = arith.constant 0 : i32
      %dma_wait3A_878 = tpu.memref_slice %arg2[%dma_wait3A_876, %dma_wait3A_877] : memref<10240x128xf32, #tpu.memory_space<hbm>> -> memref<10240x128xf32, #tpu.memory_space<hbm>>
      tpu.wait_indirect_dma semaphore(%arg18 : memref<!tpu.dma_semaphore, #tpu.memory_space<semaphore_mem>>) src(%dma_wait3A_878 : memref<10240x128xf32, #tpu.memory_space<hbm>>) dst(%arg12 : memref<80x128xf32, #tpu.memory_space<vmem>>)
      %dma_wait3A_879 = arith.constant 0 : i32
      %dma_wait3A_880 = arith.constant 0 : i32
      %dma_wait3A_881 = tpu.memref_slice %arg3[%dma_wait3A_879, %dma_wait3A_880] : memref<10240x128xf32, #tpu.memory_space<hbm>> -> memref<10240x128xf32, #tpu.memory_space<hbm>>
      tpu.wait_indirect_dma semaphore(%arg19 : memref<!tpu.dma_semaphore, #tpu.memory_space<semaphore_mem>>) src(%dma_wait3A_881 : memref<10240x128xf32, #tpu.memory_space<hbm>>) dst(%arg13 : memref<80x128xf32, #tpu.memory_space<vmem>>)
      %get3A_882 = arith.constant 0 : index
      %get3A_883 = tpu.vector_load %arg10[%get3A_882] {strides = array<i32>} : memref<80xi32, #tpu.memory_space<vmem>>, vector<16xi32>,
      %get3A_884 = vector.shape_cast %get3A_883 : vector<16xi32> to vector<16xi32>
      %shift_right_arithmetic3A = arith.constant 3 : i32
      %shift_right_arithmetic3A_885 = vector.broadcast %shift_right_arithmetic3A : i32 to vector<16xi32>
      %shift_right_arithmetic3A_886 = arith.shrsi %get3A_884, %shift_right_arithmetic3A_885 : vector<16xi32>
      %swap3A_887 = arith.constant 0 : index
      %swap3A_888 = tpu.vector_load %arg11[%swap3A_887] {strides = array<i32>} : memref<80xi32, #tpu.memory_space<vmem>>, vector<16xi32>,
      %swap3A_889 = vector.shape_cast %swap3A_888 : vector<16xi32> to vector<16xi32>
      %swap3A_890 = vector.shape_cast %shift_right_arithmetic3A_886 : vector<16xi32> to vector<16xi32>
      tpu.vector_store %arg11[%swap3A_887], %swap3A_890 {strides = array<i32>} : memref<80xi32, #tpu.memory_space<vmem>>, vector<16xi32>,
      %get3A_891 = arith.constant 16 : index
      %get3A_892 = tpu.vector_load %arg10[%get3A_891] {strides = array<i32>} : memref<80xi32, #tpu.memory_space<vmem>>, vector<16xi32>,
      %get3A_893 = vector.shape_cast %get3A_892 : vector<16xi32> to vector<16xi32>
      %shift_right_arithmetic3A_894 = arith.constant 3 : i32
      %shift_right_arithmetic3A_895 = vector.broadcast %shift_right_arithmetic3A_894 : i32 to vector<16xi32>
      %shift_right_arithmetic3A_896 = arith.shrsi %get3A_893, %shift_right_arithmetic3A_895 : vector<16xi32>
      %swap3A_897 = arith.constant 16 : index
      %swap3A_898 = tpu.vector_load %arg11[%swap3A_897] {strides = array<i32>} : memref<80xi32, #tpu.memory_space<vmem>>, vector<16xi32>,
      %swap3A_899 = vector.shape_cast %swap3A_898 : vector<16xi32> to vector<16xi32>
      %swap3A_900 = vector.shape_cast %shift_right_arithmetic3A_896 : vector<16xi32> to vector<16xi32>
      tpu.vector_store %arg11[%swap3A_897], %swap3A_900 {strides = array<i32>} : memref<80xi32, #tpu.memory_space<vmem>>, vector<16xi32>,
      %get3A_901 = arith.constant 32 : index
      %get3A_902 = tpu.vector_load %arg10[%get3A_901] {strides = array<i32>} : memref<80xi32, #tpu.memory_space<vmem>>, vector<16xi32>,
      %get3A_903 = vector.shape_cast %get3A_902 : vector<16xi32> to vector<16xi32>
      %shift_right_arithmetic3A_904 = arith.constant 3 : i32
      %shift_right_arithmetic3A_905 = vector.broadcast %shift_right_arithmetic3A_904 : i32 to vector<16xi32>
      %shift_right_arithmetic3A_906 = arith.shrsi %get3A_903, %shift_right_arithmetic3A_905 : vector<16xi32>
      %swap3A_907 = arith.constant 32 : index
      %swap3A_908 = tpu.vector_load %arg11[%swap3A_907] {strides = array<i32>} : memref<80xi32, #tpu.memory_space<vmem>>, vector<16xi32>,
      %swap3A_909 = vector.shape_cast %swap3A_908 : vector<16xi32> to vector<16xi32>
      %swap3A_910 = vector.shape_cast %shift_right_arithmetic3A_906 : vector<16xi32> to vector<16xi32>
      tpu.vector_store %arg11[%swap3A_907], %swap3A_910 {strides = array<i32>} : memref<80xi32, #tpu.memory_space<vmem>>, vector<16xi32>,
      %get3A_911 = arith.constant 48 : index
      %get3A_912 = tpu.vector_load %arg10[%get3A_911] {strides = array<i32>} : memref<80xi32, #tpu.memory_space<vmem>>, vector<16xi32>,
      %get3A_913 = vector.shape_cast %get3A_912 : vector<16xi32> to vector<16xi32>
      %shift_right_arithmetic3A_914 = arith.constant 3 : i32
      %shift_right_arithmetic3A_915 = vector.broadcast %shift_right_arithmetic3A_914 : i32 to vector<16xi32>
      %shift_right_arithmetic3A_916 = arith.shrsi %get3A_913, %shift_right_arithmetic3A_915 : vector<16xi32>
      %swap3A_917 = arith.constant 48 : index
      %swap3A_918 = tpu.vector_load %arg11[%swap3A_917] {strides = array<i32>} : memref<80xi32, #tpu.memory_space<vmem>>, vector<16xi32>,
      %swap3A_919 = vector.shape_cast %swap3A_918 : vector<16xi32> to vector<16xi32>
      %swap3A_920 = vector.shape_cast %shift_right_arithmetic3A_916 : vector<16xi32> to vector<16xi32>
      tpu.vector_store %arg11[%swap3A_917], %swap3A_920 {strides = array<i32>} : memref<80xi32, #tpu.memory_space<vmem>>, vector<16xi32>,
      %get3A_921 = arith.constant 64 : index
      %get3A_922 = tpu.vector_load %arg10[%get3A_921] {strides = array<i32>} : memref<80xi32, #tpu.memory_space<vmem>>, vector<16xi32>,
      %get3A_923 = vector.shape_cast %get3A_922 : vector<16xi32> to vector<16xi32>
      %shift_right_arithmetic3A_924 = arith.constant 3 : i32
      %shift_right_arithmetic3A_925 = vector.broadcast %shift_right_arithmetic3A_924 : i32 to vector<16xi32>
      %shift_right_arithmetic3A_926 = arith.shrsi %get3A_923, %shift_right_arithmetic3A_925 : vector<16xi32>
      %swap3A_927 = arith.constant 64 : index
      %swap3A_928 = tpu.vector_load %arg11[%swap3A_927] {strides = array<i32>} : memref<80xi32, #tpu.memory_space<vmem>>, vector<16xi32>,
      %swap3A_929 = vector.shape_cast %swap3A_928 : vector<16xi32> to vector<16xi32>
      %swap3A_930 = vector.shape_cast %shift_right_arithmetic3A_926 : vector<16xi32> to vector<16xi32>
      tpu.vector_store %arg11[%swap3A_927], %swap3A_930 {strides = array<i32>} : memref<80xi32, #tpu.memory_space<vmem>>, vector<16xi32>,
      %parallel_loop3A = arith.constant 0 : i32
      %parallel_loop3A_931 = arith.constant 80 : i32
      %parallel_loop3A_932 = arith.constant 1 : i32
      scf.for %parallel_loop3A_945 = %parallel_loop3A to %parallel_loop3A_931 step %parallel_loop3A_932  : i32 {
        %parallel_loop3A_946 = arith.index_cast %parallel_loop3A_945 : i32 to index
        %parallel_loop3A_947 = arith.constant 0 : index
        %parallel_loop3A_948 = tpu.vector_load %arg12[%parallel_loop3A_946, %parallel_loop3A_947] {strides = array<i32>} : memref<80x128xf32, #tpu.memory_space<vmem>>, vector<1x16xf32>,
        %parallel_loop3A_949 = vector.shape_cast %parallel_loop3A_948 : vector<1x16xf32> to vector<16xf32>
        %parallel_loop3A_950 = arith.index_cast %parallel_loop3A_945 : i32 to index
        %parallel_loop3A_951 = arith.constant 0 : index
        %parallel_loop3A_952 = tpu.vector_load %arg13[%parallel_loop3A_950, %parallel_loop3A_951] {strides = array<i32>} : memref<80x128xf32, #tpu.memory_space<vmem>>, vector<1x16xf32>,
        %parallel_loop3A_953 = vector.shape_cast %parallel_loop3A_952 : vector<1x16xf32> to vector<16xf32>
        %parallel_loop3A_954 = arith.addf %parallel_loop3A_949, %parallel_loop3A_953 : vector<16xf32>
        %parallel_loop3A_955 = arith.constant 2.000000e-01 : f32
        %parallel_loop3A_956 = vector.broadcast %parallel_loop3A_955 : f32 to vector<16xf32>
        %parallel_loop3A_957 = arith.mulf %parallel_loop3A_956, %parallel_loop3A_954 : vector<16xf32>
        %parallel_loop3A_958 = arith.maximumf %parallel_loop3A_954, %parallel_loop3A_957 : vector<16xf32>
        %parallel_loop3A_959 = arith.mulf %parallel_loop3A_958, %get3A_411 : vector<16xf32>
        %parallel_loop3A_960 = arith.index_cast %parallel_loop3A_945 : i32 to index
        %parallel_loop3A_961 = arith.constant 16 : index
        %parallel_loop3A_962 = tpu.vector_load %arg12[%parallel_loop3A_960, %parallel_loop3A_961] {strides = array<i32>} : memref<80x128xf32, #tpu.memory_space<vmem>>, vector<1x16xf32>,
        %parallel_loop3A_963 = vector.shape_cast %parallel_loop3A_962 : vector<1x16xf32> to vector<16xf32>
        %parallel_loop3A_964 = arith.index_cast %parallel_loop3A_945 : i32 to index
        %parallel_loop3A_965 = arith.constant 16 : index
        %parallel_loop3A_966 = tpu.vector_load %arg13[%parallel_loop3A_964, %parallel_loop3A_965] {strides = array<i32>} : memref<80x128xf32, #tpu.memory_space<vmem>>, vector<1x16xf32>,
        %parallel_loop3A_967 = vector.shape_cast %parallel_loop3A_966 : vector<1x16xf32> to vector<16xf32>
        %parallel_loop3A_968 = arith.addf %parallel_loop3A_963, %parallel_loop3A_967 : vector<16xf32>
        %parallel_loop3A_969 = arith.constant 2.000000e-01 : f32
        %parallel_loop3A_970 = vector.broadcast %parallel_loop3A_969 : f32 to vector<16xf32>
        %parallel_loop3A_971 = arith.mulf %parallel_loop3A_970, %parallel_loop3A_968 : vector<16xf32>
        %parallel_loop3A_972 = arith.maximumf %parallel_loop3A_968, %parallel_loop3A_971 : vector<16xf32>
        %parallel_loop3A_973 = arith.mulf %parallel_loop3A_972, %get3A_416 : vector<16xf32>
        %parallel_loop3A_974 = arith.index_cast %parallel_loop3A_945 : i32 to index
        %parallel_loop3A_975 = arith.constant 32 : index
        %parallel_loop3A_976 = tpu.vector_load %arg12[%parallel_loop3A_974, %parallel_loop3A_975] {strides = array<i32>} : memref<80x128xf32, #tpu.memory_space<vmem>>, vector<1x16xf32>,
        %parallel_loop3A_977 = vector.shape_cast %parallel_loop3A_976 : vector<1x16xf32> to vector<16xf32>
        %parallel_loop3A_978 = arith.index_cast %parallel_loop3A_945 : i32 to index
        %parallel_loop3A_979 = arith.constant 32 : index
        %parallel_loop3A_980 = tpu.vector_load %arg13[%parallel_loop3A_978, %parallel_loop3A_979] {strides = array<i32>} : memref<80x128xf32, #tpu.memory_space<vmem>>, vector<1x16xf32>,
        %parallel_loop3A_981 = vector.shape_cast %parallel_loop3A_980 : vector<1x16xf32> to vector<16xf32>
        %parallel_loop3A_982 = arith.addf %parallel_loop3A_977, %parallel_loop3A_981 : vector<16xf32>
        %parallel_loop3A_983 = arith.constant 2.000000e-01 : f32
        %parallel_loop3A_984 = vector.broadcast %parallel_loop3A_983 : f32 to vector<16xf32>
        %parallel_loop3A_985 = arith.mulf %parallel_loop3A_984, %parallel_loop3A_982 : vector<16xf32>
        %parallel_loop3A_986 = arith.maximumf %parallel_loop3A_982, %parallel_loop3A_985 : vector<16xf32>
        %parallel_loop3A_987 = arith.mulf %parallel_loop3A_986, %get3A_421 : vector<16xf32>
        %parallel_loop3A_988 = arith.index_cast %parallel_loop3A_945 : i32 to index
        %parallel_loop3A_989 = arith.constant 48 : index
        %parallel_loop3A_990 = tpu.vector_load %arg12[%parallel_loop3A_988, %parallel_loop3A_989] {strides = array<i32>} : memref<80x128xf32, #tpu.memory_space<vmem>>, vector<1x16xf32>,
        %parallel_loop3A_991 = vector.shape_cast %parallel_loop3A_990 : vector<1x16xf32> to vector<16xf32>
        %parallel_loop3A_992 = arith.index_cast %parallel_loop3A_945 : i32 to index
        %parallel_loop3A_993 = arith.constant 48 : index
        %parallel_loop3A_994 = tpu.vector_load %arg13[%parallel_loop3A_992, %parallel_loop3A_993] {strides = array<i32>} : memref<80x128xf32, #tpu.memory_space<vmem>>, vector<1x16xf32>,
        %parallel_loop3A_995 = vector.shape_cast %parallel_loop3A_994 : vector<1x16xf32> to vector<16xf32>
        %parallel_loop3A_996 = arith.addf %parallel_loop3A_991, %parallel_loop3A_995 : vector<16xf32>
        %parallel_loop3A_997 = arith.constant 2.000000e-01 : f32
        %parallel_loop3A_998 = vector.broadcast %parallel_loop3A_997 : f32 to vector<16xf32>
        %parallel_loop3A_999 = arith.mulf %parallel_loop3A_998, %parallel_loop3A_996 : vector<16xf32>
        %parallel_loop3A_1000 = arith.maximumf %parallel_loop3A_996, %parallel_loop3A_999 : vector<16xf32>
        %parallel_loop3A_1001 = arith.mulf %parallel_loop3A_1000, %get3A_426 : vector<16xf32>
        %parallel_loop3A_1002 = arith.index_cast %parallel_loop3A_945 : i32 to index
        %parallel_loop3A_1003 = arith.constant 64 : index
        %parallel_loop3A_1004 = tpu.vector_load %arg12[%parallel_loop3A_1002, %parallel_loop3A_1003] {strides = array<i32>} : memref<80x128xf32, #tpu.memory_space<vmem>>, vector<1x16xf32>,
        %parallel_loop3A_1005 = vector.shape_cast %parallel_loop3A_1004 : vector<1x16xf32> to vector<16xf32>
        %parallel_loop3A_1006 = arith.index_cast %parallel_loop3A_945 : i32 to index
        %parallel_loop3A_1007 = arith.constant 64 : index
        %parallel_loop3A_1008 = tpu.vector_load %arg13[%parallel_loop3A_1006, %parallel_loop3A_1007] {strides = array<i32>} : memref<80x128xf32, #tpu.memory_space<vmem>>, vector<1x16xf32>,
        %parallel_loop3A_1009 = vector.shape_cast %parallel_loop3A_1008 : vector<1x16xf32> to vector<16xf32>
        %parallel_loop3A_1010 = arith.addf %parallel_loop3A_1005, %parallel_loop3A_1009 : vector<16xf32>
        %parallel_loop3A_1011 = arith.constant 2.000000e-01 : f32
        %parallel_loop3A_1012 = vector.broadcast %parallel_loop3A_1011 : f32 to vector<16xf32>
        %parallel_loop3A_1013 = arith.mulf %parallel_loop3A_1012, %parallel_loop3A_1010 : vector<16xf32>
        %parallel_loop3A_1014 = arith.maximumf %parallel_loop3A_1010, %parallel_loop3A_1013 : vector<16xf32>
        %parallel_loop3A_1015 = arith.mulf %parallel_loop3A_1014, %get3A_431 : vector<16xf32>
        %parallel_loop3A_1016 = arith.index_cast %parallel_loop3A_945 : i32 to index
        %parallel_loop3A_1017 = arith.constant 80 : index
        %parallel_loop3A_1018 = tpu.vector_load %arg12[%parallel_loop3A_1016, %parallel_loop3A_1017] {strides = array<i32>} : memref<80x128xf32, #tpu.memory_space<vmem>>, vector<1x16xf32>,
        %parallel_loop3A_1019 = vector.shape_cast %parallel_loop3A_1018 : vector<1x16xf32> to vector<16xf32>
        %parallel_loop3A_1020 = arith.index_cast %parallel_loop3A_945 : i32 to index
        %parallel_loop3A_1021 = arith.constant 80 : index
        %parallel_loop3A_1022 = tpu.vector_load %arg13[%parallel_loop3A_1020, %parallel_loop3A_1021] {strides = array<i32>} : memref<80x128xf32, #tpu.memory_space<vmem>>, vector<1x16xf32>,
        %parallel_loop3A_1023 = vector.shape_cast %parallel_loop3A_1022 : vector<1x16xf32> to vector<16xf32>
        %parallel_loop3A_1024 = arith.addf %parallel_loop3A_1019, %parallel_loop3A_1023 : vector<16xf32>
        %parallel_loop3A_1025 = arith.constant 2.000000e-01 : f32
        %parallel_loop3A_1026 = vector.broadcast %parallel_loop3A_1025 : f32 to vector<16xf32>
        %parallel_loop3A_1027 = arith.mulf %parallel_loop3A_1026, %parallel_loop3A_1024 : vector<16xf32>
        %parallel_loop3A_1028 = arith.maximumf %parallel_loop3A_1024, %parallel_loop3A_1027 : vector<16xf32>
        %parallel_loop3A_1029 = arith.mulf %parallel_loop3A_1028, %get3A_436 : vector<16xf32>
        %parallel_loop3A_1030 = arith.index_cast %parallel_loop3A_945 : i32 to index
        %parallel_loop3A_1031 = arith.constant 96 : index
        %parallel_loop3A_1032 = tpu.vector_load %arg12[%parallel_loop3A_1030, %parallel_loop3A_1031] {strides = array<i32>} : memref<80x128xf32, #tpu.memory_space<vmem>>, vector<1x16xf32>,
        %parallel_loop3A_1033 = vector.shape_cast %parallel_loop3A_1032 : vector<1x16xf32> to vector<16xf32>
        %parallel_loop3A_1034 = arith.index_cast %parallel_loop3A_945 : i32 to index
        %parallel_loop3A_1035 = arith.constant 96 : index
        %parallel_loop3A_1036 = tpu.vector_load %arg13[%parallel_loop3A_1034, %parallel_loop3A_1035] {strides = array<i32>} : memref<80x128xf32, #tpu.memory_space<vmem>>, vector<1x16xf32>,
        %parallel_loop3A_1037 = vector.shape_cast %parallel_loop3A_1036 : vector<1x16xf32> to vector<16xf32>
        %parallel_loop3A_1038 = arith.addf %parallel_loop3A_1033, %parallel_loop3A_1037 : vector<16xf32>
        %parallel_loop3A_1039 = arith.constant 2.000000e-01 : f32
        %parallel_loop3A_1040 = vector.broadcast %parallel_loop3A_1039 : f32 to vector<16xf32>
        %parallel_loop3A_1041 = arith.mulf %parallel_loop3A_1040, %parallel_loop3A_1038 : vector<16xf32>
        %parallel_loop3A_1042 = arith.maximumf %parallel_loop3A_1038, %parallel_loop3A_1041 : vector<16xf32>
        %parallel_loop3A_1043 = arith.mulf %parallel_loop3A_1042, %get3A_441 : vector<16xf32>
        %parallel_loop3A_1044 = arith.index_cast %parallel_loop3A_945 : i32 to index
        %parallel_loop3A_1045 = arith.constant 112 : index
        %parallel_loop3A_1046 = tpu.vector_load %arg12[%parallel_loop3A_1044, %parallel_loop3A_1045] {strides = array<i32>} : memref<80x128xf32, #tpu.memory_space<vmem>>, vector<1x16xf32>,
        %parallel_loop3A_1047 = vector.shape_cast %parallel_loop3A_1046 : vector<1x16xf32> to vector<16xf32>
        %parallel_loop3A_1048 = arith.index_cast %parallel_loop3A_945 : i32 to index
        %parallel_loop3A_1049 = arith.constant 112 : index
        %parallel_loop3A_1050 = tpu.vector_load %arg13[%parallel_loop3A_1048, %parallel_loop3A_1049] {strides = array<i32>} : memref<80x128xf32, #tpu.memory_space<vmem>>, vector<1x16xf32>,
        %parallel_loop3A_1051 = vector.shape_cast %parallel_loop3A_1050 : vector<1x16xf32> to vector<16xf32>
        %parallel_loop3A_1052 = arith.addf %parallel_loop3A_1047, %parallel_loop3A_1051 : vector<16xf32>
        %parallel_loop3A_1053 = arith.constant 2.000000e-01 : f32
        %parallel_loop3A_1054 = vector.broadcast %parallel_loop3A_1053 : f32 to vector<16xf32>
        %parallel_loop3A_1055 = arith.mulf %parallel_loop3A_1054, %parallel_loop3A_1052 : vector<16xf32>
        %parallel_loop3A_1056 = arith.maximumf %parallel_loop3A_1052, %parallel_loop3A_1055 : vector<16xf32>
        %parallel_loop3A_1057 = arith.mulf %parallel_loop3A_1056, %get3A_446 : vector<16xf32>
        %parallel_loop3A_1058 = arith.constant 8 : i32
        %parallel_loop3A_1059 = vector.broadcast %parallel_loop3A_1058 : i32 to vector<16xi32>
        %parallel_loop3A_1060 = arith.andi %iota3A, %parallel_loop3A_1059 : vector<16xi32>
        %parallel_loop3A_1061 = arith.constant 0 : i32
        %parallel_loop3A_1062 = vector.broadcast %parallel_loop3A_1061 : i32 to vector<16xi32>
        %parallel_loop3A_1063 = arith.cmpi eq, %parallel_loop3A_1060, %parallel_loop3A_1062 : vector<16xi32>
        %parallel_loop3A_1064 = arith.select %parallel_loop3A_1063, %parallel_loop3A_959, %parallel_loop3A_973 : vector<16xi1>, vector<16xf32>
        %parallel_loop3A_1065 = arith.select %parallel_loop3A_1063, %parallel_loop3A_973, %parallel_loop3A_959 : vector<16xi1>, vector<16xf32>
        %parallel_loop3A_1066 = arith.constant 8 : i32
        %parallel_loop3A_1067 = vector.broadcast %parallel_loop3A_1066 : i32 to vector<16xi32>
        %parallel_loop3A_1068 = arith.xori %iota3A, %parallel_loop3A_1067 : vector<16xi32>
        %parallel_loop3A_1069 = arith.constant 0 : i32
        %parallel_loop3A_1070 = vector.broadcast %parallel_loop3A_1069 : i32 to vector<16xi32>
        %parallel_loop3A_1071 = arith.cmpi slt, %parallel_loop3A_1068, %parallel_loop3A_1070 : vector<16xi32>
        %parallel_loop3A_1072 = arith.constant 16 : i32
        %parallel_loop3A_1073 = vector.broadcast %parallel_loop3A_1072 : i32 to vector<16xi32>
        %parallel_loop3A_1074 = arith.addi %parallel_loop3A_1068, %parallel_loop3A_1073 : vector<16xi32>
        %parallel_loop3A_1075 = arith.select %parallel_loop3A_1071, %parallel_loop3A_1074, %parallel_loop3A_1068 : vector<16xi1>, vector<16xi32>
        %parallel_loop3A_1076 = vector.shape_cast %parallel_loop3A_1075 : vector<16xi32> to vector<16x1xi32>
        %parallel_loop3A_1077 = vector.shape_cast %parallel_loop3A_1076 : vector<16x1xi32> to vector<16xi32>
        %parallel_loop3A_1078 = tpu.dynamic_gather %parallel_loop3A_1065[%parallel_loop3A_1077] in [0] : vector<16xf32>, vector<16xi32> -> vector<16xf32>
        %parallel_loop3A_1079 = arith.addf %parallel_loop3A_1064, %parallel_loop3A_1078 : vector<16xf32>
        %parallel_loop3A_1080 = arith.constant 8 : i32
        %parallel_loop3A_1081 = vector.broadcast %parallel_loop3A_1080 : i32 to vector<16xi32>
        %parallel_loop3A_1082 = arith.andi %iota3A, %parallel_loop3A_1081 : vector<16xi32>
        %parallel_loop3A_1083 = arith.constant 0 : i32
        %parallel_loop3A_1084 = vector.broadcast %parallel_loop3A_1083 : i32 to vector<16xi32>
        %parallel_loop3A_1085 = arith.cmpi eq, %parallel_loop3A_1082, %parallel_loop3A_1084 : vector<16xi32>
        %parallel_loop3A_1086 = arith.select %parallel_loop3A_1085, %parallel_loop3A_987, %parallel_loop3A_1001 : vector<16xi1>, vector<16xf32>
        %parallel_loop3A_1087 = arith.select %parallel_loop3A_1085, %parallel_loop3A_1001, %parallel_loop3A_987 : vector<16xi1>, vector<16xf32>
        %parallel_loop3A_1088 = arith.constant 8 : i32
        %parallel_loop3A_1089 = vector.broadcast %parallel_loop3A_1088 : i32 to vector<16xi32>
        %parallel_loop3A_1090 = arith.xori %iota3A, %parallel_loop3A_1089 : vector<16xi32>
        %parallel_loop3A_1091 = arith.constant 0 : i32
        %parallel_loop3A_1092 = vector.broadcast %parallel_loop3A_1091 : i32 to vector<16xi32>
        %parallel_loop3A_1093 = arith.cmpi slt, %parallel_loop3A_1090, %parallel_loop3A_1092 : vector<16xi32>
        %parallel_loop3A_1094 = arith.constant 16 : i32
        %parallel_loop3A_1095 = vector.broadcast %parallel_loop3A_1094 : i32 to vector<16xi32>
        %parallel_loop3A_1096 = arith.addi %parallel_loop3A_1090, %parallel_loop3A_1095 : vector<16xi32>
        %parallel_loop3A_1097 = arith.select %parallel_loop3A_1093, %parallel_loop3A_1096, %parallel_loop3A_1090 : vector<16xi1>, vector<16xi32>
        %parallel_loop3A_1098 = vector.shape_cast %parallel_loop3A_1097 : vector<16xi32> to vector<16x1xi32>
        %parallel_loop3A_1099 = vector.shape_cast %parallel_loop3A_1098 : vector<16x1xi32> to vector<16xi32>
        %parallel_loop3A_1100 = tpu.dynamic_gather %parallel_loop3A_1087[%parallel_loop3A_1099] in [0] : vector<16xf32>, vector<16xi32> -> vector<16xf32>
        %parallel_loop3A_1101 = arith.addf %parallel_loop3A_1086, %parallel_loop3A_1100 : vector<16xf32>
        %parallel_loop3A_1102 = arith.constant 8 : i32
        %parallel_loop3A_1103 = vector.broadcast %parallel_loop3A_1102 : i32 to vector<16xi32>
        %parallel_loop3A_1104 = arith.andi %iota3A, %parallel_loop3A_1103 : vector<16xi32>
        %parallel_loop3A_1105 = arith.constant 0 : i32
        %parallel_loop3A_1106 = vector.broadcast %parallel_loop3A_1105 : i32 to vector<16xi32>
        %parallel_loop3A_1107 = arith.cmpi eq, %parallel_loop3A_1104, %parallel_loop3A_1106 : vector<16xi32>
        %parallel_loop3A_1108 = arith.select %parallel_loop3A_1107, %parallel_loop3A_1015, %parallel_loop3A_1029 : vector<16xi1>, vector<16xf32>
        %parallel_loop3A_1109 = arith.select %parallel_loop3A_1107, %parallel_loop3A_1029, %parallel_loop3A_1015 : vector<16xi1>, vector<16xf32>
        %parallel_loop3A_1110 = arith.constant 8 : i32
        %parallel_loop3A_1111 = vector.broadcast %parallel_loop3A_1110 : i32 to vector<16xi32>
        %parallel_loop3A_1112 = arith.xori %iota3A, %parallel_loop3A_1111 : vector<16xi32>
        %parallel_loop3A_1113 = arith.constant 0 : i32
        %parallel_loop3A_1114 = vector.broadcast %parallel_loop3A_1113 : i32 to vector<16xi32>
        %parallel_loop3A_1115 = arith.cmpi slt, %parallel_loop3A_1112, %parallel_loop3A_1114 : vector<16xi32>
        %parallel_loop3A_1116 = arith.constant 16 : i32
        %parallel_loop3A_1117 = vector.broadcast %parallel_loop3A_1116 : i32 to vector<16xi32>
        %parallel_loop3A_1118 = arith.addi %parallel_loop3A_1112, %parallel_loop3A_1117 : vector<16xi32>
        %parallel_loop3A_1119 = arith.select %parallel_loop3A_1115, %parallel_loop3A_1118, %parallel_loop3A_1112 : vector<16xi1>, vector<16xi32>
        %parallel_loop3A_1120 = vector.shape_cast %parallel_loop3A_1119 : vector<16xi32> to vector<16x1xi32>
        %parallel_loop3A_1121 = vector.shape_cast %parallel_loop3A_1120 : vector<16x1xi32> to vector<16xi32>
        %parallel_loop3A_1122 = tpu.dynamic_gather %parallel_loop3A_1109[%parallel_loop3A_1121] in [0] : vector<16xf32>, vector<16xi32> -> vector<16xf32>
        %parallel_loop3A_1123 = arith.addf %parallel_loop3A_1108, %parallel_loop3A_1122 : vector<16xf32>
        %parallel_loop3A_1124 = arith.constant 8 : i32
        %parallel_loop3A_1125 = vector.broadcast %parallel_loop3A_1124 : i32 to vector<16xi32>
        %parallel_loop3A_1126 = arith.andi %iota3A, %parallel_loop3A_1125 : vector<16xi32>
        %parallel_loop3A_1127 = arith.constant 0 : i32
        %parallel_loop3A_1128 = vector.broadcast %parallel_loop3A_1127 : i32 to vector<16xi32>
        %parallel_loop3A_1129 = arith.cmpi eq, %parallel_loop3A_1126, %parallel_loop3A_1128 : vector<16xi32>
        %parallel_loop3A_1130 = arith.select %parallel_loop3A_1129, %parallel_loop3A_1043, %parallel_loop3A_1057 : vector<16xi1>, vector<16xf32>
        %parallel_loop3A_1131 = arith.select %parallel_loop3A_1129, %parallel_loop3A_1057, %parallel_loop3A_1043 : vector<16xi1>, vector<16xf32>
        %parallel_loop3A_1132 = arith.constant 8 : i32
        %parallel_loop3A_1133 = vector.broadcast %parallel_loop3A_1132 : i32 to vector<16xi32>
        %parallel_loop3A_1134 = arith.xori %iota3A, %parallel_loop3A_1133 : vector<16xi32>
        %parallel_loop3A_1135 = arith.constant 0 : i32
        %parallel_loop3A_1136 = vector.broadcast %parallel_loop3A_1135 : i32 to vector<16xi32>
        %parallel_loop3A_1137 = arith.cmpi slt, %parallel_loop3A_1134, %parallel_loop3A_1136 : vector<16xi32>
        %parallel_loop3A_1138 = arith.constant 16 : i32
        %parallel_loop3A_1139 = vector.broadcast %parallel_loop3A_1138 : i32 to vector<16xi32>
        %parallel_loop3A_1140 = arith.addi %parallel_loop3A_1134, %parallel_loop3A_1139 : vector<16xi32>
        %parallel_loop3A_1141 = arith.select %parallel_loop3A_1137, %parallel_loop3A_1140, %parallel_loop3A_1134 : vector<16xi1>, vector<16xi32>
        %parallel_loop3A_1142 = vector.shape_cast %parallel_loop3A_1141 : vector<16xi32> to vector<16x1xi32>
        %parallel_loop3A_1143 = vector.shape_cast %parallel_loop3A_1142 : vector<16x1xi32> to vector<16xi32>
        %parallel_loop3A_1144 = tpu.dynamic_gather %parallel_loop3A_1131[%parallel_loop3A_1143] in [0] : vector<16xf32>, vector<16xi32> -> vector<16xf32>
        %parallel_loop3A_1145 = arith.addf %parallel_loop3A_1130, %parallel_loop3A_1144 : vector<16xf32>
        %parallel_loop3A_1146 = arith.constant 4 : i32
        %parallel_loop3A_1147 = vector.broadcast %parallel_loop3A_1146 : i32 to vector<16xi32>
        %parallel_loop3A_1148 = arith.andi %iota3A, %parallel_loop3A_1147 : vector<16xi32>
        %parallel_loop3A_1149 = arith.constant 0 : i32
        %parallel_loop3A_1150 = vector.broadcast %parallel_loop3A_1149 : i32 to vector<16xi32>
        %parallel_loop3A_1151 = arith.cmpi eq, %parallel_loop3A_1148, %parallel_loop3A_1150 : vector<16xi32>
        %parallel_loop3A_1152 = arith.select %parallel_loop3A_1151, %parallel_loop3A_1079, %parallel_loop3A_1101 : vector<16xi1>, vector<16xf32>
        %parallel_loop3A_1153 = arith.select %parallel_loop3A_1151, %parallel_loop3A_1101, %parallel_loop3A_1079 : vector<16xi1>, vector<16xf32>
        %parallel_loop3A_1154 = arith.constant 4 : i32
        %parallel_loop3A_1155 = vector.broadcast %parallel_loop3A_1154 : i32 to vector<16xi32>
        %parallel_loop3A_1156 = arith.xori %iota3A, %parallel_loop3A_1155 : vector<16xi32>
        %parallel_loop3A_1157 = arith.constant 0 : i32
        %parallel_loop3A_1158 = vector.broadcast %parallel_loop3A_1157 : i32 to vector<16xi32>
        %parallel_loop3A_1159 = arith.cmpi slt, %parallel_loop3A_1156, %parallel_loop3A_1158 : vector<16xi32>
        %parallel_loop3A_1160 = arith.constant 16 : i32
        %parallel_loop3A_1161 = vector.broadcast %parallel_loop3A_1160 : i32 to vector<16xi32>
        %parallel_loop3A_1162 = arith.addi %parallel_loop3A_1156, %parallel_loop3A_1161 : vector<16xi32>
        %parallel_loop3A_1163 = arith.select %parallel_loop3A_1159, %parallel_loop3A_1162, %parallel_loop3A_1156 : vector<16xi1>, vector<16xi32>
        %parallel_loop3A_1164 = vector.shape_cast %parallel_loop3A_1163 : vector<16xi32> to vector<16x1xi32>
        %parallel_loop3A_1165 = vector.shape_cast %parallel_loop3A_1164 : vector<16x1xi32> to vector<16xi32>
        %parallel_loop3A_1166 = tpu.dynamic_gather %parallel_loop3A_1153[%parallel_loop3A_1165] in [0] : vector<16xf32>, vector<16xi32> -> vector<16xf32>
        %parallel_loop3A_1167 = arith.addf %parallel_loop3A_1152, %parallel_loop3A_1166 : vector<16xf32>
        %parallel_loop3A_1168 = arith.constant 4 : i32
        %parallel_loop3A_1169 = vector.broadcast %parallel_loop3A_1168 : i32 to vector<16xi32>
        %parallel_loop3A_1170 = arith.andi %iota3A, %parallel_loop3A_1169 : vector<16xi32>
        %parallel_loop3A_1171 = arith.constant 0 : i32
        %parallel_loop3A_1172 = vector.broadcast %parallel_loop3A_1171 : i32 to vector<16xi32>
        %parallel_loop3A_1173 = arith.cmpi eq, %parallel_loop3A_1170, %parallel_loop3A_1172 : vector<16xi32>
        %parallel_loop3A_1174 = arith.select %parallel_loop3A_1173, %parallel_loop3A_1123, %parallel_loop3A_1145 : vector<16xi1>, vector<16xf32>
        %parallel_loop3A_1175 = arith.select %parallel_loop3A_1173, %parallel_loop3A_1145, %parallel_loop3A_1123 : vector<16xi1>, vector<16xf32>
        %parallel_loop3A_1176 = arith.constant 4 : i32
        %parallel_loop3A_1177 = vector.broadcast %parallel_loop3A_1176 : i32 to vector<16xi32>
        %parallel_loop3A_1178 = arith.xori %iota3A, %parallel_loop3A_1177 : vector<16xi32>
        %parallel_loop3A_1179 = arith.constant 0 : i32
        %parallel_loop3A_1180 = vector.broadcast %parallel_loop3A_1179 : i32 to vector<16xi32>
        %parallel_loop3A_1181 = arith.cmpi slt, %parallel_loop3A_1178, %parallel_loop3A_1180 : vector<16xi32>
        %parallel_loop3A_1182 = arith.constant 16 : i32
        %parallel_loop3A_1183 = vector.broadcast %parallel_loop3A_1182 : i32 to vector<16xi32>
        %parallel_loop3A_1184 = arith.addi %parallel_loop3A_1178, %parallel_loop3A_1183 : vector<16xi32>
        %parallel_loop3A_1185 = arith.select %parallel_loop3A_1181, %parallel_loop3A_1184, %parallel_loop3A_1178 : vector<16xi1>, vector<16xi32>
        %parallel_loop3A_1186 = vector.shape_cast %parallel_loop3A_1185 : vector<16xi32> to vector<16x1xi32>
        %parallel_loop3A_1187 = vector.shape_cast %parallel_loop3A_1186 : vector<16x1xi32> to vector<16xi32>
        %parallel_loop3A_1188 = tpu.dynamic_gather %parallel_loop3A_1175[%parallel_loop3A_1187] in [0] : vector<16xf32>, vector<16xi32> -> vector<16xf32>
        %parallel_loop3A_1189 = arith.addf %parallel_loop3A_1174, %parallel_loop3A_1188 : vector<16xf32>
        %parallel_loop3A_1190 = arith.constant 2 : i32
        %parallel_loop3A_1191 = vector.broadcast %parallel_loop3A_1190 : i32 to vector<16xi32>
        %parallel_loop3A_1192 = arith.andi %iota3A, %parallel_loop3A_1191 : vector<16xi32>
        %parallel_loop3A_1193 = arith.constant 0 : i32
        %parallel_loop3A_1194 = vector.broadcast %parallel_loop3A_1193 : i32 to vector<16xi32>
        %parallel_loop3A_1195 = arith.cmpi eq, %parallel_loop3A_1192, %parallel_loop3A_1194 : vector<16xi32>
        %parallel_loop3A_1196 = arith.select %parallel_loop3A_1195, %parallel_loop3A_1167, %parallel_loop3A_1189 : vector<16xi1>, vector<16xf32>
        %parallel_loop3A_1197 = arith.select %parallel_loop3A_1195, %parallel_loop3A_1189, %parallel_loop3A_1167 : vector<16xi1>, vector<16xf32>
        %parallel_loop3A_1198 = arith.constant 2 : i32
        %parallel_loop3A_1199 = vector.broadcast %parallel_loop3A_1198 : i32 to vector<16xi32>
        %parallel_loop3A_1200 = arith.xori %iota3A, %parallel_loop3A_1199 : vector<16xi32>
        %parallel_loop3A_1201 = arith.constant 0 : i32
        %parallel_loop3A_1202 = vector.broadcast %parallel_loop3A_1201 : i32 to vector<16xi32>
        %parallel_loop3A_1203 = arith.cmpi slt, %parallel_loop3A_1200, %parallel_loop3A_1202 : vector<16xi32>
        %parallel_loop3A_1204 = arith.constant 16 : i32
        %parallel_loop3A_1205 = vector.broadcast %parallel_loop3A_1204 : i32 to vector<16xi32>
        %parallel_loop3A_1206 = arith.addi %parallel_loop3A_1200, %parallel_loop3A_1205 : vector<16xi32>
        %parallel_loop3A_1207 = arith.select %parallel_loop3A_1203, %parallel_loop3A_1206, %parallel_loop3A_1200 : vector<16xi1>, vector<16xi32>
        %parallel_loop3A_1208 = vector.shape_cast %parallel_loop3A_1207 : vector<16xi32> to vector<16x1xi32>
        %parallel_loop3A_1209 = vector.shape_cast %parallel_loop3A_1208 : vector<16x1xi32> to vector<16xi32>
        %parallel_loop3A_1210 = tpu.dynamic_gather %parallel_loop3A_1197[%parallel_loop3A_1209] in [0] : vector<16xf32>, vector<16xi32> -> vector<16xf32>
        %parallel_loop3A_1211 = arith.addf %parallel_loop3A_1196, %parallel_loop3A_1210 : vector<16xf32>
        %parallel_loop3A_1212 = arith.constant 1 : i32
        %parallel_loop3A_1213 = vector.broadcast %parallel_loop3A_1212 : i32 to vector<16xi32>
        %parallel_loop3A_1214 = arith.xori %iota3A, %parallel_loop3A_1213 : vector<16xi32>
        %parallel_loop3A_1215 = arith.constant 0 : i32
        %parallel_loop3A_1216 = vector.broadcast %parallel_loop3A_1215 : i32 to vector<16xi32>
        %parallel_loop3A_1217 = arith.cmpi slt, %parallel_loop3A_1214, %parallel_loop3A_1216 : vector<16xi32>
        %parallel_loop3A_1218 = arith.constant 16 : i32
        %parallel_loop3A_1219 = vector.broadcast %parallel_loop3A_1218 : i32 to vector<16xi32>
        %parallel_loop3A_1220 = arith.addi %parallel_loop3A_1214, %parallel_loop3A_1219 : vector<16xi32>
        %parallel_loop3A_1221 = arith.select %parallel_loop3A_1217, %parallel_loop3A_1220, %parallel_loop3A_1214 : vector<16xi1>, vector<16xi32>
        %parallel_loop3A_1222 = vector.shape_cast %parallel_loop3A_1221 : vector<16xi32> to vector<16x1xi32>
        %parallel_loop3A_1223 = vector.shape_cast %parallel_loop3A_1222 : vector<16x1xi32> to vector<16xi32>
        %parallel_loop3A_1224 = tpu.dynamic_gather %parallel_loop3A_1211[%parallel_loop3A_1223] in [0] : vector<16xf32>, vector<16xi32> -> vector<16xf32>
        %parallel_loop3A_1225 = arith.addf %parallel_loop3A_1211, %parallel_loop3A_1224 : vector<16xf32>
        %parallel_loop3A_1226 = math.exp %parallel_loop3A_1225 : vector<16xf32>
        %parallel_loop3A_1227 = arith.constant 16 : i32
        %parallel_loop3A_1228 = arith.divsi %parallel_loop3A_945, %parallel_loop3A_1227 : i32
        %parallel_loop3A_1229 = arith.constant 0 : i32
        %parallel_loop3A_1230 = arith.cmpi sgt, %parallel_loop3A_945, %parallel_loop3A_1229 : i32
        %parallel_loop3A_1231 = arith.extui %parallel_loop3A_1230 : i1 to i32
        %parallel_loop3A_1232 = arith.constant 0 : i32
        %parallel_loop3A_1233 = arith.cmpi slt, %parallel_loop3A_945, %parallel_loop3A_1232 : i32
        %parallel_loop3A_1234 = arith.extui %parallel_loop3A_1233 : i1 to i32
        %parallel_loop3A_1235 = arith.subi %parallel_loop3A_1231, %parallel_loop3A_1234 : i32
        %parallel_loop3A_1236 = arith.constant 0 : i32
        %parallel_loop3A_1237 = arith.cmpi sgt, %parallel_loop3A_1227, %parallel_loop3A_1236 : i32
        %parallel_loop3A_1238 = arith.extui %parallel_loop3A_1237 : i1 to i32
        %parallel_loop3A_1239 = arith.constant 0 : i32
        %parallel_loop3A_1240 = arith.cmpi slt, %parallel_loop3A_1227, %parallel_loop3A_1239 : i32
        %parallel_loop3A_1241 = arith.extui %parallel_loop3A_1240 : i1 to i32
        %parallel_loop3A_1242 = arith.subi %parallel_loop3A_1238, %parallel_loop3A_1241 : i32
        %parallel_loop3A_1243 = arith.cmpi ne, %parallel_loop3A_1235, %parallel_loop3A_1242 : i32
        %parallel_loop3A_1244 = arith.remsi %parallel_loop3A_945, %parallel_loop3A_1227 : i32
        %parallel_loop3A_1245 = arith.constant 0 : i32
        %parallel_loop3A_1246 = arith.cmpi ne, %parallel_loop3A_1244, %parallel_loop3A_1245 : i32
        %parallel_loop3A_1247 = arith.andi %parallel_loop3A_1243, %parallel_loop3A_1246 : i1
        %parallel_loop3A_1248 = arith.constant 1 : i32
        %parallel_loop3A_1249 = arith.subi %parallel_loop3A_1228, %parallel_loop3A_1248 : i32
        %parallel_loop3A_1250 = arith.select %parallel_loop3A_1247, %parallel_loop3A_1249, %parallel_loop3A_1228 : i32
        %parallel_loop3A_1251 = arith.constant 16 : i32
        %parallel_loop3A_1252 = arith.muli %parallel_loop3A_1250, %parallel_loop3A_1251 : i32
        %parallel_loop3A_1253 = arith.index_cast %parallel_loop3A_1252 : i32 to index
        %parallel_loop3A_1254 = tpu.vector_load %arg10[%parallel_loop3A_1253] {strides = array<i32>} : memref<80xi32, #tpu.memory_space<vmem>>, vector<16xi32>,
        %parallel_loop3A_1255 = vector.shape_cast %parallel_loop3A_1254 : vector<16xi32> to vector<16xi32>
        %parallel_loop3A_1256 = arith.constant 7 : i32
        %parallel_loop3A_1257 = vector.broadcast %parallel_loop3A_1256 : i32 to vector<16xi32>
        %parallel_loop3A_1258 = arith.andi %parallel_loop3A_1255, %parallel_loop3A_1257 : vector<16xi32>
        %parallel_loop3A_1259 = arith.constant 15 : i32
        %parallel_loop3A_1260 = arith.andi %parallel_loop3A_945, %parallel_loop3A_1259 : i32
        %parallel_loop3A_1261 = vector.broadcast %parallel_loop3A_1260 : i32 to vector<16xi32>
        %parallel_loop3A_1262 = arith.constant 0 : i32
        %parallel_loop3A_1263 = vector.broadcast %parallel_loop3A_1262 : i32 to vector<16xi32>
        %parallel_loop3A_1264 = arith.cmpi slt, %parallel_loop3A_1261, %parallel_loop3A_1263 : vector<16xi32>
        %parallel_loop3A_1265 = arith.constant 16 : i32
        %parallel_loop3A_1266 = vector.broadcast %parallel_loop3A_1265 : i32 to vector<16xi32>
        %parallel_loop3A_1267 = arith.addi %parallel_loop3A_1261, %parallel_loop3A_1266 : vector<16xi32>
        %parallel_loop3A_1268 = arith.select %parallel_loop3A_1264, %parallel_loop3A_1267, %parallel_loop3A_1261 : vector<16xi1>, vector<16xi32>
        %parallel_loop3A_1269 = vector.shape_cast %parallel_loop3A_1268 : vector<16xi32> to vector<16x1xi32>
        %parallel_loop3A_1270 = vector.shape_cast %parallel_loop3A_1269 : vector<16x1xi32> to vector<16xi32>
        %parallel_loop3A_1271 = tpu.dynamic_gather %parallel_loop3A_1258[%parallel_loop3A_1270] in [0] : vector<16xi32>, vector<16xi32> -> vector<16xi32>
        %parallel_loop3A_1272 = arith.constant 0 : i32
        %parallel_loop3A_1273 = vector.broadcast %parallel_loop3A_1272 : i32 to vector<16xi32>
        %parallel_loop3A_1274 = arith.xori %parallel_loop3A_1271, %parallel_loop3A_1273 : vector<16xi32>
        %parallel_loop3A_1275 = arith.constant 1 : i32
        %parallel_loop3A_1276 = vector.broadcast %parallel_loop3A_1275 : i32 to vector<16xi32>
        %parallel_loop3A_1277 = arith.minsi %parallel_loop3A_1274, %parallel_loop3A_1276 : vector<16xi32>
        %parallel_loop3A_1278 = arith.constant 1 : i32
        %parallel_loop3A_1279 = vector.broadcast %parallel_loop3A_1278 : i32 to vector<16xi32>
        %parallel_loop3A_1280 = arith.subi %parallel_loop3A_1279, %parallel_loop3A_1277 : vector<16xi32>
        %parallel_loop3A_1281 = arith.sitofp %parallel_loop3A_1280 : vector<16xi32> to vector<16xf32>
        %parallel_loop3A_1282 = arith.mulf %parallel_loop3A_1226, %parallel_loop3A_1281 : vector<16xf32>
        %parallel_loop3A_1283 = arith.index_cast %parallel_loop3A_945 : i32 to index
        %parallel_loop3A_1284 = arith.constant 0 : index
        %parallel_loop3A_1285 = tpu.vector_load %arg14[%parallel_loop3A_1283, %parallel_loop3A_1284] {strides = array<i32>} : memref<80x128xf32, #tpu.memory_space<vmem>>, vector<1x16xf32>,
        %parallel_loop3A_1286 = vector.shape_cast %parallel_loop3A_1285 : vector<1x16xf32> to vector<16xf32>
        %parallel_loop3A_1287 = vector.shape_cast %parallel_loop3A_1282 : vector<16xf32> to vector<1x16xf32>
        tpu.vector_store %arg14[%parallel_loop3A_1283, %parallel_loop3A_1284], %parallel_loop3A_1287 {strides = array<i32>} : memref<80x128xf32, #tpu.memory_space<vmem>>, vector<1x16xf32>,
        %parallel_loop3A_1288 = arith.constant 1 : i32
        %parallel_loop3A_1289 = vector.broadcast %parallel_loop3A_1288 : i32 to vector<16xi32>
        %parallel_loop3A_1290 = arith.xori %parallel_loop3A_1271, %parallel_loop3A_1289 : vector<16xi32>
        %parallel_loop3A_1291 = arith.constant 1 : i32
        %parallel_loop3A_1292 = vector.broadcast %parallel_loop3A_1291 : i32 to vector<16xi32>
        %parallel_loop3A_1293 = arith.minsi %parallel_loop3A_1290, %parallel_loop3A_1292 : vector<16xi32>
        %parallel_loop3A_1294 = arith.constant 1 : i32
        %parallel_loop3A_1295 = vector.broadcast %parallel_loop3A_1294 : i32 to vector<16xi32>
        %parallel_loop3A_1296 = arith.subi %parallel_loop3A_1295, %parallel_loop3A_1293 : vector<16xi32>
        %parallel_loop3A_1297 = arith.sitofp %parallel_loop3A_1296 : vector<16xi32> to vector<16xf32>
        %parallel_loop3A_1298 = arith.mulf %parallel_loop3A_1226, %parallel_loop3A_1297 : vector<16xf32>
        %parallel_loop3A_1299 = arith.index_cast %parallel_loop3A_945 : i32 to index
        %parallel_loop3A_1300 = arith.constant 16 : index
        %parallel_loop3A_1301 = tpu.vector_load %arg14[%parallel_loop3A_1299, %parallel_loop3A_1300] {strides = array<i32>} : memref<80x128xf32, #tpu.memory_space<vmem>>, vector<1x16xf32>,
        %parallel_loop3A_1302 = vector.shape_cast %parallel_loop3A_1301 : vector<1x16xf32> to vector<16xf32>
        %parallel_loop3A_1303 = vector.shape_cast %parallel_loop3A_1298 : vector<16xf32> to vector<1x16xf32>
        tpu.vector_store %arg14[%parallel_loop3A_1299, %parallel_loop3A_1300], %parallel_loop3A_1303 {strides = array<i32>} : memref<80x128xf32, #tpu.memory_space<vmem>>, vector<1x16xf32>,
        %parallel_loop3A_1304 = arith.constant 2 : i32
        %parallel_loop3A_1305 = vector.broadcast %parallel_loop3A_1304 : i32 to vector<16xi32>
        %parallel_loop3A_1306 = arith.xori %parallel_loop3A_1271, %parallel_loop3A_1305 : vector<16xi32>
        %parallel_loop3A_1307 = arith.constant 1 : i32
        %parallel_loop3A_1308 = vector.broadcast %parallel_loop3A_1307 : i32 to vector<16xi32>
        %parallel_loop3A_1309 = arith.minsi %parallel_loop3A_1306, %parallel_loop3A_1308 : vector<16xi32>
        %parallel_loop3A_1310 = arith.constant 1 : i32
        %parallel_loop3A_1311 = vector.broadcast %parallel_loop3A_1310 : i32 to vector<16xi32>
        %parallel_loop3A_1312 = arith.subi %parallel_loop3A_1311, %parallel_loop3A_1309 : vector<16xi32>
        %parallel_loop3A_1313 = arith.sitofp %parallel_loop3A_1312 : vector<16xi32> to vector<16xf32>
        %parallel_loop3A_1314 = arith.mulf %parallel_loop3A_1226, %parallel_loop3A_1313 : vector<16xf32>
        %parallel_loop3A_1315 = arith.index_cast %parallel_loop3A_945 : i32 to index
        %parallel_loop3A_1316 = arith.constant 32 : index
        %parallel_loop3A_1317 = tpu.vector_load %arg14[%parallel_loop3A_1315, %parallel_loop3A_1316] {strides = array<i32>} : memref<80x128xf32, #tpu.memory_space<vmem>>, vector<1x16xf32>,
        %parallel_loop3A_1318 = vector.shape_cast %parallel_loop3A_1317 : vector<1x16xf32> to vector<16xf32>
        %parallel_loop3A_1319 = vector.shape_cast %parallel_loop3A_1314 : vector<16xf32> to vector<1x16xf32>
        tpu.vector_store %arg14[%parallel_loop3A_1315, %parallel_loop3A_1316], %parallel_loop3A_1319 {strides = array<i32>} : memref<80x128xf32, #tpu.memory_space<vmem>>, vector<1x16xf32>,
        %parallel_loop3A_1320 = arith.constant 3 : i32
        %parallel_loop3A_1321 = vector.broadcast %parallel_loop3A_1320 : i32 to vector<16xi32>
        %parallel_loop3A_1322 = arith.xori %parallel_loop3A_1271, %parallel_loop3A_1321 : vector<16xi32>
        %parallel_loop3A_1323 = arith.constant 1 : i32
        %parallel_loop3A_1324 = vector.broadcast %parallel_loop3A_1323 : i32 to vector<16xi32>
        %parallel_loop3A_1325 = arith.minsi %parallel_loop3A_1322, %parallel_loop3A_1324 : vector<16xi32>
        %parallel_loop3A_1326 = arith.constant 1 : i32
        %parallel_loop3A_1327 = vector.broadcast %parallel_loop3A_1326 : i32 to vector<16xi32>
        %parallel_loop3A_1328 = arith.subi %parallel_loop3A_1327, %parallel_loop3A_1325 : vector<16xi32>
        %parallel_loop3A_1329 = arith.sitofp %parallel_loop3A_1328 : vector<16xi32> to vector<16xf32>
        %parallel_loop3A_1330 = arith.mulf %parallel_loop3A_1226, %parallel_loop3A_1329 : vector<16xf32>
        %parallel_loop3A_1331 = arith.index_cast %parallel_loop3A_945 : i32 to index
        %parallel_loop3A_1332 = arith.constant 48 : index
        %parallel_loop3A_1333 = tpu.vector_load %arg14[%parallel_loop3A_1331, %parallel_loop3A_1332] {strides = array<i32>} : memref<80x128xf32, #tpu.memory_space<vmem>>, vector<1x16xf32>,
        %parallel_loop3A_1334 = vector.shape_cast %parallel_loop3A_1333 : vector<1x16xf32> to vector<16xf32>
        %parallel_loop3A_1335 = vector.shape_cast %parallel_loop3A_1330 : vector<16xf32> to vector<1x16xf32>
        tpu.vector_store %arg14[%parallel_loop3A_1331, %parallel_loop3A_1332], %parallel_loop3A_1335 {strides = array<i32>} : memref<80x128xf32, #tpu.memory_space<vmem>>, vector<1x16xf32>,
        %parallel_loop3A_1336 = arith.constant 4 : i32
        %parallel_loop3A_1337 = vector.broadcast %parallel_loop3A_1336 : i32 to vector<16xi32>
        %parallel_loop3A_1338 = arith.xori %parallel_loop3A_1271, %parallel_loop3A_1337 : vector<16xi32>
        %parallel_loop3A_1339 = arith.constant 1 : i32
        %parallel_loop3A_1340 = vector.broadcast %parallel_loop3A_1339 : i32 to vector<16xi32>
        %parallel_loop3A_1341 = arith.minsi %parallel_loop3A_1338, %parallel_loop3A_1340 : vector<16xi32>
        %parallel_loop3A_1342 = arith.constant 1 : i32
        %parallel_loop3A_1343 = vector.broadcast %parallel_loop3A_1342 : i32 to vector<16xi32>
        %parallel_loop3A_1344 = arith.subi %parallel_loop3A_1343, %parallel_loop3A_1341 : vector<16xi32>
        %parallel_loop3A_1345 = arith.sitofp %parallel_loop3A_1344 : vector<16xi32> to vector<16xf32>
        %parallel_loop3A_1346 = arith.mulf %parallel_loop3A_1226, %parallel_loop3A_1345 : vector<16xf32>
        %parallel_loop3A_1347 = arith.index_cast %parallel_loop3A_945 : i32 to index
        %parallel_loop3A_1348 = arith.constant 64 : index
        %parallel_loop3A_1349 = tpu.vector_load %arg14[%parallel_loop3A_1347, %parallel_loop3A_1348] {strides = array<i32>} : memref<80x128xf32, #tpu.memory_space<vmem>>, vector<1x16xf32>,
        %parallel_loop3A_1350 = vector.shape_cast %parallel_loop3A_1349 : vector<1x16xf32> to vector<16xf32>
        %parallel_loop3A_1351 = vector.shape_cast %parallel_loop3A_1346 : vector<16xf32> to vector<1x16xf32>
        tpu.vector_store %arg14[%parallel_loop3A_1347, %parallel_loop3A_1348], %parallel_loop3A_1351 {strides = array<i32>} : memref<80x128xf32, #tpu.memory_space<vmem>>, vector<1x16xf32>,
        %parallel_loop3A_1352 = arith.constant 5 : i32
        %parallel_loop3A_1353 = vector.broadcast %parallel_loop3A_1352 : i32 to vector<16xi32>
        %parallel_loop3A_1354 = arith.xori %parallel_loop3A_1271, %parallel_loop3A_1353 : vector<16xi32>
        %parallel_loop3A_1355 = arith.constant 1 : i32
        %parallel_loop3A_1356 = vector.broadcast %parallel_loop3A_1355 : i32 to vector<16xi32>
        %parallel_loop3A_1357 = arith.minsi %parallel_loop3A_1354, %parallel_loop3A_1356 : vector<16xi32>
        %parallel_loop3A_1358 = arith.constant 1 : i32
        %parallel_loop3A_1359 = vector.broadcast %parallel_loop3A_1358 : i32 to vector<16xi32>
        %parallel_loop3A_1360 = arith.subi %parallel_loop3A_1359, %parallel_loop3A_1357 : vector<16xi32>
        %parallel_loop3A_1361 = arith.sitofp %parallel_loop3A_1360 : vector<16xi32> to vector<16xf32>
        %parallel_loop3A_1362 = arith.mulf %parallel_loop3A_1226, %parallel_loop3A_1361 : vector<16xf32>
        %parallel_loop3A_1363 = arith.index_cast %parallel_loop3A_945 : i32 to index
        %parallel_loop3A_1364 = arith.constant 80 : index
        %parallel_loop3A_1365 = tpu.vector_load %arg14[%parallel_loop3A_1363, %parallel_loop3A_1364] {strides = array<i32>} : memref<80x128xf32, #tpu.memory_space<vmem>>, vector<1x16xf32>,
        %parallel_loop3A_1366 = vector.shape_cast %parallel_loop3A_1365 : vector<1x16xf32> to vector<16xf32>
        %parallel_loop3A_1367 = vector.shape_cast %parallel_loop3A_1362 : vector<16xf32> to vector<1x16xf32>
        tpu.vector_store %arg14[%parallel_loop3A_1363, %parallel_loop3A_1364], %parallel_loop3A_1367 {strides = array<i32>} : memref<80x128xf32, #tpu.memory_space<vmem>>, vector<1x16xf32>,
        %parallel_loop3A_1368 = arith.constant 6 : i32
        %parallel_loop3A_1369 = vector.broadcast %parallel_loop3A_1368 : i32 to vector<16xi32>
        %parallel_loop3A_1370 = arith.xori %parallel_loop3A_1271, %parallel_loop3A_1369 : vector<16xi32>
        %parallel_loop3A_1371 = arith.constant 1 : i32
        %parallel_loop3A_1372 = vector.broadcast %parallel_loop3A_1371 : i32 to vector<16xi32>
        %parallel_loop3A_1373 = arith.minsi %parallel_loop3A_1370, %parallel_loop3A_1372 : vector<16xi32>
        %parallel_loop3A_1374 = arith.constant 1 : i32
        %parallel_loop3A_1375 = vector.broadcast %parallel_loop3A_1374 : i32 to vector<16xi32>
        %parallel_loop3A_1376 = arith.subi %parallel_loop3A_1375, %parallel_loop3A_1373 : vector<16xi32>
        %parallel_loop3A_1377 = arith.sitofp %parallel_loop3A_1376 : vector<16xi32> to vector<16xf32>
        %parallel_loop3A_1378 = arith.mulf %parallel_loop3A_1226, %parallel_loop3A_1377 : vector<16xf32>
        %parallel_loop3A_1379 = arith.index_cast %parallel_loop3A_945 : i32 to index
        %parallel_loop3A_1380 = arith.constant 96 : index
        %parallel_loop3A_1381 = tpu.vector_load %arg14[%parallel_loop3A_1379, %parallel_loop3A_1380] {strides = array<i32>} : memref<80x128xf32, #tpu.memory_space<vmem>>, vector<1x16xf32>,
        %parallel_loop3A_1382 = vector.shape_cast %parallel_loop3A_1381 : vector<1x16xf32> to vector<16xf32>
        %parallel_loop3A_1383 = vector.shape_cast %parallel_loop3A_1378 : vector<16xf32> to vector<1x16xf32>
        tpu.vector_store %arg14[%parallel_loop3A_1379, %parallel_loop3A_1380], %parallel_loop3A_1383 {strides = array<i32>} : memref<80x128xf32, #tpu.memory_space<vmem>>, vector<1x16xf32>,
        %parallel_loop3A_1384 = arith.constant 7 : i32
        %parallel_loop3A_1385 = vector.broadcast %parallel_loop3A_1384 : i32 to vector<16xi32>
        %parallel_loop3A_1386 = arith.xori %parallel_loop3A_1271, %parallel_loop3A_1385 : vector<16xi32>
        %parallel_loop3A_1387 = arith.constant 1 : i32
        %parallel_loop3A_1388 = vector.broadcast %parallel_loop3A_1387 : i32 to vector<16xi32>
        %parallel_loop3A_1389 = arith.minsi %parallel_loop3A_1386, %parallel_loop3A_1388 : vector<16xi32>
        %parallel_loop3A_1390 = arith.constant 1 : i32
        %parallel_loop3A_1391 = vector.broadcast %parallel_loop3A_1390 : i32 to vector<16xi32>
        %parallel_loop3A_1392 = arith.subi %parallel_loop3A_1391, %parallel_loop3A_1389 : vector<16xi32>
        %parallel_loop3A_1393 = arith.sitofp %parallel_loop3A_1392 : vector<16xi32> to vector<16xf32>
        %parallel_loop3A_1394 = arith.mulf %parallel_loop3A_1226, %parallel_loop3A_1393 : vector<16xf32>
        %parallel_loop3A_1395 = arith.index_cast %parallel_loop3A_945 : i32 to index
        %parallel_loop3A_1396 = arith.constant 112 : index
        %parallel_loop3A_1397 = tpu.vector_load %arg14[%parallel_loop3A_1395, %parallel_loop3A_1396] {strides = array<i32>} : memref<80x128xf32, #tpu.memory_space<vmem>>, vector<1x16xf32>,
        %parallel_loop3A_1398 = vector.shape_cast %parallel_loop3A_1397 : vector<1x16xf32> to vector<16xf32>
        %parallel_loop3A_1399 = vector.shape_cast %parallel_loop3A_1394 : vector<16xf32> to vector<1x16xf32>
        tpu.vector_store %arg14[%parallel_loop3A_1395, %parallel_loop3A_1396], %parallel_loop3A_1399 {strides = array<i32>} : memref<80x128xf32, #tpu.memory_space<vmem>>, vector<1x16xf32>,
        %parallel_loop3A_1400 = arith.constant 0 : i32
        %parallel_loop3A_1401 = vector.broadcast %parallel_loop3A_1400 : i32 to vector<16xi32>
        %parallel_loop3A_1402 = arith.constant 0 : i32
        %parallel_loop3A_1403 = vector.broadcast %parallel_loop3A_1402 : i32 to vector<16xi32>
        %parallel_loop3A_1404 = arith.cmpi slt, %parallel_loop3A_1401, %parallel_loop3A_1403 : vector<16xi32>
        %parallel_loop3A_1405 = arith.constant 16 : i32
        %parallel_loop3A_1406 = vector.broadcast %parallel_loop3A_1405 : i32 to vector<16xi32>
        %parallel_loop3A_1407 = arith.addi %parallel_loop3A_1401, %parallel_loop3A_1406 : vector<16xi32>
        %parallel_loop3A_1408 = arith.select %parallel_loop3A_1404, %parallel_loop3A_1407, %parallel_loop3A_1401 : vector<16xi1>, vector<16xi32>
        %parallel_loop3A_1409 = vector.shape_cast %parallel_loop3A_1408 : vector<16xi32> to vector<16x1xi32>
        %parallel_loop3A_1410 = vector.shape_cast %parallel_loop3A_1409 : vector<16x1xi32> to vector<16xi32>
        %parallel_loop3A_1411 = tpu.dynamic_gather %parallel_loop3A_1226[%parallel_loop3A_1410] in [0] : vector<16xf32>, vector<16xi32> -> vector<16xf32>
        %parallel_loop3A_1412 = arith.index_cast %parallel_loop3A_945 : i32 to index
        %parallel_loop3A_1413 = arith.constant 0 : index
        %parallel_loop3A_1414 = tpu.vector_load %arg12[%parallel_loop3A_1412, %parallel_loop3A_1413] {strides = array<i32>} : memref<80x128xf32, #tpu.memory_space<vmem>>, vector<1x16xf32>,
        %parallel_loop3A_1415 = vector.shape_cast %parallel_loop3A_1414 : vector<1x16xf32> to vector<16xf32>
        %parallel_loop3A_1416 = arith.mulf %parallel_loop3A_1415, %parallel_loop3A_1411 : vector<16xf32>
        %parallel_loop3A_1417 = arith.index_cast %parallel_loop3A_945 : i32 to index
        %parallel_loop3A_1418 = arith.constant 0 : index
        %parallel_loop3A_1419 = tpu.vector_load %arg13[%parallel_loop3A_1417, %parallel_loop3A_1418] {strides = array<i32>} : memref<80x128xf32, #tpu.memory_space<vmem>>, vector<1x16xf32>,
        %parallel_loop3A_1420 = vector.shape_cast %parallel_loop3A_1419 : vector<1x16xf32> to vector<16xf32>
        %parallel_loop3A_1421 = vector.shape_cast %parallel_loop3A_1416 : vector<16xf32> to vector<1x16xf32>
        tpu.vector_store %arg13[%parallel_loop3A_1417, %parallel_loop3A_1418], %parallel_loop3A_1421 {strides = array<i32>} : memref<80x128xf32, #tpu.memory_space<vmem>>, vector<1x16xf32>,
        %parallel_loop3A_1422 = arith.constant 8 : i32
        %parallel_loop3A_1423 = vector.broadcast %parallel_loop3A_1422 : i32 to vector<16xi32>
        %parallel_loop3A_1424 = arith.constant 0 : i32
        %parallel_loop3A_1425 = vector.broadcast %parallel_loop3A_1424 : i32 to vector<16xi32>
        %parallel_loop3A_1426 = arith.cmpi slt, %parallel_loop3A_1423, %parallel_loop3A_1425 : vector<16xi32>
        %parallel_loop3A_1427 = arith.constant 16 : i32
        %parallel_loop3A_1428 = vector.broadcast %parallel_loop3A_1427 : i32 to vector<16xi32>
        %parallel_loop3A_1429 = arith.addi %parallel_loop3A_1423, %parallel_loop3A_1428 : vector<16xi32>
        %parallel_loop3A_1430 = arith.select %parallel_loop3A_1426, %parallel_loop3A_1429, %parallel_loop3A_1423 : vector<16xi1>, vector<16xi32>
        %parallel_loop3A_1431 = vector.shape_cast %parallel_loop3A_1430 : vector<16xi32> to vector<16x1xi32>
        %parallel_loop3A_1432 = vector.shape_cast %parallel_loop3A_1431 : vector<16x1xi32> to vector<16xi32>
        %parallel_loop3A_1433 = tpu.dynamic_gather %parallel_loop3A_1226[%parallel_loop3A_1432] in [0] : vector<16xf32>, vector<16xi32> -> vector<16xf32>
        %parallel_loop3A_1434 = arith.index_cast %parallel_loop3A_945 : i32 to index
        %parallel_loop3A_1435 = arith.constant 16 : index
        %parallel_loop3A_1436 = tpu.vector_load %arg12[%parallel_loop3A_1434, %parallel_loop3A_1435] {strides = array<i32>} : memref<80x128xf32, #tpu.memory_space<vmem>>, vector<1x16xf32>,
        %parallel_loop3A_1437 = vector.shape_cast %parallel_loop3A_1436 : vector<1x16xf32> to vector<16xf32>
        %parallel_loop3A_1438 = arith.mulf %parallel_loop3A_1437, %parallel_loop3A_1433 : vector<16xf32>
        %parallel_loop3A_1439 = arith.index_cast %parallel_loop3A_945 : i32 to index
        %parallel_loop3A_1440 = arith.constant 16 : index
        %parallel_loop3A_1441 = tpu.vector_load %arg13[%parallel_loop3A_1439, %parallel_loop3A_1440] {strides = array<i32>} : memref<80x128xf32, #tpu.memory_space<vmem>>, vector<1x16xf32>,
        %parallel_loop3A_1442 = vector.shape_cast %parallel_loop3A_1441 : vector<1x16xf32> to vector<16xf32>
        %parallel_loop3A_1443 = vector.shape_cast %parallel_loop3A_1438 : vector<16xf32> to vector<1x16xf32>
        tpu.vector_store %arg13[%parallel_loop3A_1439, %parallel_loop3A_1440], %parallel_loop3A_1443 {strides = array<i32>} : memref<80x128xf32, #tpu.memory_space<vmem>>, vector<1x16xf32>,
        %parallel_loop3A_1444 = arith.constant 4 : i32
        %parallel_loop3A_1445 = vector.broadcast %parallel_loop3A_1444 : i32 to vector<16xi32>
        %parallel_loop3A_1446 = arith.constant 0 : i32
        %parallel_loop3A_1447 = vector.broadcast %parallel_loop3A_1446 : i32 to vector<16xi32>
        %parallel_loop3A_1448 = arith.cmpi slt, %parallel_loop3A_1445, %parallel_loop3A_1447 : vector<16xi32>
        %parallel_loop3A_1449 = arith.constant 16 : i32
        %parallel_loop3A_1450 = vector.broadcast %parallel_loop3A_1449 : i32 to vector<16xi32>
        %parallel_loop3A_1451 = arith.addi %parallel_loop3A_1445, %parallel_loop3A_1450 : vector<16xi32>
        %parallel_loop3A_1452 = arith.select %parallel_loop3A_1448, %parallel_loop3A_1451, %parallel_loop3A_1445 : vector<16xi1>, vector<16xi32>
        %parallel_loop3A_1453 = vector.shape_cast %parallel_loop3A_1452 : vector<16xi32> to vector<16x1xi32>
        %parallel_loop3A_1454 = vector.shape_cast %parallel_loop3A_1453 : vector<16x1xi32> to vector<16xi32>
        %parallel_loop3A_1455 = tpu.dynamic_gather %parallel_loop3A_1226[%parallel_loop3A_1454] in [0] : vector<16xf32>, vector<16xi32> -> vector<16xf32>
        %parallel_loop3A_1456 = arith.index_cast %parallel_loop3A_945 : i32 to index
        %parallel_loop3A_1457 = arith.constant 32 : index
        %parallel_loop3A_1458 = tpu.vector_load %arg12[%parallel_loop3A_1456, %parallel_loop3A_1457] {strides = array<i32>} : memref<80x128xf32, #tpu.memory_space<vmem>>, vector<1x16xf32>,
        %parallel_loop3A_1459 = vector.shape_cast %parallel_loop3A_1458 : vector<1x16xf32> to vector<16xf32>
        %parallel_loop3A_1460 = arith.mulf %parallel_loop3A_1459, %parallel_loop3A_1455 : vector<16xf32>
        %parallel_loop3A_1461 = arith.index_cast %parallel_loop3A_945 : i32 to index
        %parallel_loop3A_1462 = arith.constant 32 : index
        %parallel_loop3A_1463 = tpu.vector_load %arg13[%parallel_loop3A_1461, %parallel_loop3A_1462] {strides = array<i32>} : memref<80x128xf32, #tpu.memory_space<vmem>>, vector<1x16xf32>,
        %parallel_loop3A_1464 = vector.shape_cast %parallel_loop3A_1463 : vector<1x16xf32> to vector<16xf32>
        %parallel_loop3A_1465 = vector.shape_cast %parallel_loop3A_1460 : vector<16xf32> to vector<1x16xf32>
        tpu.vector_store %arg13[%parallel_loop3A_1461, %parallel_loop3A_1462], %parallel_loop3A_1465 {strides = array<i32>} : memref<80x128xf32, #tpu.memory_space<vmem>>, vector<1x16xf32>,
        %parallel_loop3A_1466 = arith.constant 12 : i32
        %parallel_loop3A_1467 = vector.broadcast %parallel_loop3A_1466 : i32 to vector<16xi32>
        %parallel_loop3A_1468 = arith.constant 0 : i32
        %parallel_loop3A_1469 = vector.broadcast %parallel_loop3A_1468 : i32 to vector<16xi32>
        %parallel_loop3A_1470 = arith.cmpi slt, %parallel_loop3A_1467, %parallel_loop3A_1469 : vector<16xi32>
        %parallel_loop3A_1471 = arith.constant 16 : i32
        %parallel_loop3A_1472 = vector.broadcast %parallel_loop3A_1471 : i32 to vector<16xi32>
        %parallel_loop3A_1473 = arith.addi %parallel_loop3A_1467, %parallel_loop3A_1472 : vector<16xi32>
        %parallel_loop3A_1474 = arith.select %parallel_loop3A_1470, %parallel_loop3A_1473, %parallel_loop3A_1467 : vector<16xi1>, vector<16xi32>
        %parallel_loop3A_1475 = vector.shape_cast %parallel_loop3A_1474 : vector<16xi32> to vector<16x1xi32>
        %parallel_loop3A_1476 = vector.shape_cast %parallel_loop3A_1475 : vector<16x1xi32> to vector<16xi32>
        %parallel_loop3A_1477 = tpu.dynamic_gather %parallel_loop3A_1226[%parallel_loop3A_1476] in [0] : vector<16xf32>, vector<16xi32> -> vector<16xf32>
        %parallel_loop3A_1478 = arith.index_cast %parallel_loop3A_945 : i32 to index
        %parallel_loop3A_1479 = arith.constant 48 : index
        %parallel_loop3A_1480 = tpu.vector_load %arg12[%parallel_loop3A_1478, %parallel_loop3A_1479] {strides = array<i32>} : memref<80x128xf32, #tpu.memory_space<vmem>>, vector<1x16xf32>,
        %parallel_loop3A_1481 = vector.shape_cast %parallel_loop3A_1480 : vector<1x16xf32> to vector<16xf32>
        %parallel_loop3A_1482 = arith.mulf %parallel_loop3A_1481, %parallel_loop3A_1477 : vector<16xf32>
        %parallel_loop3A_1483 = arith.index_cast %parallel_loop3A_945 : i32 to index
        %parallel_loop3A_1484 = arith.constant 48 : index
        %parallel_loop3A_1485 = tpu.vector_load %arg13[%parallel_loop3A_1483, %parallel_loop3A_1484] {strides = array<i32>} : memref<80x128xf32, #tpu.memory_space<vmem>>, vector<1x16xf32>,
        %parallel_loop3A_1486 = vector.shape_cast %parallel_loop3A_1485 : vector<1x16xf32> to vector<16xf32>
        %parallel_loop3A_1487 = vector.shape_cast %parallel_loop3A_1482 : vector<16xf32> to vector<1x16xf32>
        tpu.vector_store %arg13[%parallel_loop3A_1483, %parallel_loop3A_1484], %parallel_loop3A_1487 {strides = array<i32>} : memref<80x128xf32, #tpu.memory_space<vmem>>, vector<1x16xf32>,
        %parallel_loop3A_1488 = arith.constant 2 : i32
        %parallel_loop3A_1489 = vector.broadcast %parallel_loop3A_1488 : i32 to vector<16xi32>
        %parallel_loop3A_1490 = arith.constant 0 : i32
        %parallel_loop3A_1491 = vector.broadcast %parallel_loop3A_1490 : i32 to vector<16xi32>
        %parallel_loop3A_1492 = arith.cmpi slt, %parallel_loop3A_1489, %parallel_loop3A_1491 : vector<16xi32>
        %parallel_loop3A_1493 = arith.constant 16 : i32
        %parallel_loop3A_1494 = vector.broadcast %parallel_loop3A_1493 : i32 to vector<16xi32>
        %parallel_loop3A_1495 = arith.addi %parallel_loop3A_1489, %parallel_loop3A_1494 : vector<16xi32>
        %parallel_loop3A_1496 = arith.select %parallel_loop3A_1492, %parallel_loop3A_1495, %parallel_loop3A_1489 : vector<16xi1>, vector<16xi32>
        %parallel_loop3A_1497 = vector.shape_cast %parallel_loop3A_1496 : vector<16xi32> to vector<16x1xi32>
        %parallel_loop3A_1498 = vector.shape_cast %parallel_loop3A_1497 : vector<16x1xi32> to vector<16xi32>
        %parallel_loop3A_1499 = tpu.dynamic_gather %parallel_loop3A_1226[%parallel_loop3A_1498] in [0] : vector<16xf32>, vector<16xi32> -> vector<16xf32>
        %parallel_loop3A_1500 = arith.index_cast %parallel_loop3A_945 : i32 to index
        %parallel_loop3A_1501 = arith.constant 64 : index
        %parallel_loop3A_1502 = tpu.vector_load %arg12[%parallel_loop3A_1500, %parallel_loop3A_1501] {strides = array<i32>} : memref<80x128xf32, #tpu.memory_space<vmem>>, vector<1x16xf32>,
        %parallel_loop3A_1503 = vector.shape_cast %parallel_loop3A_1502 : vector<1x16xf32> to vector<16xf32>
        %parallel_loop3A_1504 = arith.mulf %parallel_loop3A_1503, %parallel_loop3A_1499 : vector<16xf32>
        %parallel_loop3A_1505 = arith.index_cast %parallel_loop3A_945 : i32 to index
        %parallel_loop3A_1506 = arith.constant 64 : index
        %parallel_loop3A_1507 = tpu.vector_load %arg13[%parallel_loop3A_1505, %parallel_loop3A_1506] {strides = array<i32>} : memref<80x128xf32, #tpu.memory_space<vmem>>, vector<1x16xf32>,
        %parallel_loop3A_1508 = vector.shape_cast %parallel_loop3A_1507 : vector<1x16xf32> to vector<16xf32>
        %parallel_loop3A_1509 = vector.shape_cast %parallel_loop3A_1504 : vector<16xf32> to vector<1x16xf32>
        tpu.vector_store %arg13[%parallel_loop3A_1505, %parallel_loop3A_1506], %parallel_loop3A_1509 {strides = array<i32>} : memref<80x128xf32, #tpu.memory_space<vmem>>, vector<1x16xf32>,
        %parallel_loop3A_1510 = arith.constant 10 : i32
        %parallel_loop3A_1511 = vector.broadcast %parallel_loop3A_1510 : i32 to vector<16xi32>
        %parallel_loop3A_1512 = arith.constant 0 : i32
        %parallel_loop3A_1513 = vector.broadcast %parallel_loop3A_1512 : i32 to vector<16xi32>
        %parallel_loop3A_1514 = arith.cmpi slt, %parallel_loop3A_1511, %parallel_loop3A_1513 : vector<16xi32>
        %parallel_loop3A_1515 = arith.constant 16 : i32
        %parallel_loop3A_1516 = vector.broadcast %parallel_loop3A_1515 : i32 to vector<16xi32>
        %parallel_loop3A_1517 = arith.addi %parallel_loop3A_1511, %parallel_loop3A_1516 : vector<16xi32>
        %parallel_loop3A_1518 = arith.select %parallel_loop3A_1514, %parallel_loop3A_1517, %parallel_loop3A_1511 : vector<16xi1>, vector<16xi32>
        %parallel_loop3A_1519 = vector.shape_cast %parallel_loop3A_1518 : vector<16xi32> to vector<16x1xi32>
        %parallel_loop3A_1520 = vector.shape_cast %parallel_loop3A_1519 : vector<16x1xi32> to vector<16xi32>
        %parallel_loop3A_1521 = tpu.dynamic_gather %parallel_loop3A_1226[%parallel_loop3A_1520] in [0] : vector<16xf32>, vector<16xi32> -> vector<16xf32>
        %parallel_loop3A_1522 = arith.index_cast %parallel_loop3A_945 : i32 to index
        %parallel_loop3A_1523 = arith.constant 80 : index
        %parallel_loop3A_1524 = tpu.vector_load %arg12[%parallel_loop3A_1522, %parallel_loop3A_1523] {strides = array<i32>} : memref<80x128xf32, #tpu.memory_space<vmem>>, vector<1x16xf32>,
        %parallel_loop3A_1525 = vector.shape_cast %parallel_loop3A_1524 : vector<1x16xf32> to vector<16xf32>
        %parallel_loop3A_1526 = arith.mulf %parallel_loop3A_1525, %parallel_loop3A_1521 : vector<16xf32>
        %parallel_loop3A_1527 = arith.index_cast %parallel_loop3A_945 : i32 to index
        %parallel_loop3A_1528 = arith.constant 80 : index
        %parallel_loop3A_1529 = tpu.vector_load %arg13[%parallel_loop3A_1527, %parallel_loop3A_1528] {strides = array<i32>} : memref<80x128xf32, #tpu.memory_space<vmem>>, vector<1x16xf32>,
        %parallel_loop3A_1530 = vector.shape_cast %parallel_loop3A_1529 : vector<1x16xf32> to vector<16xf32>
        %parallel_loop3A_1531 = vector.shape_cast %parallel_loop3A_1526 : vector<16xf32> to vector<1x16xf32>
        tpu.vector_store %arg13[%parallel_loop3A_1527, %parallel_loop3A_1528], %parallel_loop3A_1531 {strides = array<i32>} : memref<80x128xf32, #tpu.memory_space<vmem>>, vector<1x16xf32>,
        %parallel_loop3A_1532 = arith.constant 6 : i32
        %parallel_loop3A_1533 = vector.broadcast %parallel_loop3A_1532 : i32 to vector<16xi32>
        %parallel_loop3A_1534 = arith.constant 0 : i32
        %parallel_loop3A_1535 = vector.broadcast %parallel_loop3A_1534 : i32 to vector<16xi32>
        %parallel_loop3A_1536 = arith.cmpi slt, %parallel_loop3A_1533, %parallel_loop3A_1535 : vector<16xi32>
        %parallel_loop3A_1537 = arith.constant 16 : i32
        %parallel_loop3A_1538 = vector.broadcast %parallel_loop3A_1537 : i32 to vector<16xi32>
        %parallel_loop3A_1539 = arith.addi %parallel_loop3A_1533, %parallel_loop3A_1538 : vector<16xi32>
        %parallel_loop3A_1540 = arith.select %parallel_loop3A_1536, %parallel_loop3A_1539, %parallel_loop3A_1533 : vector<16xi1>, vector<16xi32>
        %parallel_loop3A_1541 = vector.shape_cast %parallel_loop3A_1540 : vector<16xi32> to vector<16x1xi32>
        %parallel_loop3A_1542 = vector.shape_cast %parallel_loop3A_1541 : vector<16x1xi32> to vector<16xi32>
        %parallel_loop3A_1543 = tpu.dynamic_gather %parallel_loop3A_1226[%parallel_loop3A_1542] in [0] : vector<16xf32>, vector<16xi32> -> vector<16xf32>
        %parallel_loop3A_1544 = arith.index_cast %parallel_loop3A_945 : i32 to index
        %parallel_loop3A_1545 = arith.constant 96 : index
        %parallel_loop3A_1546 = tpu.vector_load %arg12[%parallel_loop3A_1544, %parallel_loop3A_1545] {strides = array<i32>} : memref<80x128xf32, #tpu.memory_space<vmem>>, vector<1x16xf32>,
        %parallel_loop3A_1547 = vector.shape_cast %parallel_loop3A_1546 : vector<1x16xf32> to vector<16xf32>
        %parallel_loop3A_1548 = arith.mulf %parallel_loop3A_1547, %parallel_loop3A_1543 : vector<16xf32>
        %parallel_loop3A_1549 = arith.index_cast %parallel_loop3A_945 : i32 to index
        %parallel_loop3A_1550 = arith.constant 96 : index
        %parallel_loop3A_1551 = tpu.vector_load %arg13[%parallel_loop3A_1549, %parallel_loop3A_1550] {strides = array<i32>} : memref<80x128xf32, #tpu.memory_space<vmem>>, vector<1x16xf32>,
        %parallel_loop3A_1552 = vector.shape_cast %parallel_loop3A_1551 : vector<1x16xf32> to vector<16xf32>
        %parallel_loop3A_1553 = vector.shape_cast %parallel_loop3A_1548 : vector<16xf32> to vector<1x16xf32>
        tpu.vector_store %arg13[%parallel_loop3A_1549, %parallel_loop3A_1550], %parallel_loop3A_1553 {strides = array<i32>} : memref<80x128xf32, #tpu.memory_space<vmem>>, vector<1x16xf32>,
        %parallel_loop3A_1554 = arith.constant 14 : i32
        %parallel_loop3A_1555 = vector.broadcast %parallel_loop3A_1554 : i32 to vector<16xi32>
        %parallel_loop3A_1556 = arith.constant 0 : i32
        %parallel_loop3A_1557 = vector.broadcast %parallel_loop3A_1556 : i32 to vector<16xi32>
        %parallel_loop3A_1558 = arith.cmpi slt, %parallel_loop3A_1555, %parallel_loop3A_1557 : vector<16xi32>
        %parallel_loop3A_1559 = arith.constant 16 : i32
        %parallel_loop3A_1560 = vector.broadcast %parallel_loop3A_1559 : i32 to vector<16xi32>
        %parallel_loop3A_1561 = arith.addi %parallel_loop3A_1555, %parallel_loop3A_1560 : vector<16xi32>
        %parallel_loop3A_1562 = arith.select %parallel_loop3A_1558, %parallel_loop3A_1561, %parallel_loop3A_1555 : vector<16xi1>, vector<16xi32>
        %parallel_loop3A_1563 = vector.shape_cast %parallel_loop3A_1562 : vector<16xi32> to vector<16x1xi32>
        %parallel_loop3A_1564 = vector.shape_cast %parallel_loop3A_1563 : vector<16x1xi32> to vector<16xi32>
        %parallel_loop3A_1565 = tpu.dynamic_gather %parallel_loop3A_1226[%parallel_loop3A_1564] in [0] : vector<16xf32>, vector<16xi32> -> vector<16xf32>
        %parallel_loop3A_1566 = arith.index_cast %parallel_loop3A_945 : i32 to index
        %parallel_loop3A_1567 = arith.constant 112 : index
        %parallel_loop3A_1568 = tpu.vector_load %arg12[%parallel_loop3A_1566, %parallel_loop3A_1567] {strides = array<i32>} : memref<80x128xf32, #tpu.memory_space<vmem>>, vector<1x16xf32>,
        %parallel_loop3A_1569 = vector.shape_cast %parallel_loop3A_1568 : vector<1x16xf32> to vector<16xf32>
        %parallel_loop3A_1570 = arith.mulf %parallel_loop3A_1569, %parallel_loop3A_1565 : vector<16xf32>
        %parallel_loop3A_1571 = arith.index_cast %parallel_loop3A_945 : i32 to index
        %parallel_loop3A_1572 = arith.constant 112 : index
        %parallel_loop3A_1573 = tpu.vector_load %arg13[%parallel_loop3A_1571, %parallel_loop3A_1572] {strides = array<i32>} : memref<80x128xf32, #tpu.memory_space<vmem>>, vector<1x16xf32>,
        %parallel_loop3A_1574 = vector.shape_cast %parallel_loop3A_1573 : vector<1x16xf32> to vector<16xf32>
        %parallel_loop3A_1575 = vector.shape_cast %parallel_loop3A_1570 : vector<16xf32> to vector<1x16xf32>
        tpu.vector_store %arg13[%parallel_loop3A_1571, %parallel_loop3A_1572], %parallel_loop3A_1575 {strides = array<i32>} : memref<80x128xf32, #tpu.memory_space<vmem>>, vector<1x16xf32>,
      } {sc.loop_unroll_factor = 8 : i64, sc.parallel_access}
      %dma_start3A_933 = arith.constant 0 : i32
      %dma_start3A_934 = arith.constant 0 : i32
      %dma_start3A_935 = tpu.memref_slice %arg16[%dma_start3A_933, %dma_start3A_934] : memref<10240x128xf32, #tpu.memory_space<vmem_shared>> -> memref<10240x128xf32, #tpu.memory_space<vmem_shared>>
      tpu.enqueue_indirect_dma source(%arg13 : memref<80x128xf32, #tpu.memory_space<vmem>>) target(%dma_start3A_935 : memref<10240x128xf32, #tpu.memory_space<vmem_shared>>) offsets(%arg10 : memref<80xi32, #tpu.memory_space<vmem>>) semaphore(%arg18 : memref<!tpu.dma_semaphore, #tpu.memory_space<semaphore_mem>>) {add = true}
      %dma_start3A_936 = arith.constant 0 : i32
      %dma_start3A_937 = arith.constant 0 : i32
      %dma_start3A_938 = tpu.memref_slice %arg17[%dma_start3A_936, %dma_start3A_937] : memref<1280x128xf32, #tpu.memory_space<vmem_shared>> -> memref<1280x128xf32, #tpu.memory_space<vmem_shared>>
      tpu.enqueue_indirect_dma source(%arg14 : memref<80x128xf32, #tpu.memory_space<vmem>>) target(%dma_start3A_938 : memref<1280x128xf32, #tpu.memory_space<vmem_shared>>) offsets(%arg11 : memref<80xi32, #tpu.memory_space<vmem>>) semaphore(%arg19 : memref<!tpu.dma_semaphore, #tpu.memory_space<semaphore_mem>>) {add = true}
      %dma_wait3A_939 = arith.constant 0 : i32
      %dma_wait3A_940 = arith.constant 0 : i32
      %dma_wait3A_941 = tpu.memref_slice %arg16[%dma_wait3A_939, %dma_wait3A_940] : memref<10240x128xf32, #tpu.memory_space<vmem_shared>> -> memref<10240x128xf32, #tpu.memory_space<vmem_shared>>
      tpu.wait_indirect_dma semaphore(%arg18 : memref<!tpu.dma_semaphore, #tpu.memory_space<semaphore_mem>>) src(%arg13 : memref<80x128xf32, #tpu.memory_space<vmem>>) dst(%dma_wait3A_941 : memref<10240x128xf32, #tpu.memory_space<vmem_shared>>)
      %dma_wait3A_942 = arith.constant 0 : i32
      %dma_wait3A_943 = arith.constant 0 : i32
      %dma_wait3A_944 = tpu.memref_slice %arg17[%dma_wait3A_942, %dma_wait3A_943] : memref<1280x128xf32, #tpu.memory_space<vmem_shared>> -> memref<1280x128xf32, #tpu.memory_space<vmem_shared>>
      tpu.wait_indirect_dma semaphore(%arg19 : memref<!tpu.dma_semaphore, #tpu.memory_space<semaphore_mem>>) src(%arg14 : memref<80x128xf32, #tpu.memory_space<vmem>>) dst(%dma_wait3A_944 : memref<1280x128xf32, #tpu.memory_space<vmem_shared>>)
    }
    %scan3A_452 = arith.constant 128 : i32
    %barrier3A_453 = arith.constant 0 : index
    tpu.barrier barrier_id(%barrier3A_453)
    %mul3A_454 = arith.constant 640 : i32
    %mul3A_455 = arith.muli %arg1, %mul3A_454 : i32
    %add3A_456 = arith.constant 0 : i32
    %add3A_457 = arith.addi %mul3A_455, %add3A_456 : i32
    %add3A_458 = arith.constant 0 : i32
    %add3A_459 = arith.addi %add3A_457, %add3A_458 : i32
    %add3A_460 = vector.broadcast %add3A_459 : i32 to vector<16xi32>
    %add3A_461 = arith.addi %iota3A, %add3A_460 : vector<16xi32>
    %swap3A_462 = arith.constant 0 : index
    %swap3A_463 = tpu.vector_load %arg9[%swap3A_462] {strides = array<i32>} : memref<80xi32, #tpu.memory_space<vmem>>, vector<16xi32>,
    %swap3A_464 = vector.shape_cast %swap3A_463 : vector<16xi32> to vector<16xi32>
    %swap3A_465 = vector.shape_cast %add3A_461 : vector<16xi32> to vector<16xi32>
    tpu.vector_store %arg9[%swap3A_462], %swap3A_465 {strides = array<i32>} : memref<80xi32, #tpu.memory_space<vmem>>, vector<16xi32>,
    %add3A_466 = arith.constant 16 : i32
    %add3A_467 = arith.addi %add3A_457, %add3A_466 : i32
    %add3A_468 = vector.broadcast %add3A_467 : i32 to vector<16xi32>
    %add3A_469 = arith.addi %iota3A, %add3A_468 : vector<16xi32>
    %swap3A_470 = arith.constant 16 : index
    %swap3A_471 = tpu.vector_load %arg9[%swap3A_470] {strides = array<i32>} : memref<80xi32, #tpu.memory_space<vmem>>, vector<16xi32>,
    %swap3A_472 = vector.shape_cast %swap3A_471 : vector<16xi32> to vector<16xi32>
    %swap3A_473 = vector.shape_cast %add3A_469 : vector<16xi32> to vector<16xi32>
    tpu.vector_store %arg9[%swap3A_470], %swap3A_473 {strides = array<i32>} : memref<80xi32, #tpu.memory_space<vmem>>, vector<16xi32>,
    %add3A_474 = arith.constant 32 : i32
    %add3A_475 = arith.addi %add3A_457, %add3A_474 : i32
    %add3A_476 = vector.broadcast %add3A_475 : i32 to vector<16xi32>
    %add3A_477 = arith.addi %iota3A, %add3A_476 : vector<16xi32>
    %swap3A_478 = arith.constant 32 : index
    %swap3A_479 = tpu.vector_load %arg9[%swap3A_478] {strides = array<i32>} : memref<80xi32, #tpu.memory_space<vmem>>, vector<16xi32>,
    %swap3A_480 = vector.shape_cast %swap3A_479 : vector<16xi32> to vector<16xi32>
    %swap3A_481 = vector.shape_cast %add3A_477 : vector<16xi32> to vector<16xi32>
    tpu.vector_store %arg9[%swap3A_478], %swap3A_481 {strides = array<i32>} : memref<80xi32, #tpu.memory_space<vmem>>, vector<16xi32>,
    %add3A_482 = arith.constant 48 : i32
    %add3A_483 = arith.addi %add3A_457, %add3A_482 : i32
    %add3A_484 = vector.broadcast %add3A_483 : i32 to vector<16xi32>
    %add3A_485 = arith.addi %iota3A, %add3A_484 : vector<16xi32>
    %swap3A_486 = arith.constant 48 : index
    %swap3A_487 = tpu.vector_load %arg9[%swap3A_486] {strides = array<i32>} : memref<80xi32, #tpu.memory_space<vmem>>, vector<16xi32>,
    %swap3A_488 = vector.shape_cast %swap3A_487 : vector<16xi32> to vector<16xi32>
    %swap3A_489 = vector.shape_cast %add3A_485 : vector<16xi32> to vector<16xi32>
    tpu.vector_store %arg9[%swap3A_486], %swap3A_489 {strides = array<i32>} : memref<80xi32, #tpu.memory_space<vmem>>, vector<16xi32>,
    %add3A_490 = arith.constant 64 : i32
    %add3A_491 = arith.addi %add3A_457, %add3A_490 : i32
    %add3A_492 = vector.broadcast %add3A_491 : i32 to vector<16xi32>
    %add3A_493 = arith.addi %iota3A, %add3A_492 : vector<16xi32>
    %swap3A_494 = arith.constant 64 : index
    %swap3A_495 = tpu.vector_load %arg9[%swap3A_494] {strides = array<i32>} : memref<80xi32, #tpu.memory_space<vmem>>, vector<16xi32>,
    %swap3A_496 = vector.shape_cast %swap3A_495 : vector<16xi32> to vector<16xi32>
    %swap3A_497 = vector.shape_cast %add3A_493 : vector<16xi32> to vector<16xi32>
    tpu.vector_store %arg9[%swap3A_494], %swap3A_497 {strides = array<i32>} : memref<80xi32, #tpu.memory_space<vmem>>, vector<16xi32>,
    "tpu.region"() ({
      %run_scoped3A = tpu.sem_alloc : memref<!tpu.dma_semaphore, #tpu.memory_space<semaphore_mem>>
      %dma_start3A = arith.constant 0 : i32
      %dma_start3A_858 = arith.constant 0 : i32
      %dma_start3A_859 = tpu.memref_slice %arg16[%dma_start3A, %dma_start3A_858] : memref<10240x128xf32, #tpu.memory_space<vmem_shared>> -> memref<10240x128xf32, #tpu.memory_space<vmem_shared>>
      tpu.enqueue_indirect_dma source(%dma_start3A_859 : memref<10240x128xf32, #tpu.memory_space<vmem_shared>>) target(%arg12 : memref<80x128xf32, #tpu.memory_space<vmem>>) offsets(%arg9 : memref<80xi32, #tpu.memory_space<vmem>>) semaphore(%run_scoped3A : memref<!tpu.dma_semaphore, #tpu.memory_space<semaphore_mem>>)
      %dma_wait3A = arith.constant 0 : i32
      %dma_wait3A_860 = arith.constant 0 : i32
      %dma_wait3A_861 = tpu.memref_slice %arg16[%dma_wait3A, %dma_wait3A_860] : memref<10240x128xf32, #tpu.memory_space<vmem_shared>> -> memref<10240x128xf32, #tpu.memory_space<vmem_shared>>
      tpu.wait_indirect_dma semaphore(%run_scoped3A : memref<!tpu.dma_semaphore, #tpu.memory_space<semaphore_mem>>) src(%dma_wait3A_861 : memref<10240x128xf32, #tpu.memory_space<vmem_shared>>) dst(%arg12 : memref<80x128xf32, #tpu.memory_space<vmem>>)
      tpu.yield
    }) : () -> ()
    "tpu.region"() ({
      %run_scoped3A = tpu.sem_alloc : memref<!tpu.dma_semaphore, #tpu.memory_space<semaphore_mem>>
      %dma_start3A = arith.constant 0 : i32
      %dma_start3A_858 = tpu.memref_slice %arg7[%arg0, %add3A_457, %dma_start3A] : memref<2x10240x128xf32, #tpu.memory_space<hbm>> -> memref<1x80x128xf32, #tpu.memory_space<hbm>>
      %dma_start3A_859 = tpu.memref_squeeze %dma_start3A_858 : memref<1x80x128xf32, #tpu.memory_space<hbm>> -> memref<80x128xf32, #tpu.memory_space<hbm>>
      %dma_start3A_860 = arith.constant 0 : i32
      %dma_start3A_861 = tpu.memref_slice %arg7[%arg0, %add3A_457, %dma_start3A_860] : memref<2x10240x128xf32, #tpu.memory_space<hbm>> -> memref<1x80x128xf32, #tpu.memory_space<hbm>>
      %dma_start3A_862 = tpu.memref_squeeze %dma_start3A_861 : memref<1x80x128xf32, #tpu.memory_space<hbm>> -> memref<80x128xf32, #tpu.memory_space<hbm>>
      tpu.enqueue_dma source(%arg12 : memref<80x128xf32, #tpu.memory_space<vmem>>) target(%dma_start3A_862 : memref<80x128xf32, #tpu.memory_space<hbm>>) target_semaphore(%run_scoped3A : memref<!tpu.dma_semaphore, #tpu.memory_space<semaphore_mem>>)
      %dma_wait3A = arith.constant 0 : i32
      %dma_wait3A_863 = tpu.memref_slice %arg7[%arg0, %add3A_457, %dma_wait3A] : memref<2x10240x128xf32, #tpu.memory_space<hbm>> -> memref<1x80x128xf32, #tpu.memory_space<hbm>>
      %dma_wait3A_864 = tpu.memref_squeeze %dma_wait3A_863 : memref<1x80x128xf32, #tpu.memory_space<hbm>> -> memref<80x128xf32, #tpu.memory_space<hbm>>
      %dma_wait3A_865 = arith.constant 0 : i32
      %dma_wait3A_866 = tpu.memref_slice %arg7[%arg0, %add3A_457, %dma_wait3A_865] : memref<2x10240x128xf32, #tpu.memory_space<hbm>> -> memref<1x80x128xf32, #tpu.memory_space<hbm>>
      %dma_wait3A_867 = tpu.memref_squeeze %dma_wait3A_866 : memref<1x80x128xf32, #tpu.memory_space<hbm>> -> memref<80x128xf32, #tpu.memory_space<hbm>>
      tpu.wait_dma2 semaphore(%run_scoped3A : memref<!tpu.dma_semaphore, #tpu.memory_space<semaphore_mem>>) src(%arg12 : memref<80x128xf32, #tpu.memory_space<vmem>>) dst(%dma_wait3A_867 : memref<80x128xf32, #tpu.memory_space<hbm>>)
      tpu.yield
    }) : () -> ()
    %mul3A_498 = arith.constant 640 : i32
    %mul3A_499 = arith.muli %arg1, %mul3A_498 : i32
    %add3A_500 = arith.constant 80 : i32
    %add3A_501 = arith.addi %mul3A_499, %add3A_500 : i32
    %add3A_502 = arith.constant 0 : i32
    %add3A_503 = arith.addi %add3A_501, %add3A_502 : i32
    %add3A_504 = vector.broadcast %add3A_503 : i32 to vector<16xi32>
    %add3A_505 = arith.addi %iota3A, %add3A_504 : vector<16xi32>
    %swap3A_506 = arith.constant 0 : index
    %swap3A_507 = tpu.vector_load %arg9[%swap3A_506] {strides = array<i32>} : memref<80xi32, #tpu.memory_space<vmem>>, vector<16xi32>,
    %swap3A_508 = vector.shape_cast %swap3A_507 : vector<16xi32> to vector<16xi32>
    %swap3A_509 = vector.shape_cast %add3A_505 : vector<16xi32> to vector<16xi32>
    tpu.vector_store %arg9[%swap3A_506], %swap3A_509 {strides = array<i32>} : memref<80xi32, #tpu.memory_space<vmem>>, vector<16xi32>,
    %add3A_510 = arith.constant 16 : i32
    %add3A_511 = arith.addi %add3A_501, %add3A_510 : i32
    %add3A_512 = vector.broadcast %add3A_511 : i32 to vector<16xi32>
    %add3A_513 = arith.addi %iota3A, %add3A_512 : vector<16xi32>
    %swap3A_514 = arith.constant 16 : index
    %swap3A_515 = tpu.vector_load %arg9[%swap3A_514] {strides = array<i32>} : memref<80xi32, #tpu.memory_space<vmem>>, vector<16xi32>,
    %swap3A_516 = vector.shape_cast %swap3A_515 : vector<16xi32> to vector<16xi32>
    %swap3A_517 = vector.shape_cast %add3A_513 : vector<16xi32> to vector<16xi32>
    tpu.vector_store %arg9[%swap3A_514], %swap3A_517 {strides = array<i32>} : memref<80xi32, #tpu.memory_space<vmem>>, vector<16xi32>,
    %add3A_518 = arith.constant 32 : i32
    %add3A_519 = arith.addi %add3A_501, %add3A_518 : i32
    %add3A_520 = vector.broadcast %add3A_519 : i32 to vector<16xi32>
    %add3A_521 = arith.addi %iota3A, %add3A_520 : vector<16xi32>
    %swap3A_522 = arith.constant 32 : index
    %swap3A_523 = tpu.vector_load %arg9[%swap3A_522] {strides = array<i32>} : memref<80xi32, #tpu.memory_space<vmem>>, vector<16xi32>,
    %swap3A_524 = vector.shape_cast %swap3A_523 : vector<16xi32> to vector<16xi32>
    %swap3A_525 = vector.shape_cast %add3A_521 : vector<16xi32> to vector<16xi32>
    tpu.vector_store %arg9[%swap3A_522], %swap3A_525 {strides = array<i32>} : memref<80xi32, #tpu.memory_space<vmem>>, vector<16xi32>,
    %add3A_526 = arith.constant 48 : i32
    %add3A_527 = arith.addi %add3A_501, %add3A_526 : i32
    %add3A_528 = vector.broadcast %add3A_527 : i32 to vector<16xi32>
    %add3A_529 = arith.addi %iota3A, %add3A_528 : vector<16xi32>
    %swap3A_530 = arith.constant 48 : index
    %swap3A_531 = tpu.vector_load %arg9[%swap3A_530] {strides = array<i32>} : memref<80xi32, #tpu.memory_space<vmem>>, vector<16xi32>,
    %swap3A_532 = vector.shape_cast %swap3A_531 : vector<16xi32> to vector<16xi32>
    %swap3A_533 = vector.shape_cast %add3A_529 : vector<16xi32> to vector<16xi32>
    tpu.vector_store %arg9[%swap3A_530], %swap3A_533 {strides = array<i32>} : memref<80xi32, #tpu.memory_space<vmem>>, vector<16xi32>,
    %add3A_534 = arith.constant 64 : i32
    %add3A_535 = arith.addi %add3A_501, %add3A_534 : i32
    %add3A_536 = vector.broadcast %add3A_535 : i32 to vector<16xi32>
    %add3A_537 = arith.addi %iota3A, %add3A_536 : vector<16xi32>
    %swap3A_538 = arith.constant 64 : index
    %swap3A_539 = tpu.vector_load %arg9[%swap3A_538] {strides = array<i32>} : memref<80xi32, #tpu.memory_space<vmem>>, vector<16xi32>,
    %swap3A_540 = vector.shape_cast %swap3A_539 : vector<16xi32> to vector<16xi32>
    %swap3A_541 = vector.shape_cast %add3A_537 : vector<16xi32> to vector<16xi32>
    tpu.vector_store %arg9[%swap3A_538], %swap3A_541 {strides = array<i32>} : memref<80xi32, #tpu.memory_space<vmem>>, vector<16xi32>,
    "tpu.region"() ({
      %run_scoped3A = tpu.sem_alloc : memref<!tpu.dma_semaphore, #tpu.memory_space<semaphore_mem>>
      %dma_start3A = arith.constant 0 : i32
      %dma_start3A_858 = arith.constant 0 : i32
      %dma_start3A_859 = tpu.memref_slice %arg16[%dma_start3A, %dma_start3A_858] : memref<10240x128xf32, #tpu.memory_space<vmem_shared>> -> memref<10240x128xf32, #tpu.memory_space<vmem_shared>>
      tpu.enqueue_indirect_dma source(%dma_start3A_859 : memref<10240x128xf32, #tpu.memory_space<vmem_shared>>) target(%arg12 : memref<80x128xf32, #tpu.memory_space<vmem>>) offsets(%arg9 : memref<80xi32, #tpu.memory_space<vmem>>) semaphore(%run_scoped3A : memref<!tpu.dma_semaphore, #tpu.memory_space<semaphore_mem>>)
      %dma_wait3A = arith.constant 0 : i32
      %dma_wait3A_860 = arith.constant 0 : i32
      %dma_wait3A_861 = tpu.memref_slice %arg16[%dma_wait3A, %dma_wait3A_860] : memref<10240x128xf32, #tpu.memory_space<vmem_shared>> -> memref<10240x128xf32, #tpu.memory_space<vmem_shared>>
      tpu.wait_indirect_dma semaphore(%run_scoped3A : memref<!tpu.dma_semaphore, #tpu.memory_space<semaphore_mem>>) src(%dma_wait3A_861 : memref<10240x128xf32, #tpu.memory_space<vmem_shared>>) dst(%arg12 : memref<80x128xf32, #tpu.memory_space<vmem>>)
      tpu.yield
    }) : () -> ()
    "tpu.region"() ({
      %run_scoped3A = tpu.sem_alloc : memref<!tpu.dma_semaphore, #tpu.memory_space<semaphore_mem>>
      %dma_start3A = arith.constant 0 : i32
      %dma_start3A_858 = tpu.memref_slice %arg7[%arg0, %add3A_501, %dma_start3A] : memref<2x10240x128xf32, #tpu.memory_space<hbm>> -> memref<1x80x128xf32, #tpu.memory_space<hbm>>
      %dma_start3A_859 = tpu.memref_squeeze %dma_start3A_858 : memref<1x80x128xf32, #tpu.memory_space<hbm>> -> memref<80x128xf32, #tpu.memory_space<hbm>>
      %dma_start3A_860 = arith.constant 0 : i32
      %dma_start3A_861 = tpu.memref_slice %arg7[%arg0, %add3A_501, %dma_start3A_860] : memref<2x10240x128xf32, #tpu.memory_space<hbm>> -> memref<1x80x128xf32, #tpu.memory_space<hbm>>
      %dma_start3A_862 = tpu.memref_squeeze %dma_start3A_861 : memref<1x80x128xf32, #tpu.memory_space<hbm>> -> memref<80x128xf32, #tpu.memory_space<hbm>>
      tpu.enqueue_dma source(%arg12 : memref<80x128xf32, #tpu.memory_space<vmem>>) target(%dma_start3A_862 : memref<80x128xf32, #tpu.memory_space<hbm>>) target_semaphore(%run_scoped3A : memref<!tpu.dma_semaphore, #tpu.memory_space<semaphore_mem>>)
      %dma_wait3A = arith.constant 0 : i32
      %dma_wait3A_863 = tpu.memref_slice %arg7[%arg0, %add3A_501, %dma_wait3A] : memref<2x10240x128xf32, #tpu.memory_space<hbm>> -> memref<1x80x128xf32, #tpu.memory_space<hbm>>
      %dma_wait3A_864 = tpu.memref_squeeze %dma_wait3A_863 : memref<1x80x128xf32, #tpu.memory_space<hbm>> -> memref<80x128xf32, #tpu.memory_space<hbm>>
      %dma_wait3A_865 = arith.constant 0 : i32
      %dma_wait3A_866 = tpu.memref_slice %arg7[%arg0, %add3A_501, %dma_wait3A_865] : memref<2x10240x128xf32, #tpu.memory_space<hbm>> -> memref<1x80x128xf32, #tpu.memory_space<hbm>>
      %dma_wait3A_867 = tpu.memref_squeeze %dma_wait3A_866 : memref<1x80x128xf32, #tpu.memory_space<hbm>> -> memref<80x128xf32, #tpu.memory_space<hbm>>
      tpu.wait_dma2 semaphore(%run_scoped3A : memref<!tpu.dma_semaphore, #tpu.memory_space<semaphore_mem>>) src(%arg12 : memref<80x128xf32, #tpu.memory_space<vmem>>) dst(%dma_wait3A_867 : memref<80x128xf32, #tpu.memory_space<hbm>>)
      tpu.yield
    }) : () -> ()
    %mul3A_542 = arith.constant 640 : i32
    %mul3A_543 = arith.muli %arg1, %mul3A_542 : i32
    %add3A_544 = arith.constant 160 : i32
    %add3A_545 = arith.addi %mul3A_543, %add3A_544 : i32
    %add3A_546 = arith.constant 0 : i32
    %add3A_547 = arith.addi %add3A_545, %add3A_546 : i32
    %add3A_548 = vector.broadcast %add3A_547 : i32 to vector<16xi32>
    %add3A_549 = arith.addi %iota3A, %add3A_548 : vector<16xi32>
    %swap3A_550 = arith.constant 0 : index
    %swap3A_551 = tpu.vector_load %arg9[%swap3A_550] {strides = array<i32>} : memref<80xi32, #tpu.memory_space<vmem>>, vector<16xi32>,
    %swap3A_552 = vector.shape_cast %swap3A_551 : vector<16xi32> to vector<16xi32>
    %swap3A_553 = vector.shape_cast %add3A_549 : vector<16xi32> to vector<16xi32>
    tpu.vector_store %arg9[%swap3A_550], %swap3A_553 {strides = array<i32>} : memref<80xi32, #tpu.memory_space<vmem>>, vector<16xi32>,
    %add3A_554 = arith.constant 16 : i32
    %add3A_555 = arith.addi %add3A_545, %add3A_554 : i32
    %add3A_556 = vector.broadcast %add3A_555 : i32 to vector<16xi32>
    %add3A_557 = arith.addi %iota3A, %add3A_556 : vector<16xi32>
    %swap3A_558 = arith.constant 16 : index
    %swap3A_559 = tpu.vector_load %arg9[%swap3A_558] {strides = array<i32>} : memref<80xi32, #tpu.memory_space<vmem>>, vector<16xi32>,
    %swap3A_560 = vector.shape_cast %swap3A_559 : vector<16xi32> to vector<16xi32>
    %swap3A_561 = vector.shape_cast %add3A_557 : vector<16xi32> to vector<16xi32>
    tpu.vector_store %arg9[%swap3A_558], %swap3A_561 {strides = array<i32>} : memref<80xi32, #tpu.memory_space<vmem>>, vector<16xi32>,
    %add3A_562 = arith.constant 32 : i32
    %add3A_563 = arith.addi %add3A_545, %add3A_562 : i32
    %add3A_564 = vector.broadcast %add3A_563 : i32 to vector<16xi32>
    %add3A_565 = arith.addi %iota3A, %add3A_564 : vector<16xi32>
    %swap3A_566 = arith.constant 32 : index
    %swap3A_567 = tpu.vector_load %arg9[%swap3A_566] {strides = array<i32>} : memref<80xi32, #tpu.memory_space<vmem>>, vector<16xi32>,
    %swap3A_568 = vector.shape_cast %swap3A_567 : vector<16xi32> to vector<16xi32>
    %swap3A_569 = vector.shape_cast %add3A_565 : vector<16xi32> to vector<16xi32>
    tpu.vector_store %arg9[%swap3A_566], %swap3A_569 {strides = array<i32>} : memref<80xi32, #tpu.memory_space<vmem>>, vector<16xi32>,
    %add3A_570 = arith.constant 48 : i32
    %add3A_571 = arith.addi %add3A_545, %add3A_570 : i32
    %add3A_572 = vector.broadcast %add3A_571 : i32 to vector<16xi32>
    %add3A_573 = arith.addi %iota3A, %add3A_572 : vector<16xi32>
    %swap3A_574 = arith.constant 48 : index
    %swap3A_575 = tpu.vector_load %arg9[%swap3A_574] {strides = array<i32>} : memref<80xi32, #tpu.memory_space<vmem>>, vector<16xi32>,
    %swap3A_576 = vector.shape_cast %swap3A_575 : vector<16xi32> to vector<16xi32>
    %swap3A_577 = vector.shape_cast %add3A_573 : vector<16xi32> to vector<16xi32>
    tpu.vector_store %arg9[%swap3A_574], %swap3A_577 {strides = array<i32>} : memref<80xi32, #tpu.memory_space<vmem>>, vector<16xi32>,
    %add3A_578 = arith.constant 64 : i32
    %add3A_579 = arith.addi %add3A_545, %add3A_578 : i32
    %add3A_580 = vector.broadcast %add3A_579 : i32 to vector<16xi32>
    %add3A_581 = arith.addi %iota3A, %add3A_580 : vector<16xi32>
    %swap3A_582 = arith.constant 64 : index
    %swap3A_583 = tpu.vector_load %arg9[%swap3A_582] {strides = array<i32>} : memref<80xi32, #tpu.memory_space<vmem>>, vector<16xi32>,
    %swap3A_584 = vector.shape_cast %swap3A_583 : vector<16xi32> to vector<16xi32>
    %swap3A_585 = vector.shape_cast %add3A_581 : vector<16xi32> to vector<16xi32>
    tpu.vector_store %arg9[%swap3A_582], %swap3A_585 {strides = array<i32>} : memref<80xi32, #tpu.memory_space<vmem>>, vector<16xi32>,
    "tpu.region"() ({
      %run_scoped3A = tpu.sem_alloc : memref<!tpu.dma_semaphore, #tpu.memory_space<semaphore_mem>>
      %dma_start3A = arith.constant 0 : i32
      %dma_start3A_858 = arith.constant 0 : i32
      %dma_start3A_859 = tpu.memref_slice %arg16[%dma_start3A, %dma_start3A_858] : memref<10240x128xf32, #tpu.memory_space<vmem_shared>> -> memref<10240x128xf32, #tpu.memory_space<vmem_shared>>
      tpu.enqueue_indirect_dma source(%dma_start3A_859 : memref<10240x128xf32, #tpu.memory_space<vmem_shared>>) target(%arg12 : memref<80x128xf32, #tpu.memory_space<vmem>>) offsets(%arg9 : memref<80xi32, #tpu.memory_space<vmem>>) semaphore(%run_scoped3A : memref<!tpu.dma_semaphore, #tpu.memory_space<semaphore_mem>>)
      %dma_wait3A = arith.constant 0 : i32
      %dma_wait3A_860 = arith.constant 0 : i32
      %dma_wait3A_861 = tpu.memref_slice %arg16[%dma_wait3A, %dma_wait3A_860] : memref<10240x128xf32, #tpu.memory_space<vmem_shared>> -> memref<10240x128xf32, #tpu.memory_space<vmem_shared>>
      tpu.wait_indirect_dma semaphore(%run_scoped3A : memref<!tpu.dma_semaphore, #tpu.memory_space<semaphore_mem>>) src(%dma_wait3A_861 : memref<10240x128xf32, #tpu.memory_space<vmem_shared>>) dst(%arg12 : memref<80x128xf32, #tpu.memory_space<vmem>>)
      tpu.yield
    }) : () -> ()
    "tpu.region"() ({
      %run_scoped3A = tpu.sem_alloc : memref<!tpu.dma_semaphore, #tpu.memory_space<semaphore_mem>>
      %dma_start3A = arith.constant 0 : i32
      %dma_start3A_858 = tpu.memref_slice %arg7[%arg0, %add3A_545, %dma_start3A] : memref<2x10240x128xf32, #tpu.memory_space<hbm>> -> memref<1x80x128xf32, #tpu.memory_space<hbm>>
      %dma_start3A_859 = tpu.memref_squeeze %dma_start3A_858 : memref<1x80x128xf32, #tpu.memory_space<hbm>> -> memref<80x128xf32, #tpu.memory_space<hbm>>
      %dma_start3A_860 = arith.constant 0 : i32
      %dma_start3A_861 = tpu.memref_slice %arg7[%arg0, %add3A_545, %dma_start3A_860] : memref<2x10240x128xf32, #tpu.memory_space<hbm>> -> memref<1x80x128xf32, #tpu.memory_space<hbm>>
      %dma_start3A_862 = tpu.memref_squeeze %dma_start3A_861 : memref<1x80x128xf32, #tpu.memory_space<hbm>> -> memref<80x128xf32, #tpu.memory_space<hbm>>
      tpu.enqueue_dma source(%arg12 : memref<80x128xf32, #tpu.memory_space<vmem>>) target(%dma_start3A_862 : memref<80x128xf32, #tpu.memory_space<hbm>>) target_semaphore(%run_scoped3A : memref<!tpu.dma_semaphore, #tpu.memory_space<semaphore_mem>>)
      %dma_wait3A = arith.constant 0 : i32
      %dma_wait3A_863 = tpu.memref_slice %arg7[%arg0, %add3A_545, %dma_wait3A] : memref<2x10240x128xf32, #tpu.memory_space<hbm>> -> memref<1x80x128xf32, #tpu.memory_space<hbm>>
      %dma_wait3A_864 = tpu.memref_squeeze %dma_wait3A_863 : memref<1x80x128xf32, #tpu.memory_space<hbm>> -> memref<80x128xf32, #tpu.memory_space<hbm>>
      %dma_wait3A_865 = arith.constant 0 : i32
      %dma_wait3A_866 = tpu.memref_slice %arg7[%arg0, %add3A_545, %dma_wait3A_865] : memref<2x10240x128xf32, #tpu.memory_space<hbm>> -> memref<1x80x128xf32, #tpu.memory_space<hbm>>
      %dma_wait3A_867 = tpu.memref_squeeze %dma_wait3A_866 : memref<1x80x128xf32, #tpu.memory_space<hbm>> -> memref<80x128xf32, #tpu.memory_space<hbm>>
      tpu.wait_dma2 semaphore(%run_scoped3A : memref<!tpu.dma_semaphore, #tpu.memory_space<semaphore_mem>>) src(%arg12 : memref<80x128xf32, #tpu.memory_space<vmem>>) dst(%dma_wait3A_867 : memref<80x128xf32, #tpu.memory_space<hbm>>)
      tpu.yield
    }) : () -> ()
    %mul3A_586 = arith.constant 640 : i32
    %mul3A_587 = arith.muli %arg1, %mul3A_586 : i32
    %add3A_588 = arith.constant 240 : i32
    %add3A_589 = arith.addi %mul3A_587, %add3A_588 : i32
    %add3A_590 = arith.constant 0 : i32
    %add3A_591 = arith.addi %add3A_589, %add3A_590 : i32
    %add3A_592 = vector.broadcast %add3A_591 : i32 to vector<16xi32>
    %add3A_593 = arith.addi %iota3A, %add3A_592 : vector<16xi32>
    %swap3A_594 = arith.constant 0 : index
    %swap3A_595 = tpu.vector_load %arg9[%swap3A_594] {strides = array<i32>} : memref<80xi32, #tpu.memory_space<vmem>>, vector<16xi32>,
    %swap3A_596 = vector.shape_cast %swap3A_595 : vector<16xi32> to vector<16xi32>
    %swap3A_597 = vector.shape_cast %add3A_593 : vector<16xi32> to vector<16xi32>
    tpu.vector_store %arg9[%swap3A_594], %swap3A_597 {strides = array<i32>} : memref<80xi32, #tpu.memory_space<vmem>>, vector<16xi32>,
    %add3A_598 = arith.constant 16 : i32
    %add3A_599 = arith.addi %add3A_589, %add3A_598 : i32
    %add3A_600 = vector.broadcast %add3A_599 : i32 to vector<16xi32>
    %add3A_601 = arith.addi %iota3A, %add3A_600 : vector<16xi32>
    %swap3A_602 = arith.constant 16 : index
    %swap3A_603 = tpu.vector_load %arg9[%swap3A_602] {strides = array<i32>} : memref<80xi32, #tpu.memory_space<vmem>>, vector<16xi32>,
    %swap3A_604 = vector.shape_cast %swap3A_603 : vector<16xi32> to vector<16xi32>
    %swap3A_605 = vector.shape_cast %add3A_601 : vector<16xi32> to vector<16xi32>
    tpu.vector_store %arg9[%swap3A_602], %swap3A_605 {strides = array<i32>} : memref<80xi32, #tpu.memory_space<vmem>>, vector<16xi32>,
    %add3A_606 = arith.constant 32 : i32
    %add3A_607 = arith.addi %add3A_589, %add3A_606 : i32
    %add3A_608 = vector.broadcast %add3A_607 : i32 to vector<16xi32>
    %add3A_609 = arith.addi %iota3A, %add3A_608 : vector<16xi32>
    %swap3A_610 = arith.constant 32 : index
    %swap3A_611 = tpu.vector_load %arg9[%swap3A_610] {strides = array<i32>} : memref<80xi32, #tpu.memory_space<vmem>>, vector<16xi32>,
    %swap3A_612 = vector.shape_cast %swap3A_611 : vector<16xi32> to vector<16xi32>
    %swap3A_613 = vector.shape_cast %add3A_609 : vector<16xi32> to vector<16xi32>
    tpu.vector_store %arg9[%swap3A_610], %swap3A_613 {strides = array<i32>} : memref<80xi32, #tpu.memory_space<vmem>>, vector<16xi32>,
    %add3A_614 = arith.constant 48 : i32
    %add3A_615 = arith.addi %add3A_589, %add3A_614 : i32
    %add3A_616 = vector.broadcast %add3A_615 : i32 to vector<16xi32>
    %add3A_617 = arith.addi %iota3A, %add3A_616 : vector<16xi32>
    %swap3A_618 = arith.constant 48 : index
    %swap3A_619 = tpu.vector_load %arg9[%swap3A_618] {strides = array<i32>} : memref<80xi32, #tpu.memory_space<vmem>>, vector<16xi32>,
    %swap3A_620 = vector.shape_cast %swap3A_619 : vector<16xi32> to vector<16xi32>
    %swap3A_621 = vector.shape_cast %add3A_617 : vector<16xi32> to vector<16xi32>
    tpu.vector_store %arg9[%swap3A_618], %swap3A_621 {strides = array<i32>} : memref<80xi32, #tpu.memory_space<vmem>>, vector<16xi32>,
    %add3A_622 = arith.constant 64 : i32
    %add3A_623 = arith.addi %add3A_589, %add3A_622 : i32
    %add3A_624 = vector.broadcast %add3A_623 : i32 to vector<16xi32>
    %add3A_625 = arith.addi %iota3A, %add3A_624 : vector<16xi32>
    %swap3A_626 = arith.constant 64 : index
    %swap3A_627 = tpu.vector_load %arg9[%swap3A_626] {strides = array<i32>} : memref<80xi32, #tpu.memory_space<vmem>>, vector<16xi32>,
    %swap3A_628 = vector.shape_cast %swap3A_627 : vector<16xi32> to vector<16xi32>
    %swap3A_629 = vector.shape_cast %add3A_625 : vector<16xi32> to vector<16xi32>
    tpu.vector_store %arg9[%swap3A_626], %swap3A_629 {strides = array<i32>} : memref<80xi32, #tpu.memory_space<vmem>>, vector<16xi32>,
    "tpu.region"() ({
      %run_scoped3A = tpu.sem_alloc : memref<!tpu.dma_semaphore, #tpu.memory_space<semaphore_mem>>
      %dma_start3A = arith.constant 0 : i32
      %dma_start3A_858 = arith.constant 0 : i32
      %dma_start3A_859 = tpu.memref_slice %arg16[%dma_start3A, %dma_start3A_858] : memref<10240x128xf32, #tpu.memory_space<vmem_shared>> -> memref<10240x128xf32, #tpu.memory_space<vmem_shared>>
      tpu.enqueue_indirect_dma source(%dma_start3A_859 : memref<10240x128xf32, #tpu.memory_space<vmem_shared>>) target(%arg12 : memref<80x128xf32, #tpu.memory_space<vmem>>) offsets(%arg9 : memref<80xi32, #tpu.memory_space<vmem>>) semaphore(%run_scoped3A : memref<!tpu.dma_semaphore, #tpu.memory_space<semaphore_mem>>)
      %dma_wait3A = arith.constant 0 : i32
      %dma_wait3A_860 = arith.constant 0 : i32
      %dma_wait3A_861 = tpu.memref_slice %arg16[%dma_wait3A, %dma_wait3A_860] : memref<10240x128xf32, #tpu.memory_space<vmem_shared>> -> memref<10240x128xf32, #tpu.memory_space<vmem_shared>>
      tpu.wait_indirect_dma semaphore(%run_scoped3A : memref<!tpu.dma_semaphore, #tpu.memory_space<semaphore_mem>>) src(%dma_wait3A_861 : memref<10240x128xf32, #tpu.memory_space<vmem_shared>>) dst(%arg12 : memref<80x128xf32, #tpu.memory_space<vmem>>)
      tpu.yield
    }) : () -> ()
    "tpu.region"() ({
      %run_scoped3A = tpu.sem_alloc : memref<!tpu.dma_semaphore, #tpu.memory_space<semaphore_mem>>
      %dma_start3A = arith.constant 0 : i32
      %dma_start3A_858 = tpu.memref_slice %arg7[%arg0, %add3A_589, %dma_start3A] : memref<2x10240x128xf32, #tpu.memory_space<hbm>> -> memref<1x80x128xf32, #tpu.memory_space<hbm>>
      %dma_start3A_859 = tpu.memref_squeeze %dma_start3A_858 : memref<1x80x128xf32, #tpu.memory_space<hbm>> -> memref<80x128xf32, #tpu.memory_space<hbm>>
      %dma_start3A_860 = arith.constant 0 : i32
      %dma_start3A_861 = tpu.memref_slice %arg7[%arg0, %add3A_589, %dma_start3A_860] : memref<2x10240x128xf32, #tpu.memory_space<hbm>> -> memref<1x80x128xf32, #tpu.memory_space<hbm>>
      %dma_start3A_862 = tpu.memref_squeeze %dma_start3A_861 : memref<1x80x128xf32, #tpu.memory_space<hbm>> -> memref<80x128xf32, #tpu.memory_space<hbm>>
      tpu.enqueue_dma source(%arg12 : memref<80x128xf32, #tpu.memory_space<vmem>>) target(%dma_start3A_862 : memref<80x128xf32, #tpu.memory_space<hbm>>) target_semaphore(%run_scoped3A : memref<!tpu.dma_semaphore, #tpu.memory_space<semaphore_mem>>)
      %dma_wait3A = arith.constant 0 : i32
      %dma_wait3A_863 = tpu.memref_slice %arg7[%arg0, %add3A_589, %dma_wait3A] : memref<2x10240x128xf32, #tpu.memory_space<hbm>> -> memref<1x80x128xf32, #tpu.memory_space<hbm>>
      %dma_wait3A_864 = tpu.memref_squeeze %dma_wait3A_863 : memref<1x80x128xf32, #tpu.memory_space<hbm>> -> memref<80x128xf32, #tpu.memory_space<hbm>>
      %dma_wait3A_865 = arith.constant 0 : i32
      %dma_wait3A_866 = tpu.memref_slice %arg7[%arg0, %add3A_589, %dma_wait3A_865] : memref<2x10240x128xf32, #tpu.memory_space<hbm>> -> memref<1x80x128xf32, #tpu.memory_space<hbm>>
      %dma_wait3A_867 = tpu.memref_squeeze %dma_wait3A_866 : memref<1x80x128xf32, #tpu.memory_space<hbm>> -> memref<80x128xf32, #tpu.memory_space<hbm>>
      tpu.wait_dma2 semaphore(%run_scoped3A : memref<!tpu.dma_semaphore, #tpu.memory_space<semaphore_mem>>) src(%arg12 : memref<80x128xf32, #tpu.memory_space<vmem>>) dst(%dma_wait3A_867 : memref<80x128xf32, #tpu.memory_space<hbm>>)
      tpu.yield
    }) : () -> ()
    %mul3A_630 = arith.constant 640 : i32
    %mul3A_631 = arith.muli %arg1, %mul3A_630 : i32
    %add3A_632 = arith.constant 320 : i32
    %add3A_633 = arith.addi %mul3A_631, %add3A_632 : i32
    %add3A_634 = arith.constant 0 : i32
    %add3A_635 = arith.addi %add3A_633, %add3A_634 : i32
    %add3A_636 = vector.broadcast %add3A_635 : i32 to vector<16xi32>
    %add3A_637 = arith.addi %iota3A, %add3A_636 : vector<16xi32>
    %swap3A_638 = arith.constant 0 : index
    %swap3A_639 = tpu.vector_load %arg9[%swap3A_638] {strides = array<i32>} : memref<80xi32, #tpu.memory_space<vmem>>, vector<16xi32>,
    %swap3A_640 = vector.shape_cast %swap3A_639 : vector<16xi32> to vector<16xi32>
    %swap3A_641 = vector.shape_cast %add3A_637 : vector<16xi32> to vector<16xi32>
    tpu.vector_store %arg9[%swap3A_638], %swap3A_641 {strides = array<i32>} : memref<80xi32, #tpu.memory_space<vmem>>, vector<16xi32>,
    %add3A_642 = arith.constant 16 : i32
    %add3A_643 = arith.addi %add3A_633, %add3A_642 : i32
    %add3A_644 = vector.broadcast %add3A_643 : i32 to vector<16xi32>
    %add3A_645 = arith.addi %iota3A, %add3A_644 : vector<16xi32>
    %swap3A_646 = arith.constant 16 : index
    %swap3A_647 = tpu.vector_load %arg9[%swap3A_646] {strides = array<i32>} : memref<80xi32, #tpu.memory_space<vmem>>, vector<16xi32>,
    %swap3A_648 = vector.shape_cast %swap3A_647 : vector<16xi32> to vector<16xi32>
    %swap3A_649 = vector.shape_cast %add3A_645 : vector<16xi32> to vector<16xi32>
    tpu.vector_store %arg9[%swap3A_646], %swap3A_649 {strides = array<i32>} : memref<80xi32, #tpu.memory_space<vmem>>, vector<16xi32>,
    %add3A_650 = arith.constant 32 : i32
    %add3A_651 = arith.addi %add3A_633, %add3A_650 : i32
    %add3A_652 = vector.broadcast %add3A_651 : i32 to vector<16xi32>
    %add3A_653 = arith.addi %iota3A, %add3A_652 : vector<16xi32>
    %swap3A_654 = arith.constant 32 : index
    %swap3A_655 = tpu.vector_load %arg9[%swap3A_654] {strides = array<i32>} : memref<80xi32, #tpu.memory_space<vmem>>, vector<16xi32>,
    %swap3A_656 = vector.shape_cast %swap3A_655 : vector<16xi32> to vector<16xi32>
    %swap3A_657 = vector.shape_cast %add3A_653 : vector<16xi32> to vector<16xi32>
    tpu.vector_store %arg9[%swap3A_654], %swap3A_657 {strides = array<i32>} : memref<80xi32, #tpu.memory_space<vmem>>, vector<16xi32>,
    %add3A_658 = arith.constant 48 : i32
    %add3A_659 = arith.addi %add3A_633, %add3A_658 : i32
    %add3A_660 = vector.broadcast %add3A_659 : i32 to vector<16xi32>
    %add3A_661 = arith.addi %iota3A, %add3A_660 : vector<16xi32>
    %swap3A_662 = arith.constant 48 : index
    %swap3A_663 = tpu.vector_load %arg9[%swap3A_662] {strides = array<i32>} : memref<80xi32, #tpu.memory_space<vmem>>, vector<16xi32>,
    %swap3A_664 = vector.shape_cast %swap3A_663 : vector<16xi32> to vector<16xi32>
    %swap3A_665 = vector.shape_cast %add3A_661 : vector<16xi32> to vector<16xi32>
    tpu.vector_store %arg9[%swap3A_662], %swap3A_665 {strides = array<i32>} : memref<80xi32, #tpu.memory_space<vmem>>, vector<16xi32>,
    %add3A_666 = arith.constant 64 : i32
    %add3A_667 = arith.addi %add3A_633, %add3A_666 : i32
    %add3A_668 = vector.broadcast %add3A_667 : i32 to vector<16xi32>
    %add3A_669 = arith.addi %iota3A, %add3A_668 : vector<16xi32>
    %swap3A_670 = arith.constant 64 : index
    %swap3A_671 = tpu.vector_load %arg9[%swap3A_670] {strides = array<i32>} : memref<80xi32, #tpu.memory_space<vmem>>, vector<16xi32>,
    %swap3A_672 = vector.shape_cast %swap3A_671 : vector<16xi32> to vector<16xi32>
    %swap3A_673 = vector.shape_cast %add3A_669 : vector<16xi32> to vector<16xi32>
    tpu.vector_store %arg9[%swap3A_670], %swap3A_673 {strides = array<i32>} : memref<80xi32, #tpu.memory_space<vmem>>, vector<16xi32>,
    "tpu.region"() ({
      %run_scoped3A = tpu.sem_alloc : memref<!tpu.dma_semaphore, #tpu.memory_space<semaphore_mem>>
      %dma_start3A = arith.constant 0 : i32
      %dma_start3A_858 = arith.constant 0 : i32
      %dma_start3A_859 = tpu.memref_slice %arg16[%dma_start3A, %dma_start3A_858] : memref<10240x128xf32, #tpu.memory_space<vmem_shared>> -> memref<10240x128xf32, #tpu.memory_space<vmem_shared>>
      tpu.enqueue_indirect_dma source(%dma_start3A_859 : memref<10240x128xf32, #tpu.memory_space<vmem_shared>>) target(%arg12 : memref<80x128xf32, #tpu.memory_space<vmem>>) offsets(%arg9 : memref<80xi32, #tpu.memory_space<vmem>>) semaphore(%run_scoped3A : memref<!tpu.dma_semaphore, #tpu.memory_space<semaphore_mem>>)
      %dma_wait3A = arith.constant 0 : i32
      %dma_wait3A_860 = arith.constant 0 : i32
      %dma_wait3A_861 = tpu.memref_slice %arg16[%dma_wait3A, %dma_wait3A_860] : memref<10240x128xf32, #tpu.memory_space<vmem_shared>> -> memref<10240x128xf32, #tpu.memory_space<vmem_shared>>
      tpu.wait_indirect_dma semaphore(%run_scoped3A : memref<!tpu.dma_semaphore, #tpu.memory_space<semaphore_mem>>) src(%dma_wait3A_861 : memref<10240x128xf32, #tpu.memory_space<vmem_shared>>) dst(%arg12 : memref<80x128xf32, #tpu.memory_space<vmem>>)
      tpu.yield
    }) : () -> ()
    "tpu.region"() ({
      %run_scoped3A = tpu.sem_alloc : memref<!tpu.dma_semaphore, #tpu.memory_space<semaphore_mem>>
      %dma_start3A = arith.constant 0 : i32
      %dma_start3A_858 = tpu.memref_slice %arg7[%arg0, %add3A_633, %dma_start3A] : memref<2x10240x128xf32, #tpu.memory_space<hbm>> -> memref<1x80x128xf32, #tpu.memory_space<hbm>>
      %dma_start3A_859 = tpu.memref_squeeze %dma_start3A_858 : memref<1x80x128xf32, #tpu.memory_space<hbm>> -> memref<80x128xf32, #tpu.memory_space<hbm>>
      %dma_start3A_860 = arith.constant 0 : i32
      %dma_start3A_861 = tpu.memref_slice %arg7[%arg0, %add3A_633, %dma_start3A_860] : memref<2x10240x128xf32, #tpu.memory_space<hbm>> -> memref<1x80x128xf32, #tpu.memory_space<hbm>>
      %dma_start3A_862 = tpu.memref_squeeze %dma_start3A_861 : memref<1x80x128xf32, #tpu.memory_space<hbm>> -> memref<80x128xf32, #tpu.memory_space<hbm>>
      tpu.enqueue_dma source(%arg12 : memref<80x128xf32, #tpu.memory_space<vmem>>) target(%dma_start3A_862 : memref<80x128xf32, #tpu.memory_space<hbm>>) target_semaphore(%run_scoped3A : memref<!tpu.dma_semaphore, #tpu.memory_space<semaphore_mem>>)
      %dma_wait3A = arith.constant 0 : i32
      %dma_wait3A_863 = tpu.memref_slice %arg7[%arg0, %add3A_633, %dma_wait3A] : memref<2x10240x128xf32, #tpu.memory_space<hbm>> -> memref<1x80x128xf32, #tpu.memory_space<hbm>>
      %dma_wait3A_864 = tpu.memref_squeeze %dma_wait3A_863 : memref<1x80x128xf32, #tpu.memory_space<hbm>> -> memref<80x128xf32, #tpu.memory_space<hbm>>
      %dma_wait3A_865 = arith.constant 0 : i32
      %dma_wait3A_866 = tpu.memref_slice %arg7[%arg0, %add3A_633, %dma_wait3A_865] : memref<2x10240x128xf32, #tpu.memory_space<hbm>> -> memref<1x80x128xf32, #tpu.memory_space<hbm>>
      %dma_wait3A_867 = tpu.memref_squeeze %dma_wait3A_866 : memref<1x80x128xf32, #tpu.memory_space<hbm>> -> memref<80x128xf32, #tpu.memory_space<hbm>>
      tpu.wait_dma2 semaphore(%run_scoped3A : memref<!tpu.dma_semaphore, #tpu.memory_space<semaphore_mem>>) src(%arg12 : memref<80x128xf32, #tpu.memory_space<vmem>>) dst(%dma_wait3A_867 : memref<80x128xf32, #tpu.memory_space<hbm>>)
      tpu.yield
    }) : () -> ()
    %mul3A_674 = arith.constant 640 : i32
    %mul3A_675 = arith.muli %arg1, %mul3A_674 : i32
    %add3A_676 = arith.constant 400 : i32
    %add3A_677 = arith.addi %mul3A_675, %add3A_676 : i32
    %add3A_678 = arith.constant 0 : i32
    %add3A_679 = arith.addi %add3A_677, %add3A_678 : i32
    %add3A_680 = vector.broadcast %add3A_679 : i32 to vector<16xi32>
    %add3A_681 = arith.addi %iota3A, %add3A_680 : vector<16xi32>
    %swap3A_682 = arith.constant 0 : index
    %swap3A_683 = tpu.vector_load %arg9[%swap3A_682] {strides = array<i32>} : memref<80xi32, #tpu.memory_space<vmem>>, vector<16xi32>,
    %swap3A_684 = vector.shape_cast %swap3A_683 : vector<16xi32> to vector<16xi32>
    %swap3A_685 = vector.shape_cast %add3A_681 : vector<16xi32> to vector<16xi32>
    tpu.vector_store %arg9[%swap3A_682], %swap3A_685 {strides = array<i32>} : memref<80xi32, #tpu.memory_space<vmem>>, vector<16xi32>,
    %add3A_686 = arith.constant 16 : i32
    %add3A_687 = arith.addi %add3A_677, %add3A_686 : i32
    %add3A_688 = vector.broadcast %add3A_687 : i32 to vector<16xi32>
    %add3A_689 = arith.addi %iota3A, %add3A_688 : vector<16xi32>
    %swap3A_690 = arith.constant 16 : index
    %swap3A_691 = tpu.vector_load %arg9[%swap3A_690] {strides = array<i32>} : memref<80xi32, #tpu.memory_space<vmem>>, vector<16xi32>,
    %swap3A_692 = vector.shape_cast %swap3A_691 : vector<16xi32> to vector<16xi32>
    %swap3A_693 = vector.shape_cast %add3A_689 : vector<16xi32> to vector<16xi32>
    tpu.vector_store %arg9[%swap3A_690], %swap3A_693 {strides = array<i32>} : memref<80xi32, #tpu.memory_space<vmem>>, vector<16xi32>,
    %add3A_694 = arith.constant 32 : i32
    %add3A_695 = arith.addi %add3A_677, %add3A_694 : i32
    %add3A_696 = vector.broadcast %add3A_695 : i32 to vector<16xi32>
    %add3A_697 = arith.addi %iota3A, %add3A_696 : vector<16xi32>
    %swap3A_698 = arith.constant 32 : index
    %swap3A_699 = tpu.vector_load %arg9[%swap3A_698] {strides = array<i32>} : memref<80xi32, #tpu.memory_space<vmem>>, vector<16xi32>,
    %swap3A_700 = vector.shape_cast %swap3A_699 : vector<16xi32> to vector<16xi32>
    %swap3A_701 = vector.shape_cast %add3A_697 : vector<16xi32> to vector<16xi32>
    tpu.vector_store %arg9[%swap3A_698], %swap3A_701 {strides = array<i32>} : memref<80xi32, #tpu.memory_space<vmem>>, vector<16xi32>,
    %add3A_702 = arith.constant 48 : i32
    %add3A_703 = arith.addi %add3A_677, %add3A_702 : i32
    %add3A_704 = vector.broadcast %add3A_703 : i32 to vector<16xi32>
    %add3A_705 = arith.addi %iota3A, %add3A_704 : vector<16xi32>
    %swap3A_706 = arith.constant 48 : index
    %swap3A_707 = tpu.vector_load %arg9[%swap3A_706] {strides = array<i32>} : memref<80xi32, #tpu.memory_space<vmem>>, vector<16xi32>,
    %swap3A_708 = vector.shape_cast %swap3A_707 : vector<16xi32> to vector<16xi32>
    %swap3A_709 = vector.shape_cast %add3A_705 : vector<16xi32> to vector<16xi32>
    tpu.vector_store %arg9[%swap3A_706], %swap3A_709 {strides = array<i32>} : memref<80xi32, #tpu.memory_space<vmem>>, vector<16xi32>,
    %add3A_710 = arith.constant 64 : i32
    %add3A_711 = arith.addi %add3A_677, %add3A_710 : i32
    %add3A_712 = vector.broadcast %add3A_711 : i32 to vector<16xi32>
    %add3A_713 = arith.addi %iota3A, %add3A_712 : vector<16xi32>
    %swap3A_714 = arith.constant 64 : index
    %swap3A_715 = tpu.vector_load %arg9[%swap3A_714] {strides = array<i32>} : memref<80xi32, #tpu.memory_space<vmem>>, vector<16xi32>,
    %swap3A_716 = vector.shape_cast %swap3A_715 : vector<16xi32> to vector<16xi32>
    %swap3A_717 = vector.shape_cast %add3A_713 : vector<16xi32> to vector<16xi32>
    tpu.vector_store %arg9[%swap3A_714], %swap3A_717 {strides = array<i32>} : memref<80xi32, #tpu.memory_space<vmem>>, vector<16xi32>,
    "tpu.region"() ({
      %run_scoped3A = tpu.sem_alloc : memref<!tpu.dma_semaphore, #tpu.memory_space<semaphore_mem>>
      %dma_start3A = arith.constant 0 : i32
      %dma_start3A_858 = arith.constant 0 : i32
      %dma_start3A_859 = tpu.memref_slice %arg16[%dma_start3A, %dma_start3A_858] : memref<10240x128xf32, #tpu.memory_space<vmem_shared>> -> memref<10240x128xf32, #tpu.memory_space<vmem_shared>>
      tpu.enqueue_indirect_dma source(%dma_start3A_859 : memref<10240x128xf32, #tpu.memory_space<vmem_shared>>) target(%arg12 : memref<80x128xf32, #tpu.memory_space<vmem>>) offsets(%arg9 : memref<80xi32, #tpu.memory_space<vmem>>) semaphore(%run_scoped3A : memref<!tpu.dma_semaphore, #tpu.memory_space<semaphore_mem>>)
      %dma_wait3A = arith.constant 0 : i32
      %dma_wait3A_860 = arith.constant 0 : i32
      %dma_wait3A_861 = tpu.memref_slice %arg16[%dma_wait3A, %dma_wait3A_860] : memref<10240x128xf32, #tpu.memory_space<vmem_shared>> -> memref<10240x128xf32, #tpu.memory_space<vmem_shared>>
      tpu.wait_indirect_dma semaphore(%run_scoped3A : memref<!tpu.dma_semaphore, #tpu.memory_space<semaphore_mem>>) src(%dma_wait3A_861 : memref<10240x128xf32, #tpu.memory_space<vmem_shared>>) dst(%arg12 : memref<80x128xf32, #tpu.memory_space<vmem>>)
      tpu.yield
    }) : () -> ()
    "tpu.region"() ({
      %run_scoped3A = tpu.sem_alloc : memref<!tpu.dma_semaphore, #tpu.memory_space<semaphore_mem>>
      %dma_start3A = arith.constant 0 : i32
      %dma_start3A_858 = tpu.memref_slice %arg7[%arg0, %add3A_677, %dma_start3A] : memref<2x10240x128xf32, #tpu.memory_space<hbm>> -> memref<1x80x128xf32, #tpu.memory_space<hbm>>
      %dma_start3A_859 = tpu.memref_squeeze %dma_start3A_858 : memref<1x80x128xf32, #tpu.memory_space<hbm>> -> memref<80x128xf32, #tpu.memory_space<hbm>>
      %dma_start3A_860 = arith.constant 0 : i32
      %dma_start3A_861 = tpu.memref_slice %arg7[%arg0, %add3A_677, %dma_start3A_860] : memref<2x10240x128xf32, #tpu.memory_space<hbm>> -> memref<1x80x128xf32, #tpu.memory_space<hbm>>
      %dma_start3A_862 = tpu.memref_squeeze %dma_start3A_861 : memref<1x80x128xf32, #tpu.memory_space<hbm>> -> memref<80x128xf32, #tpu.memory_space<hbm>>
      tpu.enqueue_dma source(%arg12 : memref<80x128xf32, #tpu.memory_space<vmem>>) target(%dma_start3A_862 : memref<80x128xf32, #tpu.memory_space<hbm>>) target_semaphore(%run_scoped3A : memref<!tpu.dma_semaphore, #tpu.memory_space<semaphore_mem>>)
      %dma_wait3A = arith.constant 0 : i32
      %dma_wait3A_863 = tpu.memref_slice %arg7[%arg0, %add3A_677, %dma_wait3A] : memref<2x10240x128xf32, #tpu.memory_space<hbm>> -> memref<1x80x128xf32, #tpu.memory_space<hbm>>
      %dma_wait3A_864 = tpu.memref_squeeze %dma_wait3A_863 : memref<1x80x128xf32, #tpu.memory_space<hbm>> -> memref<80x128xf32, #tpu.memory_space<hbm>>
      %dma_wait3A_865 = arith.constant 0 : i32
      %dma_wait3A_866 = tpu.memref_slice %arg7[%arg0, %add3A_677, %dma_wait3A_865] : memref<2x10240x128xf32, #tpu.memory_space<hbm>> -> memref<1x80x128xf32, #tpu.memory_space<hbm>>
      %dma_wait3A_867 = tpu.memref_squeeze %dma_wait3A_866 : memref<1x80x128xf32, #tpu.memory_space<hbm>> -> memref<80x128xf32, #tpu.memory_space<hbm>>
      tpu.wait_dma2 semaphore(%run_scoped3A : memref<!tpu.dma_semaphore, #tpu.memory_space<semaphore_mem>>) src(%arg12 : memref<80x128xf32, #tpu.memory_space<vmem>>) dst(%dma_wait3A_867 : memref<80x128xf32, #tpu.memory_space<hbm>>)
      tpu.yield
    }) : () -> ()
    %mul3A_718 = arith.constant 640 : i32
    %mul3A_719 = arith.muli %arg1, %mul3A_718 : i32
    %add3A_720 = arith.constant 480 : i32
    %add3A_721 = arith.addi %mul3A_719, %add3A_720 : i32
    %add3A_722 = arith.constant 0 : i32
    %add3A_723 = arith.addi %add3A_721, %add3A_722 : i32
    %add3A_724 = vector.broadcast %add3A_723 : i32 to vector<16xi32>
    %add3A_725 = arith.addi %iota3A, %add3A_724 : vector<16xi32>
    %swap3A_726 = arith.constant 0 : index
    %swap3A_727 = tpu.vector_load %arg9[%swap3A_726] {strides = array<i32>} : memref<80xi32, #tpu.memory_space<vmem>>, vector<16xi32>,
    %swap3A_728 = vector.shape_cast %swap3A_727 : vector<16xi32> to vector<16xi32>
    %swap3A_729 = vector.shape_cast %add3A_725 : vector<16xi32> to vector<16xi32>
    tpu.vector_store %arg9[%swap3A_726], %swap3A_729 {strides = array<i32>} : memref<80xi32, #tpu.memory_space<vmem>>, vector<16xi32>,
    %add3A_730 = arith.constant 16 : i32
    %add3A_731 = arith.addi %add3A_721, %add3A_730 : i32
    %add3A_732 = vector.broadcast %add3A_731 : i32 to vector<16xi32>
    %add3A_733 = arith.addi %iota3A, %add3A_732 : vector<16xi32>
    %swap3A_734 = arith.constant 16 : index
    %swap3A_735 = tpu.vector_load %arg9[%swap3A_734] {strides = array<i32>} : memref<80xi32, #tpu.memory_space<vmem>>, vector<16xi32>,
    %swap3A_736 = vector.shape_cast %swap3A_735 : vector<16xi32> to vector<16xi32>
    %swap3A_737 = vector.shape_cast %add3A_733 : vector<16xi32> to vector<16xi32>
    tpu.vector_store %arg9[%swap3A_734], %swap3A_737 {strides = array<i32>} : memref<80xi32, #tpu.memory_space<vmem>>, vector<16xi32>,
    %add3A_738 = arith.constant 32 : i32
    %add3A_739 = arith.addi %add3A_721, %add3A_738 : i32
    %add3A_740 = vector.broadcast %add3A_739 : i32 to vector<16xi32>
    %add3A_741 = arith.addi %iota3A, %add3A_740 : vector<16xi32>
    %swap3A_742 = arith.constant 32 : index
    %swap3A_743 = tpu.vector_load %arg9[%swap3A_742] {strides = array<i32>} : memref<80xi32, #tpu.memory_space<vmem>>, vector<16xi32>,
    %swap3A_744 = vector.shape_cast %swap3A_743 : vector<16xi32> to vector<16xi32>
    %swap3A_745 = vector.shape_cast %add3A_741 : vector<16xi32> to vector<16xi32>
    tpu.vector_store %arg9[%swap3A_742], %swap3A_745 {strides = array<i32>} : memref<80xi32, #tpu.memory_space<vmem>>, vector<16xi32>,
    %add3A_746 = arith.constant 48 : i32
    %add3A_747 = arith.addi %add3A_721, %add3A_746 : i32
    %add3A_748 = vector.broadcast %add3A_747 : i32 to vector<16xi32>
    %add3A_749 = arith.addi %iota3A, %add3A_748 : vector<16xi32>
    %swap3A_750 = arith.constant 48 : index
    %swap3A_751 = tpu.vector_load %arg9[%swap3A_750] {strides = array<i32>} : memref<80xi32, #tpu.memory_space<vmem>>, vector<16xi32>,
    %swap3A_752 = vector.shape_cast %swap3A_751 : vector<16xi32> to vector<16xi32>
    %swap3A_753 = vector.shape_cast %add3A_749 : vector<16xi32> to vector<16xi32>
    tpu.vector_store %arg9[%swap3A_750], %swap3A_753 {strides = array<i32>} : memref<80xi32, #tpu.memory_space<vmem>>, vector<16xi32>,
    %add3A_754 = arith.constant 64 : i32
    %add3A_755 = arith.addi %add3A_721, %add3A_754 : i32
    %add3A_756 = vector.broadcast %add3A_755 : i32 to vector<16xi32>
    %add3A_757 = arith.addi %iota3A, %add3A_756 : vector<16xi32>
    %swap3A_758 = arith.constant 64 : index
    %swap3A_759 = tpu.vector_load %arg9[%swap3A_758] {strides = array<i32>} : memref<80xi32, #tpu.memory_space<vmem>>, vector<16xi32>,
    %swap3A_760 = vector.shape_cast %swap3A_759 : vector<16xi32> to vector<16xi32>
    %swap3A_761 = vector.shape_cast %add3A_757 : vector<16xi32> to vector<16xi32>
    tpu.vector_store %arg9[%swap3A_758], %swap3A_761 {strides = array<i32>} : memref<80xi32, #tpu.memory_space<vmem>>, vector<16xi32>,
    "tpu.region"() ({
      %run_scoped3A = tpu.sem_alloc : memref<!tpu.dma_semaphore, #tpu.memory_space<semaphore_mem>>
      %dma_start3A = arith.constant 0 : i32
      %dma_start3A_858 = arith.constant 0 : i32
      %dma_start3A_859 = tpu.memref_slice %arg16[%dma_start3A, %dma_start3A_858] : memref<10240x128xf32, #tpu.memory_space<vmem_shared>> -> memref<10240x128xf32, #tpu.memory_space<vmem_shared>>
      tpu.enqueue_indirect_dma source(%dma_start3A_859 : memref<10240x128xf32, #tpu.memory_space<vmem_shared>>) target(%arg12 : memref<80x128xf32, #tpu.memory_space<vmem>>) offsets(%arg9 : memref<80xi32, #tpu.memory_space<vmem>>) semaphore(%run_scoped3A : memref<!tpu.dma_semaphore, #tpu.memory_space<semaphore_mem>>)
      %dma_wait3A = arith.constant 0 : i32
      %dma_wait3A_860 = arith.constant 0 : i32
      %dma_wait3A_861 = tpu.memref_slice %arg16[%dma_wait3A, %dma_wait3A_860] : memref<10240x128xf32, #tpu.memory_space<vmem_shared>> -> memref<10240x128xf32, #tpu.memory_space<vmem_shared>>
      tpu.wait_indirect_dma semaphore(%run_scoped3A : memref<!tpu.dma_semaphore, #tpu.memory_space<semaphore_mem>>) src(%dma_wait3A_861 : memref<10240x128xf32, #tpu.memory_space<vmem_shared>>) dst(%arg12 : memref<80x128xf32, #tpu.memory_space<vmem>>)
      tpu.yield
    }) : () -> ()
    "tpu.region"() ({
      %run_scoped3A = tpu.sem_alloc : memref<!tpu.dma_semaphore, #tpu.memory_space<semaphore_mem>>
      %dma_start3A = arith.constant 0 : i32
      %dma_start3A_858 = tpu.memref_slice %arg7[%arg0, %add3A_721, %dma_start3A] : memref<2x10240x128xf32, #tpu.memory_space<hbm>> -> memref<1x80x128xf32, #tpu.memory_space<hbm>>
      %dma_start3A_859 = tpu.memref_squeeze %dma_start3A_858 : memref<1x80x128xf32, #tpu.memory_space<hbm>> -> memref<80x128xf32, #tpu.memory_space<hbm>>
      %dma_start3A_860 = arith.constant 0 : i32
      %dma_start3A_861 = tpu.memref_slice %arg7[%arg0, %add3A_721, %dma_start3A_860] : memref<2x10240x128xf32, #tpu.memory_space<hbm>> -> memref<1x80x128xf32, #tpu.memory_space<hbm>>
      %dma_start3A_862 = tpu.memref_squeeze %dma_start3A_861 : memref<1x80x128xf32, #tpu.memory_space<hbm>> -> memref<80x128xf32, #tpu.memory_space<hbm>>
      tpu.enqueue_dma source(%arg12 : memref<80x128xf32, #tpu.memory_space<vmem>>) target(%dma_start3A_862 : memref<80x128xf32, #tpu.memory_space<hbm>>) target_semaphore(%run_scoped3A : memref<!tpu.dma_semaphore, #tpu.memory_space<semaphore_mem>>)
      %dma_wait3A = arith.constant 0 : i32
      %dma_wait3A_863 = tpu.memref_slice %arg7[%arg0, %add3A_721, %dma_wait3A] : memref<2x10240x128xf32, #tpu.memory_space<hbm>> -> memref<1x80x128xf32, #tpu.memory_space<hbm>>
      %dma_wait3A_864 = tpu.memref_squeeze %dma_wait3A_863 : memref<1x80x128xf32, #tpu.memory_space<hbm>> -> memref<80x128xf32, #tpu.memory_space<hbm>>
      %dma_wait3A_865 = arith.constant 0 : i32
      %dma_wait3A_866 = tpu.memref_slice %arg7[%arg0, %add3A_721, %dma_wait3A_865] : memref<2x10240x128xf32, #tpu.memory_space<hbm>> -> memref<1x80x128xf32, #tpu.memory_space<hbm>>
      %dma_wait3A_867 = tpu.memref_squeeze %dma_wait3A_866 : memref<1x80x128xf32, #tpu.memory_space<hbm>> -> memref<80x128xf32, #tpu.memory_space<hbm>>
      tpu.wait_dma2 semaphore(%run_scoped3A : memref<!tpu.dma_semaphore, #tpu.memory_space<semaphore_mem>>) src(%arg12 : memref<80x128xf32, #tpu.memory_space<vmem>>) dst(%dma_wait3A_867 : memref<80x128xf32, #tpu.memory_space<hbm>>)
      tpu.yield
    }) : () -> ()
    %mul3A_762 = arith.constant 640 : i32
    %mul3A_763 = arith.muli %arg1, %mul3A_762 : i32
    %add3A_764 = arith.constant 560 : i32
    %add3A_765 = arith.addi %mul3A_763, %add3A_764 : i32
    %add3A_766 = arith.constant 0 : i32
    %add3A_767 = arith.addi %add3A_765, %add3A_766 : i32
    %add3A_768 = vector.broadcast %add3A_767 : i32 to vector<16xi32>
    %add3A_769 = arith.addi %iota3A, %add3A_768 : vector<16xi32>
    %swap3A_770 = arith.constant 0 : index
    %swap3A_771 = tpu.vector_load %arg9[%swap3A_770] {strides = array<i32>} : memref<80xi32, #tpu.memory_space<vmem>>, vector<16xi32>,
    %swap3A_772 = vector.shape_cast %swap3A_771 : vector<16xi32> to vector<16xi32>
    %swap3A_773 = vector.shape_cast %add3A_769 : vector<16xi32> to vector<16xi32>
    tpu.vector_store %arg9[%swap3A_770], %swap3A_773 {strides = array<i32>} : memref<80xi32, #tpu.memory_space<vmem>>, vector<16xi32>,
    %add3A_774 = arith.constant 16 : i32
    %add3A_775 = arith.addi %add3A_765, %add3A_774 : i32
    %add3A_776 = vector.broadcast %add3A_775 : i32 to vector<16xi32>
    %add3A_777 = arith.addi %iota3A, %add3A_776 : vector<16xi32>
    %swap3A_778 = arith.constant 16 : index
    %swap3A_779 = tpu.vector_load %arg9[%swap3A_778] {strides = array<i32>} : memref<80xi32, #tpu.memory_space<vmem>>, vector<16xi32>,
    %swap3A_780 = vector.shape_cast %swap3A_779 : vector<16xi32> to vector<16xi32>
    %swap3A_781 = vector.shape_cast %add3A_777 : vector<16xi32> to vector<16xi32>
    tpu.vector_store %arg9[%swap3A_778], %swap3A_781 {strides = array<i32>} : memref<80xi32, #tpu.memory_space<vmem>>, vector<16xi32>,
    %add3A_782 = arith.constant 32 : i32
    %add3A_783 = arith.addi %add3A_765, %add3A_782 : i32
    %add3A_784 = vector.broadcast %add3A_783 : i32 to vector<16xi32>
    %add3A_785 = arith.addi %iota3A, %add3A_784 : vector<16xi32>
    %swap3A_786 = arith.constant 32 : index
    %swap3A_787 = tpu.vector_load %arg9[%swap3A_786] {strides = array<i32>} : memref<80xi32, #tpu.memory_space<vmem>>, vector<16xi32>,
    %swap3A_788 = vector.shape_cast %swap3A_787 : vector<16xi32> to vector<16xi32>
    %swap3A_789 = vector.shape_cast %add3A_785 : vector<16xi32> to vector<16xi32>
    tpu.vector_store %arg9[%swap3A_786], %swap3A_789 {strides = array<i32>} : memref<80xi32, #tpu.memory_space<vmem>>, vector<16xi32>,
    %add3A_790 = arith.constant 48 : i32
    %add3A_791 = arith.addi %add3A_765, %add3A_790 : i32
    %add3A_792 = vector.broadcast %add3A_791 : i32 to vector<16xi32>
    %add3A_793 = arith.addi %iota3A, %add3A_792 : vector<16xi32>
    %swap3A_794 = arith.constant 48 : index
    %swap3A_795 = tpu.vector_load %arg9[%swap3A_794] {strides = array<i32>} : memref<80xi32, #tpu.memory_space<vmem>>, vector<16xi32>,
    %swap3A_796 = vector.shape_cast %swap3A_795 : vector<16xi32> to vector<16xi32>
    %swap3A_797 = vector.shape_cast %add3A_793 : vector<16xi32> to vector<16xi32>
    tpu.vector_store %arg9[%swap3A_794], %swap3A_797 {strides = array<i32>} : memref<80xi32, #tpu.memory_space<vmem>>, vector<16xi32>,
    %add3A_798 = arith.constant 64 : i32
    %add3A_799 = arith.addi %add3A_765, %add3A_798 : i32
    %add3A_800 = vector.broadcast %add3A_799 : i32 to vector<16xi32>
    %add3A_801 = arith.addi %iota3A, %add3A_800 : vector<16xi32>
    %swap3A_802 = arith.constant 64 : index
    %swap3A_803 = tpu.vector_load %arg9[%swap3A_802] {strides = array<i32>} : memref<80xi32, #tpu.memory_space<vmem>>, vector<16xi32>,
    %swap3A_804 = vector.shape_cast %swap3A_803 : vector<16xi32> to vector<16xi32>
    %swap3A_805 = vector.shape_cast %add3A_801 : vector<16xi32> to vector<16xi32>
    tpu.vector_store %arg9[%swap3A_802], %swap3A_805 {strides = array<i32>} : memref<80xi32, #tpu.memory_space<vmem>>, vector<16xi32>,
    "tpu.region"() ({
      %run_scoped3A = tpu.sem_alloc : memref<!tpu.dma_semaphore, #tpu.memory_space<semaphore_mem>>
      %dma_start3A = arith.constant 0 : i32
      %dma_start3A_858 = arith.constant 0 : i32
      %dma_start3A_859 = tpu.memref_slice %arg16[%dma_start3A, %dma_start3A_858] : memref<10240x128xf32, #tpu.memory_space<vmem_shared>> -> memref<10240x128xf32, #tpu.memory_space<vmem_shared>>
      tpu.enqueue_indirect_dma source(%dma_start3A_859 : memref<10240x128xf32, #tpu.memory_space<vmem_shared>>) target(%arg12 : memref<80x128xf32, #tpu.memory_space<vmem>>) offsets(%arg9 : memref<80xi32, #tpu.memory_space<vmem>>) semaphore(%run_scoped3A : memref<!tpu.dma_semaphore, #tpu.memory_space<semaphore_mem>>)
      %dma_wait3A = arith.constant 0 : i32
      %dma_wait3A_860 = arith.constant 0 : i32
      %dma_wait3A_861 = tpu.memref_slice %arg16[%dma_wait3A, %dma_wait3A_860] : memref<10240x128xf32, #tpu.memory_space<vmem_shared>> -> memref<10240x128xf32, #tpu.memory_space<vmem_shared>>
      tpu.wait_indirect_dma semaphore(%run_scoped3A : memref<!tpu.dma_semaphore, #tpu.memory_space<semaphore_mem>>) src(%dma_wait3A_861 : memref<10240x128xf32, #tpu.memory_space<vmem_shared>>) dst(%arg12 : memref<80x128xf32, #tpu.memory_space<vmem>>)
      tpu.yield
    }) : () -> ()
    "tpu.region"() ({
      %run_scoped3A = tpu.sem_alloc : memref<!tpu.dma_semaphore, #tpu.memory_space<semaphore_mem>>
      %dma_start3A = arith.constant 0 : i32
      %dma_start3A_858 = tpu.memref_slice %arg7[%arg0, %add3A_765, %dma_start3A] : memref<2x10240x128xf32, #tpu.memory_space<hbm>> -> memref<1x80x128xf32, #tpu.memory_space<hbm>>
      %dma_start3A_859 = tpu.memref_squeeze %dma_start3A_858 : memref<1x80x128xf32, #tpu.memory_space<hbm>> -> memref<80x128xf32, #tpu.memory_space<hbm>>
      %dma_start3A_860 = arith.constant 0 : i32
      %dma_start3A_861 = tpu.memref_slice %arg7[%arg0, %add3A_765, %dma_start3A_860] : memref<2x10240x128xf32, #tpu.memory_space<hbm>> -> memref<1x80x128xf32, #tpu.memory_space<hbm>>
      %dma_start3A_862 = tpu.memref_squeeze %dma_start3A_861 : memref<1x80x128xf32, #tpu.memory_space<hbm>> -> memref<80x128xf32, #tpu.memory_space<hbm>>
      tpu.enqueue_dma source(%arg12 : memref<80x128xf32, #tpu.memory_space<vmem>>) target(%dma_start3A_862 : memref<80x128xf32, #tpu.memory_space<hbm>>) target_semaphore(%run_scoped3A : memref<!tpu.dma_semaphore, #tpu.memory_space<semaphore_mem>>)
      %dma_wait3A = arith.constant 0 : i32
      %dma_wait3A_863 = tpu.memref_slice %arg7[%arg0, %add3A_765, %dma_wait3A] : memref<2x10240x128xf32, #tpu.memory_space<hbm>> -> memref<1x80x128xf32, #tpu.memory_space<hbm>>
      %dma_wait3A_864 = tpu.memref_squeeze %dma_wait3A_863 : memref<1x80x128xf32, #tpu.memory_space<hbm>> -> memref<80x128xf32, #tpu.memory_space<hbm>>
      %dma_wait3A_865 = arith.constant 0 : i32
      %dma_wait3A_866 = tpu.memref_slice %arg7[%arg0, %add3A_765, %dma_wait3A_865] : memref<2x10240x128xf32, #tpu.memory_space<hbm>> -> memref<1x80x128xf32, #tpu.memory_space<hbm>>
      %dma_wait3A_867 = tpu.memref_squeeze %dma_wait3A_866 : memref<1x80x128xf32, #tpu.memory_space<hbm>> -> memref<80x128xf32, #tpu.memory_space<hbm>>
      tpu.wait_dma2 semaphore(%run_scoped3A : memref<!tpu.dma_semaphore, #tpu.memory_space<semaphore_mem>>) src(%arg12 : memref<80x128xf32, #tpu.memory_space<vmem>>) dst(%dma_wait3A_867 : memref<80x128xf32, #tpu.memory_space<hbm>>)
      tpu.yield
    }) : () -> ()
    %mul3A_806 = arith.constant 80 : i32
    %mul3A_807 = arith.muli %arg1, %mul3A_806 : i32
    %add3A_808 = arith.constant 0 : i32
    %add3A_809 = arith.addi %mul3A_807, %add3A_808 : i32
    %add3A_810 = vector.broadcast %add3A_809 : i32 to vector<16xi32>
    %add3A_811 = arith.addi %iota3A, %add3A_810 : vector<16xi32>
    %swap3A_812 = arith.constant 0 : index
    %swap3A_813 = tpu.vector_load %arg9[%swap3A_812] {strides = array<i32>} : memref<80xi32, #tpu.memory_space<vmem>>, vector<16xi32>,
    %swap3A_814 = vector.shape_cast %swap3A_813 : vector<16xi32> to vector<16xi32>
    %swap3A_815 = vector.shape_cast %add3A_811 : vector<16xi32> to vector<16xi32>
    tpu.vector_store %arg9[%swap3A_812], %swap3A_815 {strides = array<i32>} : memref<80xi32, #tpu.memory_space<vmem>>, vector<16xi32>,
    %mul3A_816 = arith.constant 80 : i32
    %mul3A_817 = arith.muli %arg1, %mul3A_816 : i32
    %add3A_818 = arith.constant 16 : i32
    %add3A_819 = arith.addi %mul3A_817, %add3A_818 : i32
    %add3A_820 = vector.broadcast %add3A_819 : i32 to vector<16xi32>
    %add3A_821 = arith.addi %iota3A, %add3A_820 : vector<16xi32>
    %swap3A_822 = arith.constant 16 : index
    %swap3A_823 = tpu.vector_load %arg9[%swap3A_822] {strides = array<i32>} : memref<80xi32, #tpu.memory_space<vmem>>, vector<16xi32>,
    %swap3A_824 = vector.shape_cast %swap3A_823 : vector<16xi32> to vector<16xi32>
    %swap3A_825 = vector.shape_cast %add3A_821 : vector<16xi32> to vector<16xi32>
    tpu.vector_store %arg9[%swap3A_822], %swap3A_825 {strides = array<i32>} : memref<80xi32, #tpu.memory_space<vmem>>, vector<16xi32>,
    %mul3A_826 = arith.constant 80 : i32
    %mul3A_827 = arith.muli %arg1, %mul3A_826 : i32
    %add3A_828 = arith.constant 32 : i32
    %add3A_829 = arith.addi %mul3A_827, %add3A_828 : i32
    %add3A_830 = vector.broadcast %add3A_829 : i32 to vector<16xi32>
    %add3A_831 = arith.addi %iota3A, %add3A_830 : vector<16xi32>
    %swap3A_832 = arith.constant 32 : index
    %swap3A_833 = tpu.vector_load %arg9[%swap3A_832] {strides = array<i32>} : memref<80xi32, #tpu.memory_space<vmem>>, vector<16xi32>,
    %swap3A_834 = vector.shape_cast %swap3A_833 : vector<16xi32> to vector<16xi32>
    %swap3A_835 = vector.shape_cast %add3A_831 : vector<16xi32> to vector<16xi32>
    tpu.vector_store %arg9[%swap3A_832], %swap3A_835 {strides = array<i32>} : memref<80xi32, #tpu.memory_space<vmem>>, vector<16xi32>,
    %mul3A_836 = arith.constant 80 : i32
    %mul3A_837 = arith.muli %arg1, %mul3A_836 : i32
    %add3A_838 = arith.constant 48 : i32
    %add3A_839 = arith.addi %mul3A_837, %add3A_838 : i32
    %add3A_840 = vector.broadcast %add3A_839 : i32 to vector<16xi32>
    %add3A_841 = arith.addi %iota3A, %add3A_840 : vector<16xi32>
    %swap3A_842 = arith.constant 48 : index
    %swap3A_843 = tpu.vector_load %arg9[%swap3A_842] {strides = array<i32>} : memref<80xi32, #tpu.memory_space<vmem>>, vector<16xi32>,
    %swap3A_844 = vector.shape_cast %swap3A_843 : vector<16xi32> to vector<16xi32>
    %swap3A_845 = vector.shape_cast %add3A_841 : vector<16xi32> to vector<16xi32>
    tpu.vector_store %arg9[%swap3A_842], %swap3A_845 {strides = array<i32>} : memref<80xi32, #tpu.memory_space<vmem>>, vector<16xi32>,
    %mul3A_846 = arith.constant 80 : i32
    %mul3A_847 = arith.muli %arg1, %mul3A_846 : i32
    %add3A_848 = arith.constant 64 : i32
    %add3A_849 = arith.addi %mul3A_847, %add3A_848 : i32
    %add3A_850 = vector.broadcast %add3A_849 : i32 to vector<16xi32>
    %add3A_851 = arith.addi %iota3A, %add3A_850 : vector<16xi32>
    %swap3A_852 = arith.constant 64 : index
    %swap3A_853 = tpu.vector_load %arg9[%swap3A_852] {strides = array<i32>} : memref<80xi32, #tpu.memory_space<vmem>>, vector<16xi32>,
    %swap3A_854 = vector.shape_cast %swap3A_853 : vector<16xi32> to vector<16xi32>
    %swap3A_855 = vector.shape_cast %add3A_851 : vector<16xi32> to vector<16xi32>
    tpu.vector_store %arg9[%swap3A_852], %swap3A_855 {strides = array<i32>} : memref<80xi32, #tpu.memory_space<vmem>>, vector<16xi32>,
    "tpu.region"() ({
      %run_scoped3A = tpu.sem_alloc : memref<!tpu.dma_semaphore, #tpu.memory_space<semaphore_mem>>
      %dma_start3A = arith.constant 0 : i32
      %dma_start3A_858 = arith.constant 0 : i32
      %dma_start3A_859 = tpu.memref_slice %arg17[%dma_start3A, %dma_start3A_858] : memref<1280x128xf32, #tpu.memory_space<vmem_shared>> -> memref<1280x128xf32, #tpu.memory_space<vmem_shared>>
      tpu.enqueue_indirect_dma source(%dma_start3A_859 : memref<1280x128xf32, #tpu.memory_space<vmem_shared>>) target(%arg14 : memref<80x128xf32, #tpu.memory_space<vmem>>) offsets(%arg9 : memref<80xi32, #tpu.memory_space<vmem>>) semaphore(%run_scoped3A : memref<!tpu.dma_semaphore, #tpu.memory_space<semaphore_mem>>)
      %dma_wait3A = arith.constant 0 : i32
      %dma_wait3A_860 = arith.constant 0 : i32
      %dma_wait3A_861 = tpu.memref_slice %arg17[%dma_wait3A, %dma_wait3A_860] : memref<1280x128xf32, #tpu.memory_space<vmem_shared>> -> memref<1280x128xf32, #tpu.memory_space<vmem_shared>>
      tpu.wait_indirect_dma semaphore(%run_scoped3A : memref<!tpu.dma_semaphore, #tpu.memory_space<semaphore_mem>>) src(%dma_wait3A_861 : memref<1280x128xf32, #tpu.memory_space<vmem_shared>>) dst(%arg14 : memref<80x128xf32, #tpu.memory_space<vmem>>)
      tpu.yield
    }) : () -> ()
    %mul3A_856 = arith.constant 80 : i32
    %mul3A_857 = arith.muli %arg1, %mul3A_856 : i32
    "tpu.region"() ({
      %run_scoped3A = tpu.sem_alloc : memref<!tpu.dma_semaphore, #tpu.memory_space<semaphore_mem>>
      %dma_start3A = arith.constant 0 : i32
      %dma_start3A_858 = tpu.memref_slice %arg8[%arg0, %mul3A_857, %dma_start3A] : memref<2x1280x128xf32, #tpu.memory_space<hbm>> -> memref<1x80x128xf32, #tpu.memory_space<hbm>>
      %dma_start3A_859 = tpu.memref_squeeze %dma_start3A_858 : memref<1x80x128xf32, #tpu.memory_space<hbm>> -> memref<80x128xf32, #tpu.memory_space<hbm>>
      %dma_start3A_860 = arith.constant 0 : i32
      %dma_start3A_861 = tpu.memref_slice %arg8[%arg0, %mul3A_857, %dma_start3A_860] : memref<2x1280x128xf32, #tpu.memory_space<hbm>> -> memref<1x80x128xf32, #tpu.memory_space<hbm>>
      %dma_start3A_862 = tpu.memref_squeeze %dma_start3A_861 : memref<1x80x128xf32, #tpu.memory_space<hbm>> -> memref<80x128xf32, #tpu.memory_space<hbm>>
      tpu.enqueue_dma source(%arg14 : memref<80x128xf32, #tpu.memory_space<vmem>>) target(%dma_start3A_862 : memref<80x128xf32, #tpu.memory_space<hbm>>) target_semaphore(%run_scoped3A : memref<!tpu.dma_semaphore, #tpu.memory_space<semaphore_mem>>)
      %dma_wait3A = arith.constant 0 : i32
      %dma_wait3A_863 = tpu.memref_slice %arg8[%arg0, %mul3A_857, %dma_wait3A] : memref<2x1280x128xf32, #tpu.memory_space<hbm>> -> memref<1x80x128xf32, #tpu.memory_space<hbm>>
      %dma_wait3A_864 = tpu.memref_squeeze %dma_wait3A_863 : memref<1x80x128xf32, #tpu.memory_space<hbm>> -> memref<80x128xf32, #tpu.memory_space<hbm>>
      %dma_wait3A_865 = arith.constant 0 : i32
      %dma_wait3A_866 = tpu.memref_slice %arg8[%arg0, %mul3A_857, %dma_wait3A_865] : memref<2x1280x128xf32, #tpu.memory_space<hbm>> -> memref<1x80x128xf32, #tpu.memory_space<hbm>>
      %dma_wait3A_867 = tpu.memref_squeeze %dma_wait3A_866 : memref<1x80x128xf32, #tpu.memory_space<hbm>> -> memref<80x128xf32, #tpu.memory_space<hbm>>
      tpu.wait_dma2 semaphore(%run_scoped3A : memref<!tpu.dma_semaphore, #tpu.memory_space<semaphore_mem>>) src(%arg14 : memref<80x128xf32, #tpu.memory_space<vmem>>) dst(%dma_wait3A_867 : memref<80x128xf32, #tpu.memory_space<hbm>>)
      tpu.yield
    }) : () -> ()
    return
  }
}

module attributes {stable_mosaic.version = 14 : i64} {
  func.func @_lin2_body(%arg0: i32, %arg1: memref<1000x128xf32, #tpu.memory_space<vmem>>, %arg2: memref<128x128xf32, #tpu.memory_space<vmem>>, %arg3: memref<1x128xf32, #tpu.memory_space<vmem>>, %arg4: memref<128x128xf32, #tpu.memory_space<vmem>>, %arg5: memref<1x128xf32, #tpu.memory_space<vmem>>, %arg6: memref<1000x128xf32, #tpu.memory_space<vmem>>, %arg7: memref<1000x128xf32, #tpu.memory_space<vmem>>) attributes {dimension_semantics = [#tpu.dimension_semantics<arbitrary>], iteration_bounds = array<i64: 10>, scalar_prefetch = 0 : i64, scratch_operands = 0 : i64, tpu.core_type = #tpu.core_type<tc>, window_params = [{transform_indices = @transform_0, window_bounds = array<i64: 1000, 128>}, {pipeline_mode = #tpu.pipeline_mode<synchronous>, transform_indices = @transform_1, window_bounds = array<i64: 128, 128>}, {pipeline_mode = #tpu.pipeline_mode<synchronous>, transform_indices = @transform_2, window_bounds = array<i64: 1, 128>}, {pipeline_mode = #tpu.pipeline_mode<synchronous>, transform_indices = @transform_3, window_bounds = array<i64: 128, 128>}, {pipeline_mode = #tpu.pipeline_mode<synchronous>, transform_indices = @transform_4, window_bounds = array<i64: 1, 128>}, {transform_indices = @transform_5, window_bounds = array<i64: 1000, 128>}, {transform_indices = @transform_6, window_bounds = array<i64: 1000, 128>}]} {
    %get3A = arith.constant 0 : index
    %get3A_0 = arith.constant 0 : index
    %get3A_1 = vector.load %arg1[%get3A, %get3A_0] : memref<1000x128xf32, #tpu.memory_space<vmem>>, vector<1000x128xf32>
    %get3A_2 = arith.constant 0 : index
    %get3A_3 = arith.constant 0 : index
    %get3A_4 = vector.load %arg2[%get3A_2, %get3A_3] : memref<128x128xf32, #tpu.memory_space<vmem>>, vector<128x128xf32>
    %dot_general3A = arith.constant dense<0.000000e+00> : vector<1000x128xf32>
    %dot_general3A_5 = tpu.matmul %get3A_1, %get3A_4, %dot_general3A {dimension_numbers = #tpu.dot_dimension_numbers<[1], [0], [0], [1], [0, 0, 1, 1], [], []>, transpose_lhs_hint = false} : vector<1000x128xf32>, vector<128x128xf32>, vector<1000x128xf32> -> vector<1000x128xf32>
    %get3A_6 = arith.constant 0 : index
    %get3A_7 = arith.constant 0 : index
    %get3A_8 = vector.load %arg3[%get3A_6, %get3A_7] : memref<1x128xf32, #tpu.memory_space<vmem>>, vector<1x128xf32>
    %add3A = vector.broadcast %get3A_8 : vector<1x128xf32> to vector<1000x128xf32>
    %add3A_9 = arith.addf %dot_general3A_5, %add3A : vector<1000x128xf32>
    %swap3A = arith.constant 0 : index
    %swap3A_10 = arith.constant 0 : index
    %swap3A_11 = vector.load %arg6[%swap3A, %swap3A_10] : memref<1000x128xf32, #tpu.memory_space<vmem>>, vector<1000x128xf32>
    tpu.vector_store %arg6[%swap3A, %swap3A_10], %add3A_9 {strides = array<i32>} : memref<1000x128xf32, #tpu.memory_space<vmem>>, vector<1000x128xf32>,
    %get3A_12 = arith.constant 0 : index
    %get3A_13 = arith.constant 0 : index
    %get3A_14 = vector.load %arg4[%get3A_12, %get3A_13] : memref<128x128xf32, #tpu.memory_space<vmem>>, vector<128x128xf32>
    %dot_general3A_15 = arith.constant dense<0.000000e+00> : vector<1000x128xf32>
    %dot_general3A_16 = tpu.matmul %get3A_1, %get3A_14, %dot_general3A_15 {dimension_numbers = #tpu.dot_dimension_numbers<[1], [0], [0], [1], [0, 0, 1, 1], [], []>, transpose_lhs_hint = false} : vector<1000x128xf32>, vector<128x128xf32>, vector<1000x128xf32> -> vector<1000x128xf32>
    %get3A_17 = arith.constant 0 : index
    %get3A_18 = arith.constant 0 : index
    %get3A_19 = vector.load %arg5[%get3A_17, %get3A_18] : memref<1x128xf32, #tpu.memory_space<vmem>>, vector<1x128xf32>
    %add3A_20 = vector.broadcast %get3A_19 : vector<1x128xf32> to vector<1000x128xf32>
    %add3A_21 = arith.addf %dot_general3A_16, %add3A_20 : vector<1000x128xf32>
    %swap3A_22 = arith.constant 0 : index
    %swap3A_23 = arith.constant 0 : index
    %swap3A_24 = vector.load %arg7[%swap3A_22, %swap3A_23] : memref<1000x128xf32, #tpu.memory_space<vmem>>, vector<1000x128xf32>
    tpu.vector_store %arg7[%swap3A_22, %swap3A_23], %add3A_21 {strides = array<i32>} : memref<1000x128xf32, #tpu.memory_space<vmem>>, vector<1000x128xf32>,
    return
  }
  func.func @transform_0(%arg0: i32) -> (i32, i32) {
    %c0_i32 = arith.constant 0 : i32
    %c0_i32_0 = arith.constant 0 : i32
    return %arg0, %c0_i32 : i32, i32
  }
  func.func @transform_1(%arg0: i32) -> (i32, i32) {
    %c0_i32 = arith.constant 0 : i32
    %c0_i32_0 = arith.constant 0 : i32
    %c0_i32_1 = arith.constant 0 : i32
    return %c0_i32, %c0_i32_0 : i32, i32
  }
  func.func @transform_2(%arg0: i32) -> (i32, i32) {
    %c0_i32 = arith.constant 0 : i32
    %c0_i32_0 = arith.constant 0 : i32
    %c0_i32_1 = arith.constant 0 : i32
    return %c0_i32, %c0_i32_0 : i32, i32
  }
  func.func @transform_3(%arg0: i32) -> (i32, i32) {
    %c0_i32 = arith.constant 0 : i32
    %c0_i32_0 = arith.constant 0 : i32
    %c0_i32_1 = arith.constant 0 : i32
    return %c0_i32, %c0_i32_0 : i32, i32
  }
  func.func @transform_4(%arg0: i32) -> (i32, i32) {
    %c0_i32 = arith.constant 0 : i32
    %c0_i32_0 = arith.constant 0 : i32
    %c0_i32_1 = arith.constant 0 : i32
    return %c0_i32, %c0_i32_0 : i32, i32
  }
  func.func @transform_5(%arg0: i32) -> (i32, i32) {
    %c0_i32 = arith.constant 0 : i32
    %c0_i32_0 = arith.constant 0 : i32
    return %arg0, %c0_i32 : i32, i32
  }
  func.func @transform_6(%arg0: i32) -> (i32, i32) {
    %c0_i32 = arith.constant 0 : i32
    %c0_i32_0 = arith.constant 0 : i32
    return %arg0, %c0_i32 : i32, i32
  }
}

module attributes {stable_mosaic.version = 14 : i64} {
  func.func @_tail_body(%arg0: i32, %arg1: memref<400x128xf32, #tpu.memory_space<vmem>>, %arg2: memref<400x128xf32, #tpu.memory_space<vmem>>, %arg3: memref<400x128xf32, #tpu.memory_space<vmem>>, %arg4: memref<1x400x128xf32, #tpu.memory_space<vmem>>, %arg5: memref<1x400x128xf32, #tpu.memory_space<vmem>>, %arg6: memref<1x400x16xf32, #tpu.memory_space<vmem>>, %arg7: memref<1x400x16xf32, #tpu.memory_space<vmem>>, %arg8: memref<1x128xf32, #tpu.memory_space<vmem>>, %arg9: memref<1x128xf32, #tpu.memory_space<vmem>>, %arg10: memref<128x128xf32, #tpu.memory_space<vmem>>, %arg11: memref<1x128xf32, #tpu.memory_space<vmem>>, %arg12: memref<1x128xf32, #tpu.memory_space<vmem>>, %arg13: memref<128x256xf32, #tpu.memory_space<vmem>>, %arg14: memref<1x256xf32, #tpu.memory_space<vmem>>, %arg15: memref<256x128xf32, #tpu.memory_space<vmem>>, %arg16: memref<1x128xf32, #tpu.memory_space<vmem>>, %arg17: memref<1x128xf32, #tpu.memory_space<vmem>>, %arg18: memref<1x128xf32, #tpu.memory_space<vmem>>, %arg19: memref<400x128xf32, #tpu.memory_space<vmem>>) attributes {dimension_semantics = [#tpu.dimension_semantics<arbitrary>], iteration_bounds = array<i64: 25>, scalar_prefetch = 0 : i64, scratch_operands = 0 : i64, tpu.core_type = #tpu.core_type<tc>, window_params = [{transform_indices = @transform_0, window_bounds = array<i64: 400, 128>}, {transform_indices = @transform_1, window_bounds = array<i64: 400, 128>}, {transform_indices = @transform_2, window_bounds = array<i64: 400, 128>}, {transform_indices = @transform_3, window_bounds = array<i64: 1, 400, 128>}, {transform_indices = @transform_4, window_bounds = array<i64: 1, 400, 128>}, {transform_indices = @transform_5, window_bounds = array<i64: 1, 400, 16>}, {transform_indices = @transform_6, window_bounds = array<i64: 1, 400, 16>}, {pipeline_mode = #tpu.pipeline_mode<synchronous>, transform_indices = @transform_7, window_bounds = array<i64: 1, 128>}, {pipeline_mode = #tpu.pipeline_mode<synchronous>, transform_indices = @transform_8, window_bounds = array<i64: 1, 128>}, {pipeline_mode = #tpu.pipeline_mode<synchronous>, transform_indices = @transform_9, window_bounds = array<i64: 128, 128>}, {pipeline_mode = #tpu.pipeline_mode<synchronous>, transform_indices = @transform_10, window_bounds = array<i64: 1, 128>}, {pipeline_mode = #tpu.pipeline_mode<synchronous>, transform_indices = @transform_11, window_bounds = array<i64: 1, 128>}, {pipeline_mode = #tpu.pipeline_mode<synchronous>, transform_indices = @transform_12, window_bounds = array<i64: 128, 256>}, {pipeline_mode = #tpu.pipeline_mode<synchronous>, transform_indices = @transform_13, window_bounds = array<i64: 1, 256>}, {pipeline_mode = #tpu.pipeline_mode<synchronous>, transform_indices = @transform_14, window_bounds = array<i64: 256, 128>}, {pipeline_mode = #tpu.pipeline_mode<synchronous>, transform_indices = @transform_15, window_bounds = array<i64: 1, 128>}, {pipeline_mode = #tpu.pipeline_mode<synchronous>, transform_indices = @transform_16, window_bounds = array<i64: 1, 128>}, {pipeline_mode = #tpu.pipeline_mode<synchronous>, transform_indices = @transform_17, window_bounds = array<i64: 1, 128>}, {transform_indices = @transform_18, window_bounds = array<i64: 400, 128>}]} {
    %get3A = arith.constant 0 : index
    %get3A_0 = arith.constant 0 : index
    %get3A_1 = vector.load %arg1[%get3A, %get3A_0] : memref<400x128xf32, #tpu.memory_space<vmem>>, vector<400x128xf32>
    %get3A_2 = arith.constant 0 : index
    %get3A_3 = arith.constant 0 : index
    %get3A_4 = vector.load %arg2[%get3A_2, %get3A_3] : memref<400x128xf32, #tpu.memory_space<vmem>>, vector<400x128xf32>
    %add3A = arith.addf %get3A_1, %get3A_4 : vector<400x128xf32>
    %mul3A = arith.constant 2.000000e-01 : f32
    %mul3A_5 = vector.broadcast %mul3A : f32 to vector<400x128xf32>
    %mul3A_6 = arith.mulf %mul3A_5, %add3A : vector<400x128xf32>
    %max3A = arith.maximumf %add3A, %mul3A_6 : vector<400x128xf32>
    %get3A_7 = arith.constant 0 : index
    %get3A_8 = arith.constant 0 : index
    %get3A_9 = vector.load %arg8[%get3A_7, %get3A_8] : memref<1x128xf32, #tpu.memory_space<vmem>>, vector<1x128xf32>
    %mul3A_10 = vector.broadcast %get3A_9 : vector<1x128xf32> to vector<400x128xf32>
    %mul3A_11 = arith.mulf %max3A, %mul3A_10 : vector<400x128xf32>
    %iota3A = tpu.iota {dimensions = array<i32: 0>} : vector<128x8xi32>
    %jit3A = arith.constant 16 : i32
    %div3A = vector.broadcast %jit3A : i32 to vector<128x8xi32>
    %div3A_12 = arith.divsi %iota3A, %div3A : vector<128x8xi32>
    %sign3A = arith.constant 0 : i32
    %sign3A_13 = vector.broadcast %sign3A : i32 to vector<128x8xi32>
    %sign3A_14 = arith.cmpi sgt, %iota3A, %sign3A_13 : vector<128x8xi32>
    %sign3A_15 = arith.extui %sign3A_14 : vector<128x8xi1> to vector<128x8xi32>
    %sign3A_16 = arith.constant 0 : i32
    %sign3A_17 = vector.broadcast %sign3A_16 : i32 to vector<128x8xi32>
    %sign3A_18 = arith.cmpi slt, %iota3A, %sign3A_17 : vector<128x8xi32>
    %sign3A_19 = arith.extui %sign3A_18 : vector<128x8xi1> to vector<128x8xi32>
    %sign3A_20 = arith.subi %sign3A_15, %sign3A_19 : vector<128x8xi32>
    %sign3A_21 = arith.constant 0 : i32
    %sign3A_22 = arith.cmpi sgt, %jit3A, %sign3A_21 : i32
    %sign3A_23 = arith.extui %sign3A_22 : i1 to i32
    %sign3A_24 = arith.constant 0 : i32
    %sign3A_25 = arith.cmpi slt, %jit3A, %sign3A_24 : i32
    %sign3A_26 = arith.extui %sign3A_25 : i1 to i32
    %sign3A_27 = arith.subi %sign3A_23, %sign3A_26 : i32
    %ne3A = vector.broadcast %sign3A_27 : i32 to vector<128x8xi32>
    %ne3A_28 = arith.cmpi ne, %sign3A_20, %ne3A : vector<128x8xi32>
    %rem3A = vector.broadcast %jit3A : i32 to vector<128x8xi32>
    %rem3A_29 = arith.remsi %iota3A, %rem3A : vector<128x8xi32>
    %ne3A_30 = arith.constant 0 : i32
    %ne3A_31 = vector.broadcast %ne3A_30 : i32 to vector<128x8xi32>
    %ne3A_32 = arith.cmpi ne, %rem3A_29, %ne3A_31 : vector<128x8xi32>
    %and3A = arith.andi %ne3A_28, %ne3A_32 : vector<128x8xi1>
    %sub3A = arith.constant 1 : i32
    %sub3A_33 = vector.broadcast %sub3A : i32 to vector<128x8xi32>
    %sub3A_34 = arith.subi %div3A_12, %sub3A_33 : vector<128x8xi32>
    %select_n3A = arith.select %and3A, %sub3A_34, %div3A_12 : vector<128x8xi1>, vector<128x8xi32>
    %iota3A_35 = tpu.iota {dimensions = array<i32: 1>} : vector<128x8xi32>
    %eq3A = arith.cmpi eq, %select_n3A, %iota3A_35 : vector<128x8xi32>
    %convert_element_type3A = arith.extui %eq3A : vector<128x8xi1> to vector<128x8xi32>
    %convert_element_type3A_36 = arith.sitofp %convert_element_type3A : vector<128x8xi32> to vector<128x8xf32>
    %dot_general3A = arith.constant dense<0.000000e+00> : vector<400x8xf32>
    %dot_general3A_37 = tpu.matmul %mul3A_11, %convert_element_type3A_36, %dot_general3A {dimension_numbers = #tpu.dot_dimension_numbers<[1], [0], [0], [1], [0, 0, 1, 1], [], []>, transpose_lhs_hint = false} : vector<400x128xf32>, vector<128x8xf32>, vector<400x8xf32> -> vector<400x8xf32>
    %exp3A = math.exp %dot_general3A_37 : vector<400x8xf32>
    %iota3A_38 = tpu.iota {dimensions = array<i32: 1>} : vector<8x128xi32>
    %jit3A_39 = arith.constant 16 : i32
    %div3A_40 = vector.broadcast %jit3A_39 : i32 to vector<8x128xi32>
    %div3A_41 = arith.divsi %iota3A_38, %div3A_40 : vector<8x128xi32>
    %sign3A_42 = arith.constant 0 : i32
    %sign3A_43 = vector.broadcast %sign3A_42 : i32 to vector<8x128xi32>
    %sign3A_44 = arith.cmpi sgt, %iota3A_38, %sign3A_43 : vector<8x128xi32>
    %sign3A_45 = arith.extui %sign3A_44 : vector<8x128xi1> to vector<8x128xi32>
    %sign3A_46 = arith.constant 0 : i32
    %sign3A_47 = vector.broadcast %sign3A_46 : i32 to vector<8x128xi32>
    %sign3A_48 = arith.cmpi slt, %iota3A_38, %sign3A_47 : vector<8x128xi32>
    %sign3A_49 = arith.extui %sign3A_48 : vector<8x128xi1> to vector<8x128xi32>
    %sign3A_50 = arith.subi %sign3A_45, %sign3A_49 : vector<8x128xi32>
    %sign3A_51 = arith.constant 0 : i32
    %sign3A_52 = arith.cmpi sgt, %jit3A_39, %sign3A_51 : i32
    %sign3A_53 = arith.extui %sign3A_52 : i1 to i32
    %sign3A_54 = arith.constant 0 : i32
    %sign3A_55 = arith.cmpi slt, %jit3A_39, %sign3A_54 : i32
    %sign3A_56 = arith.extui %sign3A_55 : i1 to i32
    %sign3A_57 = arith.subi %sign3A_53, %sign3A_56 : i32
    %ne3A_58 = vector.broadcast %sign3A_57 : i32 to vector<8x128xi32>
    %ne3A_59 = arith.cmpi ne, %sign3A_50, %ne3A_58 : vector<8x128xi32>
    %rem3A_60 = vector.broadcast %jit3A_39 : i32 to vector<8x128xi32>
    %rem3A_61 = arith.remsi %iota3A_38, %rem3A_60 : vector<8x128xi32>
    %ne3A_62 = arith.constant 0 : i32
    %ne3A_63 = vector.broadcast %ne3A_62 : i32 to vector<8x128xi32>
    %ne3A_64 = arith.cmpi ne, %rem3A_61, %ne3A_63 : vector<8x128xi32>
    %and3A_65 = arith.andi %ne3A_59, %ne3A_64 : vector<8x128xi1>
    %sub3A_66 = arith.constant 1 : i32
    %sub3A_67 = vector.broadcast %sub3A_66 : i32 to vector<8x128xi32>
    %sub3A_68 = arith.subi %div3A_41, %sub3A_67 : vector<8x128xi32>
    %select_n3A_69 = arith.select %and3A_65, %sub3A_68, %div3A_41 : vector<8x128xi1>, vector<8x128xi32>
    %iota3A_70 = tpu.iota {dimensions = array<i32: 0>} : vector<8x128xi32>
    %eq3A_71 = arith.cmpi eq, %select_n3A_69, %iota3A_70 : vector<8x128xi32>
    %convert_element_type3A_72 = arith.extui %eq3A_71 : vector<8x128xi1> to vector<8x128xi32>
    %convert_element_type3A_73 = arith.sitofp %convert_element_type3A_72 : vector<8x128xi32> to vector<8x128xf32>
    %dot_general3A_74 = arith.constant dense<0.000000e+00> : vector<400x128xf32>
    %dot_general3A_75 = tpu.matmul %exp3A, %convert_element_type3A_73, %dot_general3A_74 {dimension_numbers = #tpu.dot_dimension_numbers<[1], [0], [0], [1], [0, 0, 1, 1], [], []>, transpose_lhs_hint = false} : vector<400x8xf32>, vector<8x128xf32>, vector<400x128xf32> -> vector<400x128xf32>
    %get3A_76 = arith.constant 0 : index
    %get3A_77 = arith.constant 0 : index
    %get3A_78 = arith.constant 0 : index
    %get3A_79 = vector.load %arg4[%get3A_76, %get3A_77, %get3A_78] : memref<1x400x128xf32, #tpu.memory_space<vmem>>, vector<1x400x128xf32>
    %get3A_80 = vector.shape_cast %get3A_79 : vector<1x400x128xf32> to vector<400x128xf32>
    %get3A_81 = arith.constant 0 : index
    %get3A_82 = arith.constant 0 : index
    %get3A_83 = arith.constant 0 : index
    %get3A_84 = vector.load %arg5[%get3A_81, %get3A_82, %get3A_83] : memref<1x400x128xf32, #tpu.memory_space<vmem>>, vector<1x400x128xf32>
    %get3A_85 = vector.shape_cast %get3A_84 : vector<1x400x128xf32> to vector<400x128xf32>
    %add3A_86 = arith.addf %get3A_80, %get3A_85 : vector<400x128xf32>
    %mul3A_87 = arith.mulf %get3A_1, %dot_general3A_75 : vector<400x128xf32>
    %add3A_88 = arith.addf %add3A_86, %mul3A_87 : vector<400x128xf32>
    %iota3A_89 = tpu.iota {dimensions = array<i32: 0>} : vector<16x8xi32>
    %iota3A_90 = tpu.iota {dimensions = array<i32: 1>} : vector<16x8xi32>
    %shift_right_arithmetic3A = arith.constant 1 : i32
    %shift_right_arithmetic3A_91 = vector.broadcast %shift_right_arithmetic3A : i32 to vector<16x8xi32>
    %shift_right_arithmetic3A_92 = arith.shrsi %iota3A_89, %shift_right_arithmetic3A_91 : vector<16x8xi32>
    %and3A_93 = arith.constant 1 : i32
    %and3A_94 = vector.broadcast %and3A_93 : i32 to vector<16x8xi32>
    %and3A_95 = arith.andi %shift_right_arithmetic3A_92, %and3A_94 : vector<16x8xi32>
    %mul3A_96 = arith.constant 4 : i32
    %mul3A_97 = vector.broadcast %mul3A_96 : i32 to vector<16x8xi32>
    %mul3A_98 = arith.muli %mul3A_97, %and3A_95 : vector<16x8xi32>
    %shift_right_arithmetic3A_99 = arith.constant 2 : i32
    %shift_right_arithmetic3A_100 = vector.broadcast %shift_right_arithmetic3A_99 : i32 to vector<16x8xi32>
    %shift_right_arithmetic3A_101 = arith.shrsi %iota3A_89, %shift_right_arithmetic3A_100 : vector<16x8xi32>
    %and3A_102 = arith.constant 1 : i32
    %and3A_103 = vector.broadcast %and3A_102 : i32 to vector<16x8xi32>
    %and3A_104 = arith.andi %shift_right_arithmetic3A_101, %and3A_103 : vector<16x8xi32>
    %mul3A_105 = arith.constant 2 : i32
    %mul3A_106 = vector.broadcast %mul3A_105 : i32 to vector<16x8xi32>
    %mul3A_107 = arith.muli %mul3A_106, %and3A_104 : vector<16x8xi32>
    %add3A_108 = arith.addi %mul3A_98, %mul3A_107 : vector<16x8xi32>
    %shift_right_arithmetic3A_109 = arith.constant 3 : i32
    %shift_right_arithmetic3A_110 = vector.broadcast %shift_right_arithmetic3A_109 : i32 to vector<16x8xi32>
    %shift_right_arithmetic3A_111 = arith.shrsi %iota3A_89, %shift_right_arithmetic3A_110 : vector<16x8xi32>
    %and3A_112 = arith.constant 1 : i32
    %and3A_113 = vector.broadcast %and3A_112 : i32 to vector<16x8xi32>
    %and3A_114 = arith.andi %shift_right_arithmetic3A_111, %and3A_113 : vector<16x8xi32>
    %add3A_115 = arith.addi %add3A_108, %and3A_114 : vector<16x8xi32>
    %eq3A_116 = arith.cmpi eq, %add3A_115, %iota3A_90 : vector<16x8xi32>
    %convert_element_type3A_117 = arith.extui %eq3A_116 : vector<16x8xi1> to vector<16x8xi32>
    %convert_element_type3A_118 = arith.sitofp %convert_element_type3A_117 : vector<16x8xi32> to vector<16x8xf32>
    %mul3A_119 = arith.constant 5.000000e-01 : f32
    %mul3A_120 = vector.broadcast %mul3A_119 : f32 to vector<16x8xf32>
    %mul3A_121 = arith.mulf %convert_element_type3A_118, %mul3A_120 : vector<16x8xf32>
    %get3A_122 = arith.constant 0 : index
    %get3A_123 = arith.constant 0 : index
    %get3A_124 = arith.constant 0 : index
    %get3A_125 = vector.load %arg6[%get3A_122, %get3A_123, %get3A_124] : memref<1x400x16xf32, #tpu.memory_space<vmem>>, vector<1x400x16xf32>
    %get3A_126 = vector.shape_cast %get3A_125 : vector<1x400x16xf32> to vector<400x16xf32>
    %get3A_127 = arith.constant 0 : index
    %get3A_128 = arith.constant 0 : index
    %get3A_129 = arith.constant 0 : index
    %get3A_130 = vector.load %arg7[%get3A_127, %get3A_128, %get3A_129] : memref<1x400x16xf32, #tpu.memory_space<vmem>>, vector<1x400x16xf32>
    %get3A_131 = vector.shape_cast %get3A_130 : vector<1x400x16xf32> to vector<400x16xf32>
    %add3A_132 = arith.addf %get3A_126, %get3A_131 : vector<400x16xf32>
    %dot_general3A_133 = arith.constant dense<0.000000e+00> : vector<400x8xf32>
    %dot_general3A_134 = tpu.matmul %add3A_132, %mul3A_121, %dot_general3A_133 {dimension_numbers = #tpu.dot_dimension_numbers<[1], [0], [0], [1], [0, 0, 1, 1], [], []>, transpose_lhs_hint = false} : vector<400x16xf32>, vector<16x8xf32>, vector<400x8xf32> -> vector<400x8xf32>
    %add3A_135 = arith.addf %dot_general3A_134, %exp3A : vector<400x8xf32>
    %dot_general3A_136 = arith.constant dense<0.000000e+00> : vector<400x128xf32>
    %dot_general3A_137 = tpu.matmul %add3A_135, %convert_element_type3A_73, %dot_general3A_136 {dimension_numbers = #tpu.dot_dimension_numbers<[1], [0], [0], [1], [0, 0, 1, 1], [], []>, transpose_lhs_hint = false} : vector<400x8xf32>, vector<8x128xf32>, vector<400x128xf32> -> vector<400x128xf32>
    %div3A_138 = arith.divf %add3A_88, %dot_general3A_137 : vector<400x128xf32>
    %get3A_139 = arith.constant 0 : index
    %get3A_140 = arith.constant 0 : index
    %get3A_141 = vector.load %arg9[%get3A_139, %get3A_140] : memref<1x128xf32, #tpu.memory_space<vmem>>, vector<1x128xf32>
    %add3A_142 = vector.broadcast %get3A_141 : vector<1x128xf32> to vector<400x128xf32>
    %add3A_143 = arith.addf %div3A_138, %add3A_142 : vector<400x128xf32>
    %get3A_144 = arith.constant 0 : index
    %get3A_145 = arith.constant 0 : index
    %get3A_146 = vector.load %arg10[%get3A_144, %get3A_145] : memref<128x128xf32, #tpu.memory_space<vmem>>, vector<128x128xf32>
    %dot_general3A_147 = arith.constant dense<0.000000e+00> : vector<400x128xf32>
    %dot_general3A_148 = tpu.matmul %add3A_143, %get3A_146, %dot_general3A_147 {dimension_numbers = #tpu.dot_dimension_numbers<[1], [0], [0], [1], [0, 0, 1, 1], [], []>, transpose_lhs_hint = false} : vector<400x128xf32>, vector<128x128xf32>, vector<400x128xf32> -> vector<400x128xf32>
    %get3A_149 = arith.constant 0 : index
    %get3A_150 = arith.constant 0 : index
    %get3A_151 = vector.load %arg3[%get3A_149, %get3A_150] : memref<400x128xf32, #tpu.memory_space<vmem>>, vector<400x128xf32>
    %add3A_152 = arith.addf %dot_general3A_148, %get3A_151 : vector<400x128xf32>
    %get3A_153 = arith.constant 0 : index
    %get3A_154 = arith.constant 0 : index
    %get3A_155 = vector.load %arg11[%get3A_153, %get3A_154] : memref<1x128xf32, #tpu.memory_space<vmem>>, vector<1x128xf32>
    %get3A_156 = arith.constant 0 : index
    %get3A_157 = arith.constant 0 : index
    %get3A_158 = vector.load %arg12[%get3A_156, %get3A_157] : memref<1x128xf32, #tpu.memory_space<vmem>>, vector<1x128xf32>
    %reduce_sum3A = arith.constant dense<0.000000e+00> : vector<400xf32>
    %reduce_sum3A_159 = vector.multi_reduction <add>, %add3A_152, %reduce_sum3A [1] : vector<400x128xf32> to vector<400xf32>
    %broadcast_in_dim3A = vector.shape_cast %reduce_sum3A_159 : vector<400xf32> to vector<400x1xf32>
    %div3A_160 = arith.constant 1.280000e+02 : f32
    %div3A_161 = vector.broadcast %div3A_160 : f32 to vector<400x1xf32>
    %div3A_162 = arith.divf %broadcast_in_dim3A, %div3A_161 : vector<400x1xf32>
    %sub3A_163 = vector.broadcast %div3A_162 : vector<400x1xf32> to vector<400x128xf32>
    %sub3A_164 = arith.subf %add3A_152, %sub3A_163 : vector<400x128xf32>
    %integer_pow3A = arith.mulf %sub3A_164, %sub3A_164 : vector<400x128xf32>
    %reduce_sum3A_165 = arith.constant dense<0.000000e+00> : vector<400xf32>
    %reduce_sum3A_166 = vector.multi_reduction <add>, %integer_pow3A, %reduce_sum3A_165 [1] : vector<400x128xf32> to vector<400xf32>
    %broadcast_in_dim3A_167 = vector.shape_cast %reduce_sum3A_166 : vector<400xf32> to vector<400x1xf32>
    %div3A_168 = arith.constant 1.280000e+02 : f32
    %div3A_169 = vector.broadcast %div3A_168 : f32 to vector<400x1xf32>
    %div3A_170 = arith.divf %broadcast_in_dim3A_167, %div3A_169 : vector<400x1xf32>
    %sub3A_171 = vector.broadcast %div3A_162 : vector<400x1xf32> to vector<400x128xf32>
    %sub3A_172 = arith.subf %add3A_152, %sub3A_171 : vector<400x128xf32>
    %add3A_173 = arith.constant 9.99999974E-6 : f32
    %add3A_174 = vector.broadcast %add3A_173 : f32 to vector<400x1xf32>
    %add3A_175 = arith.addf %div3A_170, %add3A_174 : vector<400x1xf32>
    %sqrt3A = math.sqrt %add3A_175 : vector<400x1xf32>
    %div3A_176 = vector.broadcast %sqrt3A : vector<400x1xf32> to vector<400x128xf32>
    %div3A_177 = arith.divf %sub3A_172, %div3A_176 : vector<400x128xf32>
    %mul3A_178 = vector.broadcast %get3A_155 : vector<1x128xf32> to vector<400x128xf32>
    %mul3A_179 = arith.mulf %div3A_177, %mul3A_178 : vector<400x128xf32>
    %add3A_180 = vector.broadcast %get3A_158 : vector<1x128xf32> to vector<400x128xf32>
    %add3A_181 = arith.addf %mul3A_179, %add3A_180 : vector<400x128xf32>
    %get3A_182 = arith.constant 0 : index
    %get3A_183 = arith.constant 0 : index
    %get3A_184 = vector.load %arg13[%get3A_182, %get3A_183] : memref<128x256xf32, #tpu.memory_space<vmem>>, vector<128x256xf32>
    %dot_general3A_185 = arith.constant dense<0.000000e+00> : vector<400x256xf32>
    %dot_general3A_186 = tpu.matmul %add3A_181, %get3A_184, %dot_general3A_185 {dimension_numbers = #tpu.dot_dimension_numbers<[1], [0], [0], [1], [0, 0, 1, 1], [], []>, transpose_lhs_hint = false} : vector<400x128xf32>, vector<128x256xf32>, vector<400x256xf32> -> vector<400x256xf32>
    %get3A_187 = arith.constant 0 : index
    %get3A_188 = arith.constant 0 : index
    %get3A_189 = vector.load %arg14[%get3A_187, %get3A_188] : memref<1x256xf32, #tpu.memory_space<vmem>>, vector<1x256xf32>
    %add3A_190 = vector.broadcast %get3A_189 : vector<1x256xf32> to vector<400x256xf32>
    %add3A_191 = arith.addf %dot_general3A_186, %add3A_190 : vector<400x256xf32>
    %max3A_192 = arith.constant 0.000000e+00 : f32
    %max3A_193 = vector.broadcast %max3A_192 : f32 to vector<400x256xf32>
    %max3A_194 = arith.maximumf %add3A_191, %max3A_193 : vector<400x256xf32>
    %get3A_195 = arith.constant 0 : index
    %get3A_196 = arith.constant 0 : index
    %get3A_197 = vector.load %arg15[%get3A_195, %get3A_196] : memref<256x128xf32, #tpu.memory_space<vmem>>, vector<256x128xf32>
    %dot_general3A_198 = arith.constant dense<0.000000e+00> : vector<400x128xf32>
    %dot_general3A_199 = tpu.matmul %max3A_194, %get3A_197, %dot_general3A_198 {dimension_numbers = #tpu.dot_dimension_numbers<[1], [0], [0], [1], [0, 0, 1, 1], [], []>, transpose_lhs_hint = false} : vector<400x256xf32>, vector<256x128xf32>, vector<400x128xf32> -> vector<400x128xf32>
    %get3A_200 = arith.constant 0 : index
    %get3A_201 = arith.constant 0 : index
    %get3A_202 = vector.load %arg16[%get3A_200, %get3A_201] : memref<1x128xf32, #tpu.memory_space<vmem>>, vector<1x128xf32>
    %add3A_203 = vector.broadcast %get3A_202 : vector<1x128xf32> to vector<400x128xf32>
    %add3A_204 = arith.addf %dot_general3A_199, %add3A_203 : vector<400x128xf32>
    %add3A_205 = arith.addf %add3A_204, %add3A_181 : vector<400x128xf32>
    %get3A_206 = arith.constant 0 : index
    %get3A_207 = arith.constant 0 : index
    %get3A_208 = vector.load %arg17[%get3A_206, %get3A_207] : memref<1x128xf32, #tpu.memory_space<vmem>>, vector<1x128xf32>
    %get3A_209 = arith.constant 0 : index
    %get3A_210 = arith.constant 0 : index
    %get3A_211 = vector.load %arg18[%get3A_209, %get3A_210] : memref<1x128xf32, #tpu.memory_space<vmem>>, vector<1x128xf32>
    %reduce_sum3A_212 = arith.constant dense<0.000000e+00> : vector<400xf32>
    %reduce_sum3A_213 = vector.multi_reduction <add>, %add3A_205, %reduce_sum3A_212 [1] : vector<400x128xf32> to vector<400xf32>
    %broadcast_in_dim3A_214 = vector.shape_cast %reduce_sum3A_213 : vector<400xf32> to vector<400x1xf32>
    %div3A_215 = arith.constant 1.280000e+02 : f32
    %div3A_216 = vector.broadcast %div3A_215 : f32 to vector<400x1xf32>
    %div3A_217 = arith.divf %broadcast_in_dim3A_214, %div3A_216 : vector<400x1xf32>
    %sub3A_218 = vector.broadcast %div3A_217 : vector<400x1xf32> to vector<400x128xf32>
    %sub3A_219 = arith.subf %add3A_205, %sub3A_218 : vector<400x128xf32>
    %integer_pow3A_220 = arith.mulf %sub3A_219, %sub3A_219 : vector<400x128xf32>
    %reduce_sum3A_221 = arith.constant dense<0.000000e+00> : vector<400xf32>
    %reduce_sum3A_222 = vector.multi_reduction <add>, %integer_pow3A_220, %reduce_sum3A_221 [1] : vector<400x128xf32> to vector<400xf32>
    %broadcast_in_dim3A_223 = vector.shape_cast %reduce_sum3A_222 : vector<400xf32> to vector<400x1xf32>
    %div3A_224 = arith.constant 1.280000e+02 : f32
    %div3A_225 = vector.broadcast %div3A_224 : f32 to vector<400x1xf32>
    %div3A_226 = arith.divf %broadcast_in_dim3A_223, %div3A_225 : vector<400x1xf32>
    %sub3A_227 = vector.broadcast %div3A_217 : vector<400x1xf32> to vector<400x128xf32>
    %sub3A_228 = arith.subf %add3A_205, %sub3A_227 : vector<400x128xf32>
    %add3A_229 = arith.constant 9.99999974E-6 : f32
    %add3A_230 = vector.broadcast %add3A_229 : f32 to vector<400x1xf32>
    %add3A_231 = arith.addf %div3A_226, %add3A_230 : vector<400x1xf32>
    %sqrt3A_232 = math.sqrt %add3A_231 : vector<400x1xf32>
    %div3A_233 = vector.broadcast %sqrt3A_232 : vector<400x1xf32> to vector<400x128xf32>
    %div3A_234 = arith.divf %sub3A_228, %div3A_233 : vector<400x128xf32>
    %mul3A_235 = vector.broadcast %get3A_208 : vector<1x128xf32> to vector<400x128xf32>
    %mul3A_236 = arith.mulf %div3A_234, %mul3A_235 : vector<400x128xf32>
    %add3A_237 = vector.broadcast %get3A_211 : vector<1x128xf32> to vector<400x128xf32>
    %add3A_238 = arith.addf %mul3A_236, %add3A_237 : vector<400x128xf32>
    %swap3A = arith.constant 0 : index
    %swap3A_239 = arith.constant 0 : index
    %swap3A_240 = vector.load %arg19[%swap3A, %swap3A_239] : memref<400x128xf32, #tpu.memory_space<vmem>>, vector<400x128xf32>
    tpu.vector_store %arg19[%swap3A, %swap3A_239], %add3A_238 {strides = array<i32>} : memref<400x128xf32, #tpu.memory_space<vmem>>, vector<400x128xf32>,
    return
  }
  func.func @transform_0(%arg0: i32) -> (i32, i32) {
    %c0_i32 = arith.constant 0 : i32
    %c0_i32_0 = arith.constant 0 : i32
    return %arg0, %c0_i32 : i32, i32
  }
  func.func @transform_1(%arg0: i32) -> (i32, i32) {
    %c0_i32 = arith.constant 0 : i32
    %c0_i32_0 = arith.constant 0 : i32
    return %arg0, %c0_i32 : i32, i32
  }
  func.func @transform_2(%arg0: i32) -> (i32, i32) {
    %c0_i32 = arith.constant 0 : i32
    %c0_i32_0 = arith.constant 0 : i32
    return %arg0, %c0_i32 : i32, i32
  }
  func.func @transform_3(%arg0: i32) -> (i32, i32, i32) {
    %c0_i32 = arith.constant 0 : i32
    %c0_i32_0 = arith.constant 0 : i32
    %c0_i32_1 = arith.constant 0 : i32
    return %c0_i32, %arg0, %c0_i32_0 : i32, i32, i32
  }
  func.func @transform_4(%arg0: i32) -> (i32, i32, i32) {
    %c1_i32 = arith.constant 1 : i32
    %c0_i32 = arith.constant 0 : i32
    %c0_i32_0 = arith.constant 0 : i32
    return %c1_i32, %arg0, %c0_i32 : i32, i32, i32
  }
  func.func @transform_5(%arg0: i32) -> (i32, i32, i32) {
    %c0_i32 = arith.constant 0 : i32
    %c0_i32_0 = arith.constant 0 : i32
    %c0_i32_1 = arith.constant 0 : i32
    return %c0_i32, %arg0, %c0_i32_0 : i32, i32, i32
  }
  func.func @transform_6(%arg0: i32) -> (i32, i32, i32) {
    %c1_i32 = arith.constant 1 : i32
    %c0_i32 = arith.constant 0 : i32
    %c0_i32_0 = arith.constant 0 : i32
    return %c1_i32, %arg0, %c0_i32 : i32, i32, i32
  }
  func.func @transform_7(%arg0: i32) -> (i32, i32) {
    %c0_i32 = arith.constant 0 : i32
    %c0_i32_0 = arith.constant 0 : i32
    %c0_i32_1 = arith.constant 0 : i32
    return %c0_i32, %c0_i32_0 : i32, i32
  }
  func.func @transform_8(%arg0: i32) -> (i32, i32) {
    %c0_i32 = arith.constant 0 : i32
    %c0_i32_0 = arith.constant 0 : i32
    %c0_i32_1 = arith.constant 0 : i32
    return %c0_i32, %c0_i32_0 : i32, i32
  }
  func.func @transform_9(%arg0: i32) -> (i32, i32) {
    %c0_i32 = arith.constant 0 : i32
    %c0_i32_0 = arith.constant 0 : i32
    %c0_i32_1 = arith.constant 0 : i32
    return %c0_i32, %c0_i32_0 : i32, i32
  }
  func.func @transform_10(%arg0: i32) -> (i32, i32) {
    %c0_i32 = arith.constant 0 : i32
    %c0_i32_0 = arith.constant 0 : i32
    %c0_i32_1 = arith.constant 0 : i32
    return %c0_i32, %c0_i32_0 : i32, i32
  }
  func.func @transform_11(%arg0: i32) -> (i32, i32) {
    %c0_i32 = arith.constant 0 : i32
    %c0_i32_0 = arith.constant 0 : i32
    %c0_i32_1 = arith.constant 0 : i32
    return %c0_i32, %c0_i32_0 : i32, i32
  }
  func.func @transform_12(%arg0: i32) -> (i32, i32) {
    %c0_i32 = arith.constant 0 : i32
    %c0_i32_0 = arith.constant 0 : i32
    %c0_i32_1 = arith.constant 0 : i32
    return %c0_i32, %c0_i32_0 : i32, i32
  }
  func.func @transform_13(%arg0: i32) -> (i32, i32) {
    %c0_i32 = arith.constant 0 : i32
    %c0_i32_0 = arith.constant 0 : i32
    %c0_i32_1 = arith.constant 0 : i32
    return %c0_i32, %c0_i32_0 : i32, i32
  }
  func.func @transform_14(%arg0: i32) -> (i32, i32) {
    %c0_i32 = arith.constant 0 : i32
    %c0_i32_0 = arith.constant 0 : i32
    %c0_i32_1 = arith.constant 0 : i32
    return %c0_i32, %c0_i32_0 : i32, i32
  }
  func.func @transform_15(%arg0: i32) -> (i32, i32) {
    %c0_i32 = arith.constant 0 : i32
    %c0_i32_0 = arith.constant 0 : i32
    %c0_i32_1 = arith.constant 0 : i32
    return %c0_i32, %c0_i32_0 : i32, i32
  }
  func.func @transform_16(%arg0: i32) -> (i32, i32) {
    %c0_i32 = arith.constant 0 : i32
    %c0_i32_0 = arith.constant 0 : i32
    %c0_i32_1 = arith.constant 0 : i32
    return %c0_i32, %c0_i32_0 : i32, i32
  }
  func.func @transform_17(%arg0: i32) -> (i32, i32) {
    %c0_i32 = arith.constant 0 : i32
    %c0_i32_0 = arith.constant 0 : i32
    %c0_i32_1 = arith.constant 0 : i32
    return %c0_i32, %c0_i32_0 : i32, i32
  }
  func.func @transform_18(%arg0: i32) -> (i32, i32) {
    %c0_i32 = arith.constant 0 : i32
    %c0_i32_0 = arith.constant 0 : i32
    return %arg0, %c0_i32 : i32, i32
  }
}

</mosaic_0001>

<sc_bundles>
// kernel: kernel.5.cloned.1.call-start
scs
__scs_entry_jumppad:
0x0: {  	(pc) =	sbr.rel $0x88, $3  }
0x1: {  	(tag) =	ssettag $0x0;
	lr =	simm.s32 $0x1  }
0x2: {  	[smem:$0x3F90] =	sst lr;
	_ =	strace $0xD0000000  }
0x3: {  	_ = 	snop  }
0x4: {  	_ = 	snop  }
0x5: {  	_ = 	snop  }
0x6: {  	_ = 	snop  }
0x7: {  	_ = 	snop  }
__scs_overlays_trampoline_lowered:
0x8: {  	[smem:$0x3F9F] =	sst s0  }
0x9: {  	[smem:$0x3FA0] =	sst s1  }
0xa: {  	[smem:$0x3FA1] =	sst s2  }
0xb: {  	[smem:$0x3FA2] =	sst s3  }
0xc: {  	[smem:$0x3FA3] =	sst s4  }
0xd: {  	[smem:$0x3FA4] =	sst s5  }
0xe: {  	[smem:$0x3FA5] =	sst s6  }
0xf: {  	[smem:$0x3FA6] =	sst s7  }
0x10: {  	[smem:$0x3FA7] =	sst s8  }
0x11: {  	[smem:$0x3FA8] =	sst s9;
	s0 =	simm.s32 @!p0 $0x0  }
0x12: {  	s1 =	sld [smem:$0x3F8E];
	s0 =	simm.s32 @p0 $0x1  }
0x13: {  	[smem:$0x3FA9] =	sst s0;
	s0 =	simm.s32 @!p1 $0x0  }
0x14: {  	s2 =	sld [smem:$0x3F8D];
	s0 =	simm.s32 @p1 $0x1  }
0x15: {  	[smem:$0x3FAA] =	sst s0;
	s0 =	simm.s32 @!p2 $0x0  }
0x16: {  	s3 =	sld [smem:$0x3FDB];
	s0 =	simm.s32 @p2 $0x1  }
0x17: {  	s4 =	simm.s32 $0x1BF5;
	[smem:$0x3FAC] =	sst s0  }
0x18: {  	s0 =	sld [smem:$0x3F8F];
	_ =	swait.ge [sflag:s4], $0x0  }
0x19: {  	s7 =	sld [smem:$0x3F90]  }
0x1a: {  	s8 =	sadd.s32 $0xFFFFE003, lr  }
0x1b: {  	s9 =	sadd.s32 $0xFFFFFEF7, lr;
	s5 =	simm.s32 $0xFFFFFFFF;
	p2 =	slt.u32 s8, $0xFFFFF086  }
0x1c: {  	p1 =	slt.u32 s9, $0xF7A;
	s5 =	simm.s32 @!p2 $0x0  }
0x1d: {  	s5 =	simm.s32 @p1 $0x1;
	p0 =	seq.s32 s7, s2  }
0x1e: {  	s7 =	smul.u32 @!p0 $0xF7A, s2;
	p2 =	seq.s32 @!p0 s5, $0x0  }
0x1f: {  	s9 =	smul.u32 $0xF7A, s1;
	s8 =	simm.s32 @!p0 $0x1BF5;
	p2 =	por !p2, p0  }
0x20: {  	[sflag:s8] =	ssyncset.s32 @!p0 $0xFFFFF086;
	s6 =	sadd.s32 @!p0 s3, s7;
	s7 =	simm.s32 @!p0 $0x108  }
0x21: {  	s3 =	sadd.s32 s3, s9;
	s6 =	sadd.s32 @!p0 $0x88, s6;
	s7 =	simm.s32 @p2 $0x1082  }
0x22: {  	[simem:s7], [sflag:s8] =	dma.local @!p0 [hbm:s6], $0xF7A  }
0x23: {  	s9 =	sor.u32 $0xD0000000, s2;
	s6 =	simm.s32 $0x108;
	_ =	swait.ge @!p0 [sflag:s8], $0x0  }
0x24: {  	s3 =	sadd.s32 $0x88, s3;
	s6 =	simm.s32 @!p1 $0x1082;
	[sflag:s4] =	ssyncset.s32 $0xFFFFF086  }
0x25: {  	[simem:s6], [sflag:s4] =	dma.local [hbm:s3], $0xF7A  }
0x26: {  	[smem:$0x3F90] =	sst s1;
	(tag) =	ssettag s2;
	_ =	strace s9  }
0x27: {  	s1 =	sld [smem:$0x3FA0]  }
0x28: {  	s2 =	sld [smem:$0x3FA1]  }
0x29: {  	s4 =	sld [smem:$0x3FA3]  }
0x2a: {  	p0 =	seq.s32 s5, $0x0;
	s5 =	sld [smem:$0x3FA4]  }
0x2b: {  	s6 =	sld [smem:$0x3FA5]  }
0x2c: {  	s7 =	sld [smem:$0x3FA6]  }
0x2d: {  	s3 =	simm.s32 $0x108;
	s8 =	sld [smem:$0x3FA7]  }
0x2e: {  	s3 =	simm.s32 @!p0 $0x1082;
	s9 =	sld [smem:$0x3FA8]  }
0x2f: {  	lr =	sadd.s32 s0, s3;
	s0 =	sld [smem:$0x3F9F]  }
0x30: {  	s3 =	sld [smem:$0x3FA2]  }
0x31: {  	[smem:$0x3FAB] =	sst s10  }
0x32: {  	s10 =	sld [smem:$0x3FA9];
	_ =	sdelay $0x3  }
0x33: {  	p0 =	seq.s32 s10, $0x1;
	s10 =	sld [smem:$0x3FAB];
	_ =	sdelay $0x3  }
0x34: {  	[smem:$0x3FAB] =	sst s10  }
0x35: {  	s10 =	sld [smem:$0x3FAA];
	_ =	sdelay $0x3  }
0x36: {  	p1 =	seq.s32 s10, $0x1;
	s10 =	sld [smem:$0x3FAB];
	_ =	sdelay $0x3  }
0x37: {  	[smem:$0x3FAB] =	sst s10  }
0x38: {  	s10 =	sld [smem:$0x3FAC]  }
0x39: {  	_ = 	snop;
	(pc) =	sbr.ind lr, $3  }
0x3a: {  	_ = 	snop  }
0x3b: {  	_ = 	snop  }
0x3c: {  	p2 =	seq.s32 s10, $0x1;
	s10 =	sld [smem:$0x3FAB]  }
0x3d: {  	_ =	shalt  }
0x3e: {  	_ =	shalt  }
0x3f: {  	_ =	shalt  }
0x40: {  	_ =	shalt  }
0x41: {  	_ =	shalt  }
0x42: {  	_ =	shalt  }
0x43: {  	_ =	shalt  }
0x44: {  	_ =	shalt  }
0x45: {  	_ =	shalt  }
0x46: {  	_ =	shalt  }
0x47: {  	_ =	shalt  }
0x48: {  	_ =	shalt  }
0x49: {  	_ =	shalt  }
0x4a: {  	_ =	shalt  }
0x4b: {  	_ =	shalt  }
0x4c: {  	_ =	shalt  }
0x4d: {  	_ =	shalt  }
0x4e: {  	_ =	shalt  }
0x4f: {  	_ =	shalt  }
0x50: {  	_ =	shalt  }
0x51: {  	_ =	shalt  }
0x52: {  	_ =	shalt  }
0x53: {  	_ =	shalt  }
0x54: {  	_ =	shalt  }
0x55: {  	_ =	shalt  }
0x56: {  	_ =	shalt  }
0x57: {  	_ =	shalt  }
0x58: {  	_ =	shalt  }
0x59: {  	_ =	shalt  }
0x5a: {  	_ =	shalt  }
0x5b: {  	_ =	shalt  }
0x5c: {  	_ =	shalt  }
0x5d: {  	_ =	shalt  }
0x5e: {  	_ =	shalt  }
0x5f: {  	_ =	shalt  }
0x60: {  	_ =	shalt  }
0x61: {  	_ =	shalt  }
0x62: {  	_ =	shalt  }
0x63: {  	_ =	shalt  }
0x64: {  	_ =	shalt  }
0x65: {  	_ =	shalt  }
0x66: {  	_ =	shalt  }
0x67: {  	_ =	shalt  }
0x68: {  	_ =	shalt  }
0x69: {  	_ =	shalt  }
0x6a: {  	_ =	shalt  }
0x6b: {  	_ =	shalt  }
0x6c: {  	_ =	shalt  }
0x6d: {  	_ =	shalt  }
0x6e: {  	_ =	shalt  }
0x6f: {  	_ =	shalt  }
0x70: {  	_ =	shalt  }
0x71: {  	_ =	shalt  }
0x72: {  	_ =	shalt  }
0x73: {  	_ =	shalt  }
0x74: {  	_ =	shalt  }
0x75: {  	_ =	shalt  }
0x76: {  	_ =	shalt  }
0x77: {  	_ =	shalt  }
0x78: {  	_ =	shalt  }
0x79: {  	_ =	shalt  }
0x7a: {  	_ =	shalt  }
0x7b: {  	_ =	shalt  }
0x7c: {  	_ =	shalt  }
0x7d: {  	_ =	shalt  }
0x7e: {  	_ =	shalt  }
0x7f: {  	_ =	shalt  }
0x80: {  	_ =	shalt  }
0x81: {  	_ =	shalt  }
0x82: {  	_ =	shalt  }
0x83: {  	_ =	shalt  }
0x84: {  	_ =	shalt  }
0x85: {  	_ =	shalt  }
0x86: {  	_ =	shalt  }
0x87: {  	_ =	shalt  }
.Lfunc_end0:
.L_simem_size_0:
called_computation_lowered:
.L_overlay_start_0:
0x88: {  	s2 =	sld [smem:$0x3FD9]  }
0x89: {  	s3 =	sld [smem:$0x3FFE];
	_ =	sdelay $0x1  }
0x8a: {  	s1 =	srdreg.scid  }
0x8b: {  	s0 =	sand.u32 $0x1, s1  }
0x8c: {  	s17 =	sshll.u32 s0, $0xA;
	s2 =	sadd.s32 s3, s2  }
0x8d: {  	s2 =	sadd.s32 s2, s17  }
0x8e: {  	[smem:$0x3FB7] =	sst s2  }
0x8f: {  	_ = 	snop  }
0x90: {  	s2 =	sld [smem:$0x3FC3]  }
0x91: {  	s18 =	sld [smem:$0x3FD0];
	(tm) =	ssettm $0x1  }
0x92: {  	s4 =	sld [smem:$0x3FFB];
	_ =	sdelay $0x3  }
0x93: {  	_ =	strace s4  }
0x94: {  	s4 =	sld [smem:$0x3FFC];
	_ =	sdelay $0x3  }
0x95: {  	_ =	strace s4  }
0x96: {  	s4 =	sld [smem:$0x3FFD];
	_ =	sdelay $0x3  }
0x97: {  	_ =	strace s4  }
0x98: {  	_ =	strace $0x8FFFFFFF  }
0x99: {  	s19 =	sld [smem:$0x3FDB];
	_ =	sdelay $0x1  }
0x9a: {  	s5 =	simm.s32 $_scs_section_size  }
0x9b: {  	s6 =	simm.s32 $_size__tile_overlayer_lowered;
	s7 =	simm.s32 $_tile_overlayer_lowered  }
0x9c: {  	s22 =	simm.s32 $0x1BFF;
	s21 =	sshll.u32 s7, $0x1;
	s4 =	sadd.s32 s5, s19  }
0x9d: {  	s8 =	simm.s32 $0x0;
	s20 =	sshll.u32 s6, $0x1;
	s6 =	sadd.s32 s21, s4  }
0x9e: {  	[timem:s8], [sflag:s22] =	dma.local [hbm:s6], s20  }
0x9f: {  	_ =	swait.ge [sflag:s22], s20  }
0xa0: {  	s5 =	ssub.s32 $0x0, s20;
	[sflag:s22] =	ssyncset.done $0x0  }
0xa1: {  	[sflag:s22] =	ssyncadd.s32 s5;
	_ =	sdelay $0x1  }
0xa2: {  	s23 =	simm.s32 $0x1B8B  }
0xa3: {  	_ =	swait.ge [sflag:s23], $0x1  }
0xa4: {  	[sflag:s23] =	ssyncset.done $0x0  }
0xa5: {  	s25 =	simm.s32 $0x1B8E;
	s24 =	sld [smem:$0x3FFE];
	[sflag:s23] =	ssyncadd.s32 $0xFFFFFFFF  }
0xa6: {  	s26 =	simm.s32 $execute0_lowered;
	[smem:$0x3FD2] =	sst s25  }
0xa7: {  	s6 =	sshll.u32 s26, $0x1;
	_ =	strace $0x80000046;
	[dreg:$0x1] =	wrdreg $0xFFFFFFFF  }
0xa8: {  	s28 =	simm.s32 $_size_execute0_lowered;
	s4 =	sadd.s32 s4, s6;
	[dreg:$0x0] =	wrdreg $0x0  }
0xa9: {  	s6 =	sshll.u32 s28, $0x1;
	[dreg:$0x2] =	wrdreg s4  }
0xaa: {  	[dreg:$0x3] =	wrdreg s6  }
0xab: {  	[dreg:$0x4] =	wrdreg $0xC0  }
0xac: {  	_ =	task [dreg:s8], $0x5FFFF  }
0xad: {  	[dreg:$0x1] =	wrdreg $0xFFFFFFFF  }
0xae: {  	[dreg:$0x0] =	wrdreg $0x60  }
0xaf: {  	[dreg:$0x2] =	wrdreg s24  }
0xb0: {  	[dreg:$0x3] =	wrdreg s18  }
0xb1: {  	[dreg:$0x4] =	wrdreg s2  }
0xb2: {  	[dreg:$0x5] =	wrdreg $0x7D800  }
0xb3: {  	[dreg:$0x6] =	wrdreg $0x1BD800  }
0xb4: {  	[dreg:$0x7] =	wrdreg $0x9  }
0xb5: {  	_ =	task.clear_ibuf [dreg:s8], $0x8FFFF;
	_ =	strace $0x90000046  }
0xb6: {  	s29 =	simm.s32 $0x9;
	_ =	strace $0x80000048  }
0xb7: {  	_ =	swait.ge [sflag:s29], $0x1  }
0xb8: {  	[sflag:s29] =	ssyncadd.s32 $0xFFFFFFFF  }
0xb9: {  	_ =	strace $0x90000048  }
0xba: {  	_ =	sfence  }
0xbb: {  	s30 =	sld [smem:$0x0];
	_ =	sdelay $0x2  }
0xbc: {  	s31 =	sshll.u32 s1, $0xD;
	s1 =	sshrl.u32 s1, $0x2  }
0xbd: {  	s3 =	sand.u32 $0x4000, s31;
	s1 =	sadd.s32 s1, s30  }
0xbe: {  	s0 =	sor.u32 s3, s0;
	s1 =	sshll.u32 s1, $0x11  }
0xbf: {  	s0 =	sor.u32 s1, s0  }
0xc0: {  	s0 =	sadd.s32 $0x8F2B, s0  }
0xc1: {  	[sflag:s0] =	ssyncadd.remote.s32 $0x1  }
0xc2: {  	_ =	sfence.sel $0xFFFF  }
0xc3: {  	[dreg:$0x0] =	wrdreg $0xFFFFFFFF;
	(pc) =	sbr.abs _section_cstart, $3  }
0xc4: {  	[dreg:$0x1] =	wrdreg $0xFFFFFFFF  }
0xc5: {  	_ =	task.clear_ibuf [dreg:s8], $0x2FFFF;
	_ =	strace $0x9FFFFFFF  }
0xc6: {  	(tm) =	ssettm $0x7FFFFFFF  }
0xc7: {  	_ =	shalt  }
tec
execute0_lowered:
.L_overlay_start_1:
0x0: {  	(tag) =	ssettag $0x1  }
0x1: {  	s2 =	rddreg [dreg:$0x0];
	s23 =	stileid.u32  }
0x2: {  	s1 =	rddreg [dreg:$0x1];
	s16 =	smul.u32 $0x280, s23  }
0x3: {  	s3 =	rddreg [dreg:$0x3];
	s6 =	simm.s32 $0x0;
	v0 =	vlaneseq.u32  }
0x4: {  	[smem:$0x7FF] =	sst s6;
	v6 =	vor.u32 s16, v0;
	s13 =	sor.u32 $0x10, s16  }
0x5: {  	s4 =	rddreg [dreg:$0x4];
	_ =	strace $0x80000047;
	s14 =	sor.u32 $0x20, s16;
	v7 =	vor.u32 s13, v0;
	[tilespmem:$0x1FD30] =	vst v6  }
0x6: {  	s11 =	sor.u32 $0x30, s16;
	v8 =	vor.u32 s14, v0;
	[tilespmem:$0x1FD40] =	vst v7  }
0x7: {  	s15 =	sor.u32 $0x40, s16;
	v9 =	vor.u32 s11, v0;
	[tilespmem:$0x1FD50] =	vst v8  }
0x8: {  	s17 =	sor.u32 $0x60, s16;
	v10 =	vor.u32 s15, v0;
	[tilespmem:$0x1FD60] =	vst v9  }
0x9: {  	s19 =	sor.u32 $0x70, s16;
	v12 =	vor.u32 s17, v0;
	[tilespmem:$0x1FD70] =	vst v10  }
0xa: {  	s20 =	sadd.s32 $0x80, s16;
	v13 =	vor.u32 s19, v0;
	[tilespmem:$0x1FD90] =	vst v12  }
0xb: {  	s12 =	sadd.s32 $0x90, s16;
	v14 =	vor.u32 s20, v0;
	[tilespmem:$0x1FDA0] =	vst v13  }
0xc: {  	s21 =	sadd.s32 $0xB0, s16;
	v15 =	vor.u32 s12, v0;
	[tilespmem:$0x1FDB0] =	vst v14  }
0xd: {  	s0 =	srdreg.scid;
	s22 =	sadd.s32 $0xC0, s16;
	v17 =	vor.u32 s21, v0;
	[tilespmem:$0x1FDC0] =	vst v15  }
0xe: {  	s0 =	sand.u32 $0x1, s0;
	s10 =	smul.u32 $0x2800, s23;
	s24 =	sadd.s32 $0xD0, s16;
	v18 =	vor.u32 s22, v0;
	[tilespmem:$0x1FDE0] =	vst v17  }
0xf: {  	s5 =	smul.u32 $0x28000, s0;
	s25 =	sadd.s32 $0x100, s16;
	v19 =	vor.u32 s24, v0;
	[tilespmem:$0x1FDF0] =	vst v18  }
0x10: {  	s26 =	sadd.s32 $0x110, s16;
	v22 =	vor.u32 s25, v0;
	[tilespmem:$0x1FE00] =	vst v19  }
0x11: {  	s28 =	simm.s32 $0x1;
	s18 =	sadd.s32 s10, s5;
	s10 =	sor.u32 $0x50, s16;
	v23 =	vor.u32 s26, v0;
	[tilespmem:$0x1FE30] =	vst v22  }
0x12: {  	s29 =	simm.s32 $0x2;
	s30 =	simm.s32 $0x180;
	s5 =	sadd.s32 $0xA0, s16;
	v11 =	vor.u32 s10, v0;
	[tilespmem:$0x1FE40] =	vst v23  }
0x13: {  	v1 =	vimm.s32 $0xFEDCBA98;
	s31 =	simm.s32 $0x100;
	s7 =	sadd.s32 $0xC200, s2;
	s13 =	sadd.s32 $0xE0, s16;
	v16 =	vor.u32 s5, v0;
	[tilespmem:$0x1FD80] =	vst v11  }
0x14: {  	s8 =	sadd.s32 $0x34200, s2;
	s9 =	sadd.s32 $0x2200, s2;
	s11 =	sadd.s32 $0xF0, s16;
	v20 =	vor.u32 s13, v0;
	[tilespmem:$0x1FDD0] =	vst v16  }
0x15: {  	s14 =	sadd.s32 $0x120, s16;
	s15 =	sadd.s32 $0x140, s16;
	s17 =	sadd.s32 $0x160, s16;
	v21 =	vor.u32 s11, v0;
	[tilespmem:$0x1FE10] =	vst v20  }
0x16: {  	s19 =	sadd.s32 $0x170, s16;
	s20 =	sadd.s32 $0x180, s16;
	s12 =	sadd.s32 $0x190, s16;
	v24 =	vor.u32 s14, v0;
	[tilespmem:$0x1FE20] =	vst v21  }
0x17: {  	s21 =	sadd.s32 $0x1A0, s16;
	s22 =	sadd.s32 $0x1B0, s16;
	s24 =	sadd.s32 $0x1C0, s16;
	v26 =	vor.u32 s15, v0;
	[tilespmem:$0x1FE50] =	vst v24  }
0x18: {  	s25 =	sadd.s32 $0x1F0, s16;
	s26 =	sadd.s32 $0x200, s16;
	s13 =	sadd.s32 $0x130, s16;
	v28 =	vor.u32 s17, v0;
	[tilespmem:$0x1FE70] =	vst v26  }
0x19: {  	s14 =	sadd.s32 $0x150, s16;
	v29 =	vor.u32 s19, v0;
	s17 =	sadd.s32 $0x1D0, s16;
	s19 =	sadd.s32 $0x210, s16;
	[tilespmem:$0x1FE90] =	vst v28  }
0x1a: {  	v30 =	vor.u32 s20, v0;
	v32 =	vor.u32 s21, v0;
	v33 =	vor.u32 s22, v0;
	s20 =	sadd.s32 $0x220, s16;
	s21 =	sadd.s32 $0x240, s16;
	s22 =	sadd.s32 $0x250, s16;
	[tilespmem:$0x1FEA0] =	vst v29  }
0x1b: {  	v2 =	vimm.s32 $0x76543210;
	v31 =	vor.u32 s12, v0;
	s18 =	sshrl.u32 s18, $0x3;
	s10 =	sshll.u32 s10, $0x7;
	v25 =	vor.u32 s13, v0;
	s13 =	sadd.s32 $0x1E0, s16;
	[tilespmem:$0x1FEB0] =	vst v30  }
0x1c: {  	v35 =	vor.u32 s17, v0;
	s17 =	sadd.s32 $0x230, s16;
	v40 =	vor.u32 s20, v0;
	v42 =	vor.u32 s21, v0;
	s20 =	sadd.s32 $0x260, s16;
	s21 =	smul.u32 $0x50, s23;
	[tilespmem:$0x1FEC0] =	vst v31  }
0x1d: {  	v53 =	vimm.f32 $0.0e+00;
	vm0 =	vmmov $0xff;
	v27 =	vor.u32 s14, v0;
	s14 =	sadd.s32 $0x66200, s2;
	s16 =	sadd.s32 $0x270, s16;
	s2 =	sadd.s32 s18, s2;
	[tilespmem:$0x1FED0] =	vst v32  }
0x1e: {  	v59 =	vimm.s32 $0xBA98FEDC;
	v34 =	vor.u32 s24, v0;
	v39 =	vor.u32 s19, v0;
	s19 =	ssub.s32 $0x2, s0;
	s18 =	smul.u32 $0x140000, s0;
	s0 =	sshll.u32 s0, $0x4;
	[tilespmem:$0x1FEE0] =	vst v33  }
0x1f: {  	v37 =	vor.u32 s25, v0;
	v43 =	vor.u32 s22, v0;
	[tilespmem:$0x1FEF0] =	vst v34;
	v44 =	vor.u32 s20, v0;
	s22 =	sshrl.u32 s19, $0x1;
	s0 =	sor.u32 s23, s0;
	s20 =	sshll.u32 s13, $0x7  }
0x20: {  	v61 =	vimm.s32 $0x32107654;
	vm1 =	vcmask $0x2F20;
	v38 =	vor.u32 s26, v0;
	[tilespmem:$0x1FF20] =	vst v37;
	s24 =	sadd.s32 $0x10, s21;
	s25 =	sadd.s32 $0x20, s21;
	s26 =	sadd.s32 $0x30, s21  }
0x21: {  	[tilespmem:$0x1FF30] =	vst v38;
	v45 =	vor.u32 s16, v0;
	v48 =	vor.u32 s21, v0;
	s21 =	sadd.s32 $0x40, s21;
	s16 =	ssub.s32 s19, s22;
	v49 =	vor.u32 s24, v0;
	s24 =	smul.u32 $0x14000, s23  }
0x22: {  	vm2 =	vcmask $0xF00;
	v62 =	vimm.s32 $0xDCFE98BA;
	[tilespmem:$0x1FE60] =	vst v25;
	s19 =	sshll.u32 s12, $0x7;
	v51 =	vor.u32 s26, v0;
	s26 =	sadd.s32 s18, s10;
	s10 =	smul.u32 $0x2800, s0  }
0x23: {  	v3 =	vimm.s32 $0x54761032;
	v4 =	vimm.s32 $0xEFCDAB89;
	[tilespmem:$0x1FE80] =	vst v27;
	v50 =	vor.u32 s25, v0;
	s22 =	sshrl.u32 s26, $0x3;
	s26 =	sshll.u32 s15, $0x7;
	s25 =	sadd.s32 s24, s18  }
0x24: {  	v5 =	vimm.s32 $0x67452301;
	v1 =	vunpack.c.l.s4.s8 v1;
	[tilespmem:$0x1FF00] =	vst v35;
	v52 =	vor.u32 s21, v0;
	s23 =	sadd.s32 s14, s22;
	s24 =	sshll.u32 s5, $0x7;
	s21 =	sshrl.u32 s25, $0x3  }
0x25: {  	vm3 =	vcmask $0x700;
	v56 =	vimm.s32 $0x2;
	v2 =	vunpack.c.l.s4.s8 v2;
	[tilespmem:$0x1FF40] =	vst v39;
	[dreg:$0x7] =	wrdreg s23;
	s25 =	sshll.u32 s11, $0x7;
	s11 =	sadd.s32 s18, s26  }
0x26: {  	v57 =	vimm.s32 $0x4;
	v60 =	vunpack.c.l.s4.s8 v59;
	v1 =	vunpack.c.0.s8.s32 v1;
	[tilespmem:$0x1FF50] =	vst v40;
	s26 =	smax.u32 s16, $0x1;
	s0 =	sadd.s32 s14, s21;
	s5 =	sadd.s32 s18, s25  }
0x27: {  	vm1 =	vmor vm2, vm1;
	v3 =	vunpack.c.l.s4.s8 v3;
	v58 =	vunpack.c.0.s8.s32 v2;
	[tilespmem:$0x1FF70] =	vst v42;
	s11 =	sshrl.u32 s11, $0x3;
	s21 =	sshll.u32 s17, $0x7;
	[dreg:$0xf] =	wrdreg s26  }
0x28: {  	v63 =	vunpack.c.l.s4.s8 v4;
	v1 =	vand.u32 $0xF, v1;
	v36 =	vor.u32 s13, v0;
	[tilespmem:$0x1FF80] =	vst v43;
	s25 =	sadd.s32 $0x5C200, s2;
	s26 =	simm.s32 $0x80;
	[dreg:$0x6] =	wrdreg s0  }
0x29: {  	v46 =	vcombine.low v1, v58;
	v1 =	vunpack.c.l.s4.s8 v61;
	v41 =	vor.u32 s17, v0;
	[tilespmem:$0x1FF10] =	vst v36;
	s0 =	sadd.s32 s18, s24;
	s5 =	sshrl.u32 s5, $0x3;
	s15 =	sadd.s32 s14, s11  }
0x2a: {  	v4 =	vunpack.c.l.s4.s8 v5;
	vm2 =	vcmask $0x1710;
	v2 =	vunpack.c.l.s4.s8 v62;
	[tilespmem:$0x1FF60] =	vst v41;
	s11 =	sadd.s32 s18, s21;
	[dreg:$0xe] =	wrdreg s25;
	s0 =	sshrl.u32 s0, $0x3  }
0x2b: {  	vm2 =	vmor vm3, vm2;
	v1 =	vunpack.c.0.s8.s32 v1;
	[tilespmem:$0x1FF90] =	vst v44;
	v0 =	vunpack.c.0.s8.s32 v60;
	s21 =	simm.s32 $0x50;
	[dreg:$0xa] =	wrdreg s15;
	s0 =	sadd.s32 s14, s0  }
0x2c: {  	vm3 =	vcmask $0x2720;
	v3 =	vunpack.c.0.s8.s32 v3;
	v2 =	vunpack.c.0.s8.s32 v2;
	[tilespmem:$0x1FFA0] =	vst v45;
	s23 =	sshrl.u32 s11, $0x3;
	[dreg:$0x8] =	wrdreg s0;
	s0 =	sadd.s32 s14, s5  }
0x2d: {  	v4 =	vunpack.c.0.s8.s32 v4;
	[tilespmem:$0x1FFB0] =	vst v48;
	v0 =	vcombine.low v1, v0;
	v1 =	vunpack.c.0.s8.s32 v63;
	s24 =	sadd.s32 s14, s23;
	[dreg:$0x9] =	wrdreg s0;
	s0 =	sadd.s32 s18, s19  }
0x2e: {  	vm2 =	vmor vm2, vm3;
	vm3 =	vcmask $0x3730;
	v2 =	vcombine.low v3, v2;
	[tilespmem:$0x1FFC0] =	vst v49;
	s23 =	simm.s32 $0x3;
	s5 =	sadd.s32 s18, s20;
	s0 =	sshrl.u32 s0, $0x3  }
0x2f: {  	v59 =	vimm.s32 $0x0;
	vm2 =	vmor vm2, vm3;
	[tilespmem:$0x1FFD0] =	vst v50;
	v1 =	vcombine.low v4, v1;
	[dreg:$0xd] =	wrdreg s24;
	s22 =	sshrl.u32 s5, $0x3;
	s0 =	sadd.s32 s14, s0  }
0x30: {  	v58 =	vimm.s32 $0x6;
	v61 =	vimm.s32 $0xC;
	v54 =	vand.u32 $0xF, v2;
	[tilespmem:$0x1FFE0] =	vst v51;
	s24 =	simm.s32 $0x5180;
	[dreg:$0xb] =	wrdreg s0;
	s0 =	sadd.s32 s14, s22  }
0x31: {  	v60 =	vimm.s32 $0x8;
	[tilespmem:$0x1FFF0] =	vst v52;
	v47 =	vand.u32 $0xF, v0;
	v55 =	vand.u32 $0xF, v1;
	s22 =	simm.s32 $0x2980;
	[dreg:$0xc] =	wrdreg s0;
	s0 =	simm.s32 $0x0  }
.LBB2_1:
0x32: {  	s2 =	simm.s32 $0x0;
	s5 =	simm.s32 $0x200  }
.LBB2_2:
0x33: {  	p0 =	sne.s32 s5, $0x9E00;
	[tilespmem:s2+$0x51F0] =	vst v53  }
0x34: {  	[tilespmem:s2+$0x2980] =	vst v53  }
0x35: {  	[tilespmem:s2+$0x5180] =	vst v53  }
0x36: {  	[tilespmem:s2+$0x2990] =	vst v53  }
0x37: {  	[tilespmem:s2+$0x5190] =	vst v53  }
0x38: {  	[tilespmem:s2+$0x29A0] =	vst v53  }
0x39: {  	[tilespmem:s2+$0x51A0] =	vst v53  }
0x3a: {  	[tilespmem:s2+$0x29B0] =	vst v53  }
0x3b: {  	[tilespmem:s2+$0x51B0] =	vst v53  }
0x3c: {  	[tilespmem:s2+$0x29C0] =	vst v53  }
0x3d: {  	[tilespmem:s2+$0x51C0] =	vst v53  }
.Ltmp0:
0x3e: {  	[tilespmem:s2+$0x29D0] =	vst v53;
	(pc) =	sbr.rel @p0 .LBB2_2-.Ltmp0, $4  }
0x3f: {  	[tilespmem:s2+$0x51D0] =	vst v53  }
0x40: {  	[tilespmem:s2+$0x29E0] =	vst v53  }
0x41: {  	[tilespmem:s2+$0x51E0] =	vst v53  }
0x42: {  	[tilespmem:s2+$0x29F0] =	vst v53;
	s2 =	sshra.s32 s5, $0x2;
	s5 =	sadd.s32 $0x200, s5  }
0x43: {  	[tilespmem:s2+$0x51F0] =	vst v53  }
0x44: {  	[tilespmem:s2+$0x2980] =	vst v53  }
0x45: {  	[tilespmem:s2+$0x5180] =	vst v53  }
0x46: {  	[tilespmem:s2+$0x2990] =	vst v53  }
0x47: {  	[tilespmem:s2+$0x5190] =	vst v53  }
0x48: {  	[tilespmem:s2+$0x29A0] =	vst v53  }
0x49: {  	[tilespmem:s2+$0x51A0] =	vst v53  }
0x4a: {  	[tilespmem:s2+$0x29B0] =	vst v53  }
0x4b: {  	[tilespmem:s2+$0x51B0] =	vst v53  }
0x4c: {  	[tilespmem:s2+$0x29C0] =	vst v53  }
0x4d: {  	[tilespmem:s2+$0x51C0] =	vst v53  }
0x4e: {  	[tilespmem:s2+$0x29D0] =	vst v53  }
0x4f: {  	[tilespmem:s2+$0x51D0] =	vst v53  }
0x50: {  	[tilespmem:s2+$0x29E0] =	vst v53  }
0x51: {  	[tilespmem:s2+$0x51E0] =	vst v53  }
0x52: {  	[tilespmem:s2+$0x29F0] =	vst v53  }
0x53: {  	[tilespmem:$0x0] =	vst v6  }
0x54: {  	[tilespmem:$0x10] =	vst v7  }
0x55: {  	[tilespmem:$0x20] =	vst v8  }
0x56: {  	[tilespmem:$0x30] =	vst v9  }
0x57: {  	s5 =	simm.s32 $0x0;
	[tilespmem:$0x40] =	vst v10  }
0x58: {  	[spmem:s3] =	stream.indirect.scatter [tilespmem:s22], [sflag:$0x3], $0x80, s5, s21, $0xb8;
	[tilespmem:$0x1E580] =	vst v63  }
0x59: {  	_ =	swait.ge [sflag:s23], $0x2800  }
0x5a: {  	[sflag:s23] =	ssyncset.done $0x0  }
0x5b: {  	[sflag:s23] =	ssyncadd.s32 $0xFFFFD800  }
0x5c: {  	[tilespmem:$0x0] =	vst v11  }
0x5d: {  	[tilespmem:$0x10] =	vst v12  }
0x5e: {  	[tilespmem:$0x20] =	vst v13  }
0x5f: {  	[tilespmem:$0x30] =	vst v14  }
0x60: {  	[tilespmem:$0x40] =	vst v15  }
0x61: {  	[spmem:s3] =	stream.indirect.scatter [tilespmem:s22], [sflag:$0x3], $0x80, s5, s21, $0xb8;
	[tilespmem:$0x1E580] =	vst v63  }
0x62: {  	_ =	swait.ge [sflag:s23], $0x2800  }
0x63: {  	[sflag:s23] =	ssyncset.done $0x0  }
0x64: {  	[sflag:s23] =	ssyncadd.s32 $0xFFFFD800  }
0x65: {  	[tilespmem:$0x0] =	vst v16  }
0x66: {  	[tilespmem:$0x10] =	vst v17  }
0x67: {  	[tilespmem:$0x20] =	vst v18  }
0x68: {  	[tilespmem:$0x30] =	vst v19  }
0x69: {  	[tilespmem:$0x40] =	vst v20  }
0x6a: {  	[spmem:s3] =	stream.indirect.scatter [tilespmem:s22], [sflag:$0x3], $0x80, s5, s21, $0xb8;
	[tilespmem:$0x1E580] =	vst v63  }
0x6b: {  	_ =	swait.ge [sflag:s23], $0x2800  }
0x6c: {  	[sflag:s23] =	ssyncset.done $0x0  }
0x6d: {  	[sflag:s23] =	ssyncadd.s32 $0xFFFFD800  }
0x6e: {  	[tilespmem:$0x0] =	vst v21  }
0x6f: {  	[tilespmem:$0x10] =	vst v22  }
0x70: {  	[tilespmem:$0x20] =	vst v23  }
0x71: {  	[tilespmem:$0x30] =	vst v24  }
0x72: {  	[tilespmem:$0x40] =	vst v25  }
0x73: {  	[spmem:s3] =	stream.indirect.scatter [tilespmem:s22], [sflag:$0x3], $0x80, s5, s21, $0xb8;
	[tilespmem:$0x1E580] =	vst v63  }
0x74: {  	_ =	swait.ge [sflag:s23], $0x2800  }
0x75: {  	[sflag:s23] =	ssyncset.done $0x0  }
0x76: {  	[sflag:s23] =	ssyncadd.s32 $0xFFFFD800  }
0x77: {  	[tilespmem:$0x0] =	vst v26  }
0x78: {  	[tilespmem:$0x10] =	vst v27  }
0x79: {  	[tilespmem:$0x20] =	vst v28  }
0x7a: {  	[tilespmem:$0x30] =	vst v29  }
0x7b: {  	[tilespmem:$0x40] =	vst v30  }
0x7c: {  	[spmem:s3] =	stream.indirect.scatter [tilespmem:s22], [sflag:$0x3], $0x80, s5, s21, $0xb8;
	[tilespmem:$0x1E580] =	vst v63  }
0x7d: {  	_ =	swait.ge [sflag:s23], $0x2800  }
0x7e: {  	[sflag:s23] =	ssyncset.done $0x0  }
0x7f: {  	[sflag:s23] =	ssyncadd.s32 $0xFFFFD800  }
0x80: {  	[tilespmem:$0x0] =	vst v31  }
0x81: {  	[tilespmem:$0x10] =	vst v32  }
0x82: {  	[tilespmem:$0x20] =	vst v33  }
0x83: {  	[tilespmem:$0x30] =	vst v34  }
0x84: {  	[tilespmem:$0x40] =	vst v35  }
0x85: {  	[spmem:s3] =	stream.indirect.scatter [tilespmem:s22], [sflag:$0x3], $0x80, s5, s21, $0xb8;
	[tilespmem:$0x1E580] =	vst v63  }
0x86: {  	_ =	swait.ge [sflag:s23], $0x2800  }
0x87: {  	[sflag:s23] =	ssyncset.done $0x0  }
0x88: {  	[sflag:s23] =	ssyncadd.s32 $0xFFFFD800  }
0x89: {  	[tilespmem:$0x0] =	vst v36  }
0x8a: {  	[tilespmem:$0x10] =	vst v37  }
0x8b: {  	[tilespmem:$0x20] =	vst v38  }
0x8c: {  	[tilespmem:$0x30] =	vst v39  }
0x8d: {  	[tilespmem:$0x40] =	vst v40  }
0x8e: {  	[spmem:s3] =	stream.indirect.scatter [tilespmem:s22], [sflag:$0x3], $0x80, s5, s21, $0xb8;
	[tilespmem:$0x1E580] =	vst v63  }
0x8f: {  	_ =	swait.ge [sflag:s23], $0x2800  }
0x90: {  	[sflag:s23] =	ssyncset.done $0x0  }
0x91: {  	[sflag:s23] =	ssyncadd.s32 $0xFFFFD800  }
0x92: {  	[tilespmem:$0x0] =	vst v41  }
0x93: {  	[tilespmem:$0x10] =	vst v42  }
0x94: {  	[tilespmem:$0x20] =	vst v43  }
0x95: {  	[tilespmem:$0x30] =	vst v44  }
0x96: {  	[tilespmem:$0x40] =	vst v45  }
0x97: {  	[spmem:s3] =	stream.indirect.scatter [tilespmem:s22], [sflag:$0x3], $0x80, s5, s21, $0xb8;
	[tilespmem:$0x1E580] =	vst v63  }
0x98: {  	_ =	swait.ge [sflag:s23], $0x2800  }
0x99: {  	[sflag:s23] =	ssyncset.done $0x0  }
0x9a: {  	[sflag:s23] =	ssyncadd.s32 $0xFFFFD800  }
0x9b: {  	[tilespmem:$0x0] =	vst v48  }
0x9c: {  	[tilespmem:$0x10] =	vst v49  }
0x9d: {  	[tilespmem:$0x20] =	vst v50  }
0x9e: {  	[tilespmem:$0x30] =	vst v51  }
0x9f: {  	[tilespmem:$0x40] =	vst v52  }
0xa0: {  	[spmem:s4] =	stream.indirect.scatter [tilespmem:s24], [sflag:$0x3], $0x80, s5, s21, $0xb8;
	[tilespmem:$0x1E580] =	vst v63  }
0xa1: {  	_ =	swait.ge [sflag:s23], $0x2800  }
0xa2: {  	[sflag:s23] =	ssyncset.done $0x0  }
0xa3: {  	[sflag:s23] =	ssyncadd.s32 $0xFFFFD800  }
0xa4: {  	s11 =	simm.s32 $0x7980;
	s25 =	rddreg [dreg:$0x2]  }
0xa5: {  	[tilespmem:s11], [sflag:$0x3] =	stream.linear.gather [hbm4b:s25+s5], $0x400, $0x38;
	[tilespmem:$0x1E580] =	vst v63  }
0xa6: {  	_ =	swait.ge [sflag:s23], $0x400  }
0xa7: {  	[sflag:s23] =	ssyncset.done $0x0  }
0xa8: {  	[sflag:s23] =	ssyncadd.s32 $0xFFFFFC00  }
0xa9: {  	[bflag:$0x0] =	sbarrier.arrive $0xFFFF  }
0xaa: {  	v50 =	vld [tilespmem:$0x7980]  }
0xab: {  	v1 =	vld [tilespmem:$0x7A00]  }
0xac: {  	v43 =	vld [tilespmem:$0x7A80]  }
0xad: {  	v44 =	vld [tilespmem:$0x7B00]  }
0xae: {  	v42 =	vld [tilespmem:$0x7B80]  }
0xaf: {  	v41 =	vld [tilespmem:$0x7C00]  }
0xb0: {  	v31 =	vld [tilespmem:$0x7C80]  }
0xb1: {  	s2 =	simm.s32 $0x0;
	v37 =	vld [tilespmem:$0x7D00]  }
.LBB2_4:
0xb2: {  	s11 =	smul.u32 $0x50, s2;
	_ =	sdelay $0x1  }
0xb3: {  	s11 =	sadd.s32 s10, s11  }
0xb4: {  	s11 =	sshrl.u32 s11, $0x3  }
0xb5: {  	s12 =	sadd.s32 s1, s11  }
0xb6: {  	[tilespmem:s5], [sflag:$0x1] =	stream.linear.gather [hbm4b:s12+s5], $0x50, $0x38;
	[tilespmem:$0x1E580] =	vst v63  }
0xb7: {  	s11 =	sadd.s32 s9, s11  }
0xb8: {  	[tilespmem:s26], [sflag:$0x2] =	stream.linear.gather [hbm4b:s11+s5], $0x50, $0x38;
	[tilespmem:$0x1E580] =	vst v63  }
0xb9: {  	_ =	swait.ge [sflag:s28], $0x50  }
0xba: {  	[sflag:s28] =	ssyncset.done $0x0  }
0xbb: {  	[sflag:s28] =	ssyncadd.s32 $0xFFFFFFB0  }
0xbc: {  	_ =	swait.ge [sflag:s29], $0x50  }
0xbd: {  	[sflag:s29] =	ssyncset.done $0x0  }
0xbe: {  	[sflag:s29] =	ssyncadd.s32 $0xFFFFFFB0  }
0xbf: {  	[tilespmem:s30], [sflag:$0x1] =	stream.indirect.gather [hbm4b:s7+s21], $0x80, s5, s21, $0xb8;
	[tilespmem:$0x1E580] =	vst v63  }
0xc0: {  	_ = 	snop  }
0xc1: {  	[tilespmem:s22], [sflag:$0x2] =	stream.indirect.gather [hbm4b:s8+s21], $0x80, s26, s21, $0xb8;
	[tilespmem:$0x1E580] =	vst v63  }
0xc2: {  	_ =	swait.ge [sflag:s28], $0x2800  }
0xc3: {  	[sflag:s28] =	ssyncset.done $0x0  }
0xc4: {  	[sflag:s28] =	ssyncadd.s32 $0xFFFFD800  }
0xc5: {  	_ =	swait.ge [sflag:s29], $0x2800  }
0xc6: {  	[sflag:s29] =	ssyncset.done $0x0  }
0xc7: {  	[sflag:s29] =	ssyncadd.s32 $0xFFFFD800  }
0xc8: {  	v2 =	vld [tilespmem:$0x80]  }
0xc9: {  	v3 =	vld [tilespmem:$0x90]  }
0xca: {  	v4 =	vld [tilespmem:$0xA0]  }
0xcb: {  	v5 =	vld [tilespmem:$0xB0]  }
0xcc: {  	v6 =	vld [tilespmem:$0xC0]  }
0xcd: {  	v2 =	vshra.s32 v2, $0x3  }
0xce: {  	[tilespmem:$0x100] =	vst v2;
	v2 =	vshra.s32 v3, $0x3  }
0xcf: {  	[tilespmem:$0x110] =	vst v2;
	v2 =	vshra.s32 v4, $0x3  }
0xd0: {  	[tilespmem:$0x120] =	vst v2;
	v2 =	vshra.s32 v5, $0x3  }
0xd1: {  	[tilespmem:$0x130] =	vst v2;
	v2 =	vshra.s32 v6, $0x3  }
0xd2: {  	s25 =	simm.s32 $0x0;
	[tilespmem:$0x140] =	vst v2  }
.LBB2_5:
0xd3: {  	s12 =	sshll.u32 s25, $0x7  }
0xd4: {  	v2 =	vld [tilespmem:s12+$0x180]  }
0xd5: {  	v3 =	vld [tilespmem:s12+$0x2980]  }
0xd6: {  	v4 =	vld [tilespmem:s12+$0x190]  }
0xd7: {  	v5 =	vld [tilespmem:s12+$0x2990]  }
0xd8: {  	v6 =	vld [tilespmem:s12+$0x1A0]  }
0xd9: {  	v7 =	vld [tilespmem:s12+$0x29A0]  }
0xda: {  	v8 =	vld [tilespmem:s12+$0x1B0]  }
0xdb: {  	v9 =	vld [tilespmem:s12+$0x29B0]  }
0xdc: {  	v10 =	vld [tilespmem:s12+$0x1C0]  }
0xdd: {  	v11 =	vld [tilespmem:s12+$0x29C0]  }
0xde: {  	v12 =	vld [tilespmem:s12+$0x1D0]  }
0xdf: {  	v13 =	vld [tilespmem:s12+$0x29D0]  }
0xe0: {  	v20 =	vld [tilespmem:s12+$0x1E0]  }
0xe1: {  	v21 =	vld [tilespmem:s12+$0x29E0]  }
0xe2: {  	v16 =	vld [tilespmem:s12+$0x1F0]  }
0xe3: {  	v23 =	vld [tilespmem:s12+$0x29F0]  }
0xe4: {  	v2 =	vadd.f32 v3, v2;
	v3 =	vadd.f32 v5, v4  }
0xe5: {  	v6 =	vadd.f32 v7, v6;
	v22 =	vadd.f32 v9, v8  }
0xe6: {  	v10 =	vadd.f32 v11, v10;
	v26 =	vadd.f32 v13, v12;
	v14 =	vmul.f32 $2.000000030e-01, v2  }
0xe7: {  	v4 =	vadd.f32 v21, v20;
	v15 =	vmul.f32 $2.000000030e-01, v3;
	v24 =	vmul.f32 $2.000000030e-01, v6  }
0xe8: {  	v32 =	vadd.f32 v23, v16;
	v25 =	vmul.f32 $2.000000030e-01, v22;
	v27 =	vmul.f32 $2.000000030e-01, v10  }
0xe9: {  	v12 =	vmul.f32 $2.000000030e-01, v26;
	v35 =	vmul.f32 $2.000000030e-01, v4  }
0xea: {  	v36 =	vmul.f32 $2.000000030e-01, v32;
	v2 =	vmax.f32 v2, v14;
	v3 =	vmax.f32 v3, v15  }
0xeb: {  	v6 =	vmax.f32 v6, v24;
	v7 =	vmax.f32 v22, v25;
	v33 =	vmax.f32 v10, v27  }
0xec: {  	v34 =	vmax.f32 v26, v12;
	v2 =	vmul.f32 v2, v50;
	v3 =	vmul.f32 v3, v1  }
0xed: {  	s15 =	sor.u32 $0x1, s25;
	v4 =	vmax.f32 v4, v35;
	v6 =	vmul.f32 v6, v43;
	v7 =	vmul.f32 v7, v44  }
0xee: {  	s13 =	sshll.u32 s15, $0x7;
	v5 =	vmax.f32 v32, v36;
	v8 =	vmul.f32 v33, v42;
	v9 =	vmul.f32 v34, v41  }
0xef: {  	v19 =	vld [tilespmem:s13+$0x29D0];
	v4 =	vmul.f32 v4, v31;
	v5 =	vmul.f32 v5, v37  }
0xf0: {  	v23 =	vld [tilespmem:s13+$0x2990];
	v38 =	vsel vm0, v3, v2;
	v2 =	vsel vm0, v2, v3  }
0xf1: {  	v22 =	vld [tilespmem:s13+$0x190];
	v3 =	vsel vm0, v7, v6;
	v40 =	vsel vm0, v9, v8;
	v45 =	vsel vm0, v5, v4  }
0xf2: {  	v24 =	vld [tilespmem:s13+$0x1A0];
	v6 =	vsel vm0, v6, v7;
	v39 =	vperm.xlane v38, v46;
	v3 =	vperm.xlane v3, v46  }
0xf3: {  	v25 =	vld [tilespmem:s13+$0x29A0];
	v51 =	vsel vm0, v8, v9;
	v48 =	vperm.xlane v40, v46;
	v49 =	vperm.xlane v45, v46  }
0xf4: {  	v26 =	vld [tilespmem:s13+$0x1B0];
	v4 =	vsel vm0, v4, v5;
	v2 =	vadd.f32 v39, v2;
	v3 =	vadd.f32 v3, v6  }
0xf5: {  	v32 =	vld [tilespmem:s13+$0x1C0];
	v52 =	vadd.f32 v48, v51;
	v4 =	vadd.f32 v4, v49  }
0xf6: {  	v34 =	vld [tilespmem:s13+$0x29C0]  }
0xf7: {  	v27 =	vld [tilespmem:s13+$0x29B0];
	v53 =	vsel vm1, v3, v2;
	v7 =	vsel vm1, v4, v52  }
0xf8: {  	v35 =	vld [tilespmem:s13+$0x1D0];
	v45 =	vadd.f32 v23, v22;
	v6 =	vperm.xlane v53, v47;
	v7 =	vperm.xlane v7, v47  }
0xf9: {  	v63 =	vld [tilespmem:s13+$0x180];
	v8 =	vadd.f32 v25, v24;
	v2 =	vsel vm1, v2, v3;
	v3 =	vsel vm1, v52, v4  }
0xfa: {  	v21 =	vld [tilespmem:s13+$0x2980];
	v20 =	vmul.f32 $2.000000030e-01, v45;
	v2 =	vadd.f32 v6, v2;
	v3 =	vadd.f32 v3, v7  }
0xfb: {  	v0 =	vimm.s32 $0xA;
	v13 =	vadd.f32 v34, v32;
	v24 =	vmul.f32 $2.000000030e-01, v8  }
0xfc: {  	v48 =	vld [tilespmem:s13+$0x1E0];
	v53 =	vadd.f32 v27, v26;
	v5 =	vmax.f32 v45, v20;
	v62 =	vsel vm2, v3, v2  }
0xfd: {  	v51 =	vld [tilespmem:s13+$0x29E0];
	v26 =	vadd.f32 v19, v35;
	v8 =	vmax.f32 v8, v24;
	v4 =	vperm.xlane v62, v54  }
0xfe: {  	v27 =	vmul.f32 $2.000000030e-01, v13;
	v5 =	vmul.f32 v5, v1;
	v2 =	vsel vm2, v2, v3;
	v62 =	vld [tilespmem:s13+$0x29F0]  }
0xff: {  	v32 =	vmul.f32 $2.000000030e-01, v26;
	v2 =	vadd.f32 v2, v4;
	v4 =	vadd.f32 v21, v63;
	v21 =	vld [tilespmem:s13+$0x1F0]  }
0x100: {  	v8 =	vmul.f32 v8, v43;
	v25 =	vmul.f32 $2.000000030e-01, v53;
	v13 =	vmax.f32 v13, v27  }
0x101: {  	v13 =	vmul.f32 v13, v42;
	v15 =	vmax.f32 v26, v32;
	v3 =	vperm.xlane v2, v55  }
0x102: {  	s11 =	sand.u32 $0x70, s25;
	v9 =	vmax.f32 v53, v25;
	v15 =	vmul.f32 v15, v41;
	v52 =	vmul.f32 $2.000000030e-01, v4  }
0x103: {  	v6 =	vadd.f32 v51, v48;
	v9 =	vmul.f32 v9, v44;
	v2 =	vadd.f32 v2, v3;
	v3 =	vld [tilespmem:s11+$0x80]  }
0x104: {  	v40 =	vsel vm0, v15, v13;
	v4 =	vmax.f32 v4, v52;
	v11 =	vadd.f32 v62, v21  }
0x105: {  	v38 =	vsel vm0, v9, v8;
	v48 =	vperm.xlane v40, v46;
	v4 =	vmul.f32 v4, v50  }
0x106: {  	v8 =	vsel vm0, v8, v9;
	v2 =	vmul.f32 $1.442695020e+00, v2;
	v34 =	vmul.f32 $2.000000030e-01, v11  }
0x107: {  	s14 =	sand.u32 $0x8, s25;
	v35 =	vsel vm0, v5, v4;
	v4 =	vsel vm0, v4, v5;
	v5 =	vperm.xlane v38, v46  }
0x108: {  	(erf) = vpow2.f32 v2;
	v2 =	vand.u32 $0x7, v3;
	v3 =	vmov s14  }
0x109: {  	v51 =	vsel vm0, v13, v15;
	v36 =	vperm.xlane v35, v46;
	v10 =	vperm.xlane v2, v3  }
0x10a: {  	v11 =	vmax.f32 v11, v34;
	v5 =	vadd.f32 v5, v8;
	v8 =	vadd.f32 v48, v51  }
0x10b: {  	v11 =	vmul.f32 v11, v37;
	v4 =	vadd.f32 v36, v4;
	vm3 =	vlt.s32 v10, $0x1  }
0x10c: {  	v3 =	vxor.u32 $0x1, v10;
	v18 =	vxor.u32 $0x2, v10;
	v63 =	vxor.u32 $0x3, v10  }
0x10d: {  	v62 =	vsel vm1, v5, v4;
	v16 =	vxor.u32 $0x4, v10;
	v4 =	vsel vm1, v4, v5  }
0x10e: {  	v21 =	vxor.u32 $0x6, v10;
	v33 =	vnsel vm3, $0x1, v10;
	vm3 =	vlt.s32 v3, $0x1  }
0x10f: {  	v9 =	vperm.xlane v62, v47;
	v14 =	vsub.s32 $0x1, v33;
	v3 =	vnsel vm3, $0x1, v3  }
0x110: {  	vm3 =	vlt.s32 v18, $0x1;
	v33 =	vmul.f32 $2.000000030e-01, v6;
	v14 =	vcvt.s32.f32 v14  }
0x111: {  	v17 =	vsub.s32 $0x1, v3;
	v49 =	vnsel vm3, $0x1, v18;
	vm3 =	vlt.s32 v63, $0x1  }
0x112: {  	v18 =	vxor.u32 $0x5, v10;
	v4 =	vadd.f32 v9, v4;
	v6 =	vmax.f32 v6, v33  }
0x113: {  	v10 =	vxor.u32 $0x7, v10;
	v7 =	vcvt.s32.f32 v17;
	v6 =	vmul.f32 v6, v31  }
0x114: {  	v52 =	vnsel vm3, $0x1, v63;
	vm3 =	vlt.s32 v16, $0x1;
	vm4 =	vlt.s32 v10, $0x1  }
0x115: {  	v3 =	vpop (erf);
	v53 =	vsub.s32 $0x1, v52;
	v25 =	vnsel vm4, $0x1, v10;
	v45 =	vsel vm0, v11, v6  }
0x116: {  	v39 =	vmul.f32 v14, v3;
	v14 =	vsub.s32 $0x1, v49;
	v49 =	vperm.xlane v45, v46  }
0x117: {  	v19 =	vnsel vm3, $0x1, v16;
	v9 =	vsub.s32 $0x1, v25;
	v6 =	vsel vm0, v6, v11  }
0x118: {  	v23 =	vld [tilespmem:s12+$0x190];
	v38 =	vperm.xlane v3, v59;
	v62 =	vperm.xlane v3, v60;
	v6 =	vadd.f32 v6, v49  }
0x119: {  	v26 =	vld [tilespmem:s12+$0x1A0];
	vm3 =	vlt.s32 v18, $0x1;
	v14 =	vcvt.s32.f32 v14;
	v9 =	vcvt.s32.f32 v9  }
0x11a: {  	s16 =	sor.u32 $0x2, s25;
	v34 =	vld [tilespmem:s12+$0x1D0];
	v49 =	vmul.f32 v7, v3;
	v7 =	vcvt.s32.f32 v53;
	v63 =	vsel vm1, v6, v8  }
0x11b: {  	s14 =	sshll.u32 s16, $0x7;
	v33 =	vld [tilespmem:s12+$0x1C0];
	v48 =	vmul.f32 v14, v3;
	v17 =	vsel vm1, v8, v6;
	v11 =	vperm.xlane v63, v47  }
0x11c: {  	v14 =	vld [tilespmem:s14+$0x1C0];
	v51 =	vmul.f32 v7, v3;
	v7 =	vsub.s32 $0x1, v19;
	v6 =	vnsel vm3, $0x1, v18  }
0x11d: {  	vm3 =	vlt.s32 v21, $0x1;
	v18 =	vld [tilespmem:s14+$0x29C0];
	v7 =	vcvt.s32.f32 v7;
	v5 =	vadd.f32 v17, v11  }
0x11e: {  	v12 =	vld [tilespmem:s14+$0x29A0];
	v6 =	vsub.s32 $0x1, v6;
	v24 =	vnsel vm3, $0x1, v21;
	v63 =	vmul.f32 v9, v3  }
0x11f: {  	v25 =	vld [tilespmem:s14+$0x2990];
	v6 =	vcvt.s32.f32 v6;
	v52 =	vmul.f32 v7, v3;
	v20 =	vsel vm2, v5, v4  }
0x120: {  	v21 =	vld [tilespmem:s14+$0x190];
	v4 =	vsel vm2, v4, v5;
	v5 =	vmul.f32 v23, v62;
	v23 =	vperm.xlane v3, v56  }
0x121: {  	v45 =	vimm.s32 $0xE;
	v17 =	vld [tilespmem:s14+$0x1A0];
	v8 =	vperm.xlane v20, v54;
	v20 =	vperm.xlane v3, v57  }
0x122: {  	v22 =	vld [tilespmem:s12+$0x180];
	v53 =	vmul.f32 v6, v3;
	v14 =	vadd.f32 v18, v14;
	v10 =	vmul.f32 v33, v23  }
0x123: {  	s15 =	sand.u32 $0x9, s15;
	v27 =	vld [tilespmem:s12+$0x1B0];
	v4 =	vadd.f32 v4, v8;
	v8 =	vsub.s32 $0x1, v24;
	v62 =	vmul.f32 v26, v20  }
0x124: {  	v40 =	vld [tilespmem:s12+$0x1F0];
	v24 =	vmov s15;
	v26 =	vperm.xlane v3, v0;
	v8 =	vcvt.s32.f32 v8  }
0x125: {  	v36 =	vld [tilespmem:s12+$0x1E0];
	[tilespmem:$0x1FA20] =	vst v5;
	v5 =	vadd.f32 v25, v21;
	v11 =	vperm.xlane v2, v24;
	v32 =	vperm.xlane v4, v55  }
0x126: {  	v16 =	vld [tilespmem:s14+$0x180];
	v12 =	vadd.f32 v12, v17;
	v6 =	vmul.f32 v34, v26;
	v35 =	vmul.f32 v8, v3  }
0x127: {  	v9 =	vld [tilespmem:s14+$0x1D0];
	v8 =	vmul.f32 v22, v38;
	v22 =	vperm.xlane v3, v61;
	vm3 =	vlt.s32 v11, $0x1  }
0x128: {  	v25 =	vld [tilespmem:s14+$0x29E0];
	v33 =	vxor.u32 $0x1, v11;
	v23 =	vxor.u32 $0x3, v11;
	v17 =	vxor.u32 $0x4, v11  }
0x129: {  	v34 =	vld [tilespmem:s14+$0x29B0];
	v4 =	vadd.f32 v4, v32;
	[tilespmem:$0x1FA10] =	vst v8;
	v8 =	vmul.f32 v27, v22;
	v27 =	vperm.xlane v3, v58  }
0x12a: {  	[tilespmem:$0x1FA50] =	vst v6;
	v6 =	vld [tilespmem:s14+$0x1B0];
	v32 =	vnsel vm3, $0x1, v11;
	vm3 =	vlt.s32 v33, $0x1;
	v3 =	vperm.xlane v3, v45  }
0x12b: {  	v24 =	vld [tilespmem:s14+$0x1E0];
	[tilespmem:$0x1FA00] =	vst v35;
	v35 =	vxor.u32 $0x2, v11;
	v4 =	vmul.f32 $1.442695020e+00, v4;
	v7 =	vmul.f32 v36, v27  }
0x12c: {  	[tilespmem:$0x1FA30] =	vst v8;
	v8 =	vnsel vm3, $0x1, v33;
	v3 =	vmul.f32 v40, v3;
	vm3 =	vlt.s32 v35, $0x1;
	v40 =	vld [tilespmem:s14+$0x29D0]  }
0x12d: {  	(erf) = vpow2.f32 v4;
	v4 =	vld [tilespmem:s14+$0x2980];
	v8 =	vsub.s32 $0x1, v8;
	v38 =	vnsel vm3, $0x1, v35  }
0x12e: {  	v33 =	vld [tilespmem:s14+$0x1F0];
	vm3 =	vlt.s32 v23, $0x1;
	v35 =	vmul.f32 $2.000000030e-01, v12;
	[tilespmem:$0x1FA60] =	vst v7;
	v7 =	vsub.s32 $0x1, v32  }
0x12f: {  	v36 =	vcvt.s32.f32 v8;
	v32 =	vmul.f32 $2.000000030e-01, v5;
	v6 =	vadd.f32 v34, v6;
	v34 =	vld [tilespmem:s14+$0x29F0]  }
0x130: {  	v26 =	vnsel vm3, $0x1, v23;
	v8 =	vadd.f32 v25, v24;
	v7 =	vcvt.s32.f32 v7  }
0x131: {  	v12 =	vmax.f32 v12, v35;
	v5 =	vmax.f32 v5, v32;
	v9 =	vadd.f32 v40, v9  }
0x132: {  	v12 =	vmul.f32 v12, v43;
	v23 =	vmul.f32 $2.000000030e-01, v8;
	v4 =	vadd.f32 v4, v16  }
0x133: {  	v18 =	vxor.u32 $0x5, v11;
	v5 =	vmul.f32 v5, v1;
	v40 =	vmul.f32 $2.000000030e-01, v9  }
0x134: {  	[tilespmem:$0x1FA40] =	vst v10;
	v8 =	vmax.f32 v8, v23;
	v10 =	vadd.f32 v34, v33;
	v27 =	vmul.f32 $2.000000030e-01, v4  }
0x135: {  	v16 =	vsub.s32 $0x1, v26;
	v8 =	vmul.f32 v8, v31;
	v9 =	vmax.f32 v9, v40  }
0x136: {  	[tilespmem:$0x1FA70] =	vst v3;
	v24 =	vmul.f32 $2.000000030e-01, v10;
	v40 =	vcvt.s32.f32 v16;
	v3 =	vpop (erf);
	v4 =	vmax.f32 v4, v27  }
0x137: {  	vm3 =	vlt.s32 v17, $0x1;
	v7 =	vmul.f32 v7, v3;
	v4 =	vmul.f32 v4, v50  }
0x138: {  	v9 =	vmul.f32 v9, v41;
	v10 =	vmax.f32 v10, v24;
	v21 =	vmul.f32 v40, v3  }
0x139: {  	v10 =	vmul.f32 v10, v37;
	[tilespmem:$0x1FA80] =	vst v7;
	v7 =	vmul.f32 v36, v3;
	v25 =	vsel vm0, v5, v4  }
0x13a: {  	v36 =	vmul.f32 $2.000000030e-01, v6;
	v4 =	vsel vm0, v4, v5;
	v26 =	vperm.xlane v25, v46  }
0x13b: {  	v33 =	vsel vm0, v10, v8;
	v8 =	vsel vm0, v8, v10;
	v25 =	vxor.u32 $0x6, v11  }
0x13c: {  	[tilespmem:$0x1FA90] =	vst v7;
	v7 =	vsub.s32 $0x1, v38;
	v6 =	vmax.f32 v6, v36;
	v38 =	vmul.f32 $2.000000030e-01, v14  }
0x13d: {  	v35 =	vperm.xlane v33, v46;
	v6 =	vmul.f32 v6, v44;
	v4 =	vadd.f32 v26, v4  }
0x13e: {  	v7 =	vcvt.s32.f32 v7;
	v26 =	vxor.u32 $0x7, v11;
	v22 =	vmax.f32 v14, v38  }
0x13f: {  	v38 =	vnsel vm3, $0x1, v17;
	v8 =	vadd.f32 v8, v35;
	vm3 =	vlt.s32 v18, $0x1  }
0x140: {  	v13 =	vmul.f32 v22, v42;
	v27 =	vsel vm0, v6, v12;
	v6 =	vsel vm0, v12, v6  }
0x141: {  	v20 =	vmul.f32 v7, v3;
	v22 =	vnsel vm3, $0x1, v18;
	vm3 =	vlt.s32 v25, $0x1  }
0x142: {  	v5 =	vperm.xlane v27, v46;
	v27 =	vnsel vm3, $0x1, v25;
	v32 =	vsel vm0, v9, v13  }
0x143: {  	vm3 =	vlt.s32 v26, $0x1;
	v36 =	vsel vm0, v13, v9;
	v34 =	vperm.xlane v32, v46  }
0x144: {  	v9 =	vsub.s32 $0x1, v38;
	v33 =	vnsel vm3, $0x1, v26;
	v5 =	vadd.f32 v5, v6  }
0x145: {  	v38 =	vperm.xlane v3, v59;
	v9 =	vcvt.s32.f32 v9;
	v6 =	vadd.f32 v34, v36  }
0x146: {  	s18 =	sor.u32 $0x3, s25;
	[tilespmem:$0x1FAA0] =	vst v20;
	v26 =	vperm.xlane v3, v56;
	v20 =	vperm.xlane v3, v58;
	v32 =	vld [tilespmem:s13+$0x180];
	v16 =	vsel vm1, v5, v4  }
0x147: {  	s15 =	sshll.u32 s18, $0x7;
	v40 =	vld [tilespmem:s13+$0x1B0];
	v23 =	vmul.f32 v9, v3;
	v12 =	vperm.xlane v16, v47;
	v17 =	vsel vm1, v8, v6  }
0x148: {  	[tilespmem:$0x1FAB0] =	vst v21;
	v21 =	vld [tilespmem:s15+$0x2990];
	v19 =	vsel vm1, v6, v8;
	v6 =	vsub.s32 $0x1, v22;
	v13 =	vperm.xlane v17, v47  }
0x149: {  	v35 =	vld [tilespmem:s13+$0x1A0];
	v4 =	vsel vm1, v4, v5;
	v16 =	vperm.xlane v3, v60;
	v6 =	vcvt.s32.f32 v6  }
0x14a: {  	v25 =	vld [tilespmem:s13+$0x1F0];
	[tilespmem:$0x1FAC0] =	vst v23;
	v23 =	vperm.xlane v3, v57;
	v4 =	vadd.f32 v12, v4;
	v5 =	vadd.f32 v19, v13  }
0x14b: {  	v34 =	vld [tilespmem:s13+$0x190];
	v18 =	vmul.f32 v32, v38;
	v6 =	vmul.f32 v6, v3  }
0x14c: {  	v22 =	vld [tilespmem:s13+$0x1E0];
	v24 =	vsel vm2, v5, v4;
	v4 =	vsel vm2, v4, v5;
	v5 =	vsub.s32 $0x1, v27  }
0x14d: {  	s16 =	sand.u32 $0xA, s16;
	v17 =	vld [tilespmem:s13+$0x1C0];
	[tilespmem:$0x1FAD0] =	vst v6;
	v6 =	vsub.s32 $0x1, v33;
	v7 =	vperm.xlane v24, v54;
	v5 =	vcvt.s32.f32 v5  }
0x14e: {  	v38 =	vmov s16;
	v19 =	vld [tilespmem:s13+$0x1D0];
	v6 =	vcvt.s32.f32 v6;
	v24 =	vperm.xlane v3, v61  }
0x14f: {  	v9 =	vperm.xlane v2, v38;
	[tilespmem:$0x1FB00] =	vst v18;
	v18 =	vld [tilespmem:s15+$0x29C0];
	v4 =	vadd.f32 v4, v7;
	v5 =	vmul.f32 v5, v3  }
0x150: {  	v27 =	vld [tilespmem:s15+$0x180];
	v6 =	vmul.f32 v6, v3;
	v32 =	vmul.f32 v40, v24  }
0x151: {  	v33 =	vld [tilespmem:s15+$0x2980];
	v36 =	vperm.xlane v4, v55;
	[tilespmem:$0x1FAE0] =	vst v5;
	v5 =	vmul.f32 v34, v16  }
0x152: {  	v34 =	vmul.f32 v35, v23;
	v35 =	vmul.f32 v17, v26;
	v16 =	vld [tilespmem:s15+$0x1C0]  }
0x153: {  	v40 =	vld [tilespmem:s15+$0x190];
	[tilespmem:$0x1FB20] =	vst v32;
	v4 =	vadd.f32 v4, v36;
	v36 =	vperm.xlane v3, v0;
	v3 =	vperm.xlane v3, v45  }
0x154: {  	vm3 =	vlt.s32 v9, $0x1;
	v32 =	vld [tilespmem:s15+$0x1E0];
	[tilespmem:$0x1FB10] =	vst v5;
	v5 =	vmul.f32 v22, v20  }
0x155: {  	v23 =	vxor.u32 $0x2, v9;
	[tilespmem:$0x1FB30] =	vst v35;
	v35 =	vld [tilespmem:s15+$0x29E0];
	v4 =	vmul.f32 $1.442695020e+00, v4;
	v3 =	vmul.f32 v25, v3  }
0x156: {  	v10 =	vld [tilespmem:s15+$0x1B0];
	[tilespmem:$0x1FAF0] =	vst v6;
	v22 =	vxor.u32 $0x1, v9;
	v6 =	vmul.f32 v19, v36;
	v25 =	vxor.u32 $0x3, v9  }
0x157: {  	v14 =	vld [tilespmem:s15+$0x29B0];
	v16 =	vadd.f32 v18, v16;
	(erf) = vpow2.f32 v4;
	[tilespmem:$0x1FB60] =	vst v3;
	v3 =	vnsel vm3, $0x1, v9  }
0x158: {  	vm3 =	vlt.s32 v22, $0x1;
	v4 =	vadd.f32 v33, v27;
	v27 =	vadd.f32 v21, v40  }
0x159: {  	v8 =	vld [tilespmem:s15+$0x29A0];
	[tilespmem:$0x1FB50] =	vst v5;
	v33 =	vxor.u32 $0x4, v9;
	v3 =	vsub.s32 $0x1, v3;
	v5 =	vnsel vm3, $0x1, v22  }
0x15a: {  	[tilespmem:$0x1FB40] =	vst v6;
	v6 =	vld [tilespmem:s15+$0x1A0];
	vm3 =	vlt.s32 v23, $0x1;
	v11 =	vadd.f32 v35, v32;
	v3 =	vcvt.s32.f32 v3  }
0x15b: {  	v24 =	vsub.s32 $0x1, v5;
	v12 =	vnsel vm3, $0x1, v23;
	vm3 =	vlt.s32 v25, $0x1  }
0x15c: {  	v36 =	vmul.f32 $2.000000030e-01, v4;
	v38 =	vmul.f32 $2.000000030e-01, v27;
	v23 =	vadd.f32 v14, v10  }
0x15d: {  	v15 =	vcvt.s32.f32 v24;
	v26 =	vnsel vm3, $0x1, v25;
	vm3 =	vlt.s32 v33, $0x1  }
0x15e: {  	v40 =	vld [tilespmem:s15+$0x1F0];
	v13 =	vnsel vm3, $0x1, v33;
	v4 =	vmax.f32 v4, v36;
	v7 =	vmax.f32 v27, v38  }
0x15f: {  	v24 =	vld [tilespmem:s15+$0x29F0];
	v27 =	vmul.f32 $2.000000030e-01, v16;
	v36 =	vxor.u32 $0x5, v9;
	v6 =	vadd.f32 v8, v6  }
0x160: {  	v4 =	vmul.f32 v4, v50;
	v7 =	vmul.f32 v7, v1;
	vm3 =	vlt.s32 v36, $0x1;
	v5 =	vpop (erf)  }
0x161: {  	v14 =	vmax.f32 v16, v27;
	v25 =	vmul.f32 $2.000000030e-01, v6;
	v3 =	vmul.f32 v3, v5  }
0x162: {  	v17 =	vld [tilespmem:s15+$0x29D0];
	v33 =	vsel vm0, v7, v4;
	v4 =	vsel vm0, v4, v7;
	v7 =	vnsel vm3, $0x1, v36  }
0x163: {  	v14 =	vmul.f32 v14, v42;
	v7 =	vsub.s32 $0x1, v7;
	[tilespmem:$0x1FB70] =	vst v3;
	v3 =	vsub.s32 $0x1, v12;
	v12 =	vld [tilespmem:s15+$0x1D0]  }
0x164: {  	v10 =	vadd.f32 v24, v40;
	v35 =	vperm.xlane v33, v46;
	v7 =	vcvt.s32.f32 v7  }
0x165: {  	v6 =	vmax.f32 v6, v25;
	v15 =	vmul.f32 v15, v5;
	v3 =	vcvt.s32.f32 v3  }
0x166: {  	v13 =	vsub.s32 $0x1, v13;
	v6 =	vmul.f32 v6, v43;
	v32 =	vmul.f32 $2.000000030e-01, v10  }
0x167: {  	v7 =	vmul.f32 v7, v5;
	[tilespmem:$0x1FB80] =	vst v15;
	v15 =	vsub.s32 $0x1, v26;
	v3 =	vmul.f32 v3, v5  }
0x168: {  	v26 =	vmul.f32 $2.000000030e-01, v23;
	v10 =	vmax.f32 v10, v32;
	v12 =	vadd.f32 v17, v12  }
0x169: {  	v4 =	vadd.f32 v35, v4;
	v10 =	vmul.f32 v10, v37;
	[tilespmem:$0x1FB90] =	vst v3;
	v3 =	vcvt.s32.f32 v15  }
0x16a: {  	v8 =	vmax.f32 v23, v26;
	v15 =	vmul.f32 $2.000000030e-01, v11;
	v17 =	vmul.f32 $2.000000030e-01, v12  }
0x16b: {  	s19 =	sor.u32 $0x4, s25;
	v26 =	vxor.u32 $0x6, v9;
	v9 =	vxor.u32 $0x7, v9;
	v8 =	vmul.f32 v8, v44  }
0x16c: {  	s16 =	sshll.u32 s19, $0x7;
	vm3 =	vlt.s32 v26, $0x1;
	v11 =	vmax.f32 v11, v15;
	v12 =	vmax.f32 v12, v17  }
0x16d: {  	v27 =	vld [tilespmem:s16+$0x2990];
	v38 =	vsel vm0, v8, v6;
	v11 =	vmul.f32 v11, v31;
	v12 =	vmul.f32 v12, v41  }
0x16e: {  	v25 =	vld [tilespmem:s16+$0x190];
	v33 =	vnsel vm3, $0x1, v26;
	vm3 =	vlt.s32 v9, $0x1;
	v15 =	vperm.xlane v38, v46  }
0x16f: {  	v35 =	vld [tilespmem:s16+$0x1B0];
	v6 =	vsel vm0, v6, v8;
	v20 =	vsel vm0, v10, v11;
	v40 =	vsel vm0, v12, v14  }
0x170: {  	[tilespmem:$0x1FBB0] =	vst v7;
	v7 =	vld [tilespmem:s16+$0x1D0];
	v6 =	vadd.f32 v15, v6;
	v22 =	vperm.xlane v20, v46;
	v21 =	vperm.xlane v40, v46  }
0x171: {  	v3 =	vmul.f32 v3, v5;
	v10 =	vsel vm0, v11, v10;
	v11 =	vld [tilespmem:s16+$0x180];
	v12 =	vsel vm0, v14, v12  }
0x172: {  	v23 =	vsel vm1, v6, v4;
	v10 =	vadd.f32 v10, v22;
	v40 =	vld [tilespmem:s16+$0x29B0];
	v8 =	vadd.f32 v21, v12  }
0x173: {  	v9 =	vnsel vm3, $0x1, v9;
	[tilespmem:$0x1FBA0] =	vst v3;
	v3 =	vcvt.s32.f32 v13;
	v13 =	vperm.xlane v23, v47;
	v12 =	vld [tilespmem:s16+$0x2980]  }
0x174: {  	v4 =	vsel vm1, v4, v6;
	v24 =	vsel vm1, v10, v8;
	v32 =	vsel vm1, v8, v10;
	v8 =	vld [tilespmem:s16+$0x1A0]  }
0x175: {  	v4 =	vadd.f32 v13, v4;
	v13 =	vsub.s32 $0x1, v33;
	v10 =	vld [tilespmem:s16+$0x29A0];
	v14 =	vperm.xlane v24, v47  }
0x176: {  	v9 =	vsub.s32 $0x1, v9;
	v15 =	vld [tilespmem:s16+$0x1E0];
	v13 =	vcvt.s32.f32 v13;
	v24 =	vadd.f32 v27, v25  }
0x177: {  	v21 =	vperm.xlane v5, v57;
	v25 =	vld [tilespmem:s16+$0x29E0];
	v33 =	vadd.f32 v40, v35;
	v6 =	vadd.f32 v32, v14  }
0x178: {  	v22 =	vmul.f32 v13, v5;
	v35 =	vld [tilespmem:s16+$0x29F0];
	v11 =	vadd.f32 v12, v11;
	v27 =	vmul.f32 $2.000000030e-01, v24  }
0x179: {  	v32 =	vld [tilespmem:s16+$0x1F0];
	v40 =	vmul.f32 $2.000000030e-01, v33;
	v38 =	vsel vm2, v6, v4;
	v4 =	vsel vm2, v4, v6  }
0x17a: {  	v20 =	vld [tilespmem:s16+$0x1C0];
	v26 =	vmul.f32 $2.000000030e-01, v11;
	v8 =	vadd.f32 v10, v8;
	v16 =	vperm.xlane v38, v54  }
0x17b: {  	v6 =	vld [tilespmem:s16+$0x29C0];
	v12 =	vmax.f32 v24, v27;
	v38 =	vmul.f32 v3, v5;
	v3 =	vcvt.s32.f32 v9  }
0x17c: {  	[tilespmem:$0x1FBC0] =	vst v22;
	v22 =	vmax.f32 v33, v40;
	v9 =	vld [tilespmem:s16+$0x29D0];
	v12 =	vmul.f32 v12, v1;
	v15 =	vadd.f32 v25, v15  }
0x17d: {  	v11 =	vmax.f32 v11, v26;
	v36 =	vmul.f32 $2.000000030e-01, v8;
	v3 =	vmul.f32 v3, v5  }
0x17e: {  	v4 =	vadd.f32 v4, v16;
	v11 =	vmul.f32 v11, v50;
	v14 =	vadd.f32 v35, v32  }
0x17f: {  	v17 =	vld [tilespmem:s14+$0x180];
	v25 =	vmul.f32 $2.000000030e-01, v15;
	v8 =	vmax.f32 v8, v36;
	[tilespmem:$0x1FBD0] =	vst v3;
	v3 =	vperm.xlane v5, v59  }
0x180: {  	v23 =	vperm.xlane v4, v55;
	v6 =	vadd.f32 v6, v20;
	v8 =	vmul.f32 v8, v43  }
0x181: {  	v26 =	vmul.f32 $2.000000030e-01, v14;
	v27 =	vsel vm0, v12, v11;
	v7 =	vadd.f32 v9, v7  }
0x182: {  	v13 =	vmax.f32 v15, v25;
	v9 =	vmul.f32 v22, v44;
	v32 =	vperm.xlane v27, v46  }
0x183: {  	v4 =	vadd.f32 v4, v23;
	v23 =	vmul.f32 $2.000000030e-01, v6;
	v24 =	vmul.f32 $2.000000030e-01, v7  }
0x184: {  	v16 =	vld [tilespmem:s14+$0x190];
	v13 =	vmul.f32 v13, v31;
	v3 =	vmul.f32 v17, v3;
	v14 =	vmax.f32 v14, v26  }
0x185: {  	v14 =	vmul.f32 v14, v37;
	v6 =	vmax.f32 v6, v23;
	v7 =	vmax.f32 v7, v24  }
0x186: {  	v11 =	vsel vm0, v11, v12;
	v6 =	vmul.f32 v6, v42;
	v7 =	vmul.f32 v7, v41  }
0x187: {  	v18 =	vld [tilespmem:s14+$0x1B0];
	v33 =	vadd.f32 v32, v11;
	[tilespmem:$0x1FBE0] =	vst v3;
	v3 =	vperm.xlane v5, v60;
	v22 =	vsel vm0, v14, v13  }
0x188: {  	v10 =	vld [tilespmem:s14+$0x1A0];
	v4 =	vmul.f32 $1.442695020e+00, v4;
	v24 =	vperm.xlane v22, v46;
	v36 =	vsel vm0, v7, v6  }
0x189: {  	v20 =	vld [tilespmem:s14+$0x1C0];
	v35 =	vsel vm0, v9, v8;
	v3 =	vmul.f32 v16, v3;
	v40 =	vperm.xlane v36, v46  }
0x18a: {  	v12 =	vld [tilespmem:s14+$0x1E0];
	v11 =	vperm.xlane v35, v46;
	v25 =	vsel vm0, v13, v14;
	v6 =	vsel vm0, v6, v7  }
0x18b: {  	v15 =	vld [tilespmem:s14+$0x1F0];
	v8 =	vsel vm0, v8, v9;
	[tilespmem:$0x1FBF0] =	vst v3;
	v26 =	vadd.f32 v25, v24;
	v3 =	vadd.f32 v40, v6  }
0x18c: {  	v17 =	vld [tilespmem:s14+$0x1D0];
	(erf) = vpow2.f32 v4;
	v8 =	vadd.f32 v11, v8  }
0x18d: {  	s20 =	sor.u32 $0x5, s25;
	v9 =	vld [tilespmem:s15+$0x1B0];
	v35 =	vmul.f32 v10, v21;
	v32 =	vsel vm1, v26, v3  }
0x18e: {  	s17 =	sshll.u32 s20, $0x7;
	v23 =	vld [tilespmem:s15+$0x180];
	v27 =	vsel vm1, v8, v33;
	v40 =	vperm.xlane v5, v56;
	v16 =	vperm.xlane v32, v47  }
0x18f: {  	v10 =	vld [tilespmem:s17+$0x190];
	v4 =	vsel vm1, v33, v8;
	v33 =	vperm.xlane v5, v0;
	v3 =	vsel vm1, v3, v26  }
0x190: {  	v22 =	vld [tilespmem:s15+$0x190];
	v14 =	vperm.xlane v27, v47;
	v16 =	vadd.f32 v3, v16;
	v3 =	vmul.f32 v20, v40  }
0x191: {  	v11 =	vld [tilespmem:s15+$0x1A0]  }
0x192: {  	v24 =	vperm.xlane v5, v58;
	v25 =	vld [tilespmem:s17+$0x180];
	v14 =	vadd.f32 v14, v4;
	[tilespmem:$0x1FC10] =	vst v3;
	v3 =	vmul.f32 v17, v33  }
0x193: {  	[tilespmem:$0x1FC00] =	vst v35;
	v7 =	vld [tilespmem:s17+$0x2980];
	v36 =	vperm.xlane v5, v61  }
0x194: {  	v5 =	vperm.xlane v5, v45;
	v35 =	vsel vm2, v16, v14;
	v33 =	vld [tilespmem:s17+$0x29A0];
	[tilespmem:$0x1FC20] =	vst v3;
	v3 =	vmul.f32 v12, v24  }
0x195: {  	v6 =	vmul.f32 v18, v36;
	v8 =	vperm.xlane v35, v54;
	v12 =	vpop (erf);
	v24 =	vld [tilespmem:s17+$0x1A0]  }
0x196: {  	v17 =	vld [tilespmem:s17+$0x2990];
	v14 =	vsel vm2, v14, v16;
	v36 =	vperm.xlane v12, v59;
	[tilespmem:$0x1FC30] =	vst v3;
	v3 =	vmul.f32 v15, v5  }
0x197: {  	v40 =	vperm.xlane v12, v60;
	v32 =	vperm.xlane v12, v57;
	v8 =	vadd.f32 v14, v8;
	v14 =	vld [tilespmem:s17+$0x1B0]  }
0x198: {  	s18 =	sand.u32 $0xB, s18;
	v7 =	vadd.f32 v7, v25;
	v35 =	vperm.xlane v12, v61;
	v15 =	vld [tilespmem:s17+$0x29B0];
	[tilespmem:$0x1FC40] =	vst v3;
	v3 =	vmul.f32 v23, v36  }
0x199: {  	v13 =	vld [tilespmem:s15+$0x1C0];
	v25 =	vmov s18;
	v26 =	vperm.xlane v12, v58;
	v36 =	vperm.xlane v12, v56  }
0x19a: {  	v18 =	vld [tilespmem:s17+$0x1D0];
	v16 =	vadd.f32 v33, v24;
	v33 =	vmul.f32 $2.000000030e-01, v7;
	[tilespmem:$0x1FC50] =	vst v3;
	v3 =	vmul.f32 v22, v40  }
0x19b: {  	v27 =	vadd.f32 v17, v10;
	v23 =	vperm.xlane v12, v0;
	v40 =	vperm.xlane v8, v55;
	v22 =	vld [tilespmem:s17+$0x1C0]  }
0x19c: {  	v7 =	vmax.f32 v7, v33;
	v24 =	vmul.f32 $2.000000030e-01, v16;
	[tilespmem:$0x1FC60] =	vst v3;
	v3 =	vmul.f32 v11, v32;
	v11 =	vld [tilespmem:s17+$0x29C0]  }
0x19d: {  	v8 =	vadd.f32 v8, v40;
	v32 =	vld [tilespmem:s17+$0x29D0];
	v40 =	vadd.f32 v15, v14;
	v15 =	vperm.xlane v2, v25  }
0x19e: {  	v19 =	vld [tilespmem:s15+$0x1D0];
	v7 =	vmul.f32 v7, v50;
	[tilespmem:$0x1FC70] =	vst v3;
	v3 =	vmul.f32 v9, v35  }
0x19f: {  	v8 =	vmul.f32 $1.442695020e+00, v8;
	v35 =	vmul.f32 $2.000000030e-01, v27  }
0x1a0: {  	v21 =	vld [tilespmem:s15+$0x1E0];
	vm3 =	vlt.s32 v15, $0x1;
	v25 =	vxor.u32 $0x3, v15;
	[tilespmem:$0x1FC80] =	vst v3;
	v3 =	vmul.f32 v13, v36  }
0x1a1: {  	v13 =	vld [tilespmem:s17+$0x1E0];
	(erf) = vpow2.f32 v8;
	v9 =	vmax.f32 v27, v35;
	v35 =	vxor.u32 $0x1, v15  }
0x1a2: {  	v36 =	vld [tilespmem:s17+$0x29E0];
	v11 =	vadd.f32 v11, v22;
	v10 =	vadd.f32 v32, v18;
	vm15 =	vlt.s32 v35, $0x1  }
0x1a3: {  	v33 =	vld [tilespmem:s17+$0x29F0];
	v9 =	vmul.f32 v9, v1;
	[tilespmem:$0x1FC90] =	vst v3;
	v3 =	vmul.f32 v19, v23;
	v17 =	vnsel vm15, $0x1, v35  }
0x1a4: {  	v32 =	vld [tilespmem:s17+$0x1F0];
	v35 =	vxor.u32 $0x6, v15;
	v27 =	vmul.f32 $2.000000030e-01, v11;
	v18 =	vmul.f32 $2.000000030e-01, v10  }
0x1a5: {  	v17 =	vsub.s32 $0x1, v17;
	[tilespmem:$0x1FCA0] =	vst v3;
	v3 =	vmul.f32 v21, v26;
	v26 =	vmul.f32 $2.000000030e-01, v40  }
0x1a6: {  	v21 =	vmax.f32 v16, v24;
	v5 =	vcvt.s32.f32 v17;
	v24 =	vxor.u32 $0x2, v15  }
0x1a7: {  	v11 =	vmax.f32 v11, v27;
	v13 =	vadd.f32 v36, v13;
	v36 =	vnsel vm3, $0x1, v15  }
0x1a8: {  	v10 =	vmax.f32 v10, v18;
	vm3 =	vlt.s32 v24, $0x1;
	v8 =	vmax.f32 v40, v26  }
0x1a9: {  	v40 =	vsub.s32 $0x1, v36;
	v23 =	vadd.f32 v33, v32;
	v26 =	vnsel vm3, $0x1, v24  }
0x1aa: {  	vm3 =	vlt.s32 v25, $0x1;
	v32 =	vxor.u32 $0x4, v15;
	v33 =	vxor.u32 $0x5, v15  }
0x1ab: {  	v15 =	vxor.u32 $0x7, v15;
	v10 =	vmul.f32 v10, v41;
	v20 =	vmul.f32 $2.000000030e-01, v13  }
0x1ac: {  	v4 =	vcvt.s32.f32 v40;
	v16 =	vsub.s32 $0x1, v26;
	v27 =	vnsel vm3, $0x1, v25  }
0x1ad: {  	vm3 =	vlt.s32 v32, $0x1;
	v8 =	vmul.f32 v8, v44;
	v16 =	vcvt.s32.f32 v16  }
0x1ae: {  	v17 =	vsub.s32 $0x1, v27;
	v18 =	vnsel vm3, $0x1, v32;
	vm3 =	vlt.s32 v33, $0x1  }
0x1af: {  	v32 =	vmul.f32 v21, v43;
	v22 =	vmax.f32 v13, v20;
	v14 =	vmul.f32 v4, v12  }
0x1b0: {  	v13 =	vmul.f32 v5, v12;
	v17 =	vcvt.s32.f32 v17;
	v18 =	vsub.s32 $0x1, v18  }
0x1b1: {  	v19 =	vnsel vm3, $0x1, v33;
	vm3 =	vlt.s32 v35, $0x1;
	v4 =	vmul.f32 $2.000000030e-01, v23  }
0x1b2: {  	v5 =	vsel vm0, v9, v7;
	v7 =	vsel vm0, v7, v9;
	v18 =	vcvt.s32.f32 v18  }
0x1b3: {  	v20 =	vmul.f32 v16, v12;
	v24 =	vnsel vm3, $0x1, v35;
	v36 =	vsub.s32 $0x1, v19  }
0x1b4: {  	vm3 =	vlt.s32 v15, $0x1;
	v33 =	vsel vm0, v8, v32;
	v8 =	vsel vm0, v32, v8  }
0x1b5: {  	v40 =	vsub.s32 $0x1, v24;
	v16 =	vmul.f32 v18, v12;
	v18 =	vcvt.s32.f32 v36  }
0x1b6: {  	s19 =	sand.u32 $0xC, s19;
	v17 =	vmul.f32 v17, v12;
	v15 =	vnsel vm3, $0x1, v15;
	v24 =	vcvt.s32.f32 v40  }
0x1b7: {  	v35 =	vperm.xlane v33, v46;
	v33 =	vmov s19;
	v19 =	vmul.f32 v18, v12  }
0x1b8: {  	v15 =	vsub.s32 $0x1, v15;
	v18 =	vmul.f32 v24, v12;
	v24 =	vperm.xlane v5, v46  }
0x1b9: {  	v23 =	vmax.f32 v23, v4;
	v32 =	vpop (erf);
	v28 =	vperm.xlane v2, v33;
	v15 =	vcvt.s32.f32 v15  }
0x1ba: {  	v27 =	vperm.xlane v32, v59;
	v24 =	vadd.f32 v24, v7;
	v7 =	vmul.f32 v11, v42  }
0x1bb: {  	v11 =	vmul.f32 v22, v31;
	v22 =	vmul.f32 v23, v37;
	v23 =	vld [tilespmem:s15+$0x1F0]  }
0x1bc: {  	v25 =	vld [tilespmem:s16+$0x180];
	v8 =	vadd.f32 v35, v8;
	v59 =	vperm.xlane v32, v60;
	v21 =	vmul.f32 v15, v12  }
0x1bd: {  	v12 =	vperm.xlane v12, v45;
	v36 =	vsel vm0, v10, v7;
	v26 =	vsel vm0, v22, v11  }
0x1be: {  	v5 =	vsel vm0, v11, v22;
	v22 =	vld [tilespmem:s16+$0x190];
	v40 =	vperm.xlane v36, v46;
	v26 =	vperm.xlane v26, v46  }
0x1bf: {  	v60 =	vperm.xlane v32, v57;
	vm3 =	vlt.s32 v28, $0x1;
	v7 =	vsel vm0, v7, v10  }
0x1c0: {  	v15 =	vmul.f32 v23, v12;
	v9 =	vadd.f32 v40, v7;
	v10 =	vadd.f32 v5, v26;
	v12 =	vld [tilespmem:s16+$0x1A0]  }
0x1c1: {  	[tilespmem:$0x1FCB0] =	vst v3;
	v4 =	vxor.u32 $0x3, v28;
	v3 =	vmul.f32 v25, v27;
	v35 =	vsel vm1, v8, v24  }
0x1c2: {  	v25 =	vperm.xlane v35, v47;
	v7 =	vperm.xlane v32, v61;
	v36 =	vsel vm1, v10, v9  }
0x1c3: {  	[tilespmem:$0x1FCD0] =	vst v3;
	v8 =	vsel vm1, v24, v8;
	v3 =	vmul.f32 v22, v59;
	v40 =	vperm.xlane v36, v47  }
0x1c4: {  	v27 =	vld [tilespmem:s16+$0x1C0];
	v33 =	vadd.f32 v25, v8;
	v61 =	vxor.u32 $0x2, v28;
	v9 =	vsel vm1, v9, v10  }
0x1c5: {  	[tilespmem:$0x1FCE0] =	vst v3;
	v24 =	vadd.f32 v9, v40;
	v3 =	vmul.f32 v12, v60;
	v60 =	vxor.u32 $0x1, v28  }
0x1c6: {  	v35 =	vld [tilespmem:s16+$0x1D0];
	v36 =	vnsel vm3, $0x1, v28;
	v40 =	vperm.xlane v32, v56;
	vm3 =	vlt.s32 v60, $0x1  }
0x1c7: {  	v56 =	vsel vm2, v24, v33;
	v25 =	vnsel vm3, $0x1, v60;
	vm3 =	vlt.s32 v61, $0x1  }
0x1c8: {  	v22 =	vsel vm2, v33, v24;
	v24 =	vnsel vm3, $0x1, v61;
	vm3 =	vlt.s32 v4, $0x1  }
0x1c9: {  	v57 =	vperm.xlane v32, v0;
	v0 =	vmul.f32 v27, v40;
	v26 =	vnsel vm3, $0x1, v4  }
0x1ca: {  	v26 =	vsub.s32 $0x1, v26  }
0x1cb: {  	[tilespmem:$0x1FD10] =	vst v0;
	v0 =	vmul.f32 v35, v57;
	v29 =	vcvt.s32.f32 v26;
	_ =	sdelay $0x1  }
0x1cc: {  	[tilespmem:$0x1FD20] =	vst v0;
	v0 =	vmul.f32 v29, v32;
	_ =	sdelay $0x1  }
0x1cd: {  	[tilespmem:$0x1FCC0] =	vst v0;
	v0 =	vld [tilespmem:$0x1FA00];
	_ =	sdelay $0x4  }
0x1ce: {  	[tilespmem:s12+$0x51E0] =	vst v0;
	v0 =	vld [tilespmem:$0x1FA10];
	_ =	sdelay $0x4  }
0x1cf: {  	[tilespmem:s12+$0x2980] =	vst v0;
	v0 =	vld [tilespmem:$0x1FA20];
	_ =	sdelay $0x4  }
0x1d0: {  	[tilespmem:s12+$0x2990] =	vst v0;
	v0 =	vld [tilespmem:$0x1FA30];
	_ =	sdelay $0x4  }
0x1d1: {  	[tilespmem:s12+$0x29B0] =	vst v0;
	v0 =	vld [tilespmem:$0x1FA40];
	_ =	sdelay $0x4  }
0x1d2: {  	[tilespmem:s12+$0x29C0] =	vst v0;
	v0 =	vld [tilespmem:$0x1FA50];
	_ =	sdelay $0x4  }
0x1d3: {  	[tilespmem:s12+$0x29D0] =	vst v0;
	v0 =	vld [tilespmem:$0x1FA60];
	_ =	sdelay $0x4  }
0x1d4: {  	[tilespmem:s12+$0x29E0] =	vst v0;
	v0 =	vld [tilespmem:$0x1FA70];
	_ =	sdelay $0x4  }
0x1d5: {  	[tilespmem:s12+$0x29F0] =	vst v0;
	v0 =	vld [tilespmem:$0x1FA80];
	_ =	sdelay $0x4  }
0x1d6: {  	[tilespmem:s13+$0x5180] =	vst v0;
	v0 =	vld [tilespmem:$0x1FA90];
	_ =	sdelay $0x4  }
0x1d7: {  	[tilespmem:s13+$0x5190] =	vst v0;
	v0 =	vld [tilespmem:$0x1FAA0]  }
0x1d8: {  	s19 =	sor.u32 $0x6, s25  }
0x1d9: {  	s18 =	sshll.u32 s19, $0x7  }
0x1da: {  	[tilespmem:s12+$0x51B0] =	vst v51;
	v51 =	vld [tilespmem:s18+$0x1C0]  }
0x1db: {  	v23 =	vld [tilespmem:s16+$0x1B0]  }
0x1dc: {  	[tilespmem:s13+$0x51A0] =	vst v0;
	v0 =	vld [tilespmem:$0x1FAB0]  }
0x1dd: {  	v8 =	vmov v43;
	v43 =	vld [tilespmem:s18+$0x29A0]  }
0x1de: {  	v10 =	vsub.s32 $0x1, v36;
	v36 =	vld [tilespmem:s18+$0x180]  }
0x1df: {  	[tilespmem:s12+$0x51A0] =	vst v48;
	v58 =	vperm.xlane v32, v58;
	v30 =	vxor.u32 $0x5, v28;
	v5 =	vxor.u32 $0x4, v28;
	v12 =	vmovc v37;
	v37 =	vld [tilespmem:s18+$0x2980]  }
0x1e0: {  	v59 =	vcvt.s32.f32 v10;
	v9 =	vmovc v42;
	v42 =	vld [tilespmem:s18+$0x1A0];
	[tilespmem:$0x1FCF0] =	vst v3;
	v3 =	vmul.f32 v23, v7;
	v25 =	vsub.s32 $0x1, v25  }
0x1e1: {  	v10 =	vmovc v31;
	v31 =	vxor.u32 $0x7, v28;
	v23 =	vperm.xlane v56, v54;
	v25 =	vcvt.s32.f32 v25;
	[tilespmem:s13+$0x51B0] =	vst v0;
	v0 =	vld [tilespmem:$0x1FAC0]  }
0x1e2: {  	v48 =	vld [tilespmem:s18+$0x1E0];
	[tilespmem:$0x1FD00] =	vst v3;
	v24 =	vsub.s32 $0x1, v24;
	vm3 =	vlt.s32 v5, $0x1;
	v3 =	vimm.s32 $0x0  }
0x1e3: {  	v11 =	vmovc v41;
	v41 =	vld [tilespmem:s18+$0x2990];
	v23 =	vadd.f32 v22, v23;
	v22 =	vmul.f32 v59, v32;
	v24 =	vcvt.s32.f32 v24  }
0x1e4: {  	[tilespmem:s12+$0x5190] =	vst v49;
	v33 =	vld [tilespmem:s16+$0x1E0];
	v7 =	vnsel vm3, $0x1, v5;
	vm3 =	vlt.s32 v30, $0x1;
	v56 =	vadd.f32 v37, v36  }
0x1e5: {  	v4 =	vmovc v50;
	v50 =	vld [tilespmem:s18+$0x29B0];
	v57 =	vadd.f32 v43, v42;
	v25 =	vmul.f32 v25, v32;
	v26 =	vmul.f32 v24, v32  }
0x1e6: {  	v24 =	vsub.s32 $0x1, v7;
	v49 =	vperm.xlane v23, v55;
	v61 =	vmul.f32 $2.000000030e-01, v56;
	[tilespmem:s13+$0x51C0] =	vst v0;
	v0 =	vld [tilespmem:$0x1FAD0]  }
0x1e7: {  	v59 =	vmovc v54;
	v54 =	vld [tilespmem:s18+$0x1D0];
	v24 =	vcvt.s32.f32 v24;
	v29 =	vnsel vm3, $0x1, v30;
	v30 =	vxor.u32 $0x6, v28  }
0x1e8: {  	s20 =	sand.u32 $0xD, s20;
	[tilespmem:s12+$0x51D0] =	vst v53;
	v60 =	vmovc v55;
	v55 =	vld [tilespmem:s18+$0x29D0];
	v29 =	vsub.s32 $0x1, v29;
	vm3 =	vlt.s32 v30, $0x1;
	v53 =	vadd.f32 v23, v49  }
0x1e9: {  	v7 =	vmovc v44;
	v44 =	vld [tilespmem:s18+$0x1B0];
	v23 =	vmul.f32 v33, v58;
	v33 =	vmax.f32 v56, v61;
	v61 =	vmov s20  }
0x1ea: {  	v49 =	vld [tilespmem:s18+$0x29E0];
	v29 =	vcvt.s32.f32 v29;
	v30 =	vnsel vm3, $0x1, v30;
	v27 =	vmul.f32 v24, v32  }
0x1eb: {  	vm3 =	vlt.s32 v31, $0x1;
	v43 =	vperm.xlane v2, v61;
	v33 =	vmul.f32 v33, v4;
	[tilespmem:s13+$0x51D0] =	vst v0;
	v0 =	vld [tilespmem:$0x1FAE0]  }
0x1ec: {  	[tilespmem:s12+$0x5180] =	vst v39;
	v40 =	vld [tilespmem:s18+$0x190];
	v39 =	vsub.s32 $0x1, v30;
	v58 =	vmul.f32 $1.442695020e+00, v53;
	v53 =	vmul.f32 $2.000000030e-01, v57  }
0x1ed: {  	[tilespmem:s12+$0x51C0] =	vst v52;
	v52 =	vld [tilespmem:s18+$0x29C0];
	v30 =	vnsel vm3, $0x1, v31;
	v29 =	vmul.f32 v29, v32;
	v24 =	vcvt.s32.f32 v39  }
0x1ee: {  	[tilespmem:s12+$0x51F0] =	vst v63;
	v63 =	vld [tilespmem:s18+$0x29F0];
	v30 =	vsub.s32 $0x1, v30;
	vm3 =	vlt.s32 v43, $0x1;
	v61 =	vxor.u32 $0x3, v43  }
0x1ef: {  	v35 =	vld [tilespmem:s16+$0x1F0];
	v31 =	vcvt.s32.f32 v30;
	(erf) = vpow2.f32 v58;
	v56 =	vadd.f32 v50, v44  }
0x1f0: {  	v58 =	vadd.f32 v55, v54;
	v28 =	vmul.f32 v24, v32;
	v37 =	vadd.f32 v49, v48;
	[tilespmem:s13+$0x51E0] =	vst v0;
	v0 =	vld [tilespmem:$0x1FAF0]  }
0x1f1: {  	v31 =	vmul.f32 v31, v32;
	v32 =	vperm.xlane v32, v45;
	v45 =	vadd.f32 v41, v40;
	v40 =	vld [tilespmem:s18+$0x1F0]  }
0x1f2: {  	v42 =	vmax.f32 v57, v53;
	v57 =	vadd.f32 v52, v51;
	v52 =	vmul.f32 $2.000000030e-01, v58  }
0x1f3: {  	[tilespmem:s12+$0x29A0] =	vst v62;
	v55 =	vnsel vm3, $0x1, v43;
	v53 =	vmul.f32 $2.000000030e-01, v37;
	v62 =	vmul.f32 $2.000000030e-01, v45  }
0x1f4: {  	v30 =	vld [tilespmem:$0x1FBB0];
	v42 =	vmul.f32 v42, v8;
	v24 =	vmul.f32 v35, v32;
	v48 =	vmax.f32 v58, v52  }
0x1f5: {  	v50 =	vmax.f32 v37, v53;
	v48 =	vmul.f32 v48, v11;
	v36 =	vmax.f32 v45, v62;
	[tilespmem:s13+$0x51F0] =	vst v0;
	v0 =	vld [tilespmem:$0x1FB00]  }
0x1f6: {  	v62 =	vmul.f32 $2.000000030e-01, v56;
	v40 =	vadd.f32 v63, v40;
	v63 =	vmul.f32 $2.000000030e-01, v57  }
0x1f7: {  	v58 =	vxor.u32 $0x2, v43;
	v50 =	vmul.f32 v50, v10;
	v36 =	vmul.f32 v36, v1  }
0x1f8: {  	v41 =	vmax.f32 v56, v62;
	v56 =	vsub.s32 $0x1, v55;
	v44 =	vmax.f32 v57, v63  }
0x1f9: {  	[tilespmem:s14+$0x51D0] =	vst v30;
	v30 =	vld [tilespmem:$0x1FBC0];
	v54 =	vmul.f32 $2.000000030e-01, v40;
	v57 =	vxor.u32 $0x1, v43;
	v32 =	vcvt.s32.f32 v56  }
0x1fa: {  	v63 =	vxor.u32 $0x4, v43;
	v41 =	vmul.f32 v41, v7;
	vm3 =	vlt.s32 v57, $0x1;
	[tilespmem:s13+$0x2980] =	vst v0;
	v0 =	vld [tilespmem:$0x1FB10]  }
0x1fb: {  	v37 =	vpop (erf);
	v44 =	vmul.f32 v44, v9;
	v35 =	vnsel vm3, $0x1, v57;
	vm3 =	vlt.s32 v58, $0x1  }
0x1fc: {  	[tilespmem:s14+$0x29B0] =	vst v6;
	v6 =	vperm.xlane v37, v3;
	v40 =	vmax.f32 v40, v54;
	v62 =	vnsel vm3, $0x1, v58  }
0x1fd: {  	[tilespmem:s14+$0x51C0] =	vst v38;
	vm3 =	vlt.s32 v61, $0x1;
	v35 =	vsub.s32 $0x1, v35;
	v58 =	vsel vm0, v33, v36  }
0x1fe: {  	[tilespmem:s14+$0x51E0] =	vst v30;
	v30 =	vld [tilespmem:$0x1FBD0];
	v40 =	vmul.f32 v40, v12;
	v49 =	vsel vm0, v48, v44;
	v38 =	vsel vm0, v44, v48  }
0x1ff: {  	v51 =	vnsel vm3, $0x1, v61;
	vm3 =	vlt.s32 v63, $0x1;
	v35 =	vcvt.s32.f32 v35;
	[tilespmem:s13+$0x2990] =	vst v0;
	v0 =	vld [tilespmem:$0x1FB20]  }
0x200: {  	v52 =	vsub.s32 $0x1, v62;
	v61 =	vsel vm0, v36, v33;
	v62 =	vxor.u32 $0x5, v43  }
0x201: {  	v55 =	vld [tilespmem:s17+$0x180];
	v53 =	vnsel vm3, $0x1, v63;
	v45 =	vcvt.s32.f32 v52;
	v51 =	vsub.s32 $0x1, v51  }
0x202: {  	v3 =	vld [tilespmem:$0x1FC10];
	vm3 =	vlt.s32 v62, $0x1;
	v63 =	vperm.xlane v61, v46;
	v57 =	vsub.s32 $0x1, v53  }
0x203: {  	v51 =	vcvt.s32.f32 v51;
	v36 =	vmul.f32 v35, v37;
	v53 =	vxor.u32 $0x6, v43;
	[tilespmem:s14+$0x51F0] =	vst v30;
	v30 =	vld [tilespmem:$0x1FBE0]  }
0x204: {  	v52 =	vcvt.s32.f32 v57;
	v35 =	vmul.f32 v45, v37;
	v45 =	vsel vm0, v41, v42;
	[tilespmem:s13+$0x29B0] =	vst v0;
	v0 =	vld [tilespmem:$0x1FB30]  }
0x205: {  	v56 =	vld [tilespmem:s17+$0x1A0];
	v57 =	vsel vm0, v40, v50;
	v33 =	vmul.f32 v51, v37;
	v54 =	vperm.xlane v45, v46  }
0x206: {  	[tilespmem:s13+$0x29A0] =	vst v34;
	v44 =	vld [tilespmem:s17+$0x1B0];
	v51 =	vnsel vm3, $0x1, v62;
	v45 =	vperm.xlane v57, v46;
	v34 =	vmul.f32 v52, v37  }
0x207: {  	[tilespmem:s14+$0x29C0] =	vst v3;
	v3 =	vld [tilespmem:$0x1FC20];
	v51 =	vsub.s32 $0x1, v51;
	v52 =	vadd.f32 v63, v58;
	v63 =	vperm.xlane v49, v46  }
0x208: {  	v40 =	vsel vm0, v50, v40;
	vm3 =	vlt.s32 v53, $0x1;
	v51 =	vcvt.s32.f32 v51;
	[tilespmem:s14+$0x2980] =	vst v30;
	v30 =	vld [tilespmem:$0x1FBF0]  }
0x209: {  	v53 =	vnsel vm3, $0x1, v53;
	v40 =	vadd.f32 v40, v45;
	v48 =	vadd.f32 v63, v38;
	[tilespmem:s13+$0x29C0] =	vst v0;
	v0 =	vld [tilespmem:$0x1FB40]  }
0x20a: {  	v38 =	vmul.f32 v51, v37;
	v51 =	vsub.s32 $0x1, v53;
	v53 =	vld [tilespmem:s17+$0x1E0]  }
0x20b: {  	v41 =	vsel vm0, v42, v41;
	v42 =	vld [tilespmem:s17+$0x190];
	v63 =	vsel vm1, v40, v48  }
0x20c: {  	v50 =	vld [tilespmem:s17+$0x1C0];
	v45 =	vperm.xlane v63, v47;
	v63 =	vimm.s32 $0x6  }
0x20d: {  	v63 =	vperm.xlane v37, v63;
	[tilespmem:s14+$0x2990] =	vst v30;
	v30 =	vld [tilespmem:$0x1FC00]  }
0x20e: {  	[tilespmem:s13+$0x29D0] =	vst v0;
	v0 =	vld [tilespmem:$0x1FB50]  }
0x20f: {  	[tilespmem:s15+$0x51C0] =	vst v16;
	v16 =	vmul.f32 v53, v63;
	v63 =	vld [tilespmem:$0x1FC50]  }
0x210: {  	v39 =	vimm.s32 $0x8;
	v62 =	vimm.s32 $0x4;
	v57 =	vld [tilespmem:s17+$0x1D0]  }
0x211: {  	[tilespmem:s14+$0x29D0] =	vst v3;
	v3 =	vperm.xlane v37, v39;
	v39 =	vperm.xlane v37, v62;
	v62 =	vld [tilespmem:$0x1FC40]  }
0x212: {  	v41 =	vadd.f32 v54, v41;
	[tilespmem:s14+$0x29A0] =	vst v30;
	v30 =	vmul.f32 v55, v6;
	v55 =	vld [tilespmem:$0x1FC30]  }
0x213: {  	s20 =	sor.u32 $0x7, s25;
	[tilespmem:s13+$0x29E0] =	vst v0;
	v0 =	vld [tilespmem:$0x1FB60]  }
0x214: {  	v58 =	vsel vm1, v41, v52;
	[tilespmem:s15+$0x2980] =	vst v63;
	v63 =	vld [tilespmem:$0x1FC60];
	s12 =	sshll.u32 s20, $0x7  }
0x215: {  	v49 =	vperm.xlane v58, v47;
	v58 =	vld [tilespmem:s12+$0x180]  }
0x216: {  	v40 =	vsel vm1, v48, v40;
	v48 =	vld [tilespmem:s12+$0x2980]  }
0x217: {  	v41 =	vsel vm1, v52, v41;
	v40 =	vadd.f32 v40, v45;
	v45 =	vld [tilespmem:s12+$0x190]  }
0x218: {  	v41 =	vadd.f32 v49, v41;
	[tilespmem:s13+$0x29F0] =	vst v0;
	v0 =	vld [tilespmem:$0x1FB70]  }
0x219: {  	v49 =	vcvt.s32.f32 v51;
	v51 =	vld [tilespmem:s12+$0x2990]  }
0x21a: {  	[tilespmem:s15+$0x5180] =	vst v14;
	v5 =	vmov v1;
	v1 =	vimm.s32 $0xC;
	v6 =	vsel vm2, v40, v41;
	v52 =	vld [tilespmem:s12+$0x1A0]  }
0x21b: {  	v61 =	vimm.s32 $0x2;
	v43 =	vxor.u32 $0x7, v43;
	v6 =	vperm.xlane v6, v59;
	[tilespmem:s14+$0x29E0] =	vst v55;
	v55 =	vld [tilespmem:s12+$0x29A0]  }
0x21c: {  	[tilespmem:s15+$0x5190] =	vst v13;
	v14 =	vperm.xlane v37, v61;
	v3 =	vmul.f32 v42, v3;
	v40 =	vsel vm2, v41, v40;
	v41 =	vld [tilespmem:s12+$0x1B0]  }
0x21d: {  	v42 =	vperm.xlane v37, v1;
	v1 =	vimm.s32 $0xA;
	v40 =	vadd.f32 v40, v6;
	[tilespmem:s14+$0x5180] =	vst v0;
	v0 =	vld [tilespmem:$0x1FB80]  }
0x21e: {  	vm3 =	vlt.s32 v43, $0x1;
	[tilespmem:s14+$0x29F0] =	vst v62;
	v62 =	vmul.f32 v56, v39;
	v39 =	vperm.xlane v37, v1;
	v56 =	vld [tilespmem:s12+$0x29B0]  }
0x21f: {  	[tilespmem:s15+$0x51A0] =	vst v20;
	v43 =	vnsel vm3, $0x1, v43;
	v6 =	vmul.f32 v44, v42;
	v44 =	vperm.xlane v40, v60;
	v42 =	vld [tilespmem:s12+$0x1C0]  }
0x220: {  	[tilespmem:s15+$0x51D0] =	vst v19;
	v43 =	vsub.s32 $0x1, v43;
	v13 =	vmul.f32 v50, v14;
	v50 =	vld [tilespmem:s12+$0x29C0];
	v19 =	vadd.f32 v48, v58  }
0x221: {  	[tilespmem:s15+$0x51F0] =	vst v21;
	v43 =	vcvt.s32.f32 v43;
	v14 =	vmul.f32 v57, v39;
	v40 =	vadd.f32 v40, v44;
	v57 =	vld [tilespmem:s12+$0x1D0]  }
0x222: {  	v21 =	vmul.f32 $2.000000030e-01, v19;
	[tilespmem:s14+$0x5190] =	vst v0;
	v0 =	vld [tilespmem:$0x1FB90]  }
0x223: {  	[tilespmem:s15+$0x51E0] =	vst v18;
	v20 =	vmul.f32 v43, v37;
	v43 =	vld [tilespmem:s12+$0x29D0];
	v18 =	vmul.f32 $1.442695020e+00, v40;
	v40 =	vadd.f32 v51, v45  }
0x224: {  	[tilespmem:s15+$0x2990] =	vst v63;
	v63 =	vmax.f32 v19, v21;
	v21 =	vld [tilespmem:$0x1FC70]  }
0x225: {  	v44 =	vadd.f32 v55, v52;
	v51 =	vmul.f32 $2.000000030e-01, v40  }
0x226: {  	v32 =	vmul.f32 v32, v37;
	v61 =	vimm.s32 $0xC;
	v54 =	vld [tilespmem:s17+$0x1F0]  }
0x227: {  	v52 =	vmul.f32 $2.000000030e-01, v44;
	v19 =	vmax.f32 v40, v51;
	v40 =	vadd.f32 v56, v41;
	[tilespmem:s14+$0x51A0] =	vst v0;
	v0 =	vld [tilespmem:$0x1FBA0]  }
0x228: {  	[tilespmem:s15+$0x51B0] =	vst v17;
	v39 =	vmul.f32 v49, v37;
	(erf) = vpow2.f32 v18;
	v41 =	vadd.f32 v50, v42;
	v51 =	vld [tilespmem:$0x1FC90]  }
0x229: {  	v42 =	vadd.f32 v43, v57;
	[tilespmem:s15+$0x29A0] =	vst v21;
	v21 =	vmax.f32 v44, v52;
	v44 =	vmul.f32 $2.000000030e-01, v40;
	v52 =	vld [tilespmem:$0x1FCA0]  }
0x22a: {  	[tilespmem:s15+$0x29F0] =	vst v15;
	v53 =	vld [tilespmem:s12+$0x29F0];
	v58 =	vimm.s32 $0x6;
	v55 =	vmovc v60;
	v60 =	vimm.s32 $0x8;
	v56 =	vimm.s32 $0x2  }
0x22b: {  	[tilespmem:s16+$0x5180] =	vst v22;
	v45 =	vld [tilespmem:s12+$0x29E0];
	v50 =	vmovc v4;
	v57 =	vimm.s32 $0x4;
	v4 =	vmul.f32 $2.000000030e-01, v42;
	v40 =	vmax.f32 v40, v44  }
0x22c: {  	v48 =	vld [tilespmem:s12+$0x1F0];
	v21 =	vmul.f32 v21, v8;
	v40 =	vmul.f32 v40, v7;
	[tilespmem:s14+$0x51B0] =	vst v0;
	v0 =	vimm.s32 $0xE  }
0x22d: {  	v18 =	vmul.f32 v63, v50;
	v4 =	vmax.f32 v42, v4;
	[tilespmem:s15+$0x29C0] =	vst v51;
	v49 =	vperm.xlane v37, v0;
	v37 =	vld [tilespmem:s12+$0x1E0]  }
0x22e: {  	s19 =	sand.u32 $0xE, s19;
	v22 =	vmul.f32 v4, v11;
	[tilespmem:s15+$0x29D0] =	vst v52;
	v52 =	vmul.f32 v19, v5;
	v51 =	vsel vm0, v40, v21  }
0x22f: {  	[tilespmem:s16+$0x51C0] =	vst v27;
	v27 =	vperm.xlane v51, v46;
	v17 =	vmul.f32 v54, v49;
	v49 =	vmov s19  }
0x230: {  	[tilespmem:s16+$0x5190] =	vst v25;
	v63 =	vld [tilespmem:$0x1FCB0];
	v21 =	vsel vm0, v21, v40;
	v15 =	vsel vm0, v18, v52;
	v2 =	vperm.xlane v2, v49  }
0x231: {  	v21 =	vadd.f32 v27, v21;
	v54 =	vmovc v59;
	v59 =	vimm.s32 $0x0;
	[tilespmem:s17+$0x29F0] =	vst v17;
	v17 =	vimm.s32 $0xE  }
0x232: {  	[tilespmem:s16+$0x51E0] =	vst v28;
	v49 =	vld [tilespmem:$0x1FC80];
	vm3 =	vlt.s32 v2, $0x1;
	v37 =	vadd.f32 v45, v37;
	v45 =	vadd.f32 v53, v48  }
0x233: {  	[tilespmem:s17+$0x5180] =	vst v32;
	v53 =	vmul.f32 $2.000000030e-01, v41;
	v48 =	vxor.u32 $0x1, v2;
	v28 =	vxor.u32 $0x2, v2  }
0x234: {  	[tilespmem:s17+$0x51D0] =	vst v38;
	v32 =	vxor.u32 $0x5, v2;
	v38 =	vxor.u32 $0x6, v2;
	v43 =	vnsel vm3, $0x1, v2  }
0x235: {  	[tilespmem:s15+$0x29E0] =	vst v63;
	vm3 =	vlt.s32 v48, $0x1;
	v53 =	vmax.f32 v41, v53;
	v63 =	vmul.f32 $2.000000030e-01, v45  }
0x236: {  	[tilespmem:s16+$0x51A0] =	vst v26;
	v1 =	vmovc v5;
	v5 =	vsub.s32 $0x1, v43;
	v26 =	vnsel vm3, $0x1, v48;
	vm3 =	vlt.s32 v28, $0x1  }
0x237: {  	[tilespmem:s15+$0x29B0] =	vst v49;
	v49 =	vmul.f32 $2.000000030e-01, v37;
	v19 =	vmul.f32 v53, v9;
	v26 =	vsub.s32 $0x1, v26  }
0x238: {  	[tilespmem:s16+$0x29E0] =	vst v23;
	v43 =	vmovc v8;
	v8 =	vmax.f32 v45, v63;
	v45 =	vsel vm0, v52, v18;
	v26 =	vcvt.s32.f32 v26  }
0x239: {  	[tilespmem:s16+$0x51D0] =	vst v29;
	v37 =	vmax.f32 v37, v49;
	v41 =	vperm.xlane v45, v46;
	v49 =	vcvt.s32.f32 v5  }
0x23a: {  	[tilespmem:s16+$0x51F0] =	vst v31;
	v52 =	vsel vm0, v22, v19;
	v63 =	vmul.f32 v8, v12;
	v19 =	vsel vm0, v19, v22;
	v22 =	vpop (erf)  }
0x23b: {  	v31 =	vmovc v10;
	[tilespmem:s17+$0x51B0] =	vst v33;
	v40 =	vld [tilespmem:$0x1FCE0];
	v45 =	vnsel vm3, $0x1, v28;
	v29 =	vmul.f32 v37, v10;
	v8 =	vmul.f32 v26, v22  }
0x23c: {  	[tilespmem:s17+$0x51C0] =	vst v34;
	v42 =	vmovc v9;
	v53 =	vld [tilespmem:$0x1FCD0];
	v26 =	vxor.u32 $0x4, v2;
	v33 =	vperm.xlane v22, v61;
	v34 =	vperm.xlane v22, v56  }
0x23d: {  	v10 =	vld [tilespmem:$0x1FD20];
	v15 =	vadd.f32 v41, v15;
	v9 =	vmul.f32 v49, v22;
	v37 =	vmovc v12;
	v12 =	vperm.xlane v52, v46  }
0x23e: {  	[tilespmem:s16+$0x29F0] =	vst v24;
	v44 =	vmovc v7;
	v51 =	vsel vm0, v63, v29;
	v7 =	vsel vm0, v29, v63;
	v63 =	vxor.u32 $0x3, v2  }
0x23f: {  	[tilespmem:s17+$0x5190] =	vst v36;
	v2 =	vxor.u32 $0x7, v2;
	v49 =	vadd.f32 v12, v19;
	v19 =	vperm.xlane v51, v46  }
0x240: {  	[tilespmem:s16+$0x2990] =	vst v40;
	v48 =	vld [tilespmem:$0x1FCF0];
	v41 =	vmovc v11;
	v11 =	vsub.s32 $0x1, v45;
	vm3 =	vlt.s32 v63, $0x1;
	v25 =	vsel vm1, v21, v15  }
0x241: {  	v40 =	vld [tilespmem:s18+$0x180];
	[tilespmem:s16+$0x2980] =	vst v53;
	v15 =	vsel vm1, v15, v21;
	v11 =	vcvt.s32.f32 v11;
	v7 =	vadd.f32 v7, v19  }
0x242: {  	v53 =	vld [tilespmem:$0x1FD10];
	v12 =	vnsel vm3, $0x1, v63;
	vm3 =	vlt.s32 v26, $0x1;
	[tilespmem:s16+$0x29D0] =	vst v10;
	v10 =	vperm.xlane v25, v47  }
0x243: {  	[tilespmem:s17+$0x51A0] =	vst v35;
	v51 =	vperm.xlane v22, v59;
	v12 =	vsub.s32 $0x1, v12;
	v27 =	vsel vm1, v7, v49  }
0x244: {  	[tilespmem:s17+$0x29C0] =	vst v13;
	v11 =	vmul.f32 v11, v22;
	v10 =	vadd.f32 v10, v15;
	v15 =	vperm.xlane v27, v47  }
0x245: {  	[tilespmem:s16+$0x29A0] =	vst v48;
	v48 =	vld [tilespmem:s18+$0x190];
	v12 =	vcvt.s32.f32 v12;
	v19 =	vnsel vm3, $0x1, v26;
	v7 =	vsel vm1, v49, v7  }
0x246: {  	[tilespmem:s17+$0x2990] =	vst v3;
	v52 =	vld [tilespmem:$0x1FD00];
	vm3 =	vlt.s32 v32, $0x1;
	v5 =	vmul.f32 v40, v51;
	v7 =	vadd.f32 v7, v15  }
0x247: {  	v63 =	vld [tilespmem:s18+$0x1B0];
	[tilespmem:s16+$0x29C0] =	vst v53;
	v19 =	vsub.s32 $0x1, v19;
	v18 =	vnsel vm3, $0x1, v32;
	v53 =	vperm.xlane v22, v60  }
0x248: {  	[tilespmem:s17+$0x51F0] =	vst v20;
	v32 =	vperm.xlane v22, v57;
	v12 =	vmul.f32 v12, v22;
	v45 =	vsel vm2, v7, v10  }
0x249: {  	[tilespmem:s17+$0x29A0] =	vst v62;
	vm3 =	vlt.s32 v38, $0x1;
	v36 =	vcvt.s32.f32 v19;
	v23 =	vperm.xlane v45, v54  }
0x24a: {  	[tilespmem:s17+$0x29E0] =	vst v16;
	v0 =	vld [tilespmem:$0x1FCC0];
	v18 =	vsub.s32 $0x1, v18;
	v19 =	vnsel vm3, $0x1, v38;
	v7 =	vsel vm2, v10, v7  }
0x24b: {  	[tilespmem:s16+$0x29B0] =	vst v52;
	v52 =	vld [tilespmem:s18+$0x1A0];
	vm3 =	vlt.s32 v2, $0x1;
	v18 =	vcvt.s32.f32 v18;
	v7 =	vadd.f32 v7, v23  }
0x24c: {  	[tilespmem:s17+$0x51E0] =	vst v39;
	v25 =	vld [tilespmem:s18+$0x1C0];
	v49 =	vsub.s32 $0x1, v19;
	v4 =	vmul.f32 v48, v53;
	v13 =	vmul.f32 v63, v33  }
0x24d: {  	[tilespmem:s17+$0x29D0] =	vst v14;
	v27 =	vld [tilespmem:s11+$0x80];
	v2 =	vnsel vm3, $0x1, v2;
	v48 =	vperm.xlane v22, v58;
	v26 =	vperm.xlane v7, v55  }
0x24e: {  	v35 =	vld [tilespmem:s18+$0x1D0];
	[tilespmem:s17+$0x2980] =	vst v30;
	v3 =	vcvt.s32.f32 v49;
	v2 =	vsub.s32 $0x1, v2;
	v49 =	vperm.xlane v22, v17  }
0x24f: {  	[tilespmem:s17+$0x29B0] =	vst v6;
	v38 =	vld [tilespmem:s18+$0x1F0];
	v15 =	vmul.f32 v36, v22;
	v18 =	vmul.f32 v18, v22;
	v7 =	vadd.f32 v7, v26  }
0x250: {  	[tilespmem:s16+$0x51B0] =	vst v0;
	v0 =	vimm.s32 $0xA;
	v36 =	vld [tilespmem:s18+$0x1E0];
	v2 =	vcvt.s32.f32 v2;
	v6 =	vmul.f32 v52, v32  }
0x251: {  	[tilespmem:s18+$0x5190] =	vst v8;
	v40 =	vmov s20;
	v3 =	vmul.f32 v3, v22;
	v7 =	vmul.f32 $1.442695020e+00, v7  }
0x252: {  	[tilespmem:s18+$0x5180] =	vst v9;
	v10 =	vmul.f32 v25, v34;
	v39 =	vand.u32 $0x7, v27;
	v45 =	vperm.xlane v22, v0  }
0x253: {  	[tilespmem:s18+$0x51A0] =	vst v11;
	(erf) = vpow2.f32 v7;
	v7 =	vperm.xlane v39, v40  }
0x254: {  	[tilespmem:s18+$0x2980] =	vst v5;
	v2 =	vmul.f32 v2, v22;
	v9 =	vmul.f32 v38, v49  }
0x255: {  	[tilespmem:s18+$0x51B0] =	vst v12;
	v8 =	vmul.f32 v35, v45;
	v11 =	vmul.f32 v36, v48;
	vm3 =	vlt.s32 v7, $0x1  }
0x256: {  	[tilespmem:s18+$0x2990] =	vst v4;
	v53 =	vxor.u32 $0x1, v7;
	v62 =	vxor.u32 $0x2, v7;
	v63 =	vxor.u32 $0x3, v7  }
0x257: {  	[tilespmem:s18+$0x29B0] =	vst v13;
	v19 =	vxor.u32 $0x4, v7;
	v22 =	vxor.u32 $0x5, v7;
	v23 =	vxor.u32 $0x6, v7  }
0x258: {  	[tilespmem:s18+$0x51C0] =	vst v15;
	v51 =	vnsel vm3, $0x1, v7;
	vm3 =	vlt.s32 v53, $0x1;
	v7 =	vxor.u32 $0x7, v7  }
0x259: {  	[tilespmem:s18+$0x51F0] =	vst v2;
	v52 =	vsub.s32 $0x1, v51;
	v2 =	vnsel vm3, $0x1, v53;
	vm3 =	vlt.s32 v62, $0x1  }
0x25a: {  	[tilespmem:s18+$0x51E0] =	vst v3;
	v3 =	vcvt.s32.f32 v52;
	v2 =	vsub.s32 $0x1, v2;
	v12 =	vnsel vm3, $0x1, v62  }
0x25b: {  	[tilespmem:s18+$0x51D0] =	vst v18;
	vm3 =	vlt.s32 v63, $0x1;
	v2 =	vcvt.s32.f32 v2;
	v15 =	vsub.s32 $0x1, v12  }
0x25c: {  	[tilespmem:s18+$0x29A0] =	vst v6;
	v16 =	vnsel vm3, $0x1, v63;
	vm3 =	vlt.s32 v19, $0x1;
	v4 =	vcvt.s32.f32 v15  }
0x25d: {  	[tilespmem:s18+$0x29C0] =	vst v10;
	v5 =	vsub.s32 $0x1, v16;
	v20 =	vnsel vm3, $0x1, v19;
	vm3 =	vlt.s32 v22, $0x1  }
0x25e: {  	[tilespmem:s18+$0x29F0] =	vst v9;
	v5 =	vcvt.s32.f32 v5;
	v21 =	vsub.s32 $0x1, v20;
	v24 =	vnsel vm3, $0x1, v22;
	v18 =	vpop (erf)  }
0x25f: {  	[tilespmem:s18+$0x29D0] =	vst v8;
	vm3 =	vlt.s32 v23, $0x1;
	v8 =	vcvt.s32.f32 v21;
	v3 =	vmul.f32 v3, v18  }
0x260: {  	[tilespmem:s18+$0x29E0] =	vst v11;
	v25 =	vnsel vm3, $0x1, v23;
	vm3 =	vlt.s32 v7, $0x1;
	v2 =	vmul.f32 v2, v18  }
0x261: {  	v4 =	vmul.f32 v4, v18;
	v5 =	vmul.f32 v5, v18;
	[tilespmem:s12+$0x5180] =	vst v3;
	v3 =	vsub.s32 $0x1, v24  }
0x262: {  	v26 =	vld [tilespmem:s12+$0x180];
	v7 =	vnsel vm3, $0x1, v7;
	[tilespmem:s12+$0x5190] =	vst v2;
	v2 =	vcvt.s32.f32 v3;
	v3 =	vsub.s32 $0x1, v25  }
0x263: {  	v32 =	vld [tilespmem:s12+$0x190];
	v27 =	vmul.f32 v8, v18;
	v7 =	vsub.s32 $0x1, v7;
	[tilespmem:s12+$0x51A0] =	vst v4;
	v3 =	vcvt.s32.f32 v3  }
0x264: {  	v34 =	vld [tilespmem:s12+$0x1A0];
	[tilespmem:s12+$0x51B0] =	vst v5;
	v33 =	vcvt.s32.f32 v7;
	v2 =	vmul.f32 v2, v18  }
0x265: {  	v36 =	vld [tilespmem:s12+$0x1B0];
	v35 =	vperm.xlane v18, v59;
	[tilespmem:s12+$0x51C0] =	vst v27;
	v3 =	vmul.f32 v3, v18  }
0x266: {  	v39 =	vld [tilespmem:s12+$0x1C0];
	v38 =	vperm.xlane v18, v60;
	[tilespmem:s12+$0x51D0] =	vst v2;
	v2 =	vmul.f32 v33, v18  }
0x267: {  	v45 =	vld [tilespmem:s12+$0x1D0];
	v40 =	vperm.xlane v18, v57;
	[tilespmem:s12+$0x51E0] =	vst v3;
	v3 =	vmul.f32 v26, v35  }
0x268: {  	v49 =	vld [tilespmem:s12+$0x1E0];
	v48 =	vperm.xlane v18, v61;
	[tilespmem:s12+$0x51F0] =	vst v2;
	v2 =	vmul.f32 v32, v38  }
0x269: {  	v52 =	vld [tilespmem:s12+$0x1F0];
	v51 =	vperm.xlane v18, v56;
	[tilespmem:s12+$0x2980] =	vst v3;
	v3 =	vmul.f32 v34, v40  }
0x26a: {  	v53 =	vperm.xlane v18, v0;
	[tilespmem:s12+$0x2990] =	vst v2;
	v2 =	vmul.f32 v36, v48  }
0x26b: {  	p0 =	slt.u32 s25, $0x48;
	v62 =	vperm.xlane v18, v58;
	[tilespmem:s12+$0x29A0] =	vst v3;
	v3 =	vmul.f32 v39, v51  }
.Ltmp1:
0x26c: {  	v63 =	vperm.xlane v18, v17;
	[tilespmem:s12+$0x29B0] =	vst v2;
	v2 =	vmul.f32 v45, v53;
	(pc) =	sbr.rel @p0 .LBB2_5-.Ltmp1, $4  }
0x26d: {  	[tilespmem:s12+$0x29C0] =	vst v3;
	v3 =	vmul.f32 v49, v62  }
0x26e: {  	[tilespmem:s12+$0x29D0] =	vst v2;
	v2 =	vmul.f32 v52, v63  }
0x26f: {  	s20 =	sadd.s32 $0x8, s25;
	[tilespmem:s12+$0x29E0] =	vst v3  }
0x270: {  	s25 =	smov.u32 s20;
	[tilespmem:s12+$0x29F0] =	vst v2  }
0x271: {  	[spmem:s3] =	stream.indirect.scatter.add.f32 [tilespmem:s22], [sflag:$0x1], $0x80, s26, s21, $0xb8;
	[tilespmem:$0x1E580] =	vst v63  }
0x272: {  	s2 =	sadd.s32 $0x1, s2  }
0x273: {  	[spmem:s4] =	stream.indirect.scatter.add.f32 [tilespmem:s24], [sflag:$0x2], $0x80, s31, s21, $0xb8;
	[tilespmem:$0x1E580] =	vst v63  }
0x274: {  	p0 =	sne.s32 s2, $0x80;
	_ =	swait.ge [sflag:s28], $0x2800  }
.Ltmp2:
0x275: {  	[sflag:s28] =	ssyncset.done $0x0;
	(pc) =	sbr.rel @p0 .LBB2_4-.Ltmp2, $4  }
0x276: {  	[sflag:s28] =	ssyncadd.s32 $0xFFFFD800  }
0x277: {  	_ =	swait.ge [sflag:s29], $0x2800  }
0x278: {  	[sflag:s29] =	ssyncset.done $0x0  }
0x279: {  	[sflag:s29] =	ssyncadd.s32 $0xFFFFD800  }
0x27a: {  	[bflag:$0x0] =	sbarrier.arrive $0xFFFF  }
0x27b: {  	v6 =	vld [tilespmem:$0x1FD30]  }
0x27c: {  	v7 =	vld [tilespmem:$0x1FD40]  }
0x27d: {  	v8 =	vld [tilespmem:$0x1FD50]  }
0x27e: {  	v9 =	vld [tilespmem:$0x1FD60]  }
0x27f: {  	v10 =	vld [tilespmem:$0x1FD70]  }
0x280: {  	[tilespmem:$0x0] =	vst v6  }
0x281: {  	[tilespmem:$0x10] =	vst v7  }
0x282: {  	[tilespmem:$0x20] =	vst v8  }
0x283: {  	[tilespmem:$0x30] =	vst v9  }
0x284: {  	[tilespmem:$0x40] =	vst v10  }
0x285: {  	[tilespmem:s30], [sflag:$0x3] =	stream.indirect.gather [spmem:s3], $0x80, s6, s21, $0xb8;
	[tilespmem:$0x1E580] =	vst v63  }
0x286: {  	_ =	swait.ge [sflag:s23], $0x2800  }
0x287: {  	[sflag:s23] =	ssyncset.done $0x0  }
0x288: {  	s2 =	rddreg [dreg:$0x6];
	[sflag:s23] =	ssyncadd.s32 $0xFFFFD800  }
0x289: {  	[hbm4b:s2+s6] =	stream.linear.scatter [tilespmem:s30], [sflag:$0x3], $0x2800, $0x38;
	[tilespmem:$0x1E580] =	vst v63  }
0x28a: {  	_ =	swait.ge [sflag:s23], $0x2800  }
0x28b: {  	v11 =	vld [tilespmem:$0x1FD80]  }
0x28c: {  	v12 =	vld [tilespmem:$0x1FD90]  }
0x28d: {  	v13 =	vld [tilespmem:$0x1FDA0]  }
0x28e: {  	[sflag:s23] =	ssyncset.done $0x0;
	v14 =	vld [tilespmem:$0x1FDB0]  }
0x28f: {  	v15 =	vld [tilespmem:$0x1FDC0];
	[sflag:s23] =	ssyncadd.s32 $0xFFFFD800  }
0x290: {  	[tilespmem:$0x0] =	vst v11  }
0x291: {  	[tilespmem:$0x10] =	vst v12  }
0x292: {  	[tilespmem:$0x20] =	vst v13  }
0x293: {  	[tilespmem:$0x30] =	vst v14  }
0x294: {  	[tilespmem:$0x40] =	vst v15  }
0x295: {  	[tilespmem:s30], [sflag:$0x3] =	stream.indirect.gather [spmem:s3], $0x80, s6, s21, $0xb8;
	[tilespmem:$0x1E580] =	vst v63  }
0x296: {  	_ =	swait.ge [sflag:s23], $0x2800  }
0x297: {  	[sflag:s23] =	ssyncset.done $0x0  }
0x298: {  	s13 =	rddreg [dreg:$0x7];
	[sflag:s23] =	ssyncadd.s32 $0xFFFFD800  }
0x299: {  	[hbm4b:s13+s6] =	stream.linear.scatter [tilespmem:s30], [sflag:$0x3], $0x2800, $0x38;
	[tilespmem:$0x1E580] =	vst v63  }
0x29a: {  	_ =	swait.ge [sflag:s23], $0x2800  }
0x29b: {  	v16 =	vld [tilespmem:$0x1FDD0]  }
0x29c: {  	v17 =	vld [tilespmem:$0x1FDE0]  }
0x29d: {  	v18 =	vld [tilespmem:$0x1FDF0]  }
0x29e: {  	[sflag:s23] =	ssyncset.done $0x0;
	v19 =	vld [tilespmem:$0x1FE00]  }
0x29f: {  	v20 =	vld [tilespmem:$0x1FE10];
	[sflag:s23] =	ssyncadd.s32 $0xFFFFD800  }
0x2a0: {  	[tilespmem:$0x0] =	vst v16  }
0x2a1: {  	[tilespmem:$0x10] =	vst v17  }
0x2a2: {  	[tilespmem:$0x20] =	vst v18  }
0x2a3: {  	[tilespmem:$0x30] =	vst v19  }
0x2a4: {  	[tilespmem:$0x40] =	vst v20  }
0x2a5: {  	[tilespmem:s30], [sflag:$0x3] =	stream.indirect.gather [spmem:s3], $0x80, s6, s21, $0xb8;
	[tilespmem:$0x1E580] =	vst v63  }
0x2a6: {  	_ =	swait.ge [sflag:s23], $0x2800  }
0x2a7: {  	[sflag:s23] =	ssyncset.done $0x0  }
0x2a8: {  	s14 =	rddreg [dreg:$0x8];
	[sflag:s23] =	ssyncadd.s32 $0xFFFFD800  }
0x2a9: {  	[hbm4b:s14+s6] =	stream.linear.scatter [tilespmem:s30], [sflag:$0x3], $0x2800, $0x38;
	[tilespmem:$0x1E580] =	vst v63  }
0x2aa: {  	_ =	swait.ge [sflag:s23], $0x2800  }
0x2ab: {  	v21 =	vld [tilespmem:$0x1FE20]  }
0x2ac: {  	v22 =	vld [tilespmem:$0x1FE30]  }
0x2ad: {  	v23 =	vld [tilespmem:$0x1FE40]  }
0x2ae: {  	[sflag:s23] =	ssyncset.done $0x0;
	v24 =	vld [tilespmem:$0x1FE50]  }
0x2af: {  	v25 =	vld [tilespmem:$0x1FE60];
	[sflag:s23] =	ssyncadd.s32 $0xFFFFD800  }
0x2b0: {  	[tilespmem:$0x0] =	vst v21  }
0x2b1: {  	[tilespmem:$0x10] =	vst v22  }
0x2b2: {  	[tilespmem:$0x20] =	vst v23  }
0x2b3: {  	[tilespmem:$0x30] =	vst v24  }
0x2b4: {  	[tilespmem:$0x40] =	vst v25  }
0x2b5: {  	[tilespmem:s30], [sflag:$0x3] =	stream.indirect.gather [spmem:s3], $0x80, s6, s21, $0xb8;
	[tilespmem:$0x1E580] =	vst v63  }
0x2b6: {  	_ =	swait.ge [sflag:s23], $0x2800  }
0x2b7: {  	[sflag:s23] =	ssyncset.done $0x0  }
0x2b8: {  	s15 =	rddreg [dreg:$0x9];
	[sflag:s23] =	ssyncadd.s32 $0xFFFFD800  }
0x2b9: {  	[hbm4b:s15+s6] =	stream.linear.scatter [tilespmem:s30], [sflag:$0x3], $0x2800, $0x38;
	[tilespmem:$0x1E580] =	vst v63  }
0x2ba: {  	_ =	swait.ge [sflag:s23], $0x2800  }
0x2bb: {  	v26 =	vld [tilespmem:$0x1FE70]  }
0x2bc: {  	v27 =	vld [tilespmem:$0x1FE80]  }
0x2bd: {  	v28 =	vld [tilespmem:$0x1FE90]  }
0x2be: {  	[sflag:s23] =	ssyncset.done $0x0;
	v29 =	vld [tilespmem:$0x1FEA0]  }
0x2bf: {  	v30 =	vld [tilespmem:$0x1FEB0];
	[sflag:s23] =	ssyncadd.s32 $0xFFFFD800  }
0x2c0: {  	[tilespmem:$0x0] =	vst v26  }
0x2c1: {  	[tilespmem:$0x10] =	vst v27  }
0x2c2: {  	[tilespmem:$0x20] =	vst v28  }
0x2c3: {  	[tilespmem:$0x30] =	vst v29  }
0x2c4: {  	[tilespmem:$0x40] =	vst v30  }
0x2c5: {  	[tilespmem:s30], [sflag:$0x3] =	stream.indirect.gather [spmem:s3], $0x80, s6, s21, $0xb8;
	[tilespmem:$0x1E580] =	vst v63  }
0x2c6: {  	_ =	swait.ge [sflag:s23], $0x2800  }
0x2c7: {  	[sflag:s23] =	ssyncset.done $0x0  }
0x2c8: {  	s16 =	rddreg [dreg:$0xa];
	[sflag:s23] =	ssyncadd.s32 $0xFFFFD800  }
0x2c9: {  	[hbm4b:s16+s6] =	stream.linear.scatter [tilespmem:s30], [sflag:$0x3], $0x2800, $0x38;
	[tilespmem:$0x1E580] =	vst v63  }
0x2ca: {  	_ =	swait.ge [sflag:s23], $0x2800  }
0x2cb: {  	v31 =	vld [tilespmem:$0x1FEC0]  }
0x2cc: {  	v32 =	vld [tilespmem:$0x1FED0]  }
0x2cd: {  	v33 =	vld [tilespmem:$0x1FEE0]  }
0x2ce: {  	[sflag:s23] =	ssyncset.done $0x0;
	v34 =	vld [tilespmem:$0x1FEF0]  }
0x2cf: {  	v35 =	vld [tilespmem:$0x1FF00];
	[sflag:s23] =	ssyncadd.s32 $0xFFFFD800  }
0x2d0: {  	[tilespmem:$0x0] =	vst v31  }
0x2d1: {  	[tilespmem:$0x10] =	vst v32  }
0x2d2: {  	[tilespmem:$0x20] =	vst v33  }
0x2d3: {  	[tilespmem:$0x30] =	vst v34  }
0x2d4: {  	[tilespmem:$0x40] =	vst v35  }
0x2d5: {  	[tilespmem:s30], [sflag:$0x3] =	stream.indirect.gather [spmem:s3], $0x80, s6, s21, $0xb8;
	[tilespmem:$0x1E580] =	vst v63  }
0x2d6: {  	_ =	swait.ge [sflag:s23], $0x2800  }
0x2d7: {  	[sflag:s23] =	ssyncset.done $0x0  }
0x2d8: {  	s17 =	rddreg [dreg:$0xb];
	[sflag:s23] =	ssyncadd.s32 $0xFFFFD800  }
0x2d9: {  	[hbm4b:s17+s6] =	stream.linear.scatter [tilespmem:s30], [sflag:$0x3], $0x2800, $0x38;
	[tilespmem:$0x1E580] =	vst v63  }
0x2da: {  	_ =	swait.ge [sflag:s23], $0x2800  }
0x2db: {  	v36 =	vld [tilespmem:$0x1FF10]  }
0x2dc: {  	v37 =	vld [tilespmem:$0x1FF20]  }
0x2dd: {  	v38 =	vld [tilespmem:$0x1FF30]  }
0x2de: {  	[sflag:s23] =	ssyncset.done $0x0;
	v39 =	vld [tilespmem:$0x1FF40]  }
0x2df: {  	v40 =	vld [tilespmem:$0x1FF50];
	[sflag:s23] =	ssyncadd.s32 $0xFFFFD800  }
0x2e0: {  	[tilespmem:$0x0] =	vst v36  }
0x2e1: {  	[tilespmem:$0x10] =	vst v37  }
0x2e2: {  	[tilespmem:$0x20] =	vst v38  }
0x2e3: {  	[tilespmem:$0x30] =	vst v39  }
0x2e4: {  	[tilespmem:$0x40] =	vst v40  }
0x2e5: {  	[tilespmem:s30], [sflag:$0x3] =	stream.indirect.gather [spmem:s3], $0x80, s6, s21, $0xb8;
	[tilespmem:$0x1E580] =	vst v63  }
0x2e6: {  	_ =	swait.ge [sflag:s23], $0x2800  }
0x2e7: {  	[sflag:s23] =	ssyncset.done $0x0  }
0x2e8: {  	s18 =	rddreg [dreg:$0xc];
	[sflag:s23] =	ssyncadd.s32 $0xFFFFD800  }
0x2e9: {  	[hbm4b:s18+s6] =	stream.linear.scatter [tilespmem:s30], [sflag:$0x3], $0x2800, $0x38;
	[tilespmem:$0x1E580] =	vst v63  }
0x2ea: {  	_ =	swait.ge [sflag:s23], $0x2800  }
0x2eb: {  	v41 =	vld [tilespmem:$0x1FF60]  }
0x2ec: {  	v42 =	vld [tilespmem:$0x1FF70]  }
0x2ed: {  	v43 =	vld [tilespmem:$0x1FF80]  }
0x2ee: {  	[sflag:s23] =	ssyncset.done $0x0;
	v44 =	vld [tilespmem:$0x1FF90]  }
0x2ef: {  	v45 =	vld [tilespmem:$0x1FFA0];
	[sflag:s23] =	ssyncadd.s32 $0xFFFFD800  }
0x2f0: {  	[tilespmem:$0x0] =	vst v41  }
0x2f1: {  	[tilespmem:$0x10] =	vst v42  }
0x2f2: {  	[tilespmem:$0x20] =	vst v43  }
0x2f3: {  	[tilespmem:$0x30] =	vst v44  }
0x2f4: {  	[tilespmem:$0x40] =	vst v45  }
0x2f5: {  	[tilespmem:s30], [sflag:$0x3] =	stream.indirect.gather [spmem:s3], $0x80, s6, s21, $0xb8;
	[tilespmem:$0x1E580] =	vst v63  }
0x2f6: {  	_ =	swait.ge [sflag:s23], $0x2800  }
0x2f7: {  	[sflag:s23] =	ssyncset.done $0x0  }
0x2f8: {  	s19 =	rddreg [dreg:$0xd];
	[sflag:s23] =	ssyncadd.s32 $0xFFFFD800  }
0x2f9: {  	[hbm4b:s19+s6] =	stream.linear.scatter [tilespmem:s30], [sflag:$0x3], $0x2800, $0x38;
	[tilespmem:$0x1E580] =	vst v63  }
0x2fa: {  	_ =	swait.ge [sflag:s23], $0x2800  }
0x2fb: {  	v48 =	vld [tilespmem:$0x1FFB0]  }
0x2fc: {  	v49 =	vld [tilespmem:$0x1FFC0]  }
0x2fd: {  	v50 =	vld [tilespmem:$0x1FFD0]  }
0x2fe: {  	[sflag:s23] =	ssyncset.done $0x0;
	v51 =	vld [tilespmem:$0x1FFE0]  }
0x2ff: {  	v52 =	vld [tilespmem:$0x1FFF0];
	[sflag:s23] =	ssyncadd.s32 $0xFFFFD800  }
0x300: {  	[tilespmem:$0x0] =	vst v48  }
0x301: {  	[tilespmem:$0x10] =	vst v49  }
0x302: {  	[tilespmem:$0x20] =	vst v50  }
0x303: {  	[tilespmem:$0x30] =	vst v51  }
0x304: {  	[tilespmem:$0x40] =	vst v52  }
0x305: {  	[tilespmem:s24], [sflag:$0x3] =	stream.indirect.gather [spmem:s4], $0x80, s6, s21, $0xb8;
	[tilespmem:$0x1E580] =	vst v63  }
0x306: {  	_ =	swait.ge [sflag:s23], $0x2800  }
0x307: {  	[sflag:s23] =	ssyncset.done $0x0  }
0x308: {  	s20 =	rddreg [dreg:$0xe];
	[sflag:s23] =	ssyncadd.s32 $0xFFFFD800  }
0x309: {  	[hbm4b:s20+s6] =	stream.linear.scatter [tilespmem:s24], [sflag:$0x3], $0x2800, $0x38;
	[tilespmem:$0x1E580] =	vst v63  }
0x30a: {  	_ =	swait.ge [sflag:s23], $0x2800  }
0x30b: {  	s0 =	sadd.s32 $0x1, s0;
	s25 =	rddreg [dreg:$0xf]  }
0x30c: {  	p0 =	sne.s32 s0, s25  }
.Ltmp3:
0x30d: {  	_ = 	snop;
	(pc) =	sbr.rel @p0 .LBB2_1-.Ltmp3, $3  }
0x30e: {  	_ =	sdelay $0x1  }
0x30f: {  	[sflag:s23] =	ssyncset.done $0x0  }
0x310: {  	v53 =	vimm.f32 $0.0e+00;
	[sflag:s23] =	ssyncadd.s32 $0xFFFFD800  }
0x311: {  	_ =	sfence.sel $0x180000  }
0x312: {  	[bflag:$0x0] =	sbarrier.arrive $0xFFFF  }
0x313: {  	_ =	strace $0x90000047  }
0x314: {  	s0 =	stileid.u32;
	[bflag:$0x2] =	sbarrier.arrive $0xFFFF  }
0x315: {  	p0 =	sne.s32 s0, $0x0;
	s0 =	rddreg [dreg:$0x5]  }
0x316: {  	s0 =	sadd.s32 @!p0 $0x100000, s0  }
0x317: {  	[sflag:s0] =	ssyncadd.tile.s32 @!p0 $0x1;
	_ =	shalt  }
.Lfunc_end2:
_tile_overlayer_lowered:
.L_overlay_start_2:
0x318: {  	(tag) =	ssettag $0x2  }
0x319: {  	s0 =	rddreg [dreg:$0x0];
	s2 =	stileid.u32  }
0x31a: {  	s1 =	rddreg [dreg:$0x1];
	p0 =	sne.s32 s2, $0x0  }
0x31b: {  	s3 =	rddreg [dreg:$0x2];
	[bflag:$0x3] =	sbarrier.arrive $0xFFFF;
	s2 =	simm.s32 @!p0 $0x1C03  }
0x31c: {  	[timem:s3], [sflag:s2] =	dma.local @!p0 [hbm:s0], s1  }
0x31d: {  	s0 =	simm.s32 @!p0 $0x3  }
0x31e: {  	_ =	swait.ge @!p0 [sflag:s0], s1  }
0x31f: {  	s1 =	ssub.s32 @!p0 $0x0, s1;
	[sflag:s0] =	ssyncset.done @!p0 $0x0  }
0x320: {  	[sflag:s0] =	ssyncadd.s32 @!p0 s1  }
0x321: {  	[bflag:$0x3] =	sbarrier.arrive $0xFFFF  }
0x322: {  	_ =	shalt  }

</sc_bundles>
